<compile_context>
chip_gen: v7x
topology: tpu7x:2x2x1
jax: 0.10.2.dev20260603
libtpu: 0.0.44.dev20260713+nightly
codegen_flags: <defaults>
</compile_context>

<pallas_src>
import functools

import jax
import jax.numpy as jnp
from jax import lax
from jax.experimental import pallas as pl
from jax.experimental.pallas import tpu as pltpu
from jax.experimental.pallas import tpu_sc as plsc

NC = 2
NS = 16
NW = NC * NS
DEGW = 16

_mesh = lambda: plsc.VectorSubcoreMesh(core_axis_name="c", subcore_axis_name="s")


def _make_deg(n_pad, ch):
  rpt = n_pad // NS

  @functools.partial(
      pl.kernel,
      out_type=jax.ShapeDtypeStruct((NC, n_pad, DEGW), jnp.float32),
      mesh=_mesh(),
      compiler_params=pltpu.CompilerParams(use_tc_tiling_on_sc=False),
      scratch_types=[
          pltpu.VMEM((ch, 128), jnp.int32),
          pltpu.VMEM((128, DEGW), jnp.float32),
          pltpu.VMEM_SHARED((n_pad, DEGW), jnp.float32),
      ],
  )
  def deg_kernel(dst2_hbm, zeros_hbm, ones_hbm, out_hbm, dst_v, ones_v, dacc):
    cid = lax.axis_index("c")
    sid = lax.axis_index("s")
    wid = cid * NS + sid
    pltpu.sync_copy(dst2_hbm.at[pl.ds(wid * ch, ch)], dst_v)
    pltpu.sync_copy(ones_hbm, ones_v)
    pltpu.sync_copy(zeros_hbm.at[pl.ds(sid * rpt, rpt)],
                    dacc.at[pl.ds(sid * rpt, rpt)])
    plsc.subcore_barrier()

    def body(j, carry):
      pltpu.sync_copy(ones_v, dacc.at[dst_v.at[j]], add=True)
      return carry

    lax.fori_loop(0, ch, body, 0)
    plsc.subcore_barrier()
    pltpu.sync_copy(dacc.at[pl.ds(sid * rpt, rpt)],
                    out_hbm.at[cid, pl.ds(sid * rpt, rpt)])

  return deg_kernel


def _make_agg(n_pad, emb, cht):
  rpt = n_pad // NS
  hw = emb // 2

  @functools.partial(
      pl.kernel,
      out_type=jax.ShapeDtypeStruct((n_pad, emb), jnp.float32),
      mesh=_mesh(),
      compiler_params=pltpu.CompilerParams(use_tc_tiling_on_sc=False),
      scratch_types=(
          [pltpu.VMEM((4, 128), jnp.int32)] * 2
          + [pltpu.VMEM((128, hw), jnp.float32)] * 4
          + [pltpu.SemaphoreType.DMA] * 12
          + [pltpu.VMEM_SHARED((n_pad, hw), jnp.float32)] * 2
      ),
  )
  def agg_kernel(tab_hbm, src1_hbm, dst1_hbm, zeros_hbm, out_hbm,
                 si4, di4, *rest):
    rows = rest[0:4]
    isem = rest[4:8]
    gsem = rest[8:12]
    ssem = rest[12:16]
    tabs, acc = rest[16], rest[17]
    cid = lax.axis_index("c")
    sid = lax.axis_index("s")
    base = sid * cht * 128
    col = cid * hw
    pltpu.sync_copy(tab_hbm.at[pl.ds(sid * rpt, rpt), pl.ds(col, hw)],
                    tabs.at[pl.ds(sid * rpt, rpt)])
    pltpu.sync_copy(zeros_hbm, rows[0])
    for zb in range(0, rpt, 128):
      zn = min(128, rpt - zb)
      pltpu.sync_copy(rows[0].at[pl.ds(0, zn)],
                      acc.at[pl.ds(sid * rpt + zb, zn)])

    def istage(j, t4):
      pltpu.async_copy(src1_hbm.at[pl.ds(base + j * 128, 128)],
                       si4.at[t4], isem[t4])
      pltpu.async_copy(dst1_hbm.at[pl.ds(base + j * 128, 128)],
                       di4.at[t4], isem[t4])

    def iwait(t4):
      pltpu.make_async_copy(src1_hbm.at[pl.ds(0, 128)],
                            si4.at[t4], isem[t4]).wait()
      pltpu.make_async_copy(dst1_hbm.at[pl.ds(0, 128)],
                            di4.at[t4], isem[t4]).wait()

    def gstart(t4):
      pltpu.async_copy(tabs.at[si4.at[t4]], rows[t4], gsem[t4])

    def gwait(t4):
      pltpu.make_async_copy(tabs.at[si4.at[0]], rows[t4], gsem[t4]).wait()

    def sstart(t4):
      pltpu.async_copy(rows[t4], acc.at[di4.at[t4]], ssem[t4], add=True)

    def swait(t4):
      pltpu.make_async_copy(rows[t4], acc.at[di4.at[0]], ssem[t4]).wait()

    istage(0, 0)
    istage(1, 1)
    plsc.subcore_barrier()
    iwait(0)
    gstart(0)

    def body(jj, carry):
      for t in range(4):
        j = jj * 4 + t
        f4 = (t + 2) % 4
        n4 = (t + 1) % 4

        if t < 2:
          @pl.when(j >= 2)
          def _():
            swait(f4)
        else:
          swait(f4)

        @pl.when(j + 2 < cht)
        def _():
          istage(j + 2, f4)

        @pl.when(j + 1 < cht)
        def _():
          iwait(n4)
          gstart(n4)

        gwait(t)
        sstart(t)
      return carry

    lax.fori_loop(0, cht // 4, body, 0)
    swait(2)
    swait(3)
    plsc.subcore_barrier()
    pltpu.sync_copy(acc.at[pl.ds(sid * rpt, rpt)],
                    out_hbm.at[pl.ds(sid * rpt, rpt), pl.ds(col, hw)])

  return agg_kernel


def _make_pair_gather(n_pad, emb, bpt):
  @functools.partial(
      pl.kernel,
      out_type=(
          jax.ShapeDtypeStruct((NW * bpt * 128, emb), jnp.float32),
          jax.ShapeDtypeStruct((NW * bpt * 128, emb), jnp.float32),
      ),
      mesh=_mesh(),
      scratch_types=[
          pltpu.VMEM((bpt * 128,), jnp.int32),
          pltpu.VMEM((bpt * 128,), jnp.int32),
          pltpu.VMEM((128, emb), jnp.float32),
      ],
  )
  def gather_kernel(t_hbm, mid1_hbm, uid1_hbm, outm_hbm, outu_hbm,
                    mid_v, uid_v, rows_v):
    cid = lax.axis_index("c")
    sid = lax.axis_index("s")
    wid = cid * NS + sid
    pltpu.sync_copy(mid1_hbm.at[pl.ds(wid * bpt * 128, bpt * 128)], mid_v)
    pltpu.sync_copy(uid1_hbm.at[pl.ds(wid * bpt * 128, bpt * 128)], uid_v)

    def body(j, carry):
      base = wid * bpt * 128 + j * 128
      pltpu.sync_copy(t_hbm.at[mid_v.at[pl.ds(j * 128, 128)]], rows_v)
      pltpu.sync_copy(rows_v, outm_hbm.at[pl.ds(base, 128)])
      pltpu.sync_copy(t_hbm.at[uid_v.at[pl.ds(j * 128, 128)]], rows_v)
      pltpu.sync_copy(rows_v, outu_hbm.at[pl.ds(base, 128)])
      return carry

    lax.fori_loop(0, bpt, body, 0)

  return gather_kernel


def _make_tc1(n_movies, n_users, n_pad, emb):
  n = n_movies + n_users

  def tc1_body(me_ref, ue_ref, w1t_ref, d0_ref, d1_ref, dis_ref, h1p_ref):
    deg = d0_ref[...] + d1_ref[...] + 1.0
    dis = lax.rsqrt(deg)
    dis_ref[...] = dis
    h1p_ref[0:n_movies, :] = dis[0:n_movies] * jnp.dot(
        me_ref[...], w1t_ref[...], preferred_element_type=jnp.float32)
    h1p_ref[n_movies:n, :] = dis[n_movies:n] * jnp.dot(
        ue_ref[...], w1t_ref[...], preferred_element_type=jnp.float32)
    h1p_ref[n:n_pad, :] = jnp.zeros((n_pad - n, emb), jnp.float32)

  return tc1_body


def _tc2_body(a_ref, h1p_ref, dis_ref, b1_ref, w2t_ref, h2p_ref):
  s = a_ref[...] + h1p_ref[...]
  out1 = jnp.maximum(dis_ref[...] * s + b1_ref[...], 0.0)
  h2p_ref[...] = dis_ref[...] * jnp.dot(out1, w2t_ref[...],
                                        preferred_element_type=jnp.float32)


def _make_tc3(n_movies, n_users, n_pad, emb):
  n = n_movies + n_users

  def tc3_body(a_ref, h2p_ref, dis_ref, b2_ref, wmt_ref, wut_ref, t_ref):
    out2 = dis_ref[...] * (a_ref[...] + h2p_ref[...]) + b2_ref[...]
    t_ref[0:n_movies, :] = jnp.dot(
        out2[0:n_movies, :], wmt_ref[...], preferred_element_type=jnp.float32)
    t_ref[n_movies:n, :] = jnp.dot(
        out2[n_movies:n, :], wut_ref[...], preferred_element_type=jnp.float32)
    t_ref[n:n_pad, :] = jnp.zeros((n_pad - n, emb), jnp.float32)

  return tc3_body


def _tc4_body(rm_ref, ru_ref, g_ref, wgt_ref, fb1_ref, w2_ref, fb2_ref,
              out_ref):
  gpart = jnp.dot(g_ref[...], wgt_ref[...], preferred_element_type=jnp.float32)
  fc1 = jnp.maximum(rm_ref[...] + ru_ref[...] + gpart + fb1_ref[...], 0.0)
  out_ref[...] = jnp.sum(fc1 * w2_ref[...], axis=1, keepdims=True) + fb2_ref[...]


def kernel(movie_id, user_id, genre_id, edge_index, movie_emb, user_emb,
           W1, b1, W2, b2, fcW1, fcb1, fcW2, fcb2):
  f32, i32 = jnp.float32, jnp.int32
  n_movies, emb = movie_emb.shape
  n_users = user_emb.shape[0]
  n = n_movies + n_users
  hid = W1.shape[0]
  bsz = movie_id.shape[0]
  e = edge_index.shape[1]

  n_pad = ((n + 1 + 127) // 128) * 128
  ch = (e + NW * 128 - 1) // (NW * 128)
  ch = ((ch + 7) // 8) * 8
  e_pad = NW * ch * 128
  bpt = bsz // (NW * 128)

  src = edge_index[0].astype(i32)
  dst = edge_index[1].astype(i32)
  pad_src = jnp.full((e_pad - e,), n, i32)
  pad_dst = n + jnp.arange(e_pad - e, dtype=i32) % (n_pad - n)
  src1 = jnp.concatenate([src, pad_src])
  dst1 = jnp.concatenate([dst, pad_dst])
  dst2 = dst1.reshape(NW * ch, 128)

  zeros_deg = jnp.zeros((n_pad, DEGW), f32)
  zeros_blk = jnp.zeros((128, emb // 2), f32)
  ones16 = jnp.ones((128, DEGW), f32)

  w1t = W1.T.astype(f32)
  w2t = W2.T.astype(f32)
  wmt = fcW1[:, :emb].T.astype(f32)
  wut = fcW1[:, emb:2 * emb].T.astype(f32)
  wgt = fcW1[:, 2 * emb:].T.astype(f32)
  b1r = b1.reshape(1, hid).astype(f32)
  b2r = b2.reshape(1, hid).astype(f32)
  fb1 = fcb1.reshape(1, hid).astype(f32)
  w2row = fcW2.reshape(1, hid).astype(f32)
  fb2 = fcb2.reshape(1, 1).astype(f32)
  genre = genre_id.astype(f32)

  mid1 = movie_id.astype(i32)
  uid1 = user_id.astype(i32) + n_movies

  deg_parts = _make_deg(n_pad, ch)(dst2, zeros_deg, ones16)
  d0 = deg_parts[0, :, 0:1]
  d1 = deg_parts[1, :, 0:1]

  dis, h1p = pl.pallas_call(
      _make_tc1(n_movies, n_users, n_pad, emb),
      out_shape=(
          jax.ShapeDtypeStruct((n_pad, 1), f32),
          jax.ShapeDtypeStruct((n_pad, emb), f32),
      ),
  )(movie_emb.astype(f32), user_emb.astype(f32), w1t, d0, d1)

  cht = e_pad // (NS * 128)
  agg = _make_agg(n_pad, emb, cht)

  agg1 = agg(h1p, src1, dst1, zeros_blk)

  h2p = pl.pallas_call(
      _tc2_body,
      out_shape=jax.ShapeDtypeStruct((n_pad, emb), f32),
  )(agg1, h1p, dis, b1r, w2t)

  agg2 = agg(h2p, src1, dst1, zeros_blk)

  t_tab = pl.pallas_call(
      _make_tc3(n_movies, n_users, n_pad, emb),
      out_shape=jax.ShapeDtypeStruct((n_pad, emb), f32),
  )(agg2, h2p, dis, b2r, wmt, wut)

  rows_m, rows_u = _make_pair_gather(n_pad, emb, bpt)(t_tab, mid1, uid1)

  out = pl.pallas_call(
      _tc4_body,
      out_shape=jax.ShapeDtypeStruct((bsz, 1), f32),
  )(rows_m, rows_u, genre, wgt, fb1, w2row, fb2)
  return out

# --- scband reference (transcript-rebuilt; emitter-appended) ---
"""Pipeline reference for scband-gnnmovie-lens-model-2216203125485 (READ-ONLY COPY).

The authoritative reference and input builder live on the scoring server;
editing this copy changes nothing except your own understanding.
"""

import jax, jax.numpy as jnp
import numpy as np

NUM_MOVIES = 5000
NUM_USERS = 5000
NUM_GENRES = 20
EMB = 128
HID = 128
B = 16384
E = 320000
N = NUM_MOVIES + NUM_USERS


def setup_inputs(seed: int = 0) -> dict:
    key = jax.random.key(seed)
    ks = jax.random.split(key, 14)
    movie_id = jax.random.randint(ks[0], (B,), 0, NUM_MOVIES)
    user_id = jax.random.randint(ks[1], (B,), 0, NUM_USERS)
    genre_id = jax.random.uniform(ks[2], (B, NUM_GENRES), dtype=jnp.float32)
    edge_index = jax.random.randint(ks[3], (2, E), 0, N)
    movie_emb = 0.01 * jax.random.normal(ks[4], (NUM_MOVIES, EMB), dtype=jnp.float32)
    user_emb = 0.01 * jax.random.normal(ks[5], (NUM_USERS, EMB), dtype=jnp.float32)
    W1 = 0.05 * jax.random.normal(ks[6], (HID, EMB), dtype=jnp.float32)
    b1 = jnp.zeros((HID,), dtype=jnp.float32)
    W2 = 0.05 * jax.random.normal(ks[7], (HID, HID), dtype=jnp.float32)
    b2 = jnp.zeros((HID,), dtype=jnp.float32)
    fcW1 = 0.05 * jax.random.normal(ks[8], (HID, HID * 2 + NUM_GENRES), dtype=jnp.float32)
    fcb1 = jnp.zeros((HID,), dtype=jnp.float32)
    fcW2 = 0.05 * jax.random.normal(ks[9], (1, HID), dtype=jnp.float32)
    fcb2 = jnp.zeros((1,), dtype=jnp.float32)
    return {
        "movie_id": movie_id, "user_id": user_id, "genre_id": genre_id,
        "edge_index": edge_index, "movie_emb": movie_emb, "user_emb": user_emb,
        "W1": W1, "b1": b1, "W2": W2, "b2": b2,
        "fcW1": fcW1, "fcb1": fcb1, "fcW2": fcW2, "fcb2": fcb2,
    }


def _gcn_conv(x, src, dst, W, b, n):
    # PyG GCNConv: linear transform, gcn_norm (self-loops already appended
    # to src/dst by the caller), symmetric normalization, sum aggregation, bias.
    h = x @ W.T
    deg = jnp.zeros((n,), dtype=x.dtype).at[dst].add(jnp.ones_like(dst, dtype=x.dtype))
    dis = jnp.where(deg > 0, deg ** -0.5, 0.0)
    norm = dis[src] * dis[dst]
    msg = h[src] * norm[:, None]
    out = jnp.zeros((n, h.shape[1]), dtype=x.dtype).at[dst].add(msg)
    return out + b


def reference(movie_id, user_id, genre_id, edge_index, movie_emb, user_emb, W1, b1, W2, b2, fcW1, fcb1, fcW2, fcb2):
    n_movies = movie_emb.shape[0]
    n = n_movies + user_emb.shape[0]
    x = jnp.concatenate([movie_emb, user_emb], axis=0)
    loop = jnp.arange(n, dtype=edge_index.dtype)
    src = jnp.concatenate([edge_index[0], loop])
    dst = jnp.concatenate([edge_index[1], loop])
    x = jax.nn.relu(_gcn_conv(x, src, dst, W1, b1, n))
    # dropout p=0.2 is inactive in eval mode
    x = _gcn_conv(x, src, dst, W2, b2, n)
    movie_gnn = x[movie_id]
    user_gnn = x[user_id + n_movies]
    genre = genre_id.astype(jnp.float32).reshape(movie_id.shape[0], -1)
    combined = jnp.concatenate([movie_gnn, user_gnn, genre], axis=1)
    out = jax.nn.relu(combined @ fcW1.T + fcb1)
    out = out @ fcW2.T + fcb2
    return out

if __name__ == "__main__":
    import jax
    _d = setup_inputs()
    print(jax.jit(kernel)(*tuple(_d.values())))

</pallas_src>

<mosaic_0001>
#map = affine_map<(d0, d1) -> (0, 0)>
#map1 = affine_map<(d0, d1) -> (0)>
module attributes {stable_mosaic.version = 14 : i64} {
  func.func @agg_kernel(%arg0: i32, %arg1: i32, %arg2: memref<10112x128xf32, #tpu.memory_space<hbm>>, %arg3: memref<327680xi32, #tpu.memory_space<hbm>>, %arg4: memref<327680xi32, #tpu.memory_space<hbm>>, %arg5: memref<128x64xf32, #tpu.memory_space<hbm>>, %arg6: memref<10112x128xf32, #tpu.memory_space<hbm>>, %arg7: memref<4x128xi32, #tpu.memory_space<vmem>>, %arg8: memref<4x128xi32, #tpu.memory_space<vmem>>, %arg9: memref<128x64xf32, #tpu.memory_space<vmem>>, %arg10: memref<128x64xf32, #tpu.memory_space<vmem>>, %arg11: memref<128x64xf32, #tpu.memory_space<vmem>>, %arg12: memref<128x64xf32, #tpu.memory_space<vmem>>, %arg13: memref<!tpu.dma_semaphore, #tpu.memory_space<semaphore_mem>>, %arg14: memref<!tpu.dma_semaphore, #tpu.memory_space<semaphore_mem>>, %arg15: memref<!tpu.dma_semaphore, #tpu.memory_space<semaphore_mem>>, %arg16: memref<!tpu.dma_semaphore, #tpu.memory_space<semaphore_mem>>, %arg17: memref<!tpu.dma_semaphore, #tpu.memory_space<semaphore_mem>>, %arg18: memref<!tpu.dma_semaphore, #tpu.memory_space<semaphore_mem>>, %arg19: memref<!tpu.dma_semaphore, #tpu.memory_space<semaphore_mem>>, %arg20: memref<!tpu.dma_semaphore, #tpu.memory_space<semaphore_mem>>, %arg21: memref<!tpu.dma_semaphore, #tpu.memory_space<semaphore_mem>>, %arg22: memref<!tpu.dma_semaphore, #tpu.memory_space<semaphore_mem>>, %arg23: memref<!tpu.dma_semaphore, #tpu.memory_space<semaphore_mem>>, %arg24: memref<!tpu.dma_semaphore, #tpu.memory_space<semaphore_mem>>, %arg25: memref<10112x64xf32, #tpu.memory_space<vmem_shared>>, %arg26: memref<10112x64xf32, #tpu.memory_space<vmem_shared>>) attributes {dimension_semantics = [#tpu.dimension_semantics<core_parallel>, #tpu.dimension_semantics<subcore_parallel>], iteration_bounds = array<i64: 2, 16>, scalar_prefetch = 0 : i64, scratch_operands = 20 : i64, tpu.core_type = #tpu.core_type<sc_vector_subcore>, window_params = [{transform_indices = #map}, {transform_indices = #map1}, {transform_indices = #map1}, {transform_indices = #map}, {transform_indices = #map}]} {
    %mul3A = arith.constant 160 : i32
    %mul3A_0 = arith.muli %arg1, %mul3A : i32
    %mul3A_1 = arith.constant 128 : i32
    %mul3A_2 = arith.muli %mul3A_0, %mul3A_1 : i32
    %mul3A_3 = arith.constant 64 : i32
    %mul3A_4 = arith.muli %arg0, %mul3A_3 : i32
    %mul3A_5 = arith.constant 632 : i32
    %mul3A_6 = arith.muli %arg1, %mul3A_5 : i32
    %mul3A_7 = arith.constant 632 : i32
    %mul3A_8 = arith.muli %arg1, %mul3A_7 : i32
    "tpu.region"() ({
      %run_scoped3A = tpu.sem_alloc : memref<!tpu.dma_semaphore, #tpu.memory_space<semaphore_mem>>
      %dma_start3A_123 = arith.constant 0 : i32
      %dma_start3A_124 = tpu.memref_slice %arg25[%mul3A_8, %dma_start3A_123] : memref<10112x64xf32, #tpu.memory_space<vmem_shared>> -> memref<632x64xf32, #tpu.memory_space<vmem_shared>>
      %dma_start3A_125 = tpu.memref_slice %arg2[%mul3A_6, %mul3A_4] : memref<10112x128xf32, #tpu.memory_space<hbm>> -> memref<632x64xf32, #tpu.memory_space<hbm>>
      tpu.enqueue_dma source(%dma_start3A_125 : memref<632x64xf32, #tpu.memory_space<hbm>>) target(%dma_start3A_124 : memref<632x64xf32, #tpu.memory_space<vmem_shared>>) target_semaphore(%run_scoped3A : memref<!tpu.dma_semaphore, #tpu.memory_space<semaphore_mem>>)
      %dma_wait3A_126 = arith.constant 0 : i32
      %dma_wait3A_127 = tpu.memref_slice %arg25[%mul3A_8, %dma_wait3A_126] : memref<10112x64xf32, #tpu.memory_space<vmem_shared>> -> memref<632x64xf32, #tpu.memory_space<vmem_shared>>
      %dma_wait3A_128 = tpu.memref_slice %arg2[%mul3A_6, %mul3A_4] : memref<10112x128xf32, #tpu.memory_space<hbm>> -> memref<632x64xf32, #tpu.memory_space<hbm>>
      tpu.wait_dma2 semaphore(%run_scoped3A : memref<!tpu.dma_semaphore, #tpu.memory_space<semaphore_mem>>) src(%dma_wait3A_128 : memref<632x64xf32, #tpu.memory_space<hbm>>) dst(%dma_wait3A_127 : memref<632x64xf32, #tpu.memory_space<vmem_shared>>)
      tpu.yield
    }) : () -> ()
    "tpu.region"() ({
      %run_scoped3A = tpu.sem_alloc : memref<!tpu.dma_semaphore, #tpu.memory_space<semaphore_mem>>
      tpu.enqueue_dma source(%arg5 : memref<128x64xf32, #tpu.memory_space<hbm>>) target(%arg9 : memref<128x64xf32, #tpu.memory_space<vmem>>) target_semaphore(%run_scoped3A : memref<!tpu.dma_semaphore, #tpu.memory_space<semaphore_mem>>)
      tpu.wait_dma2 semaphore(%run_scoped3A : memref<!tpu.dma_semaphore, #tpu.memory_space<semaphore_mem>>) src(%arg5 : memref<128x64xf32, #tpu.memory_space<hbm>>) dst(%arg9 : memref<128x64xf32, #tpu.memory_space<vmem>>)
      tpu.yield
    }) : () -> ()
    %mul3A_9 = arith.constant 632 : i32
    %mul3A_10 = arith.muli %arg1, %mul3A_9 : i32
    %add3A = arith.constant 0 : i32
    %add3A_11 = arith.addi %mul3A_10, %add3A : i32
    "tpu.region"() ({
      %run_scoped3A = tpu.sem_alloc : memref<!tpu.dma_semaphore, #tpu.memory_space<semaphore_mem>>
      %dma_start3A_123 = arith.constant 0 : i32
      %dma_start3A_124 = arith.constant 0 : i32
      %dma_start3A_125 = tpu.memref_slice %arg9[%dma_start3A_123, %dma_start3A_124] : memref<128x64xf32, #tpu.memory_space<vmem>> -> memref<128x64xf32, #tpu.memory_space<vmem>>
      %dma_start3A_126 = arith.constant 0 : i32
      %dma_start3A_127 = tpu.memref_slice %arg26[%add3A_11, %dma_start3A_126] : memref<10112x64xf32, #tpu.memory_space<vmem_shared>> -> memref<128x64xf32, #tpu.memory_space<vmem_shared>>
      %dma_start3A_128 = arith.constant 0 : i32
      %dma_start3A_129 = tpu.memref_slice %arg26[%add3A_11, %dma_start3A_128] : memref<10112x64xf32, #tpu.memory_space<vmem_shared>> -> memref<128x64xf32, #tpu.memory_space<vmem_shared>>
      %dma_start3A_130 = arith.constant 0 : i32
      %dma_start3A_131 = arith.constant 0 : i32
      %dma_start3A_132 = tpu.memref_slice %arg9[%dma_start3A_130, %dma_start3A_131] : memref<128x64xf32, #tpu.memory_space<vmem>> -> memref<128x64xf32, #tpu.memory_space<vmem>>
      tpu.enqueue_dma source(%dma_start3A_132 : memref<128x64xf32, #tpu.memory_space<vmem>>) target(%dma_start3A_129 : memref<128x64xf32, #tpu.memory_space<vmem_shared>>) target_semaphore(%run_scoped3A : memref<!tpu.dma_semaphore, #tpu.memory_space<semaphore_mem>>)
      %dma_wait3A_133 = arith.constant 0 : i32
      %dma_wait3A_134 = arith.constant 0 : i32
      %dma_wait3A_135 = tpu.memref_slice %arg9[%dma_wait3A_133, %dma_wait3A_134] : memref<128x64xf32, #tpu.memory_space<vmem>> -> memref<128x64xf32, #tpu.memory_space<vmem>>
      %dma_wait3A_136 = arith.constant 0 : i32
      %dma_wait3A_137 = tpu.memref_slice %arg26[%add3A_11, %dma_wait3A_136] : memref<10112x64xf32, #tpu.memory_space<vmem_shared>> -> memref<128x64xf32, #tpu.memory_space<vmem_shared>>
      %dma_wait3A_138 = arith.constant 0 : i32
      %dma_wait3A_139 = tpu.memref_slice %arg26[%add3A_11, %dma_wait3A_138] : memref<10112x64xf32, #tpu.memory_space<vmem_shared>> -> memref<128x64xf32, #tpu.memory_space<vmem_shared>>
      %dma_wait3A_140 = arith.constant 0 : i32
      %dma_wait3A_141 = arith.constant 0 : i32
      %dma_wait3A_142 = tpu.memref_slice %arg9[%dma_wait3A_140, %dma_wait3A_141] : memref<128x64xf32, #tpu.memory_space<vmem>> -> memref<128x64xf32, #tpu.memory_space<vmem>>
      tpu.wait_dma2 semaphore(%run_scoped3A : memref<!tpu.dma_semaphore, #tpu.memory_space<semaphore_mem>>) src(%dma_wait3A_142 : memref<128x64xf32, #tpu.memory_space<vmem>>) dst(%dma_wait3A_139 : memref<128x64xf32, #tpu.memory_space<vmem_shared>>)
      tpu.yield
    }) : () -> ()
    %mul3A_12 = arith.constant 632 : i32
    %mul3A_13 = arith.muli %arg1, %mul3A_12 : i32
    %add3A_14 = arith.constant 128 : i32
    %add3A_15 = arith.addi %mul3A_13, %add3A_14 : i32
    "tpu.region"() ({
      %run_scoped3A = tpu.sem_alloc : memref<!tpu.dma_semaphore, #tpu.memory_space<semaphore_mem>>
      %dma_start3A_123 = arith.constant 0 : i32
      %dma_start3A_124 = arith.constant 0 : i32
      %dma_start3A_125 = tpu.memref_slice %arg9[%dma_start3A_123, %dma_start3A_124] : memref<128x64xf32, #tpu.memory_space<vmem>> -> memref<128x64xf32, #tpu.memory_space<vmem>>
      %dma_start3A_126 = arith.constant 0 : i32
      %dma_start3A_127 = tpu.memref_slice %arg26[%add3A_15, %dma_start3A_126] : memref<10112x64xf32, #tpu.memory_space<vmem_shared>> -> memref<128x64xf32, #tpu.memory_space<vmem_shared>>
      %dma_start3A_128 = arith.constant 0 : i32
      %dma_start3A_129 = tpu.memref_slice %arg26[%add3A_15, %dma_start3A_128] : memref<10112x64xf32, #tpu.memory_space<vmem_shared>> -> memref<128x64xf32, #tpu.memory_space<vmem_shared>>
      %dma_start3A_130 = arith.constant 0 : i32
      %dma_start3A_131 = arith.constant 0 : i32
      %dma_start3A_132 = tpu.memref_slice %arg9[%dma_start3A_130, %dma_start3A_131] : memref<128x64xf32, #tpu.memory_space<vmem>> -> memref<128x64xf32, #tpu.memory_space<vmem>>
      tpu.enqueue_dma source(%dma_start3A_132 : memref<128x64xf32, #tpu.memory_space<vmem>>) target(%dma_start3A_129 : memref<128x64xf32, #tpu.memory_space<vmem_shared>>) target_semaphore(%run_scoped3A : memref<!tpu.dma_semaphore, #tpu.memory_space<semaphore_mem>>)
      %dma_wait3A_133 = arith.constant 0 : i32
      %dma_wait3A_134 = arith.constant 0 : i32
      %dma_wait3A_135 = tpu.memref_slice %arg9[%dma_wait3A_133, %dma_wait3A_134] : memref<128x64xf32, #tpu.memory_space<vmem>> -> memref<128x64xf32, #tpu.memory_space<vmem>>
      %dma_wait3A_136 = arith.constant 0 : i32
      %dma_wait3A_137 = tpu.memref_slice %arg26[%add3A_15, %dma_wait3A_136] : memref<10112x64xf32, #tpu.memory_space<vmem_shared>> -> memref<128x64xf32, #tpu.memory_space<vmem_shared>>
      %dma_wait3A_138 = arith.constant 0 : i32
      %dma_wait3A_139 = tpu.memref_slice %arg26[%add3A_15, %dma_wait3A_138] : memref<10112x64xf32, #tpu.memory_space<vmem_shared>> -> memref<128x64xf32, #tpu.memory_space<vmem_shared>>
      %dma_wait3A_140 = arith.constant 0 : i32
      %dma_wait3A_141 = arith.constant 0 : i32
      %dma_wait3A_142 = tpu.memref_slice %arg9[%dma_wait3A_140, %dma_wait3A_141] : memref<128x64xf32, #tpu.memory_space<vmem>> -> memref<128x64xf32, #tpu.memory_space<vmem>>
      tpu.wait_dma2 semaphore(%run_scoped3A : memref<!tpu.dma_semaphore, #tpu.memory_space<semaphore_mem>>) src(%dma_wait3A_142 : memref<128x64xf32, #tpu.memory_space<vmem>>) dst(%dma_wait3A_139 : memref<128x64xf32, #tpu.memory_space<vmem_shared>>)
      tpu.yield
    }) : () -> ()
    %mul3A_16 = arith.constant 632 : i32
    %mul3A_17 = arith.muli %arg1, %mul3A_16 : i32
    %add3A_18 = arith.constant 256 : i32
    %add3A_19 = arith.addi %mul3A_17, %add3A_18 : i32
    "tpu.region"() ({
      %run_scoped3A = tpu.sem_alloc : memref<!tpu.dma_semaphore, #tpu.memory_space<semaphore_mem>>
      %dma_start3A_123 = arith.constant 0 : i32
      %dma_start3A_124 = arith.constant 0 : i32
      %dma_start3A_125 = tpu.memref_slice %arg9[%dma_start3A_123, %dma_start3A_124] : memref<128x64xf32, #tpu.memory_space<vmem>> -> memref<128x64xf32, #tpu.memory_space<vmem>>
      %dma_start3A_126 = arith.constant 0 : i32
      %dma_start3A_127 = tpu.memref_slice %arg26[%add3A_19, %dma_start3A_126] : memref<10112x64xf32, #tpu.memory_space<vmem_shared>> -> memref<128x64xf32, #tpu.memory_space<vmem_shared>>
      %dma_start3A_128 = arith.constant 0 : i32
      %dma_start3A_129 = tpu.memref_slice %arg26[%add3A_19, %dma_start3A_128] : memref<10112x64xf32, #tpu.memory_space<vmem_shared>> -> memref<128x64xf32, #tpu.memory_space<vmem_shared>>
      %dma_start3A_130 = arith.constant 0 : i32
      %dma_start3A_131 = arith.constant 0 : i32
      %dma_start3A_132 = tpu.memref_slice %arg9[%dma_start3A_130, %dma_start3A_131] : memref<128x64xf32, #tpu.memory_space<vmem>> -> memref<128x64xf32, #tpu.memory_space<vmem>>
      tpu.enqueue_dma source(%dma_start3A_132 : memref<128x64xf32, #tpu.memory_space<vmem>>) target(%dma_start3A_129 : memref<128x64xf32, #tpu.memory_space<vmem_shared>>) target_semaphore(%run_scoped3A : memref<!tpu.dma_semaphore, #tpu.memory_space<semaphore_mem>>)
      %dma_wait3A_133 = arith.constant 0 : i32
      %dma_wait3A_134 = arith.constant 0 : i32
      %dma_wait3A_135 = tpu.memref_slice %arg9[%dma_wait3A_133, %dma_wait3A_134] : memref<128x64xf32, #tpu.memory_space<vmem>> -> memref<128x64xf32, #tpu.memory_space<vmem>>
      %dma_wait3A_136 = arith.constant 0 : i32
      %dma_wait3A_137 = tpu.memref_slice %arg26[%add3A_19, %dma_wait3A_136] : memref<10112x64xf32, #tpu.memory_space<vmem_shared>> -> memref<128x64xf32, #tpu.memory_space<vmem_shared>>
      %dma_wait3A_138 = arith.constant 0 : i32
      %dma_wait3A_139 = tpu.memref_slice %arg26[%add3A_19, %dma_wait3A_138] : memref<10112x64xf32, #tpu.memory_space<vmem_shared>> -> memref<128x64xf32, #tpu.memory_space<vmem_shared>>
      %dma_wait3A_140 = arith.constant 0 : i32
      %dma_wait3A_141 = arith.constant 0 : i32
      %dma_wait3A_142 = tpu.memref_slice %arg9[%dma_wait3A_140, %dma_wait3A_141] : memref<128x64xf32, #tpu.memory_space<vmem>> -> memref<128x64xf32, #tpu.memory_space<vmem>>
      tpu.wait_dma2 semaphore(%run_scoped3A : memref<!tpu.dma_semaphore, #tpu.memory_space<semaphore_mem>>) src(%dma_wait3A_142 : memref<128x64xf32, #tpu.memory_space<vmem>>) dst(%dma_wait3A_139 : memref<128x64xf32, #tpu.memory_space<vmem_shared>>)
      tpu.yield
    }) : () -> ()
    %mul3A_20 = arith.constant 632 : i32
    %mul3A_21 = arith.muli %arg1, %mul3A_20 : i32
    %add3A_22 = arith.constant 384 : i32
    %add3A_23 = arith.addi %mul3A_21, %add3A_22 : i32
    "tpu.region"() ({
      %run_scoped3A = tpu.sem_alloc : memref<!tpu.dma_semaphore, #tpu.memory_space<semaphore_mem>>
      %dma_start3A_123 = arith.constant 0 : i32
      %dma_start3A_124 = arith.constant 0 : i32
      %dma_start3A_125 = tpu.memref_slice %arg9[%dma_start3A_123, %dma_start3A_124] : memref<128x64xf32, #tpu.memory_space<vmem>> -> memref<128x64xf32, #tpu.memory_space<vmem>>
      %dma_start3A_126 = arith.constant 0 : i32
      %dma_start3A_127 = tpu.memref_slice %arg26[%add3A_23, %dma_start3A_126] : memref<10112x64xf32, #tpu.memory_space<vmem_shared>> -> memref<128x64xf32, #tpu.memory_space<vmem_shared>>
      %dma_start3A_128 = arith.constant 0 : i32
      %dma_start3A_129 = tpu.memref_slice %arg26[%add3A_23, %dma_start3A_128] : memref<10112x64xf32, #tpu.memory_space<vmem_shared>> -> memref<128x64xf32, #tpu.memory_space<vmem_shared>>
      %dma_start3A_130 = arith.constant 0 : i32
      %dma_start3A_131 = arith.constant 0 : i32
      %dma_start3A_132 = tpu.memref_slice %arg9[%dma_start3A_130, %dma_start3A_131] : memref<128x64xf32, #tpu.memory_space<vmem>> -> memref<128x64xf32, #tpu.memory_space<vmem>>
      tpu.enqueue_dma source(%dma_start3A_132 : memref<128x64xf32, #tpu.memory_space<vmem>>) target(%dma_start3A_129 : memref<128x64xf32, #tpu.memory_space<vmem_shared>>) target_semaphore(%run_scoped3A : memref<!tpu.dma_semaphore, #tpu.memory_space<semaphore_mem>>)
      %dma_wait3A_133 = arith.constant 0 : i32
      %dma_wait3A_134 = arith.constant 0 : i32
      %dma_wait3A_135 = tpu.memref_slice %arg9[%dma_wait3A_133, %dma_wait3A_134] : memref<128x64xf32, #tpu.memory_space<vmem>> -> memref<128x64xf32, #tpu.memory_space<vmem>>
      %dma_wait3A_136 = arith.constant 0 : i32
      %dma_wait3A_137 = tpu.memref_slice %arg26[%add3A_23, %dma_wait3A_136] : memref<10112x64xf32, #tpu.memory_space<vmem_shared>> -> memref<128x64xf32, #tpu.memory_space<vmem_shared>>
      %dma_wait3A_138 = arith.constant 0 : i32
      %dma_wait3A_139 = tpu.memref_slice %arg26[%add3A_23, %dma_wait3A_138] : memref<10112x64xf32, #tpu.memory_space<vmem_shared>> -> memref<128x64xf32, #tpu.memory_space<vmem_shared>>
      %dma_wait3A_140 = arith.constant 0 : i32
      %dma_wait3A_141 = arith.constant 0 : i32
      %dma_wait3A_142 = tpu.memref_slice %arg9[%dma_wait3A_140, %dma_wait3A_141] : memref<128x64xf32, #tpu.memory_space<vmem>> -> memref<128x64xf32, #tpu.memory_space<vmem>>
      tpu.wait_dma2 semaphore(%run_scoped3A : memref<!tpu.dma_semaphore, #tpu.memory_space<semaphore_mem>>) src(%dma_wait3A_142 : memref<128x64xf32, #tpu.memory_space<vmem>>) dst(%dma_wait3A_139 : memref<128x64xf32, #tpu.memory_space<vmem_shared>>)
      tpu.yield
    }) : () -> ()
    %mul3A_24 = arith.constant 632 : i32
    %mul3A_25 = arith.muli %arg1, %mul3A_24 : i32
    %add3A_26 = arith.constant 512 : i32
    %add3A_27 = arith.addi %mul3A_25, %add3A_26 : i32
    "tpu.region"() ({
      %run_scoped3A = tpu.sem_alloc : memref<!tpu.dma_semaphore, #tpu.memory_space<semaphore_mem>>
      %dma_start3A_123 = arith.constant 0 : i32
      %dma_start3A_124 = arith.constant 0 : i32
      %dma_start3A_125 = tpu.memref_slice %arg9[%dma_start3A_123, %dma_start3A_124] : memref<128x64xf32, #tpu.memory_space<vmem>> -> memref<120x64xf32, #tpu.memory_space<vmem>>
      %dma_start3A_126 = arith.constant 0 : i32
      %dma_start3A_127 = tpu.memref_slice %arg26[%add3A_27, %dma_start3A_126] : memref<10112x64xf32, #tpu.memory_space<vmem_shared>> -> memref<120x64xf32, #tpu.memory_space<vmem_shared>>
      %dma_start3A_128 = arith.constant 0 : i32
      %dma_start3A_129 = tpu.memref_slice %arg26[%add3A_27, %dma_start3A_128] : memref<10112x64xf32, #tpu.memory_space<vmem_shared>> -> memref<120x64xf32, #tpu.memory_space<vmem_shared>>
      %dma_start3A_130 = arith.constant 0 : i32
      %dma_start3A_131 = arith.constant 0 : i32
      %dma_start3A_132 = tpu.memref_slice %arg9[%dma_start3A_130, %dma_start3A_131] : memref<128x64xf32, #tpu.memory_space<vmem>> -> memref<120x64xf32, #tpu.memory_space<vmem>>
      tpu.enqueue_dma source(%dma_start3A_132 : memref<120x64xf32, #tpu.memory_space<vmem>>) target(%dma_start3A_129 : memref<120x64xf32, #tpu.memory_space<vmem_shared>>) target_semaphore(%run_scoped3A : memref<!tpu.dma_semaphore, #tpu.memory_space<semaphore_mem>>)
      %dma_wait3A_133 = arith.constant 0 : i32
      %dma_wait3A_134 = arith.constant 0 : i32
      %dma_wait3A_135 = tpu.memref_slice %arg9[%dma_wait3A_133, %dma_wait3A_134] : memref<128x64xf32, #tpu.memory_space<vmem>> -> memref<120x64xf32, #tpu.memory_space<vmem>>
      %dma_wait3A_136 = arith.constant 0 : i32
      %dma_wait3A_137 = tpu.memref_slice %arg26[%add3A_27, %dma_wait3A_136] : memref<10112x64xf32, #tpu.memory_space<vmem_shared>> -> memref<120x64xf32, #tpu.memory_space<vmem_shared>>
      %dma_wait3A_138 = arith.constant 0 : i32
      %dma_wait3A_139 = tpu.memref_slice %arg26[%add3A_27, %dma_wait3A_138] : memref<10112x64xf32, #tpu.memory_space<vmem_shared>> -> memref<120x64xf32, #tpu.memory_space<vmem_shared>>
      %dma_wait3A_140 = arith.constant 0 : i32
      %dma_wait3A_141 = arith.constant 0 : i32
      %dma_wait3A_142 = tpu.memref_slice %arg9[%dma_wait3A_140, %dma_wait3A_141] : memref<128x64xf32, #tpu.memory_space<vmem>> -> memref<120x64xf32, #tpu.memory_space<vmem>>
      tpu.wait_dma2 semaphore(%run_scoped3A : memref<!tpu.dma_semaphore, #tpu.memory_space<semaphore_mem>>) src(%dma_wait3A_142 : memref<120x64xf32, #tpu.memory_space<vmem>>) dst(%dma_wait3A_139 : memref<120x64xf32, #tpu.memory_space<vmem_shared>>)
      tpu.yield
    }) : () -> ()
    %add3A_28 = arith.constant 0 : i32
    %add3A_29 = arith.addi %mul3A_2, %add3A_28 : i32
    %dma_start3A = arith.constant 0 : i32
    %dma_start3A_30 = arith.constant 0 : i32
    %dma_start3A_31 = tpu.memref_slice %arg7[%dma_start3A, %dma_start3A_30] : memref<4x128xi32, #tpu.memory_space<vmem>> -> memref<1x128xi32, #tpu.memory_space<vmem>>
    %dma_start3A_32 = tpu.memref_squeeze %dma_start3A_31 : memref<1x128xi32, #tpu.memory_space<vmem>> -> memref<128xi32, #tpu.memory_space<vmem>>
    %dma_start3A_33 = tpu.memref_slice %arg3[%add3A_29] : memref<327680xi32, #tpu.memory_space<hbm>> -> memref<128xi32, #tpu.memory_space<hbm>>
    %dma_start3A_34 = arith.constant 0 : i32
    %dma_start3A_35 = tpu.memref_slice %arg7[%dma_start3A, %dma_start3A_34] : memref<4x128xi32, #tpu.memory_space<vmem>> -> memref<1x128xi32, #tpu.memory_space<vmem>>
    %dma_start3A_36 = tpu.memref_squeeze %dma_start3A_35 : memref<1x128xi32, #tpu.memory_space<vmem>> -> memref<128xi32, #tpu.memory_space<vmem>>
    %dma_start3A_37 = tpu.memref_slice %arg3[%add3A_29] : memref<327680xi32, #tpu.memory_space<hbm>> -> memref<128xi32, #tpu.memory_space<hbm>>
    tpu.enqueue_dma source(%dma_start3A_37 : memref<128xi32, #tpu.memory_space<hbm>>) target(%dma_start3A_36 : memref<128xi32, #tpu.memory_space<vmem>>) target_semaphore(%arg13 : memref<!tpu.dma_semaphore, #tpu.memory_space<semaphore_mem>>)
    %add3A_38 = arith.constant 0 : i32
    %add3A_39 = arith.addi %mul3A_2, %add3A_38 : i32
    %dma_start3A_40 = arith.constant 0 : i32
    %dma_start3A_41 = arith.constant 0 : i32
    %dma_start3A_42 = tpu.memref_slice %arg8[%dma_start3A_40, %dma_start3A_41] : memref<4x128xi32, #tpu.memory_space<vmem>> -> memref<1x128xi32, #tpu.memory_space<vmem>>
    %dma_start3A_43 = tpu.memref_squeeze %dma_start3A_42 : memref<1x128xi32, #tpu.memory_space<vmem>> -> memref<128xi32, #tpu.memory_space<vmem>>
    %dma_start3A_44 = tpu.memref_slice %arg4[%add3A_39] : memref<327680xi32, #tpu.memory_space<hbm>> -> memref<128xi32, #tpu.memory_space<hbm>>
    %dma_start3A_45 = arith.constant 0 : i32
    %dma_start3A_46 = tpu.memref_slice %arg8[%dma_start3A_40, %dma_start3A_45] : memref<4x128xi32, #tpu.memory_space<vmem>> -> memref<1x128xi32, #tpu.memory_space<vmem>>
    %dma_start3A_47 = tpu.memref_squeeze %dma_start3A_46 : memref<1x128xi32, #tpu.memory_space<vmem>> -> memref<128xi32, #tpu.memory_space<vmem>>
    %dma_start3A_48 = tpu.memref_slice %arg4[%add3A_39] : memref<327680xi32, #tpu.memory_space<hbm>> -> memref<128xi32, #tpu.memory_space<hbm>>
    tpu.enqueue_dma source(%dma_start3A_48 : memref<128xi32, #tpu.memory_space<hbm>>) target(%dma_start3A_47 : memref<128xi32, #tpu.memory_space<vmem>>) target_semaphore(%arg13 : memref<!tpu.dma_semaphore, #tpu.memory_space<semaphore_mem>>)
    %add3A_49 = arith.constant 128 : i32
    %add3A_50 = arith.addi %mul3A_2, %add3A_49 : i32
    %dma_start3A_51 = arith.constant 1 : i32
    %dma_start3A_52 = arith.constant 0 : i32
    %dma_start3A_53 = tpu.memref_slice %arg7[%dma_start3A_51, %dma_start3A_52] : memref<4x128xi32, #tpu.memory_space<vmem>> -> memref<1x128xi32, #tpu.memory_space<vmem>>
    %dma_start3A_54 = tpu.memref_squeeze %dma_start3A_53 : memref<1x128xi32, #tpu.memory_space<vmem>> -> memref<128xi32, #tpu.memory_space<vmem>>
    %dma_start3A_55 = tpu.memref_slice %arg3[%add3A_50] : memref<327680xi32, #tpu.memory_space<hbm>> -> memref<128xi32, #tpu.memory_space<hbm>>
    %dma_start3A_56 = arith.constant 0 : i32
    %dma_start3A_57 = tpu.memref_slice %arg7[%dma_start3A_51, %dma_start3A_56] : memref<4x128xi32, #tpu.memory_space<vmem>> -> memref<1x128xi32, #tpu.memory_space<vmem>>
    %dma_start3A_58 = tpu.memref_squeeze %dma_start3A_57 : memref<1x128xi32, #tpu.memory_space<vmem>> -> memref<128xi32, #tpu.memory_space<vmem>>
    %dma_start3A_59 = tpu.memref_slice %arg3[%add3A_50] : memref<327680xi32, #tpu.memory_space<hbm>> -> memref<128xi32, #tpu.memory_space<hbm>>
    tpu.enqueue_dma source(%dma_start3A_59 : memref<128xi32, #tpu.memory_space<hbm>>) target(%dma_start3A_58 : memref<128xi32, #tpu.memory_space<vmem>>) target_semaphore(%arg14 : memref<!tpu.dma_semaphore, #tpu.memory_space<semaphore_mem>>)
    %add3A_60 = arith.constant 128 : i32
    %add3A_61 = arith.addi %mul3A_2, %add3A_60 : i32
    %dma_start3A_62 = arith.constant 1 : i32
    %dma_start3A_63 = arith.constant 0 : i32
    %dma_start3A_64 = tpu.memref_slice %arg8[%dma_start3A_62, %dma_start3A_63] : memref<4x128xi32, #tpu.memory_space<vmem>> -> memref<1x128xi32, #tpu.memory_space<vmem>>
    %dma_start3A_65 = tpu.memref_squeeze %dma_start3A_64 : memref<1x128xi32, #tpu.memory_space<vmem>> -> memref<128xi32, #tpu.memory_space<vmem>>
    %dma_start3A_66 = tpu.memref_slice %arg4[%add3A_61] : memref<327680xi32, #tpu.memory_space<hbm>> -> memref<128xi32, #tpu.memory_space<hbm>>
    %dma_start3A_67 = arith.constant 0 : i32
    %dma_start3A_68 = tpu.memref_slice %arg8[%dma_start3A_62, %dma_start3A_67] : memref<4x128xi32, #tpu.memory_space<vmem>> -> memref<1x128xi32, #tpu.memory_space<vmem>>
    %dma_start3A_69 = tpu.memref_squeeze %dma_start3A_68 : memref<1x128xi32, #tpu.memory_space<vmem>> -> memref<128xi32, #tpu.memory_space<vmem>>
    %dma_start3A_70 = tpu.memref_slice %arg4[%add3A_61] : memref<327680xi32, #tpu.memory_space<hbm>> -> memref<128xi32, #tpu.memory_space<hbm>>
    tpu.enqueue_dma source(%dma_start3A_70 : memref<128xi32, #tpu.memory_space<hbm>>) target(%dma_start3A_69 : memref<128xi32, #tpu.memory_space<vmem>>) target_semaphore(%arg14 : memref<!tpu.dma_semaphore, #tpu.memory_space<semaphore_mem>>)
    %barrier3A = arith.constant 0 : index
    tpu.barrier barrier_id(%barrier3A)
    %dma_wait3A = arith.constant 0 : i32
    %dma_wait3A_71 = arith.constant 0 : i32
    %dma_wait3A_72 = tpu.memref_slice %arg7[%dma_wait3A, %dma_wait3A_71] : memref<4x128xi32, #tpu.memory_space<vmem>> -> memref<1x128xi32, #tpu.memory_space<vmem>>
    %dma_wait3A_73 = tpu.memref_squeeze %dma_wait3A_72 : memref<1x128xi32, #tpu.memory_space<vmem>> -> memref<128xi32, #tpu.memory_space<vmem>>
    %dma_wait3A_74 = arith.constant 0 : i32
    %dma_wait3A_75 = tpu.memref_slice %arg3[%dma_wait3A_74] : memref<327680xi32, #tpu.memory_space<hbm>> -> memref<128xi32, #tpu.memory_space<hbm>>
    %dma_wait3A_76 = arith.constant 0 : i32
    %dma_wait3A_77 = tpu.memref_slice %arg7[%dma_wait3A, %dma_wait3A_76] : memref<4x128xi32, #tpu.memory_space<vmem>> -> memref<1x128xi32, #tpu.memory_space<vmem>>
    %dma_wait3A_78 = tpu.memref_squeeze %dma_wait3A_77 : memref<1x128xi32, #tpu.memory_space<vmem>> -> memref<128xi32, #tpu.memory_space<vmem>>
    %dma_wait3A_79 = arith.constant 0 : i32
    %dma_wait3A_80 = tpu.memref_slice %arg3[%dma_wait3A_79] : memref<327680xi32, #tpu.memory_space<hbm>> -> memref<128xi32, #tpu.memory_space<hbm>>
    tpu.wait_dma2 semaphore(%arg13 : memref<!tpu.dma_semaphore, #tpu.memory_space<semaphore_mem>>) src(%dma_wait3A_80 : memref<128xi32, #tpu.memory_space<hbm>>) dst(%dma_wait3A_78 : memref<128xi32, #tpu.memory_space<vmem>>)
    %dma_wait3A_81 = arith.constant 0 : i32
    %dma_wait3A_82 = arith.constant 0 : i32
    %dma_wait3A_83 = tpu.memref_slice %arg8[%dma_wait3A_81, %dma_wait3A_82] : memref<4x128xi32, #tpu.memory_space<vmem>> -> memref<1x128xi32, #tpu.memory_space<vmem>>
    %dma_wait3A_84 = tpu.memref_squeeze %dma_wait3A_83 : memref<1x128xi32, #tpu.memory_space<vmem>> -> memref<128xi32, #tpu.memory_space<vmem>>
    %dma_wait3A_85 = arith.constant 0 : i32
    %dma_wait3A_86 = tpu.memref_slice %arg4[%dma_wait3A_85] : memref<327680xi32, #tpu.memory_space<hbm>> -> memref<128xi32, #tpu.memory_space<hbm>>
    %dma_wait3A_87 = arith.constant 0 : i32
    %dma_wait3A_88 = tpu.memref_slice %arg8[%dma_wait3A_81, %dma_wait3A_87] : memref<4x128xi32, #tpu.memory_space<vmem>> -> memref<1x128xi32, #tpu.memory_space<vmem>>
    %dma_wait3A_89 = tpu.memref_squeeze %dma_wait3A_88 : memref<1x128xi32, #tpu.memory_space<vmem>> -> memref<128xi32, #tpu.memory_space<vmem>>
    %dma_wait3A_90 = arith.constant 0 : i32
    %dma_wait3A_91 = tpu.memref_slice %arg4[%dma_wait3A_90] : memref<327680xi32, #tpu.memory_space<hbm>> -> memref<128xi32, #tpu.memory_space<hbm>>
    tpu.wait_dma2 semaphore(%arg13 : memref<!tpu.dma_semaphore, #tpu.memory_space<semaphore_mem>>) src(%dma_wait3A_91 : memref<128xi32, #tpu.memory_space<hbm>>) dst(%dma_wait3A_89 : memref<128xi32, #tpu.memory_space<vmem>>)
    %dma_start3A_92 = arith.constant 0 : i32
    %dma_start3A_93 = arith.constant 0 : i32
    %dma_start3A_94 = tpu.memref_slice %arg7[%dma_start3A_92, %dma_start3A_93] : memref<4x128xi32, #tpu.memory_space<vmem>> -> memref<1x128xi32, #tpu.memory_space<vmem>>
    %dma_start3A_95 = tpu.memref_squeeze %dma_start3A_94 : memref<1x128xi32, #tpu.memory_space<vmem>> -> memref<128xi32, #tpu.memory_space<vmem>>
    %dma_start3A_96 = arith.constant 0 : i32
    %dma_start3A_97 = arith.constant 0 : i32
    %dma_start3A_98 = tpu.memref_slice %arg25[%dma_start3A_96, %dma_start3A_97] : memref<10112x64xf32, #tpu.memory_space<vmem_shared>> -> memref<10112x64xf32, #tpu.memory_space<vmem_shared>>
    tpu.enqueue_indirect_dma source(%dma_start3A_98 : memref<10112x64xf32, #tpu.memory_space<vmem_shared>>) target(%arg9 : memref<128x64xf32, #tpu.memory_space<vmem>>) offsets(%dma_start3A_95 : memref<128xi32, #tpu.memory_space<vmem>>) semaphore(%arg17 : memref<!tpu.dma_semaphore, #tpu.memory_space<semaphore_mem>>)
    %scan3A = arith.constant 0 : i32
    %scan3A_99 = arith.constant 0 : i32
    %scan3A_100 = arith.constant 40 : i32
    %scan3A_101 = arith.addi %scan3A_99, %scan3A_100 : i32
    %scan3A_102 = arith.constant 1 : i32
    scf.for %scan3A_123 = %scan3A_99 to %scan3A_101 step %scan3A_102  : i32 {
      %mul3A_124 = arith.constant 4 : i32
      %mul3A_125 = arith.muli %scan3A_123, %mul3A_124 : i32
      %add3A_126 = arith.constant 0 : i32
      %add3A_127 = arith.addi %mul3A_125, %add3A_126 : i32
      %ge3A = arith.constant 2 : i32
      %ge3A_128 = arith.cmpi sge, %add3A_127, %ge3A : i32
      %convert_element_type3A = arith.extui %ge3A_128 : i1 to i32
      %cond3A = arith.constant 0 : i32
      %cond3A_129 = arith.cmpi ne, %convert_element_type3A, %cond3A : i32
      scf.if %cond3A_129 {
        %dma_wait3A_272 = arith.constant 0 : i32
        %dma_wait3A_273 = arith.constant 0 : i32
        %dma_wait3A_274 = tpu.memref_slice %arg8[%dma_wait3A_272, %dma_wait3A_273] : memref<4x128xi32, #tpu.memory_space<vmem>> -> memref<1x128xi32, #tpu.memory_space<vmem>>
        %dma_wait3A_275 = tpu.memref_squeeze %dma_wait3A_274 : memref<1x128xi32, #tpu.memory_space<vmem>> -> memref<128xi32, #tpu.memory_space<vmem>>
        %dma_wait3A_276 = arith.constant 0 : i32
        %dma_wait3A_277 = arith.constant 0 : i32
        %dma_wait3A_278 = tpu.memref_slice %arg26[%dma_wait3A_276, %dma_wait3A_277] : memref<10112x64xf32, #tpu.memory_space<vmem_shared>> -> memref<10112x64xf32, #tpu.memory_space<vmem_shared>>
        tpu.wait_indirect_dma semaphore(%arg23 : memref<!tpu.dma_semaphore, #tpu.memory_space<semaphore_mem>>) src(%arg11 : memref<128x64xf32, #tpu.memory_space<vmem>>) dst(%dma_wait3A_278 : memref<10112x64xf32, #tpu.memory_space<vmem_shared>>)
      } else {
      }
      %add3A_130 = arith.constant 2 : i32
      %add3A_131 = arith.addi %add3A_127, %add3A_130 : i32
      %lt3A = arith.constant 160 : i32
      %lt3A_132 = arith.cmpi slt, %add3A_131, %lt3A : i32
      %convert_element_type3A_133 = arith.extui %lt3A_132 : i1 to i32
      %cond3A_134 = arith.constant 0 : i32
      %cond3A_135 = arith.cmpi ne, %convert_element_type3A_133, %cond3A_134 : i32
      scf.if %cond3A_135 {
        %add3A_272 = arith.constant 2 : i32
        %add3A_273 = arith.addi %add3A_127, %add3A_272 : i32
        %mul3A_274 = arith.constant 128 : i32
        %mul3A_275 = arith.muli %add3A_273, %mul3A_274 : i32
        %add3A_276 = arith.addi %mul3A_2, %mul3A_275 : i32
        %dma_start3A_277 = arith.constant 2 : i32
        %dma_start3A_278 = arith.constant 0 : i32
        %dma_start3A_279 = tpu.memref_slice %arg7[%dma_start3A_277, %dma_start3A_278] : memref<4x128xi32, #tpu.memory_space<vmem>> -> memref<1x128xi32, #tpu.memory_space<vmem>>
        %dma_start3A_280 = tpu.memref_squeeze %dma_start3A_279 : memref<1x128xi32, #tpu.memory_space<vmem>> -> memref<128xi32, #tpu.memory_space<vmem>>
        %dma_start3A_281 = tpu.memref_slice %arg3[%add3A_276] : memref<327680xi32, #tpu.memory_space<hbm>> -> memref<128xi32, #tpu.memory_space<hbm>>
        %dma_start3A_282 = arith.constant 0 : i32
        %dma_start3A_283 = tpu.memref_slice %arg7[%dma_start3A_277, %dma_start3A_282] : memref<4x128xi32, #tpu.memory_space<vmem>> -> memref<1x128xi32, #tpu.memory_space<vmem>>
        %dma_start3A_284 = tpu.memref_squeeze %dma_start3A_283 : memref<1x128xi32, #tpu.memory_space<vmem>> -> memref<128xi32, #tpu.memory_space<vmem>>
        %dma_start3A_285 = tpu.memref_slice %arg3[%add3A_276] : memref<327680xi32, #tpu.memory_space<hbm>> -> memref<128xi32, #tpu.memory_space<hbm>>
        tpu.enqueue_dma source(%dma_start3A_285 : memref<128xi32, #tpu.memory_space<hbm>>) target(%dma_start3A_284 : memref<128xi32, #tpu.memory_space<vmem>>) target_semaphore(%arg15 : memref<!tpu.dma_semaphore, #tpu.memory_space<semaphore_mem>>)
        %mul3A_286 = arith.constant 128 : i32
        %mul3A_287 = arith.muli %add3A_273, %mul3A_286 : i32
        %add3A_288 = arith.addi %mul3A_2, %mul3A_287 : i32
        %dma_start3A_289 = arith.constant 2 : i32
        %dma_start3A_290 = arith.constant 0 : i32
        %dma_start3A_291 = tpu.memref_slice %arg8[%dma_start3A_289, %dma_start3A_290] : memref<4x128xi32, #tpu.memory_space<vmem>> -> memref<1x128xi32, #tpu.memory_space<vmem>>
        %dma_start3A_292 = tpu.memref_squeeze %dma_start3A_291 : memref<1x128xi32, #tpu.memory_space<vmem>> -> memref<128xi32, #tpu.memory_space<vmem>>
        %dma_start3A_293 = tpu.memref_slice %arg4[%add3A_288] : memref<327680xi32, #tpu.memory_space<hbm>> -> memref<128xi32, #tpu.memory_space<hbm>>
        %dma_start3A_294 = arith.constant 0 : i32
        %dma_start3A_295 = tpu.memref_slice %arg8[%dma_start3A_289, %dma_start3A_294] : memref<4x128xi32, #tpu.memory_space<vmem>> -> memref<1x128xi32, #tpu.memory_space<vmem>>
        %dma_start3A_296 = tpu.memref_squeeze %dma_start3A_295 : memref<1x128xi32, #tpu.memory_space<vmem>> -> memref<128xi32, #tpu.memory_space<vmem>>
        %dma_start3A_297 = tpu.memref_slice %arg4[%add3A_288] : memref<327680xi32, #tpu.memory_space<hbm>> -> memref<128xi32, #tpu.memory_space<hbm>>
        tpu.enqueue_dma source(%dma_start3A_297 : memref<128xi32, #tpu.memory_space<hbm>>) target(%dma_start3A_296 : memref<128xi32, #tpu.memory_space<vmem>>) target_semaphore(%arg15 : memref<!tpu.dma_semaphore, #tpu.memory_space<semaphore_mem>>)
      } else {
      }
      %add3A_136 = arith.constant 1 : i32
      %add3A_137 = arith.addi %add3A_127, %add3A_136 : i32
      %lt3A_138 = arith.constant 160 : i32
      %lt3A_139 = arith.cmpi slt, %add3A_137, %lt3A_138 : i32
      %convert_element_type3A_140 = arith.extui %lt3A_139 : i1 to i32
      %cond3A_141 = arith.constant 0 : i32
      %cond3A_142 = arith.cmpi ne, %convert_element_type3A_140, %cond3A_141 : i32
      scf.if %cond3A_142 {
        %dma_wait3A_272 = arith.constant 1 : i32
        %dma_wait3A_273 = arith.constant 0 : i32
        %dma_wait3A_274 = tpu.memref_slice %arg7[%dma_wait3A_272, %dma_wait3A_273] : memref<4x128xi32, #tpu.memory_space<vmem>> -> memref<1x128xi32, #tpu.memory_space<vmem>>
        %dma_wait3A_275 = tpu.memref_squeeze %dma_wait3A_274 : memref<1x128xi32, #tpu.memory_space<vmem>> -> memref<128xi32, #tpu.memory_space<vmem>>
        %dma_wait3A_276 = arith.constant 0 : i32
        %dma_wait3A_277 = tpu.memref_slice %arg3[%dma_wait3A_276] : memref<327680xi32, #tpu.memory_space<hbm>> -> memref<128xi32, #tpu.memory_space<hbm>>
        %dma_wait3A_278 = arith.constant 0 : i32
        %dma_wait3A_279 = tpu.memref_slice %arg7[%dma_wait3A_272, %dma_wait3A_278] : memref<4x128xi32, #tpu.memory_space<vmem>> -> memref<1x128xi32, #tpu.memory_space<vmem>>
        %dma_wait3A_280 = tpu.memref_squeeze %dma_wait3A_279 : memref<1x128xi32, #tpu.memory_space<vmem>> -> memref<128xi32, #tpu.memory_space<vmem>>
        %dma_wait3A_281 = arith.constant 0 : i32
        %dma_wait3A_282 = tpu.memref_slice %arg3[%dma_wait3A_281] : memref<327680xi32, #tpu.memory_space<hbm>> -> memref<128xi32, #tpu.memory_space<hbm>>
        tpu.wait_dma2 semaphore(%arg14 : memref<!tpu.dma_semaphore, #tpu.memory_space<semaphore_mem>>) src(%dma_wait3A_282 : memref<128xi32, #tpu.memory_space<hbm>>) dst(%dma_wait3A_280 : memref<128xi32, #tpu.memory_space<vmem>>)
        %dma_wait3A_283 = arith.constant 1 : i32
        %dma_wait3A_284 = arith.constant 0 : i32
        %dma_wait3A_285 = tpu.memref_slice %arg8[%dma_wait3A_283, %dma_wait3A_284] : memref<4x128xi32, #tpu.memory_space<vmem>> -> memref<1x128xi32, #tpu.memory_space<vmem>>
        %dma_wait3A_286 = tpu.memref_squeeze %dma_wait3A_285 : memref<1x128xi32, #tpu.memory_space<vmem>> -> memref<128xi32, #tpu.memory_space<vmem>>
        %dma_wait3A_287 = arith.constant 0 : i32
        %dma_wait3A_288 = tpu.memref_slice %arg4[%dma_wait3A_287] : memref<327680xi32, #tpu.memory_space<hbm>> -> memref<128xi32, #tpu.memory_space<hbm>>
        %dma_wait3A_289 = arith.constant 0 : i32
        %dma_wait3A_290 = tpu.memref_slice %arg8[%dma_wait3A_283, %dma_wait3A_289] : memref<4x128xi32, #tpu.memory_space<vmem>> -> memref<1x128xi32, #tpu.memory_space<vmem>>
        %dma_wait3A_291 = tpu.memref_squeeze %dma_wait3A_290 : memref<1x128xi32, #tpu.memory_space<vmem>> -> memref<128xi32, #tpu.memory_space<vmem>>
        %dma_wait3A_292 = arith.constant 0 : i32
        %dma_wait3A_293 = tpu.memref_slice %arg4[%dma_wait3A_292] : memref<327680xi32, #tpu.memory_space<hbm>> -> memref<128xi32, #tpu.memory_space<hbm>>
        tpu.wait_dma2 semaphore(%arg14 : memref<!tpu.dma_semaphore, #tpu.memory_space<semaphore_mem>>) src(%dma_wait3A_293 : memref<128xi32, #tpu.memory_space<hbm>>) dst(%dma_wait3A_291 : memref<128xi32, #tpu.memory_space<vmem>>)
        %dma_start3A_294 = arith.constant 1 : i32
        %dma_start3A_295 = arith.constant 0 : i32
        %dma_start3A_296 = tpu.memref_slice %arg7[%dma_start3A_294, %dma_start3A_295] : memref<4x128xi32, #tpu.memory_space<vmem>> -> memref<1x128xi32, #tpu.memory_space<vmem>>
        %dma_start3A_297 = tpu.memref_squeeze %dma_start3A_296 : memref<1x128xi32, #tpu.memory_space<vmem>> -> memref<128xi32, #tpu.memory_space<vmem>>
        %dma_start3A_298 = arith.constant 0 : i32
        %dma_start3A_299 = arith.constant 0 : i32
        %dma_start3A_300 = tpu.memref_slice %arg25[%dma_start3A_298, %dma_start3A_299] : memref<10112x64xf32, #tpu.memory_space<vmem_shared>> -> memref<10112x64xf32, #tpu.memory_space<vmem_shared>>
        tpu.enqueue_indirect_dma source(%dma_start3A_300 : memref<10112x64xf32, #tpu.memory_space<vmem_shared>>) target(%arg10 : memref<128x64xf32, #tpu.memory_space<vmem>>) offsets(%dma_start3A_297 : memref<128xi32, #tpu.memory_space<vmem>>) semaphore(%arg18 : memref<!tpu.dma_semaphore, #tpu.memory_space<semaphore_mem>>)
      } else {
      }
      %dma_wait3A_143 = arith.constant 0 : i32
      %dma_wait3A_144 = arith.constant 0 : i32
      %dma_wait3A_145 = tpu.memref_slice %arg7[%dma_wait3A_143, %dma_wait3A_144] : memref<4x128xi32, #tpu.memory_space<vmem>> -> memref<1x128xi32, #tpu.memory_space<vmem>>
      %dma_wait3A_146 = tpu.memref_squeeze %dma_wait3A_145 : memref<1x128xi32, #tpu.memory_space<vmem>> -> memref<128xi32, #tpu.memory_space<vmem>>
      %dma_wait3A_147 = arith.constant 0 : i32
      %dma_wait3A_148 = arith.constant 0 : i32
      %dma_wait3A_149 = tpu.memref_slice %arg25[%dma_wait3A_147, %dma_wait3A_148] : memref<10112x64xf32, #tpu.memory_space<vmem_shared>> -> memref<10112x64xf32, #tpu.memory_space<vmem_shared>>
      tpu.wait_indirect_dma semaphore(%arg17 : memref<!tpu.dma_semaphore, #tpu.memory_space<semaphore_mem>>) src(%dma_wait3A_149 : memref<10112x64xf32, #tpu.memory_space<vmem_shared>>) dst(%arg9 : memref<128x64xf32, #tpu.memory_space<vmem>>)
      %dma_start3A_150 = arith.constant 0 : i32
      %dma_start3A_151 = arith.constant 0 : i32
      %dma_start3A_152 = tpu.memref_slice %arg8[%dma_start3A_150, %dma_start3A_151] : memref<4x128xi32, #tpu.memory_space<vmem>> -> memref<1x128xi32, #tpu.memory_space<vmem>>
      %dma_start3A_153 = tpu.memref_squeeze %dma_start3A_152 : memref<1x128xi32, #tpu.memory_space<vmem>> -> memref<128xi32, #tpu.memory_space<vmem>>
      %dma_start3A_154 = arith.constant 0 : i32
      %dma_start3A_155 = arith.constant 0 : i32
      %dma_start3A_156 = tpu.memref_slice %arg26[%dma_start3A_154, %dma_start3A_155] : memref<10112x64xf32, #tpu.memory_space<vmem_shared>> -> memref<10112x64xf32, #tpu.memory_space<vmem_shared>>
      tpu.enqueue_indirect_dma source(%arg9 : memref<128x64xf32, #tpu.memory_space<vmem>>) target(%dma_start3A_156 : memref<10112x64xf32, #tpu.memory_space<vmem_shared>>) offsets(%dma_start3A_153 : memref<128xi32, #tpu.memory_space<vmem>>) semaphore(%arg21 : memref<!tpu.dma_semaphore, #tpu.memory_space<semaphore_mem>>) {add = true}
      %mul3A_157 = arith.constant 4 : i32
      %mul3A_158 = arith.muli %scan3A_123, %mul3A_157 : i32
      %add3A_159 = arith.constant 1 : i32
      %add3A_160 = arith.addi %mul3A_158, %add3A_159 : i32
      %ge3A_161 = arith.constant 2 : i32
      %ge3A_162 = arith.cmpi sge, %add3A_160, %ge3A_161 : i32
      %convert_element_type3A_163 = arith.extui %ge3A_162 : i1 to i32
      %cond3A_164 = arith.constant 0 : i32
      %cond3A_165 = arith.cmpi ne, %convert_element_type3A_163, %cond3A_164 : i32
      scf.if %cond3A_165 {
        %dma_wait3A_272 = arith.constant 0 : i32
        %dma_wait3A_273 = arith.constant 0 : i32
        %dma_wait3A_274 = tpu.memref_slice %arg8[%dma_wait3A_272, %dma_wait3A_273] : memref<4x128xi32, #tpu.memory_space<vmem>> -> memref<1x128xi32, #tpu.memory_space<vmem>>
        %dma_wait3A_275 = tpu.memref_squeeze %dma_wait3A_274 : memref<1x128xi32, #tpu.memory_space<vmem>> -> memref<128xi32, #tpu.memory_space<vmem>>
        %dma_wait3A_276 = arith.constant 0 : i32
        %dma_wait3A_277 = arith.constant 0 : i32
        %dma_wait3A_278 = tpu.memref_slice %arg26[%dma_wait3A_276, %dma_wait3A_277] : memref<10112x64xf32, #tpu.memory_space<vmem_shared>> -> memref<10112x64xf32, #tpu.memory_space<vmem_shared>>
        tpu.wait_indirect_dma semaphore(%arg24 : memref<!tpu.dma_semaphore, #tpu.memory_space<semaphore_mem>>) src(%arg12 : memref<128x64xf32, #tpu.memory_space<vmem>>) dst(%dma_wait3A_278 : memref<10112x64xf32, #tpu.memory_space<vmem_shared>>)
      } else {
      }
      %add3A_166 = arith.constant 2 : i32
      %add3A_167 = arith.addi %add3A_160, %add3A_166 : i32
      %lt3A_168 = arith.constant 160 : i32
      %lt3A_169 = arith.cmpi slt, %add3A_167, %lt3A_168 : i32
      %convert_element_type3A_170 = arith.extui %lt3A_169 : i1 to i32
      %cond3A_171 = arith.constant 0 : i32
      %cond3A_172 = arith.cmpi ne, %convert_element_type3A_170, %cond3A_171 : i32
      scf.if %cond3A_172 {
        %add3A_272 = arith.constant 2 : i32
        %add3A_273 = arith.addi %add3A_160, %add3A_272 : i32
        %mul3A_274 = arith.constant 128 : i32
        %mul3A_275 = arith.muli %add3A_273, %mul3A_274 : i32
        %add3A_276 = arith.addi %mul3A_2, %mul3A_275 : i32
        %dma_start3A_277 = arith.constant 3 : i32
        %dma_start3A_278 = arith.constant 0 : i32
        %dma_start3A_279 = tpu.memref_slice %arg7[%dma_start3A_277, %dma_start3A_278] : memref<4x128xi32, #tpu.memory_space<vmem>> -> memref<1x128xi32, #tpu.memory_space<vmem>>
        %dma_start3A_280 = tpu.memref_squeeze %dma_start3A_279 : memref<1x128xi32, #tpu.memory_space<vmem>> -> memref<128xi32, #tpu.memory_space<vmem>>
        %dma_start3A_281 = tpu.memref_slice %arg3[%add3A_276] : memref<327680xi32, #tpu.memory_space<hbm>> -> memref<128xi32, #tpu.memory_space<hbm>>
        %dma_start3A_282 = arith.constant 0 : i32
        %dma_start3A_283 = tpu.memref_slice %arg7[%dma_start3A_277, %dma_start3A_282] : memref<4x128xi32, #tpu.memory_space<vmem>> -> memref<1x128xi32, #tpu.memory_space<vmem>>
        %dma_start3A_284 = tpu.memref_squeeze %dma_start3A_283 : memref<1x128xi32, #tpu.memory_space<vmem>> -> memref<128xi32, #tpu.memory_space<vmem>>
        %dma_start3A_285 = tpu.memref_slice %arg3[%add3A_276] : memref<327680xi32, #tpu.memory_space<hbm>> -> memref<128xi32, #tpu.memory_space<hbm>>
        tpu.enqueue_dma source(%dma_start3A_285 : memref<128xi32, #tpu.memory_space<hbm>>) target(%dma_start3A_284 : memref<128xi32, #tpu.memory_space<vmem>>) target_semaphore(%arg16 : memref<!tpu.dma_semaphore, #tpu.memory_space<semaphore_mem>>)
        %mul3A_286 = arith.constant 128 : i32
        %mul3A_287 = arith.muli %add3A_273, %mul3A_286 : i32
        %add3A_288 = arith.addi %mul3A_2, %mul3A_287 : i32
        %dma_start3A_289 = arith.constant 3 : i32
        %dma_start3A_290 = arith.constant 0 : i32
        %dma_start3A_291 = tpu.memref_slice %arg8[%dma_start3A_289, %dma_start3A_290] : memref<4x128xi32, #tpu.memory_space<vmem>> -> memref<1x128xi32, #tpu.memory_space<vmem>>
        %dma_start3A_292 = tpu.memref_squeeze %dma_start3A_291 : memref<1x128xi32, #tpu.memory_space<vmem>> -> memref<128xi32, #tpu.memory_space<vmem>>
        %dma_start3A_293 = tpu.memref_slice %arg4[%add3A_288] : memref<327680xi32, #tpu.memory_space<hbm>> -> memref<128xi32, #tpu.memory_space<hbm>>
        %dma_start3A_294 = arith.constant 0 : i32
        %dma_start3A_295 = tpu.memref_slice %arg8[%dma_start3A_289, %dma_start3A_294] : memref<4x128xi32, #tpu.memory_space<vmem>> -> memref<1x128xi32, #tpu.memory_space<vmem>>
        %dma_start3A_296 = tpu.memref_squeeze %dma_start3A_295 : memref<1x128xi32, #tpu.memory_space<vmem>> -> memref<128xi32, #tpu.memory_space<vmem>>
        %dma_start3A_297 = tpu.memref_slice %arg4[%add3A_288] : memref<327680xi32, #tpu.memory_space<hbm>> -> memref<128xi32, #tpu.memory_space<hbm>>
        tpu.enqueue_dma source(%dma_start3A_297 : memref<128xi32, #tpu.memory_space<hbm>>) target(%dma_start3A_296 : memref<128xi32, #tpu.memory_space<vmem>>) target_semaphore(%arg16 : memref<!tpu.dma_semaphore, #tpu.memory_space<semaphore_mem>>)
      } else {
      }
      %add3A_173 = arith.constant 1 : i32
      %add3A_174 = arith.addi %add3A_160, %add3A_173 : i32
      %lt3A_175 = arith.constant 160 : i32
      %lt3A_176 = arith.cmpi slt, %add3A_174, %lt3A_175 : i32
      %convert_element_type3A_177 = arith.extui %lt3A_176 : i1 to i32
      %cond3A_178 = arith.constant 0 : i32
      %cond3A_179 = arith.cmpi ne, %convert_element_type3A_177, %cond3A_178 : i32
      scf.if %cond3A_179 {
        %dma_wait3A_272 = arith.constant 2 : i32
        %dma_wait3A_273 = arith.constant 0 : i32
        %dma_wait3A_274 = tpu.memref_slice %arg7[%dma_wait3A_272, %dma_wait3A_273] : memref<4x128xi32, #tpu.memory_space<vmem>> -> memref<1x128xi32, #tpu.memory_space<vmem>>
        %dma_wait3A_275 = tpu.memref_squeeze %dma_wait3A_274 : memref<1x128xi32, #tpu.memory_space<vmem>> -> memref<128xi32, #tpu.memory_space<vmem>>
        %dma_wait3A_276 = arith.constant 0 : i32
        %dma_wait3A_277 = tpu.memref_slice %arg3[%dma_wait3A_276] : memref<327680xi32, #tpu.memory_space<hbm>> -> memref<128xi32, #tpu.memory_space<hbm>>
        %dma_wait3A_278 = arith.constant 0 : i32
        %dma_wait3A_279 = tpu.memref_slice %arg7[%dma_wait3A_272, %dma_wait3A_278] : memref<4x128xi32, #tpu.memory_space<vmem>> -> memref<1x128xi32, #tpu.memory_space<vmem>>
        %dma_wait3A_280 = tpu.memref_squeeze %dma_wait3A_279 : memref<1x128xi32, #tpu.memory_space<vmem>> -> memref<128xi32, #tpu.memory_space<vmem>>
        %dma_wait3A_281 = arith.constant 0 : i32
        %dma_wait3A_282 = tpu.memref_slice %arg3[%dma_wait3A_281] : memref<327680xi32, #tpu.memory_space<hbm>> -> memref<128xi32, #tpu.memory_space<hbm>>
        tpu.wait_dma2 semaphore(%arg15 : memref<!tpu.dma_semaphore, #tpu.memory_space<semaphore_mem>>) src(%dma_wait3A_282 : memref<128xi32, #tpu.memory_space<hbm>>) dst(%dma_wait3A_280 : memref<128xi32, #tpu.memory_space<vmem>>)
        %dma_wait3A_283 = arith.constant 2 : i32
        %dma_wait3A_284 = arith.constant 0 : i32
        %dma_wait3A_285 = tpu.memref_slice %arg8[%dma_wait3A_283, %dma_wait3A_284] : memref<4x128xi32, #tpu.memory_space<vmem>> -> memref<1x128xi32, #tpu.memory_space<vmem>>
        %dma_wait3A_286 = tpu.memref_squeeze %dma_wait3A_285 : memref<1x128xi32, #tpu.memory_space<vmem>> -> memref<128xi32, #tpu.memory_space<vmem>>
        %dma_wait3A_287 = arith.constant 0 : i32
        %dma_wait3A_288 = tpu.memref_slice %arg4[%dma_wait3A_287] : memref<327680xi32, #tpu.memory_space<hbm>> -> memref<128xi32, #tpu.memory_space<hbm>>
        %dma_wait3A_289 = arith.constant 0 : i32
        %dma_wait3A_290 = tpu.memref_slice %arg8[%dma_wait3A_283, %dma_wait3A_289] : memref<4x128xi32, #tpu.memory_space<vmem>> -> memref<1x128xi32, #tpu.memory_space<vmem>>
        %dma_wait3A_291 = tpu.memref_squeeze %dma_wait3A_290 : memref<1x128xi32, #tpu.memory_space<vmem>> -> memref<128xi32, #tpu.memory_space<vmem>>
        %dma_wait3A_292 = arith.constant 0 : i32
        %dma_wait3A_293 = tpu.memref_slice %arg4[%dma_wait3A_292] : memref<327680xi32, #tpu.memory_space<hbm>> -> memref<128xi32, #tpu.memory_space<hbm>>
        tpu.wait_dma2 semaphore(%arg15 : memref<!tpu.dma_semaphore, #tpu.memory_space<semaphore_mem>>) src(%dma_wait3A_293 : memref<128xi32, #tpu.memory_space<hbm>>) dst(%dma_wait3A_291 : memref<128xi32, #tpu.memory_space<vmem>>)
        %dma_start3A_294 = arith.constant 2 : i32
        %dma_start3A_295 = arith.constant 0 : i32
        %dma_start3A_296 = tpu.memref_slice %arg7[%dma_start3A_294, %dma_start3A_295] : memref<4x128xi32, #tpu.memory_space<vmem>> -> memref<1x128xi32, #tpu.memory_space<vmem>>
        %dma_start3A_297 = tpu.memref_squeeze %dma_start3A_296 : memref<1x128xi32, #tpu.memory_space<vmem>> -> memref<128xi32, #tpu.memory_space<vmem>>
        %dma_start3A_298 = arith.constant 0 : i32
        %dma_start3A_299 = arith.constant 0 : i32
        %dma_start3A_300 = tpu.memref_slice %arg25[%dma_start3A_298, %dma_start3A_299] : memref<10112x64xf32, #tpu.memory_space<vmem_shared>> -> memref<10112x64xf32, #tpu.memory_space<vmem_shared>>
        tpu.enqueue_indirect_dma source(%dma_start3A_300 : memref<10112x64xf32, #tpu.memory_space<vmem_shared>>) target(%arg11 : memref<128x64xf32, #tpu.memory_space<vmem>>) offsets(%dma_start3A_297 : memref<128xi32, #tpu.memory_space<vmem>>) semaphore(%arg19 : memref<!tpu.dma_semaphore, #tpu.memory_space<semaphore_mem>>)
      } else {
      }
      %dma_wait3A_180 = arith.constant 0 : i32
      %dma_wait3A_181 = arith.constant 0 : i32
      %dma_wait3A_182 = tpu.memref_slice %arg7[%dma_wait3A_180, %dma_wait3A_181] : memref<4x128xi32, #tpu.memory_space<vmem>> -> memref<1x128xi32, #tpu.memory_space<vmem>>
      %dma_wait3A_183 = tpu.memref_squeeze %dma_wait3A_182 : memref<1x128xi32, #tpu.memory_space<vmem>> -> memref<128xi32, #tpu.memory_space<vmem>>
      %dma_wait3A_184 = arith.constant 0 : i32
      %dma_wait3A_185 = arith.constant 0 : i32
      %dma_wait3A_186 = tpu.memref_slice %arg25[%dma_wait3A_184, %dma_wait3A_185] : memref<10112x64xf32, #tpu.memory_space<vmem_shared>> -> memref<10112x64xf32, #tpu.memory_space<vmem_shared>>
      tpu.wait_indirect_dma semaphore(%arg18 : memref<!tpu.dma_semaphore, #tpu.memory_space<semaphore_mem>>) src(%dma_wait3A_186 : memref<10112x64xf32, #tpu.memory_space<vmem_shared>>) dst(%arg10 : memref<128x64xf32, #tpu.memory_space<vmem>>)
      %dma_start3A_187 = arith.constant 1 : i32
      %dma_start3A_188 = arith.constant 0 : i32
      %dma_start3A_189 = tpu.memref_slice %arg8[%dma_start3A_187, %dma_start3A_188] : memref<4x128xi32, #tpu.memory_space<vmem>> -> memref<1x128xi32, #tpu.memory_space<vmem>>
      %dma_start3A_190 = tpu.memref_squeeze %dma_start3A_189 : memref<1x128xi32, #tpu.memory_space<vmem>> -> memref<128xi32, #tpu.memory_space<vmem>>
      %dma_start3A_191 = arith.constant 0 : i32
      %dma_start3A_192 = arith.constant 0 : i32
      %dma_start3A_193 = tpu.memref_slice %arg26[%dma_start3A_191, %dma_start3A_192] : memref<10112x64xf32, #tpu.memory_space<vmem_shared>> -> memref<10112x64xf32, #tpu.memory_space<vmem_shared>>
      tpu.enqueue_indirect_dma source(%arg10 : memref<128x64xf32, #tpu.memory_space<vmem>>) target(%dma_start3A_193 : memref<10112x64xf32, #tpu.memory_space<vmem_shared>>) offsets(%dma_start3A_190 : memref<128xi32, #tpu.memory_space<vmem>>) semaphore(%arg22 : memref<!tpu.dma_semaphore, #tpu.memory_space<semaphore_mem>>) {add = true}
      %mul3A_194 = arith.constant 4 : i32
      %mul3A_195 = arith.muli %scan3A_123, %mul3A_194 : i32
      %add3A_196 = arith.constant 2 : i32
      %add3A_197 = arith.addi %mul3A_195, %add3A_196 : i32
      %dma_wait3A_198 = arith.constant 0 : i32
      %dma_wait3A_199 = arith.constant 0 : i32
      %dma_wait3A_200 = tpu.memref_slice %arg8[%dma_wait3A_198, %dma_wait3A_199] : memref<4x128xi32, #tpu.memory_space<vmem>> -> memref<1x128xi32, #tpu.memory_space<vmem>>
      %dma_wait3A_201 = tpu.memref_squeeze %dma_wait3A_200 : memref<1x128xi32, #tpu.memory_space<vmem>> -> memref<128xi32, #tpu.memory_space<vmem>>
      %dma_wait3A_202 = arith.constant 0 : i32
      %dma_wait3A_203 = arith.constant 0 : i32
      %dma_wait3A_204 = tpu.memref_slice %arg26[%dma_wait3A_202, %dma_wait3A_203] : memref<10112x64xf32, #tpu.memory_space<vmem_shared>> -> memref<10112x64xf32, #tpu.memory_space<vmem_shared>>
      tpu.wait_indirect_dma semaphore(%arg21 : memref<!tpu.dma_semaphore, #tpu.memory_space<semaphore_mem>>) src(%arg9 : memref<128x64xf32, #tpu.memory_space<vmem>>) dst(%dma_wait3A_204 : memref<10112x64xf32, #tpu.memory_space<vmem_shared>>)
      %add3A_205 = arith.constant 2 : i32
      %add3A_206 = arith.addi %add3A_197, %add3A_205 : i32
      %lt3A_207 = arith.constant 160 : i32
      %lt3A_208 = arith.cmpi slt, %add3A_206, %lt3A_207 : i32
      %convert_element_type3A_209 = arith.extui %lt3A_208 : i1 to i32
      %cond3A_210 = arith.constant 0 : i32
      %cond3A_211 = arith.cmpi ne, %convert_element_type3A_209, %cond3A_210 : i32
      scf.if %cond3A_211 {
        %add3A_272 = arith.constant 2 : i32
        %add3A_273 = arith.addi %add3A_197, %add3A_272 : i32
        %mul3A_274 = arith.constant 128 : i32
        %mul3A_275 = arith.muli %add3A_273, %mul3A_274 : i32
        %add3A_276 = arith.addi %mul3A_2, %mul3A_275 : i32
        %dma_start3A_277 = arith.constant 0 : i32
        %dma_start3A_278 = arith.constant 0 : i32
        %dma_start3A_279 = tpu.memref_slice %arg7[%dma_start3A_277, %dma_start3A_278] : memref<4x128xi32, #tpu.memory_space<vmem>> -> memref<1x128xi32, #tpu.memory_space<vmem>>
        %dma_start3A_280 = tpu.memref_squeeze %dma_start3A_279 : memref<1x128xi32, #tpu.memory_space<vmem>> -> memref<128xi32, #tpu.memory_space<vmem>>
        %dma_start3A_281 = tpu.memref_slice %arg3[%add3A_276] : memref<327680xi32, #tpu.memory_space<hbm>> -> memref<128xi32, #tpu.memory_space<hbm>>
        %dma_start3A_282 = arith.constant 0 : i32
        %dma_start3A_283 = tpu.memref_slice %arg7[%dma_start3A_277, %dma_start3A_282] : memref<4x128xi32, #tpu.memory_space<vmem>> -> memref<1x128xi32, #tpu.memory_space<vmem>>
        %dma_start3A_284 = tpu.memref_squeeze %dma_start3A_283 : memref<1x128xi32, #tpu.memory_space<vmem>> -> memref<128xi32, #tpu.memory_space<vmem>>
        %dma_start3A_285 = tpu.memref_slice %arg3[%add3A_276] : memref<327680xi32, #tpu.memory_space<hbm>> -> memref<128xi32, #tpu.memory_space<hbm>>
        tpu.enqueue_dma source(%dma_start3A_285 : memref<128xi32, #tpu.memory_space<hbm>>) target(%dma_start3A_284 : memref<128xi32, #tpu.memory_space<vmem>>) target_semaphore(%arg13 : memref<!tpu.dma_semaphore, #tpu.memory_space<semaphore_mem>>)
        %mul3A_286 = arith.constant 128 : i32
        %mul3A_287 = arith.muli %add3A_273, %mul3A_286 : i32
        %add3A_288 = arith.addi %mul3A_2, %mul3A_287 : i32
        %dma_start3A_289 = arith.constant 0 : i32
        %dma_start3A_290 = arith.constant 0 : i32
        %dma_start3A_291 = tpu.memref_slice %arg8[%dma_start3A_289, %dma_start3A_290] : memref<4x128xi32, #tpu.memory_space<vmem>> -> memref<1x128xi32, #tpu.memory_space<vmem>>
        %dma_start3A_292 = tpu.memref_squeeze %dma_start3A_291 : memref<1x128xi32, #tpu.memory_space<vmem>> -> memref<128xi32, #tpu.memory_space<vmem>>
        %dma_start3A_293 = tpu.memref_slice %arg4[%add3A_288] : memref<327680xi32, #tpu.memory_space<hbm>> -> memref<128xi32, #tpu.memory_space<hbm>>
        %dma_start3A_294 = arith.constant 0 : i32
        %dma_start3A_295 = tpu.memref_slice %arg8[%dma_start3A_289, %dma_start3A_294] : memref<4x128xi32, #tpu.memory_space<vmem>> -> memref<1x128xi32, #tpu.memory_space<vmem>>
        %dma_start3A_296 = tpu.memref_squeeze %dma_start3A_295 : memref<1x128xi32, #tpu.memory_space<vmem>> -> memref<128xi32, #tpu.memory_space<vmem>>
        %dma_start3A_297 = tpu.memref_slice %arg4[%add3A_288] : memref<327680xi32, #tpu.memory_space<hbm>> -> memref<128xi32, #tpu.memory_space<hbm>>
        tpu.enqueue_dma source(%dma_start3A_297 : memref<128xi32, #tpu.memory_space<hbm>>) target(%dma_start3A_296 : memref<128xi32, #tpu.memory_space<vmem>>) target_semaphore(%arg13 : memref<!tpu.dma_semaphore, #tpu.memory_space<semaphore_mem>>)
      } else {
      }
      %add3A_212 = arith.constant 1 : i32
      %add3A_213 = arith.addi %add3A_197, %add3A_212 : i32
      %lt3A_214 = arith.constant 160 : i32
      %lt3A_215 = arith.cmpi slt, %add3A_213, %lt3A_214 : i32
      %convert_element_type3A_216 = arith.extui %lt3A_215 : i1 to i32
      %cond3A_217 = arith.constant 0 : i32
      %cond3A_218 = arith.cmpi ne, %convert_element_type3A_216, %cond3A_217 : i32
      scf.if %cond3A_218 {
        %dma_wait3A_272 = arith.constant 3 : i32
        %dma_wait3A_273 = arith.constant 0 : i32
        %dma_wait3A_274 = tpu.memref_slice %arg7[%dma_wait3A_272, %dma_wait3A_273] : memref<4x128xi32, #tpu.memory_space<vmem>> -> memref<1x128xi32, #tpu.memory_space<vmem>>
        %dma_wait3A_275 = tpu.memref_squeeze %dma_wait3A_274 : memref<1x128xi32, #tpu.memory_space<vmem>> -> memref<128xi32, #tpu.memory_space<vmem>>
        %dma_wait3A_276 = arith.constant 0 : i32
        %dma_wait3A_277 = tpu.memref_slice %arg3[%dma_wait3A_276] : memref<327680xi32, #tpu.memory_space<hbm>> -> memref<128xi32, #tpu.memory_space<hbm>>
        %dma_wait3A_278 = arith.constant 0 : i32
        %dma_wait3A_279 = tpu.memref_slice %arg7[%dma_wait3A_272, %dma_wait3A_278] : memref<4x128xi32, #tpu.memory_space<vmem>> -> memref<1x128xi32, #tpu.memory_space<vmem>>
        %dma_wait3A_280 = tpu.memref_squeeze %dma_wait3A_279 : memref<1x128xi32, #tpu.memory_space<vmem>> -> memref<128xi32, #tpu.memory_space<vmem>>
        %dma_wait3A_281 = arith.constant 0 : i32
        %dma_wait3A_282 = tpu.memref_slice %arg3[%dma_wait3A_281] : memref<327680xi32, #tpu.memory_space<hbm>> -> memref<128xi32, #tpu.memory_space<hbm>>
        tpu.wait_dma2 semaphore(%arg16 : memref<!tpu.dma_semaphore, #tpu.memory_space<semaphore_mem>>) src(%dma_wait3A_282 : memref<128xi32, #tpu.memory_space<hbm>>) dst(%dma_wait3A_280 : memref<128xi32, #tpu.memory_space<vmem>>)
        %dma_wait3A_283 = arith.constant 3 : i32
        %dma_wait3A_284 = arith.constant 0 : i32
        %dma_wait3A_285 = tpu.memref_slice %arg8[%dma_wait3A_283, %dma_wait3A_284] : memref<4x128xi32, #tpu.memory_space<vmem>> -> memref<1x128xi32, #tpu.memory_space<vmem>>
        %dma_wait3A_286 = tpu.memref_squeeze %dma_wait3A_285 : memref<1x128xi32, #tpu.memory_space<vmem>> -> memref<128xi32, #tpu.memory_space<vmem>>
        %dma_wait3A_287 = arith.constant 0 : i32
        %dma_wait3A_288 = tpu.memref_slice %arg4[%dma_wait3A_287] : memref<327680xi32, #tpu.memory_space<hbm>> -> memref<128xi32, #tpu.memory_space<hbm>>
        %dma_wait3A_289 = arith.constant 0 : i32
        %dma_wait3A_290 = tpu.memref_slice %arg8[%dma_wait3A_283, %dma_wait3A_289] : memref<4x128xi32, #tpu.memory_space<vmem>> -> memref<1x128xi32, #tpu.memory_space<vmem>>
        %dma_wait3A_291 = tpu.memref_squeeze %dma_wait3A_290 : memref<1x128xi32, #tpu.memory_space<vmem>> -> memref<128xi32, #tpu.memory_space<vmem>>
        %dma_wait3A_292 = arith.constant 0 : i32
        %dma_wait3A_293 = tpu.memref_slice %arg4[%dma_wait3A_292] : memref<327680xi32, #tpu.memory_space<hbm>> -> memref<128xi32, #tpu.memory_space<hbm>>
        tpu.wait_dma2 semaphore(%arg16 : memref<!tpu.dma_semaphore, #tpu.memory_space<semaphore_mem>>) src(%dma_wait3A_293 : memref<128xi32, #tpu.memory_space<hbm>>) dst(%dma_wait3A_291 : memref<128xi32, #tpu.memory_space<vmem>>)
        %dma_start3A_294 = arith.constant 3 : i32
        %dma_start3A_295 = arith.constant 0 : i32
        %dma_start3A_296 = tpu.memref_slice %arg7[%dma_start3A_294, %dma_start3A_295] : memref<4x128xi32, #tpu.memory_space<vmem>> -> memref<1x128xi32, #tpu.memory_space<vmem>>
        %dma_start3A_297 = tpu.memref_squeeze %dma_start3A_296 : memref<1x128xi32, #tpu.memory_space<vmem>> -> memref<128xi32, #tpu.memory_space<vmem>>
        %dma_start3A_298 = arith.constant 0 : i32
        %dma_start3A_299 = arith.constant 0 : i32
        %dma_start3A_300 = tpu.memref_slice %arg25[%dma_start3A_298, %dma_start3A_299] : memref<10112x64xf32, #tpu.memory_space<vmem_shared>> -> memref<10112x64xf32, #tpu.memory_space<vmem_shared>>
        tpu.enqueue_indirect_dma source(%dma_start3A_300 : memref<10112x64xf32, #tpu.memory_space<vmem_shared>>) target(%arg12 : memref<128x64xf32, #tpu.memory_space<vmem>>) offsets(%dma_start3A_297 : memref<128xi32, #tpu.memory_space<vmem>>) semaphore(%arg20 : memref<!tpu.dma_semaphore, #tpu.memory_space<semaphore_mem>>)
      } else {
      }
      %dma_wait3A_219 = arith.constant 0 : i32
      %dma_wait3A_220 = arith.constant 0 : i32
      %dma_wait3A_221 = tpu.memref_slice %arg7[%dma_wait3A_219, %dma_wait3A_220] : memref<4x128xi32, #tpu.memory_space<vmem>> -> memref<1x128xi32, #tpu.memory_space<vmem>>
      %dma_wait3A_222 = tpu.memref_squeeze %dma_wait3A_221 : memref<1x128xi32, #tpu.memory_space<vmem>> -> memref<128xi32, #tpu.memory_space<vmem>>
      %dma_wait3A_223 = arith.constant 0 : i32
      %dma_wait3A_224 = arith.constant 0 : i32
      %dma_wait3A_225 = tpu.memref_slice %arg25[%dma_wait3A_223, %dma_wait3A_224] : memref<10112x64xf32, #tpu.memory_space<vmem_shared>> -> memref<10112x64xf32, #tpu.memory_space<vmem_shared>>
      tpu.wait_indirect_dma semaphore(%arg19 : memref<!tpu.dma_semaphore, #tpu.memory_space<semaphore_mem>>) src(%dma_wait3A_225 : memref<10112x64xf32, #tpu.memory_space<vmem_shared>>) dst(%arg11 : memref<128x64xf32, #tpu.memory_space<vmem>>)
      %dma_start3A_226 = arith.constant 2 : i32
      %dma_start3A_227 = arith.constant 0 : i32
      %dma_start3A_228 = tpu.memref_slice %arg8[%dma_start3A_226, %dma_start3A_227] : memref<4x128xi32, #tpu.memory_space<vmem>> -> memref<1x128xi32, #tpu.memory_space<vmem>>
      %dma_start3A_229 = tpu.memref_squeeze %dma_start3A_228 : memref<1x128xi32, #tpu.memory_space<vmem>> -> memref<128xi32, #tpu.memory_space<vmem>>
      %dma_start3A_230 = arith.constant 0 : i32
      %dma_start3A_231 = arith.constant 0 : i32
      %dma_start3A_232 = tpu.memref_slice %arg26[%dma_start3A_230, %dma_start3A_231] : memref<10112x64xf32, #tpu.memory_space<vmem_shared>> -> memref<10112x64xf32, #tpu.memory_space<vmem_shared>>
      tpu.enqueue_indirect_dma source(%arg11 : memref<128x64xf32, #tpu.memory_space<vmem>>) target(%dma_start3A_232 : memref<10112x64xf32, #tpu.memory_space<vmem_shared>>) offsets(%dma_start3A_229 : memref<128xi32, #tpu.memory_space<vmem>>) semaphore(%arg23 : memref<!tpu.dma_semaphore, #tpu.memory_space<semaphore_mem>>) {add = true}
      %mul3A_233 = arith.constant 4 : i32
      %mul3A_234 = arith.muli %scan3A_123, %mul3A_233 : i32
      %add3A_235 = arith.constant 3 : i32
      %add3A_236 = arith.addi %mul3A_234, %add3A_235 : i32
      %dma_wait3A_237 = arith.constant 0 : i32
      %dma_wait3A_238 = arith.constant 0 : i32
      %dma_wait3A_239 = tpu.memref_slice %arg8[%dma_wait3A_237, %dma_wait3A_238] : memref<4x128xi32, #tpu.memory_space<vmem>> -> memref<1x128xi32, #tpu.memory_space<vmem>>
      %dma_wait3A_240 = tpu.memref_squeeze %dma_wait3A_239 : memref<1x128xi32, #tpu.memory_space<vmem>> -> memref<128xi32, #tpu.memory_space<vmem>>
      %dma_wait3A_241 = arith.constant 0 : i32
      %dma_wait3A_242 = arith.constant 0 : i32
      %dma_wait3A_243 = tpu.memref_slice %arg26[%dma_wait3A_241, %dma_wait3A_242] : memref<10112x64xf32, #tpu.memory_space<vmem_shared>> -> memref<10112x64xf32, #tpu.memory_space<vmem_shared>>
      tpu.wait_indirect_dma semaphore(%arg22 : memref<!tpu.dma_semaphore, #tpu.memory_space<semaphore_mem>>) src(%arg10 : memref<128x64xf32, #tpu.memory_space<vmem>>) dst(%dma_wait3A_243 : memref<10112x64xf32, #tpu.memory_space<vmem_shared>>)
      %add3A_244 = arith.constant 2 : i32
      %add3A_245 = arith.addi %add3A_236, %add3A_244 : i32
      %lt3A_246 = arith.constant 160 : i32
      %lt3A_247 = arith.cmpi slt, %add3A_245, %lt3A_246 : i32
      %convert_element_type3A_248 = arith.extui %lt3A_247 : i1 to i32
      %cond3A_249 = arith.constant 0 : i32
      %cond3A_250 = arith.cmpi ne, %convert_element_type3A_248, %cond3A_249 : i32
      scf.if %cond3A_250 {
        %add3A_272 = arith.constant 2 : i32
        %add3A_273 = arith.addi %add3A_236, %add3A_272 : i32
        %mul3A_274 = arith.constant 128 : i32
        %mul3A_275 = arith.muli %add3A_273, %mul3A_274 : i32
        %add3A_276 = arith.addi %mul3A_2, %mul3A_275 : i32
        %dma_start3A_277 = arith.constant 1 : i32
        %dma_start3A_278 = arith.constant 0 : i32
        %dma_start3A_279 = tpu.memref_slice %arg7[%dma_start3A_277, %dma_start3A_278] : memref<4x128xi32, #tpu.memory_space<vmem>> -> memref<1x128xi32, #tpu.memory_space<vmem>>
        %dma_start3A_280 = tpu.memref_squeeze %dma_start3A_279 : memref<1x128xi32, #tpu.memory_space<vmem>> -> memref<128xi32, #tpu.memory_space<vmem>>
        %dma_start3A_281 = tpu.memref_slice %arg3[%add3A_276] : memref<327680xi32, #tpu.memory_space<hbm>> -> memref<128xi32, #tpu.memory_space<hbm>>
        %dma_start3A_282 = arith.constant 0 : i32
        %dma_start3A_283 = tpu.memref_slice %arg7[%dma_start3A_277, %dma_start3A_282] : memref<4x128xi32, #tpu.memory_space<vmem>> -> memref<1x128xi32, #tpu.memory_space<vmem>>
        %dma_start3A_284 = tpu.memref_squeeze %dma_start3A_283 : memref<1x128xi32, #tpu.memory_space<vmem>> -> memref<128xi32, #tpu.memory_space<vmem>>
        %dma_start3A_285 = tpu.memref_slice %arg3[%add3A_276] : memref<327680xi32, #tpu.memory_space<hbm>> -> memref<128xi32, #tpu.memory_space<hbm>>
        tpu.enqueue_dma source(%dma_start3A_285 : memref<128xi32, #tpu.memory_space<hbm>>) target(%dma_start3A_284 : memref<128xi32, #tpu.memory_space<vmem>>) target_semaphore(%arg14 : memref<!tpu.dma_semaphore, #tpu.memory_space<semaphore_mem>>)
        %mul3A_286 = arith.constant 128 : i32
        %mul3A_287 = arith.muli %add3A_273, %mul3A_286 : i32
        %add3A_288 = arith.addi %mul3A_2, %mul3A_287 : i32
        %dma_start3A_289 = arith.constant 1 : i32
        %dma_start3A_290 = arith.constant 0 : i32
        %dma_start3A_291 = tpu.memref_slice %arg8[%dma_start3A_289, %dma_start3A_290] : memref<4x128xi32, #tpu.memory_space<vmem>> -> memref<1x128xi32, #tpu.memory_space<vmem>>
        %dma_start3A_292 = tpu.memref_squeeze %dma_start3A_291 : memref<1x128xi32, #tpu.memory_space<vmem>> -> memref<128xi32, #tpu.memory_space<vmem>>
        %dma_start3A_293 = tpu.memref_slice %arg4[%add3A_288] : memref<327680xi32, #tpu.memory_space<hbm>> -> memref<128xi32, #tpu.memory_space<hbm>>
        %dma_start3A_294 = arith.constant 0 : i32
        %dma_start3A_295 = tpu.memref_slice %arg8[%dma_start3A_289, %dma_start3A_294] : memref<4x128xi32, #tpu.memory_space<vmem>> -> memref<1x128xi32, #tpu.memory_space<vmem>>
        %dma_start3A_296 = tpu.memref_squeeze %dma_start3A_295 : memref<1x128xi32, #tpu.memory_space<vmem>> -> memref<128xi32, #tpu.memory_space<vmem>>
        %dma_start3A_297 = tpu.memref_slice %arg4[%add3A_288] : memref<327680xi32, #tpu.memory_space<hbm>> -> memref<128xi32, #tpu.memory_space<hbm>>
        tpu.enqueue_dma source(%dma_start3A_297 : memref<128xi32, #tpu.memory_space<hbm>>) target(%dma_start3A_296 : memref<128xi32, #tpu.memory_space<vmem>>) target_semaphore(%arg14 : memref<!tpu.dma_semaphore, #tpu.memory_space<semaphore_mem>>)
      } else {
      }
      %add3A_251 = arith.constant 1 : i32
      %add3A_252 = arith.addi %add3A_236, %add3A_251 : i32
      %lt3A_253 = arith.constant 160 : i32
      %lt3A_254 = arith.cmpi slt, %add3A_252, %lt3A_253 : i32
      %convert_element_type3A_255 = arith.extui %lt3A_254 : i1 to i32
      %cond3A_256 = arith.constant 0 : i32
      %cond3A_257 = arith.cmpi ne, %convert_element_type3A_255, %cond3A_256 : i32
      scf.if %cond3A_257 {
        %dma_wait3A_272 = arith.constant 0 : i32
        %dma_wait3A_273 = arith.constant 0 : i32
        %dma_wait3A_274 = tpu.memref_slice %arg7[%dma_wait3A_272, %dma_wait3A_273] : memref<4x128xi32, #tpu.memory_space<vmem>> -> memref<1x128xi32, #tpu.memory_space<vmem>>
        %dma_wait3A_275 = tpu.memref_squeeze %dma_wait3A_274 : memref<1x128xi32, #tpu.memory_space<vmem>> -> memref<128xi32, #tpu.memory_space<vmem>>
        %dma_wait3A_276 = arith.constant 0 : i32
        %dma_wait3A_277 = tpu.memref_slice %arg3[%dma_wait3A_276] : memref<327680xi32, #tpu.memory_space<hbm>> -> memref<128xi32, #tpu.memory_space<hbm>>
        %dma_wait3A_278 = arith.constant 0 : i32
        %dma_wait3A_279 = tpu.memref_slice %arg7[%dma_wait3A_272, %dma_wait3A_278] : memref<4x128xi32, #tpu.memory_space<vmem>> -> memref<1x128xi32, #tpu.memory_space<vmem>>
        %dma_wait3A_280 = tpu.memref_squeeze %dma_wait3A_279 : memref<1x128xi32, #tpu.memory_space<vmem>> -> memref<128xi32, #tpu.memory_space<vmem>>
        %dma_wait3A_281 = arith.constant 0 : i32
        %dma_wait3A_282 = tpu.memref_slice %arg3[%dma_wait3A_281] : memref<327680xi32, #tpu.memory_space<hbm>> -> memref<128xi32, #tpu.memory_space<hbm>>
        tpu.wait_dma2 semaphore(%arg13 : memref<!tpu.dma_semaphore, #tpu.memory_space<semaphore_mem>>) src(%dma_wait3A_282 : memref<128xi32, #tpu.memory_space<hbm>>) dst(%dma_wait3A_280 : memref<128xi32, #tpu.memory_space<vmem>>)
        %dma_wait3A_283 = arith.constant 0 : i32
        %dma_wait3A_284 = arith.constant 0 : i32
        %dma_wait3A_285 = tpu.memref_slice %arg8[%dma_wait3A_283, %dma_wait3A_284] : memref<4x128xi32, #tpu.memory_space<vmem>> -> memref<1x128xi32, #tpu.memory_space<vmem>>
        %dma_wait3A_286 = tpu.memref_squeeze %dma_wait3A_285 : memref<1x128xi32, #tpu.memory_space<vmem>> -> memref<128xi32, #tpu.memory_space<vmem>>
        %dma_wait3A_287 = arith.constant 0 : i32
        %dma_wait3A_288 = tpu.memref_slice %arg4[%dma_wait3A_287] : memref<327680xi32, #tpu.memory_space<hbm>> -> memref<128xi32, #tpu.memory_space<hbm>>
        %dma_wait3A_289 = arith.constant 0 : i32
        %dma_wait3A_290 = tpu.memref_slice %arg8[%dma_wait3A_283, %dma_wait3A_289] : memref<4x128xi32, #tpu.memory_space<vmem>> -> memref<1x128xi32, #tpu.memory_space<vmem>>
        %dma_wait3A_291 = tpu.memref_squeeze %dma_wait3A_290 : memref<1x128xi32, #tpu.memory_space<vmem>> -> memref<128xi32, #tpu.memory_space<vmem>>
        %dma_wait3A_292 = arith.constant 0 : i32
        %dma_wait3A_293 = tpu.memref_slice %arg4[%dma_wait3A_292] : memref<327680xi32, #tpu.memory_space<hbm>> -> memref<128xi32, #tpu.memory_space<hbm>>
        tpu.wait_dma2 semaphore(%arg13 : memref<!tpu.dma_semaphore, #tpu.memory_space<semaphore_mem>>) src(%dma_wait3A_293 : memref<128xi32, #tpu.memory_space<hbm>>) dst(%dma_wait3A_291 : memref<128xi32, #tpu.memory_space<vmem>>)
        %dma_start3A_294 = arith.constant 0 : i32
        %dma_start3A_295 = arith.constant 0 : i32
        %dma_start3A_296 = tpu.memref_slice %arg7[%dma_start3A_294, %dma_start3A_295] : memref<4x128xi32, #tpu.memory_space<vmem>> -> memref<1x128xi32, #tpu.memory_space<vmem>>
        %dma_start3A_297 = tpu.memref_squeeze %dma_start3A_296 : memref<1x128xi32, #tpu.memory_space<vmem>> -> memref<128xi32, #tpu.memory_space<vmem>>
        %dma_start3A_298 = arith.constant 0 : i32
        %dma_start3A_299 = arith.constant 0 : i32
        %dma_start3A_300 = tpu.memref_slice %arg25[%dma_start3A_298, %dma_start3A_299] : memref<10112x64xf32, #tpu.memory_space<vmem_shared>> -> memref<10112x64xf32, #tpu.memory_space<vmem_shared>>
        tpu.enqueue_indirect_dma source(%dma_start3A_300 : memref<10112x64xf32, #tpu.memory_space<vmem_shared>>) target(%arg9 : memref<128x64xf32, #tpu.memory_space<vmem>>) offsets(%dma_start3A_297 : memref<128xi32, #tpu.memory_space<vmem>>) semaphore(%arg17 : memref<!tpu.dma_semaphore, #tpu.memory_space<semaphore_mem>>)
      } else {
      }
      %dma_wait3A_258 = arith.constant 0 : i32
      %dma_wait3A_259 = arith.constant 0 : i32
      %dma_wait3A_260 = tpu.memref_slice %arg7[%dma_wait3A_258, %dma_wait3A_259] : memref<4x128xi32, #tpu.memory_space<vmem>> -> memref<1x128xi32, #tpu.memory_space<vmem>>
      %dma_wait3A_261 = tpu.memref_squeeze %dma_wait3A_260 : memref<1x128xi32, #tpu.memory_space<vmem>> -> memref<128xi32, #tpu.memory_space<vmem>>
      %dma_wait3A_262 = arith.constant 0 : i32
      %dma_wait3A_263 = arith.constant 0 : i32
      %dma_wait3A_264 = tpu.memref_slice %arg25[%dma_wait3A_262, %dma_wait3A_263] : memref<10112x64xf32, #tpu.memory_space<vmem_shared>> -> memref<10112x64xf32, #tpu.memory_space<vmem_shared>>
      tpu.wait_indirect_dma semaphore(%arg20 : memref<!tpu.dma_semaphore, #tpu.memory_space<semaphore_mem>>) src(%dma_wait3A_264 : memref<10112x64xf32, #tpu.memory_space<vmem_shared>>) dst(%arg12 : memref<128x64xf32, #tpu.memory_space<vmem>>)
      %dma_start3A_265 = arith.constant 3 : i32
      %dma_start3A_266 = arith.constant 0 : i32
      %dma_start3A_267 = tpu.memref_slice %arg8[%dma_start3A_265, %dma_start3A_266] : memref<4x128xi32, #tpu.memory_space<vmem>> -> memref<1x128xi32, #tpu.memory_space<vmem>>
      %dma_start3A_268 = tpu.memref_squeeze %dma_start3A_267 : memref<1x128xi32, #tpu.memory_space<vmem>> -> memref<128xi32, #tpu.memory_space<vmem>>
      %dma_start3A_269 = arith.constant 0 : i32
      %dma_start3A_270 = arith.constant 0 : i32
      %dma_start3A_271 = tpu.memref_slice %arg26[%dma_start3A_269, %dma_start3A_270] : memref<10112x64xf32, #tpu.memory_space<vmem_shared>> -> memref<10112x64xf32, #tpu.memory_space<vmem_shared>>
      tpu.enqueue_indirect_dma source(%arg12 : memref<128x64xf32, #tpu.memory_space<vmem>>) target(%dma_start3A_271 : memref<10112x64xf32, #tpu.memory_space<vmem_shared>>) offsets(%dma_start3A_268 : memref<128xi32, #tpu.memory_space<vmem>>) semaphore(%arg24 : memref<!tpu.dma_semaphore, #tpu.memory_space<semaphore_mem>>) {add = true}
    }
    %scan3A_103 = arith.constant 40 : i32
    %dma_wait3A_104 = arith.constant 0 : i32
    %dma_wait3A_105 = arith.constant 0 : i32
    %dma_wait3A_106 = tpu.memref_slice %arg8[%dma_wait3A_104, %dma_wait3A_105] : memref<4x128xi32, #tpu.memory_space<vmem>> -> memref<1x128xi32, #tpu.memory_space<vmem>>
    %dma_wait3A_107 = tpu.memref_squeeze %dma_wait3A_106 : memref<1x128xi32, #tpu.memory_space<vmem>> -> memref<128xi32, #tpu.memory_space<vmem>>
    %dma_wait3A_108 = arith.constant 0 : i32
    %dma_wait3A_109 = arith.constant 0 : i32
    %dma_wait3A_110 = tpu.memref_slice %arg26[%dma_wait3A_108, %dma_wait3A_109] : memref<10112x64xf32, #tpu.memory_space<vmem_shared>> -> memref<10112x64xf32, #tpu.memory_space<vmem_shared>>
    tpu.wait_indirect_dma semaphore(%arg23 : memref<!tpu.dma_semaphore, #tpu.memory_space<semaphore_mem>>) src(%arg11 : memref<128x64xf32, #tpu.memory_space<vmem>>) dst(%dma_wait3A_110 : memref<10112x64xf32, #tpu.memory_space<vmem_shared>>)
    %dma_wait3A_111 = arith.constant 0 : i32
    %dma_wait3A_112 = arith.constant 0 : i32
    %dma_wait3A_113 = tpu.memref_slice %arg8[%dma_wait3A_111, %dma_wait3A_112] : memref<4x128xi32, #tpu.memory_space<vmem>> -> memref<1x128xi32, #tpu.memory_space<vmem>>
    %dma_wait3A_114 = tpu.memref_squeeze %dma_wait3A_113 : memref<1x128xi32, #tpu.memory_space<vmem>> -> memref<128xi32, #tpu.memory_space<vmem>>
    %dma_wait3A_115 = arith.constant 0 : i32
    %dma_wait3A_116 = arith.constant 0 : i32
    %dma_wait3A_117 = tpu.memref_slice %arg26[%dma_wait3A_115, %dma_wait3A_116] : memref<10112x64xf32, #tpu.memory_space<vmem_shared>> -> memref<10112x64xf32, #tpu.memory_space<vmem_shared>>
    tpu.wait_indirect_dma semaphore(%arg24 : memref<!tpu.dma_semaphore, #tpu.memory_space<semaphore_mem>>) src(%arg12 : memref<128x64xf32, #tpu.memory_space<vmem>>) dst(%dma_wait3A_117 : memref<10112x64xf32, #tpu.memory_space<vmem_shared>>)
    %barrier3A_118 = arith.constant 0 : index
    tpu.barrier barrier_id(%barrier3A_118)
    %mul3A_119 = arith.constant 632 : i32
    %mul3A_120 = arith.muli %arg1, %mul3A_119 : i32
    %mul3A_121 = arith.constant 632 : i32
    %mul3A_122 = arith.muli %arg1, %mul3A_121 : i32
    "tpu.region"() ({
      %run_scoped3A = tpu.sem_alloc : memref<!tpu.dma_semaphore, #tpu.memory_space<semaphore_mem>>
      %dma_start3A_123 = tpu.memref_slice %arg6[%mul3A_122, %mul3A_4] : memref<10112x128xf32, #tpu.memory_space<hbm>> -> memref<632x64xf32, #tpu.memory_space<hbm>>
      %dma_start3A_124 = arith.constant 0 : i32
      %dma_start3A_125 = tpu.memref_slice %arg26[%mul3A_120, %dma_start3A_124] : memref<10112x64xf32, #tpu.memory_space<vmem_shared>> -> memref<632x64xf32, #tpu.memory_space<vmem_shared>>
      tpu.enqueue_dma source(%dma_start3A_125 : memref<632x64xf32, #tpu.memory_space<vmem_shared>>) target(%dma_start3A_123 : memref<632x64xf32, #tpu.memory_space<hbm>>) target_semaphore(%run_scoped3A : memref<!tpu.dma_semaphore, #tpu.memory_space<semaphore_mem>>)
      %dma_wait3A_126 = tpu.memref_slice %arg6[%mul3A_122, %mul3A_4] : memref<10112x128xf32, #tpu.memory_space<hbm>> -> memref<632x64xf32, #tpu.memory_space<hbm>>
      %dma_wait3A_127 = arith.constant 0 : i32
      %dma_wait3A_128 = tpu.memref_slice %arg26[%mul3A_120, %dma_wait3A_127] : memref<10112x64xf32, #tpu.memory_space<vmem_shared>> -> memref<632x64xf32, #tpu.memory_space<vmem_shared>>
      tpu.wait_dma2 semaphore(%run_scoped3A : memref<!tpu.dma_semaphore, #tpu.memory_space<semaphore_mem>>) src(%dma_wait3A_128 : memref<632x64xf32, #tpu.memory_space<vmem_shared>>) dst(%dma_wait3A_126 : memref<632x64xf32, #tpu.memory_space<hbm>>)
      tpu.yield
    }) : () -> ()
    return
  }
}

#map = affine_map<(d0, d1) -> (0, 0)>
#map1 = affine_map<(d0, d1) -> (0, 0, 0)>
module attributes {stable_mosaic.version = 14 : i64} {
  func.func @deg_kernel(%arg0: i32, %arg1: i32, %arg2: memref<2560x128xi32, #tpu.memory_space<hbm>>, %arg3: memref<10112x16xf32, #tpu.memory_space<hbm>>, %arg4: memref<128x16xf32, #tpu.memory_space<hbm>>, %arg5: memref<2x10112x16xf32, #tpu.memory_space<hbm>>, %arg6: memref<80x128xi32, #tpu.memory_space<vmem>>, %arg7: memref<128x16xf32, #tpu.memory_space<vmem>>, %arg8: memref<10112x16xf32, #tpu.memory_space<vmem_shared>>) attributes {dimension_semantics = [#tpu.dimension_semantics<core_parallel>, #tpu.dimension_semantics<subcore_parallel>], iteration_bounds = array<i64: 2, 16>, scalar_prefetch = 0 : i64, scratch_operands = 3 : i64, tpu.core_type = #tpu.core_type<sc_vector_subcore>, window_params = [{transform_indices = #map}, {transform_indices = #map}, {transform_indices = #map}, {transform_indices = #map1}]} {
    %mul3A = arith.constant 16 : i32
    %mul3A_0 = arith.muli %arg0, %mul3A : i32
    %add3A = arith.addi %mul3A_0, %arg1 : i32
    %mul3A_1 = arith.constant 80 : i32
    %mul3A_2 = arith.muli %add3A, %mul3A_1 : i32
    "tpu.region"() ({
      %run_scoped3A = tpu.sem_alloc : memref<!tpu.dma_semaphore, #tpu.memory_space<semaphore_mem>>
      %dma_start3A = arith.constant 0 : i32
      %dma_start3A_17 = tpu.memref_slice %arg2[%mul3A_2, %dma_start3A] : memref<2560x128xi32, #tpu.memory_space<hbm>> -> memref<80x128xi32, #tpu.memory_space<hbm>>
      %dma_start3A_18 = arith.constant 0 : i32
      %dma_start3A_19 = tpu.memref_slice %arg2[%mul3A_2, %dma_start3A_18] : memref<2560x128xi32, #tpu.memory_space<hbm>> -> memref<80x128xi32, #tpu.memory_space<hbm>>
      tpu.enqueue_dma source(%dma_start3A_19 : memref<80x128xi32, #tpu.memory_space<hbm>>) target(%arg6 : memref<80x128xi32, #tpu.memory_space<vmem>>) target_semaphore(%run_scoped3A : memref<!tpu.dma_semaphore, #tpu.memory_space<semaphore_mem>>)
      %dma_wait3A = arith.constant 0 : i32
      %dma_wait3A_20 = tpu.memref_slice %arg2[%mul3A_2, %dma_wait3A] : memref<2560x128xi32, #tpu.memory_space<hbm>> -> memref<80x128xi32, #tpu.memory_space<hbm>>
      %dma_wait3A_21 = arith.constant 0 : i32
      %dma_wait3A_22 = tpu.memref_slice %arg2[%mul3A_2, %dma_wait3A_21] : memref<2560x128xi32, #tpu.memory_space<hbm>> -> memref<80x128xi32, #tpu.memory_space<hbm>>
      tpu.wait_dma2 semaphore(%run_scoped3A : memref<!tpu.dma_semaphore, #tpu.memory_space<semaphore_mem>>) src(%dma_wait3A_22 : memref<80x128xi32, #tpu.memory_space<hbm>>) dst(%arg6 : memref<80x128xi32, #tpu.memory_space<vmem>>)
      tpu.yield
    }) : () -> ()
    "tpu.region"() ({
      %run_scoped3A = tpu.sem_alloc : memref<!tpu.dma_semaphore, #tpu.memory_space<semaphore_mem>>
      tpu.enqueue_dma source(%arg4 : memref<128x16xf32, #tpu.memory_space<hbm>>) target(%arg7 : memref<128x16xf32, #tpu.memory_space<vmem>>) target_semaphore(%run_scoped3A : memref<!tpu.dma_semaphore, #tpu.memory_space<semaphore_mem>>)
      tpu.wait_dma2 semaphore(%run_scoped3A : memref<!tpu.dma_semaphore, #tpu.memory_space<semaphore_mem>>) src(%arg4 : memref<128x16xf32, #tpu.memory_space<hbm>>) dst(%arg7 : memref<128x16xf32, #tpu.memory_space<vmem>>)
      tpu.yield
    }) : () -> ()
    %mul3A_3 = arith.constant 632 : i32
    %mul3A_4 = arith.muli %arg1, %mul3A_3 : i32
    %mul3A_5 = arith.constant 632 : i32
    %mul3A_6 = arith.muli %arg1, %mul3A_5 : i32
    "tpu.region"() ({
      %run_scoped3A = tpu.sem_alloc : memref<!tpu.dma_semaphore, #tpu.memory_space<semaphore_mem>>
      %dma_start3A = arith.constant 0 : i32
      %dma_start3A_17 = tpu.memref_slice %arg8[%mul3A_6, %dma_start3A] : memref<10112x16xf32, #tpu.memory_space<vmem_shared>> -> memref<632x16xf32, #tpu.memory_space<vmem_shared>>
      %dma_start3A_18 = arith.constant 0 : i32
      %dma_start3A_19 = tpu.memref_slice %arg3[%mul3A_4, %dma_start3A_18] : memref<10112x16xf32, #tpu.memory_space<hbm>> -> memref<632x16xf32, #tpu.memory_space<hbm>>
      tpu.enqueue_dma source(%dma_start3A_19 : memref<632x16xf32, #tpu.memory_space<hbm>>) target(%dma_start3A_17 : memref<632x16xf32, #tpu.memory_space<vmem_shared>>) target_semaphore(%run_scoped3A : memref<!tpu.dma_semaphore, #tpu.memory_space<semaphore_mem>>)
      %dma_wait3A = arith.constant 0 : i32
      %dma_wait3A_20 = tpu.memref_slice %arg8[%mul3A_6, %dma_wait3A] : memref<10112x16xf32, #tpu.memory_space<vmem_shared>> -> memref<632x16xf32, #tpu.memory_space<vmem_shared>>
      %dma_wait3A_21 = arith.constant 0 : i32
      %dma_wait3A_22 = tpu.memref_slice %arg3[%mul3A_4, %dma_wait3A_21] : memref<10112x16xf32, #tpu.memory_space<hbm>> -> memref<632x16xf32, #tpu.memory_space<hbm>>
      tpu.wait_dma2 semaphore(%run_scoped3A : memref<!tpu.dma_semaphore, #tpu.memory_space<semaphore_mem>>) src(%dma_wait3A_22 : memref<632x16xf32, #tpu.memory_space<hbm>>) dst(%dma_wait3A_20 : memref<632x16xf32, #tpu.memory_space<vmem_shared>>)
      tpu.yield
    }) : () -> ()
    %barrier3A = arith.constant 0 : index
    tpu.barrier barrier_id(%barrier3A)
    %scan3A = arith.constant 0 : i32
    %scan3A_7 = arith.constant 0 : i32
    %scan3A_8 = arith.constant 80 : i32
    %scan3A_9 = arith.addi %scan3A_7, %scan3A_8 : i32
    %scan3A_10 = arith.constant 1 : i32
    scf.for %scan3A_17 = %scan3A_7 to %scan3A_9 step %scan3A_10  : i32 {
      "tpu.region"() ({
        %run_scoped3A = tpu.sem_alloc : memref<!tpu.dma_semaphore, #tpu.memory_space<semaphore_mem>>
        %dma_start3A = arith.constant 0 : i32
        %dma_start3A_18 = tpu.memref_slice %arg6[%scan3A_17, %dma_start3A] : memref<80x128xi32, #tpu.memory_space<vmem>> -> memref<1x128xi32, #tpu.memory_space<vmem>>
        %dma_start3A_19 = tpu.memref_squeeze %dma_start3A_18 : memref<1x128xi32, #tpu.memory_space<vmem>> -> memref<128xi32, #tpu.memory_space<vmem>>
        %dma_start3A_20 = arith.constant 0 : i32
        %dma_start3A_21 = arith.constant 0 : i32
        %dma_start3A_22 = tpu.memref_slice %arg8[%dma_start3A_20, %dma_start3A_21] : memref<10112x16xf32, #tpu.memory_space<vmem_shared>> -> memref<10112x16xf32, #tpu.memory_space<vmem_shared>>
        tpu.enqueue_indirect_dma source(%arg7 : memref<128x16xf32, #tpu.memory_space<vmem>>) target(%dma_start3A_22 : memref<10112x16xf32, #tpu.memory_space<vmem_shared>>) offsets(%dma_start3A_19 : memref<128xi32, #tpu.memory_space<vmem>>) semaphore(%run_scoped3A : memref<!tpu.dma_semaphore, #tpu.memory_space<semaphore_mem>>) {add = true}
        %dma_wait3A = arith.constant 0 : i32
        %dma_wait3A_23 = tpu.memref_slice %arg6[%scan3A_17, %dma_wait3A] : memref<80x128xi32, #tpu.memory_space<vmem>> -> memref<1x128xi32, #tpu.memory_space<vmem>>
        %dma_wait3A_24 = tpu.memref_squeeze %dma_wait3A_23 : memref<1x128xi32, #tpu.memory_space<vmem>> -> memref<128xi32, #tpu.memory_space<vmem>>
        %dma_wait3A_25 = arith.constant 0 : i32
        %dma_wait3A_26 = arith.constant 0 : i32
        %dma_wait3A_27 = tpu.memref_slice %arg8[%dma_wait3A_25, %dma_wait3A_26] : memref<10112x16xf32, #tpu.memory_space<vmem_shared>> -> memref<10112x16xf32, #tpu.memory_space<vmem_shared>>
        tpu.wait_indirect_dma semaphore(%run_scoped3A : memref<!tpu.dma_semaphore, #tpu.memory_space<semaphore_mem>>) src(%arg7 : memref<128x16xf32, #tpu.memory_space<vmem>>) dst(%dma_wait3A_27 : memref<10112x16xf32, #tpu.memory_space<vmem_shared>>)
        tpu.yield
      }) : () -> ()
    }
    %scan3A_11 = arith.constant 80 : i32
    %barrier3A_12 = arith.constant 0 : index
    tpu.barrier barrier_id(%barrier3A_12)
    %mul3A_13 = arith.constant 632 : i32
    %mul3A_14 = arith.muli %arg1, %mul3A_13 : i32
    %mul3A_15 = arith.constant 632 : i32
    %mul3A_16 = arith.muli %arg1, %mul3A_15 : i32
    "tpu.region"() ({
      %run_scoped3A = tpu.sem_alloc : memref<!tpu.dma_semaphore, #tpu.memory_space<semaphore_mem>>
      %dma_start3A = arith.constant 0 : i32
      %dma_start3A_17 = tpu.memref_slice %arg5[%arg0, %mul3A_16, %dma_start3A] : memref<2x10112x16xf32, #tpu.memory_space<hbm>> -> memref<1x632x16xf32, #tpu.memory_space<hbm>>
      %dma_start3A_18 = tpu.memref_squeeze %dma_start3A_17 : memref<1x632x16xf32, #tpu.memory_space<hbm>> -> memref<632x16xf32, #tpu.memory_space<hbm>>
      %dma_start3A_19 = arith.constant 0 : i32
      %dma_start3A_20 = tpu.memref_slice %arg8[%mul3A_14, %dma_start3A_19] : memref<10112x16xf32, #tpu.memory_space<vmem_shared>> -> memref<632x16xf32, #tpu.memory_space<vmem_shared>>
      tpu.enqueue_dma source(%dma_start3A_20 : memref<632x16xf32, #tpu.memory_space<vmem_shared>>) target(%dma_start3A_18 : memref<632x16xf32, #tpu.memory_space<hbm>>) target_semaphore(%run_scoped3A : memref<!tpu.dma_semaphore, #tpu.memory_space<semaphore_mem>>)
      %dma_wait3A = arith.constant 0 : i32
      %dma_wait3A_21 = tpu.memref_slice %arg5[%arg0, %mul3A_16, %dma_wait3A] : memref<2x10112x16xf32, #tpu.memory_space<hbm>> -> memref<1x632x16xf32, #tpu.memory_space<hbm>>
      %dma_wait3A_22 = tpu.memref_squeeze %dma_wait3A_21 : memref<1x632x16xf32, #tpu.memory_space<hbm>> -> memref<632x16xf32, #tpu.memory_space<hbm>>
      %dma_wait3A_23 = arith.constant 0 : i32
      %dma_wait3A_24 = tpu.memref_slice %arg8[%mul3A_14, %dma_wait3A_23] : memref<10112x16xf32, #tpu.memory_space<vmem_shared>> -> memref<632x16xf32, #tpu.memory_space<vmem_shared>>
      tpu.wait_dma2 semaphore(%run_scoped3A : memref<!tpu.dma_semaphore, #tpu.memory_space<semaphore_mem>>) src(%dma_wait3A_24 : memref<632x16xf32, #tpu.memory_space<vmem_shared>>) dst(%dma_wait3A_22 : memref<632x16xf32, #tpu.memory_space<hbm>>)
      tpu.yield
    }) : () -> ()
    return
  }
}

#map = affine_map<(d0, d1) -> (0, 0)>
#map1 = affine_map<(d0, d1) -> (0)>
module attributes {stable_mosaic.version = 14 : i64} {
  func.func @gather_kernel(%arg0: i32, %arg1: i32, %arg2: memref<10112x128xf32, #tpu.memory_space<hbm>>, %arg3: memref<16384xi32, #tpu.memory_space<hbm>>, %arg4: memref<16384xi32, #tpu.memory_space<hbm>>, %arg5: memref<16384x128xf32, #tpu.memory_space<hbm>>, %arg6: memref<16384x128xf32, #tpu.memory_space<hbm>>, %arg7: memref<512xi32, #tpu.memory_space<vmem>>, %arg8: memref<512xi32, #tpu.memory_space<vmem>>, %arg9: memref<128x128xf32, #tpu.memory_space<vmem>>) attributes {dimension_semantics = [#tpu.dimension_semantics<core_parallel>, #tpu.dimension_semantics<subcore_parallel>], iteration_bounds = array<i64: 2, 16>, scalar_prefetch = 0 : i64, scratch_operands = 3 : i64, tpu.core_type = #tpu.core_type<sc_vector_subcore>, window_params = [{transform_indices = #map}, {transform_indices = #map1}, {transform_indices = #map1}, {transform_indices = #map}, {transform_indices = #map}]} {
    %mul3A = arith.constant 16 : i32
    %mul3A_0 = arith.muli %arg0, %mul3A : i32
    %add3A = arith.addi %mul3A_0, %arg1 : i32
    %mul3A_1 = arith.constant 4 : i32
    %mul3A_2 = arith.muli %add3A, %mul3A_1 : i32
    %mul3A_3 = arith.constant 128 : i32
    %mul3A_4 = arith.muli %mul3A_2, %mul3A_3 : i32
    "tpu.region"() ({
      %run_scoped3A = tpu.sem_alloc : memref<!tpu.dma_semaphore, #tpu.memory_space<semaphore_mem>>
      %dma_start3A = tpu.memref_slice %arg3[%mul3A_4] : memref<16384xi32, #tpu.memory_space<hbm>> -> memref<512xi32, #tpu.memory_space<hbm>>
      %dma_start3A_14 = tpu.memref_slice %arg3[%mul3A_4] : memref<16384xi32, #tpu.memory_space<hbm>> -> memref<512xi32, #tpu.memory_space<hbm>>
      tpu.enqueue_dma source(%dma_start3A_14 : memref<512xi32, #tpu.memory_space<hbm>>) target(%arg7 : memref<512xi32, #tpu.memory_space<vmem>>) target_semaphore(%run_scoped3A : memref<!tpu.dma_semaphore, #tpu.memory_space<semaphore_mem>>)
      %dma_wait3A = tpu.memref_slice %arg3[%mul3A_4] : memref<16384xi32, #tpu.memory_space<hbm>> -> memref<512xi32, #tpu.memory_space<hbm>>
      %dma_wait3A_15 = tpu.memref_slice %arg3[%mul3A_4] : memref<16384xi32, #tpu.memory_space<hbm>> -> memref<512xi32, #tpu.memory_space<hbm>>
      tpu.wait_dma2 semaphore(%run_scoped3A : memref<!tpu.dma_semaphore, #tpu.memory_space<semaphore_mem>>) src(%dma_wait3A_15 : memref<512xi32, #tpu.memory_space<hbm>>) dst(%arg7 : memref<512xi32, #tpu.memory_space<vmem>>)
      tpu.yield
    }) : () -> ()
    %mul3A_5 = arith.constant 4 : i32
    %mul3A_6 = arith.muli %add3A, %mul3A_5 : i32
    %mul3A_7 = arith.constant 128 : i32
    %mul3A_8 = arith.muli %mul3A_6, %mul3A_7 : i32
    "tpu.region"() ({
      %run_scoped3A = tpu.sem_alloc : memref<!tpu.dma_semaphore, #tpu.memory_space<semaphore_mem>>
      %dma_start3A = tpu.memref_slice %arg4[%mul3A_8] : memref<16384xi32, #tpu.memory_space<hbm>> -> memref<512xi32, #tpu.memory_space<hbm>>
      %dma_start3A_14 = tpu.memref_slice %arg4[%mul3A_8] : memref<16384xi32, #tpu.memory_space<hbm>> -> memref<512xi32, #tpu.memory_space<hbm>>
      tpu.enqueue_dma source(%dma_start3A_14 : memref<512xi32, #tpu.memory_space<hbm>>) target(%arg8 : memref<512xi32, #tpu.memory_space<vmem>>) target_semaphore(%run_scoped3A : memref<!tpu.dma_semaphore, #tpu.memory_space<semaphore_mem>>)
      %dma_wait3A = tpu.memref_slice %arg4[%mul3A_8] : memref<16384xi32, #tpu.memory_space<hbm>> -> memref<512xi32, #tpu.memory_space<hbm>>
      %dma_wait3A_15 = tpu.memref_slice %arg4[%mul3A_8] : memref<16384xi32, #tpu.memory_space<hbm>> -> memref<512xi32, #tpu.memory_space<hbm>>
      tpu.wait_dma2 semaphore(%run_scoped3A : memref<!tpu.dma_semaphore, #tpu.memory_space<semaphore_mem>>) src(%dma_wait3A_15 : memref<512xi32, #tpu.memory_space<hbm>>) dst(%arg8 : memref<512xi32, #tpu.memory_space<vmem>>)
      tpu.yield
    }) : () -> ()
    %scan3A = arith.constant 0 : i32
    %scan3A_9 = arith.constant 0 : i32
    %scan3A_10 = arith.constant 4 : i32
    %scan3A_11 = arith.addi %scan3A_9, %scan3A_10 : i32
    %scan3A_12 = arith.constant 1 : i32
    scf.for %scan3A_14 = %scan3A_9 to %scan3A_11 step %scan3A_12  : i32 {
      %mul3A_15 = arith.constant 4 : i32
      %mul3A_16 = arith.muli %add3A, %mul3A_15 : i32
      %mul3A_17 = arith.constant 128 : i32
      %mul3A_18 = arith.muli %mul3A_16, %mul3A_17 : i32
      %mul3A_19 = arith.constant 128 : i32
      %mul3A_20 = arith.muli %scan3A_14, %mul3A_19 : i32
      %add3A_21 = arith.addi %mul3A_18, %mul3A_20 : i32
      %mul3A_22 = arith.constant 128 : i32
      %mul3A_23 = arith.muli %scan3A_14, %mul3A_22 : i32
      "tpu.region"() ({
        %run_scoped3A = tpu.sem_alloc : memref<!tpu.dma_semaphore, #tpu.memory_space<semaphore_mem>>
        %dma_start3A = tpu.memref_slice %arg7[%mul3A_23] : memref<512xi32, #tpu.memory_space<vmem>> -> memref<128xi32, #tpu.memory_space<vmem>>
        %dma_start3A_26 = arith.constant 0 : i32
        %dma_start3A_27 = arith.constant 0 : i32
        %dma_start3A_28 = tpu.memref_slice %arg2[%dma_start3A_26, %dma_start3A_27] : memref<10112x128xf32, #tpu.memory_space<hbm>> -> memref<10112x128xf32, #tpu.memory_space<hbm>>
        tpu.enqueue_indirect_dma source(%dma_start3A_28 : memref<10112x128xf32, #tpu.memory_space<hbm>>) target(%arg9 : memref<128x128xf32, #tpu.memory_space<vmem>>) offsets(%dma_start3A : memref<128xi32, #tpu.memory_space<vmem>>) semaphore(%run_scoped3A : memref<!tpu.dma_semaphore, #tpu.memory_space<semaphore_mem>>)
        %dma_wait3A = tpu.memref_slice %arg7[%mul3A_23] : memref<512xi32, #tpu.memory_space<vmem>> -> memref<128xi32, #tpu.memory_space<vmem>>
        %dma_wait3A_29 = arith.constant 0 : i32
        %dma_wait3A_30 = arith.constant 0 : i32
        %dma_wait3A_31 = tpu.memref_slice %arg2[%dma_wait3A_29, %dma_wait3A_30] : memref<10112x128xf32, #tpu.memory_space<hbm>> -> memref<10112x128xf32, #tpu.memory_space<hbm>>
        tpu.wait_indirect_dma semaphore(%run_scoped3A : memref<!tpu.dma_semaphore, #tpu.memory_space<semaphore_mem>>) src(%dma_wait3A_31 : memref<10112x128xf32, #tpu.memory_space<hbm>>) dst(%arg9 : memref<128x128xf32, #tpu.memory_space<vmem>>)
        tpu.yield
      }) : () -> ()
      "tpu.region"() ({
        %run_scoped3A = tpu.sem_alloc : memref<!tpu.dma_semaphore, #tpu.memory_space<semaphore_mem>>
        %dma_start3A = arith.constant 0 : i32
        %dma_start3A_26 = tpu.memref_slice %arg5[%add3A_21, %dma_start3A] : memref<16384x128xf32, #tpu.memory_space<hbm>> -> memref<128x128xf32, #tpu.memory_space<hbm>>
        %dma_start3A_27 = arith.constant 0 : i32
        %dma_start3A_28 = tpu.memref_slice %arg5[%add3A_21, %dma_start3A_27] : memref<16384x128xf32, #tpu.memory_space<hbm>> -> memref<128x128xf32, #tpu.memory_space<hbm>>
        tpu.enqueue_dma source(%arg9 : memref<128x128xf32, #tpu.memory_space<vmem>>) target(%dma_start3A_28 : memref<128x128xf32, #tpu.memory_space<hbm>>) target_semaphore(%run_scoped3A : memref<!tpu.dma_semaphore, #tpu.memory_space<semaphore_mem>>)
        %dma_wait3A = arith.constant 0 : i32
        %dma_wait3A_29 = tpu.memref_slice %arg5[%add3A_21, %dma_wait3A] : memref<16384x128xf32, #tpu.memory_space<hbm>> -> memref<128x128xf32, #tpu.memory_space<hbm>>
        %dma_wait3A_30 = arith.constant 0 : i32
        %dma_wait3A_31 = tpu.memref_slice %arg5[%add3A_21, %dma_wait3A_30] : memref<16384x128xf32, #tpu.memory_space<hbm>> -> memref<128x128xf32, #tpu.memory_space<hbm>>
        tpu.wait_dma2 semaphore(%run_scoped3A : memref<!tpu.dma_semaphore, #tpu.memory_space<semaphore_mem>>) src(%arg9 : memref<128x128xf32, #tpu.memory_space<vmem>>) dst(%dma_wait3A_31 : memref<128x128xf32, #tpu.memory_space<hbm>>)
        tpu.yield
      }) : () -> ()
      %mul3A_24 = arith.constant 128 : i32
      %mul3A_25 = arith.muli %scan3A_14, %mul3A_24 : i32
      "tpu.region"() ({
        %run_scoped3A = tpu.sem_alloc : memref<!tpu.dma_semaphore, #tpu.memory_space<semaphore_mem>>
        %dma_start3A = tpu.memref_slice %arg8[%mul3A_25] : memref<512xi32, #tpu.memory_space<vmem>> -> memref<128xi32, #tpu.memory_space<vmem>>
        %dma_start3A_26 = arith.constant 0 : i32
        %dma_start3A_27 = arith.constant 0 : i32
        %dma_start3A_28 = tpu.memref_slice %arg2[%dma_start3A_26, %dma_start3A_27] : memref<10112x128xf32, #tpu.memory_space<hbm>> -> memref<10112x128xf32, #tpu.memory_space<hbm>>
        tpu.enqueue_indirect_dma source(%dma_start3A_28 : memref<10112x128xf32, #tpu.memory_space<hbm>>) target(%arg9 : memref<128x128xf32, #tpu.memory_space<vmem>>) offsets(%dma_start3A : memref<128xi32, #tpu.memory_space<vmem>>) semaphore(%run_scoped3A : memref<!tpu.dma_semaphore, #tpu.memory_space<semaphore_mem>>)
        %dma_wait3A = tpu.memref_slice %arg8[%mul3A_25] : memref<512xi32, #tpu.memory_space<vmem>> -> memref<128xi32, #tpu.memory_space<vmem>>
        %dma_wait3A_29 = arith.constant 0 : i32
        %dma_wait3A_30 = arith.constant 0 : i32
        %dma_wait3A_31 = tpu.memref_slice %arg2[%dma_wait3A_29, %dma_wait3A_30] : memref<10112x128xf32, #tpu.memory_space<hbm>> -> memref<10112x128xf32, #tpu.memory_space<hbm>>
        tpu.wait_indirect_dma semaphore(%run_scoped3A : memref<!tpu.dma_semaphore, #tpu.memory_space<semaphore_mem>>) src(%dma_wait3A_31 : memref<10112x128xf32, #tpu.memory_space<hbm>>) dst(%arg9 : memref<128x128xf32, #tpu.memory_space<vmem>>)
        tpu.yield
      }) : () -> ()
      "tpu.region"() ({
        %run_scoped3A = tpu.sem_alloc : memref<!tpu.dma_semaphore, #tpu.memory_space<semaphore_mem>>
        %dma_start3A = arith.constant 0 : i32
        %dma_start3A_26 = tpu.memref_slice %arg6[%add3A_21, %dma_start3A] : memref<16384x128xf32, #tpu.memory_space<hbm>> -> memref<128x128xf32, #tpu.memory_space<hbm>>
        %dma_start3A_27 = arith.constant 0 : i32
        %dma_start3A_28 = tpu.memref_slice %arg6[%add3A_21, %dma_start3A_27] : memref<16384x128xf32, #tpu.memory_space<hbm>> -> memref<128x128xf32, #tpu.memory_space<hbm>>
        tpu.enqueue_dma source(%arg9 : memref<128x128xf32, #tpu.memory_space<vmem>>) target(%dma_start3A_28 : memref<128x128xf32, #tpu.memory_space<hbm>>) target_semaphore(%run_scoped3A : memref<!tpu.dma_semaphore, #tpu.memory_space<semaphore_mem>>)
        %dma_wait3A = arith.constant 0 : i32
        %dma_wait3A_29 = tpu.memref_slice %arg6[%add3A_21, %dma_wait3A] : memref<16384x128xf32, #tpu.memory_space<hbm>> -> memref<128x128xf32, #tpu.memory_space<hbm>>
        %dma_wait3A_30 = arith.constant 0 : i32
        %dma_wait3A_31 = tpu.memref_slice %arg6[%add3A_21, %dma_wait3A_30] : memref<16384x128xf32, #tpu.memory_space<hbm>> -> memref<128x128xf32, #tpu.memory_space<hbm>>
        tpu.wait_dma2 semaphore(%run_scoped3A : memref<!tpu.dma_semaphore, #tpu.memory_space<semaphore_mem>>) src(%arg9 : memref<128x128xf32, #tpu.memory_space<vmem>>) dst(%dma_wait3A_31 : memref<128x128xf32, #tpu.memory_space<hbm>>)
        tpu.yield
      }) : () -> ()
    }
    %scan3A_13 = arith.constant 4 : i32
    return
  }
}

#map = affine_map<(d0, d1) -> (0, 0)>
#map1 = affine_map<(d0, d1) -> (0)>
module attributes {stable_mosaic.version = 14 : i64} {
  func.func @agg_kernel(%arg0: i32, %arg1: i32, %arg2: memref<10112x128xf32, #tpu.memory_space<hbm>>, %arg3: memref<327680xi32, #tpu.memory_space<hbm>>, %arg4: memref<327680xi32, #tpu.memory_space<hbm>>, %arg5: memref<128x64xf32, #tpu.memory_space<hbm>>, %arg6: memref<10112x128xf32, #tpu.memory_space<hbm>>, %arg7: memref<4x128xi32, #tpu.memory_space<vmem>>, %arg8: memref<4x128xi32, #tpu.memory_space<vmem>>, %arg9: memref<128x64xf32, #tpu.memory_space<vmem>>, %arg10: memref<128x64xf32, #tpu.memory_space<vmem>>, %arg11: memref<128x64xf32, #tpu.memory_space<vmem>>, %arg12: memref<128x64xf32, #tpu.memory_space<vmem>>, %arg13: memref<!tpu.dma_semaphore, #tpu.memory_space<semaphore_mem>>, %arg14: memref<!tpu.dma_semaphore, #tpu.memory_space<semaphore_mem>>, %arg15: memref<!tpu.dma_semaphore, #tpu.memory_space<semaphore_mem>>, %arg16: memref<!tpu.dma_semaphore, #tpu.memory_space<semaphore_mem>>, %arg17: memref<!tpu.dma_semaphore, #tpu.memory_space<semaphore_mem>>, %arg18: memref<!tpu.dma_semaphore, #tpu.memory_space<semaphore_mem>>, %arg19: memref<!tpu.dma_semaphore, #tpu.memory_space<semaphore_mem>>, %arg20: memref<!tpu.dma_semaphore, #tpu.memory_space<semaphore_mem>>, %arg21: memref<!tpu.dma_semaphore, #tpu.memory_space<semaphore_mem>>, %arg22: memref<!tpu.dma_semaphore, #tpu.memory_space<semaphore_mem>>, %arg23: memref<!tpu.dma_semaphore, #tpu.memory_space<semaphore_mem>>, %arg24: memref<!tpu.dma_semaphore, #tpu.memory_space<semaphore_mem>>, %arg25: memref<10112x64xf32, #tpu.memory_space<vmem_shared>>, %arg26: memref<10112x64xf32, #tpu.memory_space<vmem_shared>>) attributes {dimension_semantics = [#tpu.dimension_semantics<core_parallel>, #tpu.dimension_semantics<subcore_parallel>], iteration_bounds = array<i64: 2, 16>, scalar_prefetch = 0 : i64, scratch_operands = 20 : i64, tpu.core_type = #tpu.core_type<sc_vector_subcore>, window_params = [{transform_indices = #map}, {transform_indices = #map1}, {transform_indices = #map1}, {transform_indices = #map}, {transform_indices = #map}]} {
    %mul3A = arith.constant 160 : i32
    %mul3A_0 = arith.muli %arg1, %mul3A : i32
    %mul3A_1 = arith.constant 128 : i32
    %mul3A_2 = arith.muli %mul3A_0, %mul3A_1 : i32
    %mul3A_3 = arith.constant 64 : i32
    %mul3A_4 = arith.muli %arg0, %mul3A_3 : i32
    %mul3A_5 = arith.constant 632 : i32
    %mul3A_6 = arith.muli %arg1, %mul3A_5 : i32
    %mul3A_7 = arith.constant 632 : i32
    %mul3A_8 = arith.muli %arg1, %mul3A_7 : i32
    "tpu.region"() ({
      %run_scoped3A = tpu.sem_alloc : memref<!tpu.dma_semaphore, #tpu.memory_space<semaphore_mem>>
      %dma_start3A_123 = arith.constant 0 : i32
      %dma_start3A_124 = tpu.memref_slice %arg25[%mul3A_8, %dma_start3A_123] : memref<10112x64xf32, #tpu.memory_space<vmem_shared>> -> memref<632x64xf32, #tpu.memory_space<vmem_shared>>
      %dma_start3A_125 = tpu.memref_slice %arg2[%mul3A_6, %mul3A_4] : memref<10112x128xf32, #tpu.memory_space<hbm>> -> memref<632x64xf32, #tpu.memory_space<hbm>>
      tpu.enqueue_dma source(%dma_start3A_125 : memref<632x64xf32, #tpu.memory_space<hbm>>) target(%dma_start3A_124 : memref<632x64xf32, #tpu.memory_space<vmem_shared>>) target_semaphore(%run_scoped3A : memref<!tpu.dma_semaphore, #tpu.memory_space<semaphore_mem>>)
      %dma_wait3A_126 = arith.constant 0 : i32
      %dma_wait3A_127 = tpu.memref_slice %arg25[%mul3A_8, %dma_wait3A_126] : memref<10112x64xf32, #tpu.memory_space<vmem_shared>> -> memref<632x64xf32, #tpu.memory_space<vmem_shared>>
      %dma_wait3A_128 = tpu.memref_slice %arg2[%mul3A_6, %mul3A_4] : memref<10112x128xf32, #tpu.memory_space<hbm>> -> memref<632x64xf32, #tpu.memory_space<hbm>>
      tpu.wait_dma2 semaphore(%run_scoped3A : memref<!tpu.dma_semaphore, #tpu.memory_space<semaphore_mem>>) src(%dma_wait3A_128 : memref<632x64xf32, #tpu.memory_space<hbm>>) dst(%dma_wait3A_127 : memref<632x64xf32, #tpu.memory_space<vmem_shared>>)
      tpu.yield
    }) : () -> ()
    "tpu.region"() ({
      %run_scoped3A = tpu.sem_alloc : memref<!tpu.dma_semaphore, #tpu.memory_space<semaphore_mem>>
      tpu.enqueue_dma source(%arg5 : memref<128x64xf32, #tpu.memory_space<hbm>>) target(%arg9 : memref<128x64xf32, #tpu.memory_space<vmem>>) target_semaphore(%run_scoped3A : memref<!tpu.dma_semaphore, #tpu.memory_space<semaphore_mem>>)
      tpu.wait_dma2 semaphore(%run_scoped3A : memref<!tpu.dma_semaphore, #tpu.memory_space<semaphore_mem>>) src(%arg5 : memref<128x64xf32, #tpu.memory_space<hbm>>) dst(%arg9 : memref<128x64xf32, #tpu.memory_space<vmem>>)
      tpu.yield
    }) : () -> ()
    %mul3A_9 = arith.constant 632 : i32
    %mul3A_10 = arith.muli %arg1, %mul3A_9 : i32
    %add3A = arith.constant 0 : i32
    %add3A_11 = arith.addi %mul3A_10, %add3A : i32
    "tpu.region"() ({
      %run_scoped3A = tpu.sem_alloc : memref<!tpu.dma_semaphore, #tpu.memory_space<semaphore_mem>>
      %dma_start3A_123 = arith.constant 0 : i32
      %dma_start3A_124 = arith.constant 0 : i32
      %dma_start3A_125 = tpu.memref_slice %arg9[%dma_start3A_123, %dma_start3A_124] : memref<128x64xf32, #tpu.memory_space<vmem>> -> memref<128x64xf32, #tpu.memory_space<vmem>>
      %dma_start3A_126 = arith.constant 0 : i32
      %dma_start3A_127 = tpu.memref_slice %arg26[%add3A_11, %dma_start3A_126] : memref<10112x64xf32, #tpu.memory_space<vmem_shared>> -> memref<128x64xf32, #tpu.memory_space<vmem_shared>>
      %dma_start3A_128 = arith.constant 0 : i32
      %dma_start3A_129 = tpu.memref_slice %arg26[%add3A_11, %dma_start3A_128] : memref<10112x64xf32, #tpu.memory_space<vmem_shared>> -> memref<128x64xf32, #tpu.memory_space<vmem_shared>>
      %dma_start3A_130 = arith.constant 0 : i32
      %dma_start3A_131 = arith.constant 0 : i32
      %dma_start3A_132 = tpu.memref_slice %arg9[%dma_start3A_130, %dma_start3A_131] : memref<128x64xf32, #tpu.memory_space<vmem>> -> memref<128x64xf32, #tpu.memory_space<vmem>>
      tpu.enqueue_dma source(%dma_start3A_132 : memref<128x64xf32, #tpu.memory_space<vmem>>) target(%dma_start3A_129 : memref<128x64xf32, #tpu.memory_space<vmem_shared>>) target_semaphore(%run_scoped3A : memref<!tpu.dma_semaphore, #tpu.memory_space<semaphore_mem>>)
      %dma_wait3A_133 = arith.constant 0 : i32
      %dma_wait3A_134 = arith.constant 0 : i32
      %dma_wait3A_135 = tpu.memref_slice %arg9[%dma_wait3A_133, %dma_wait3A_134] : memref<128x64xf32, #tpu.memory_space<vmem>> -> memref<128x64xf32, #tpu.memory_space<vmem>>
      %dma_wait3A_136 = arith.constant 0 : i32
      %dma_wait3A_137 = tpu.memref_slice %arg26[%add3A_11, %dma_wait3A_136] : memref<10112x64xf32, #tpu.memory_space<vmem_shared>> -> memref<128x64xf32, #tpu.memory_space<vmem_shared>>
      %dma_wait3A_138 = arith.constant 0 : i32
      %dma_wait3A_139 = tpu.memref_slice %arg26[%add3A_11, %dma_wait3A_138] : memref<10112x64xf32, #tpu.memory_space<vmem_shared>> -> memref<128x64xf32, #tpu.memory_space<vmem_shared>>
      %dma_wait3A_140 = arith.constant 0 : i32
      %dma_wait3A_141 = arith.constant 0 : i32
      %dma_wait3A_142 = tpu.memref_slice %arg9[%dma_wait3A_140, %dma_wait3A_141] : memref<128x64xf32, #tpu.memory_space<vmem>> -> memref<128x64xf32, #tpu.memory_space<vmem>>
      tpu.wait_dma2 semaphore(%run_scoped3A : memref<!tpu.dma_semaphore, #tpu.memory_space<semaphore_mem>>) src(%dma_wait3A_142 : memref<128x64xf32, #tpu.memory_space<vmem>>) dst(%dma_wait3A_139 : memref<128x64xf32, #tpu.memory_space<vmem_shared>>)
      tpu.yield
    }) : () -> ()
    %mul3A_12 = arith.constant 632 : i32
    %mul3A_13 = arith.muli %arg1, %mul3A_12 : i32
    %add3A_14 = arith.constant 128 : i32
    %add3A_15 = arith.addi %mul3A_13, %add3A_14 : i32
    "tpu.region"() ({
      %run_scoped3A = tpu.sem_alloc : memref<!tpu.dma_semaphore, #tpu.memory_space<semaphore_mem>>
      %dma_start3A_123 = arith.constant 0 : i32
      %dma_start3A_124 = arith.constant 0 : i32
      %dma_start3A_125 = tpu.memref_slice %arg9[%dma_start3A_123, %dma_start3A_124] : memref<128x64xf32, #tpu.memory_space<vmem>> -> memref<128x64xf32, #tpu.memory_space<vmem>>
      %dma_start3A_126 = arith.constant 0 : i32
      %dma_start3A_127 = tpu.memref_slice %arg26[%add3A_15, %dma_start3A_126] : memref<10112x64xf32, #tpu.memory_space<vmem_shared>> -> memref<128x64xf32, #tpu.memory_space<vmem_shared>>
      %dma_start3A_128 = arith.constant 0 : i32
      %dma_start3A_129 = tpu.memref_slice %arg26[%add3A_15, %dma_start3A_128] : memref<10112x64xf32, #tpu.memory_space<vmem_shared>> -> memref<128x64xf32, #tpu.memory_space<vmem_shared>>
      %dma_start3A_130 = arith.constant 0 : i32
      %dma_start3A_131 = arith.constant 0 : i32
      %dma_start3A_132 = tpu.memref_slice %arg9[%dma_start3A_130, %dma_start3A_131] : memref<128x64xf32, #tpu.memory_space<vmem>> -> memref<128x64xf32, #tpu.memory_space<vmem>>
      tpu.enqueue_dma source(%dma_start3A_132 : memref<128x64xf32, #tpu.memory_space<vmem>>) target(%dma_start3A_129 : memref<128x64xf32, #tpu.memory_space<vmem_shared>>) target_semaphore(%run_scoped3A : memref<!tpu.dma_semaphore, #tpu.memory_space<semaphore_mem>>)
      %dma_wait3A_133 = arith.constant 0 : i32
      %dma_wait3A_134 = arith.constant 0 : i32
      %dma_wait3A_135 = tpu.memref_slice %arg9[%dma_wait3A_133, %dma_wait3A_134] : memref<128x64xf32, #tpu.memory_space<vmem>> -> memref<128x64xf32, #tpu.memory_space<vmem>>
      %dma_wait3A_136 = arith.constant 0 : i32
      %dma_wait3A_137 = tpu.memref_slice %arg26[%add3A_15, %dma_wait3A_136] : memref<10112x64xf32, #tpu.memory_space<vmem_shared>> -> memref<128x64xf32, #tpu.memory_space<vmem_shared>>
      %dma_wait3A_138 = arith.constant 0 : i32
      %dma_wait3A_139 = tpu.memref_slice %arg26[%add3A_15, %dma_wait3A_138] : memref<10112x64xf32, #tpu.memory_space<vmem_shared>> -> memref<128x64xf32, #tpu.memory_space<vmem_shared>>
      %dma_wait3A_140 = arith.constant 0 : i32
      %dma_wait3A_141 = arith.constant 0 : i32
      %dma_wait3A_142 = tpu.memref_slice %arg9[%dma_wait3A_140, %dma_wait3A_141] : memref<128x64xf32, #tpu.memory_space<vmem>> -> memref<128x64xf32, #tpu.memory_space<vmem>>
      tpu.wait_dma2 semaphore(%run_scoped3A : memref<!tpu.dma_semaphore, #tpu.memory_space<semaphore_mem>>) src(%dma_wait3A_142 : memref<128x64xf32, #tpu.memory_space<vmem>>) dst(%dma_wait3A_139 : memref<128x64xf32, #tpu.memory_space<vmem_shared>>)
      tpu.yield
    }) : () -> ()
    %mul3A_16 = arith.constant 632 : i32
    %mul3A_17 = arith.muli %arg1, %mul3A_16 : i32
    %add3A_18 = arith.constant 256 : i32
    %add3A_19 = arith.addi %mul3A_17, %add3A_18 : i32
    "tpu.region"() ({
      %run_scoped3A = tpu.sem_alloc : memref<!tpu.dma_semaphore, #tpu.memory_space<semaphore_mem>>
      %dma_start3A_123 = arith.constant 0 : i32
      %dma_start3A_124 = arith.constant 0 : i32
      %dma_start3A_125 = tpu.memref_slice %arg9[%dma_start3A_123, %dma_start3A_124] : memref<128x64xf32, #tpu.memory_space<vmem>> -> memref<128x64xf32, #tpu.memory_space<vmem>>
      %dma_start3A_126 = arith.constant 0 : i32
      %dma_start3A_127 = tpu.memref_slice %arg26[%add3A_19, %dma_start3A_126] : memref<10112x64xf32, #tpu.memory_space<vmem_shared>> -> memref<128x64xf32, #tpu.memory_space<vmem_shared>>
      %dma_start3A_128 = arith.constant 0 : i32
      %dma_start3A_129 = tpu.memref_slice %arg26[%add3A_19, %dma_start3A_128] : memref<10112x64xf32, #tpu.memory_space<vmem_shared>> -> memref<128x64xf32, #tpu.memory_space<vmem_shared>>
      %dma_start3A_130 = arith.constant 0 : i32
      %dma_start3A_131 = arith.constant 0 : i32
      %dma_start3A_132 = tpu.memref_slice %arg9[%dma_start3A_130, %dma_start3A_131] : memref<128x64xf32, #tpu.memory_space<vmem>> -> memref<128x64xf32, #tpu.memory_space<vmem>>
      tpu.enqueue_dma source(%dma_start3A_132 : memref<128x64xf32, #tpu.memory_space<vmem>>) target(%dma_start3A_129 : memref<128x64xf32, #tpu.memory_space<vmem_shared>>) target_semaphore(%run_scoped3A : memref<!tpu.dma_semaphore, #tpu.memory_space<semaphore_mem>>)
      %dma_wait3A_133 = arith.constant 0 : i32
      %dma_wait3A_134 = arith.constant 0 : i32
      %dma_wait3A_135 = tpu.memref_slice %arg9[%dma_wait3A_133, %dma_wait3A_134] : memref<128x64xf32, #tpu.memory_space<vmem>> -> memref<128x64xf32, #tpu.memory_space<vmem>>
      %dma_wait3A_136 = arith.constant 0 : i32
      %dma_wait3A_137 = tpu.memref_slice %arg26[%add3A_19, %dma_wait3A_136] : memref<10112x64xf32, #tpu.memory_space<vmem_shared>> -> memref<128x64xf32, #tpu.memory_space<vmem_shared>>
      %dma_wait3A_138 = arith.constant 0 : i32
      %dma_wait3A_139 = tpu.memref_slice %arg26[%add3A_19, %dma_wait3A_138] : memref<10112x64xf32, #tpu.memory_space<vmem_shared>> -> memref<128x64xf32, #tpu.memory_space<vmem_shared>>
      %dma_wait3A_140 = arith.constant 0 : i32
      %dma_wait3A_141 = arith.constant 0 : i32
      %dma_wait3A_142 = tpu.memref_slice %arg9[%dma_wait3A_140, %dma_wait3A_141] : memref<128x64xf32, #tpu.memory_space<vmem>> -> memref<128x64xf32, #tpu.memory_space<vmem>>
      tpu.wait_dma2 semaphore(%run_scoped3A : memref<!tpu.dma_semaphore, #tpu.memory_space<semaphore_mem>>) src(%dma_wait3A_142 : memref<128x64xf32, #tpu.memory_space<vmem>>) dst(%dma_wait3A_139 : memref<128x64xf32, #tpu.memory_space<vmem_shared>>)
      tpu.yield
    }) : () -> ()
    %mul3A_20 = arith.constant 632 : i32
    %mul3A_21 = arith.muli %arg1, %mul3A_20 : i32
    %add3A_22 = arith.constant 384 : i32
    %add3A_23 = arith.addi %mul3A_21, %add3A_22 : i32
    "tpu.region"() ({
      %run_scoped3A = tpu.sem_alloc : memref<!tpu.dma_semaphore, #tpu.memory_space<semaphore_mem>>
      %dma_start3A_123 = arith.constant 0 : i32
      %dma_start3A_124 = arith.constant 0 : i32
      %dma_start3A_125 = tpu.memref_slice %arg9[%dma_start3A_123, %dma_start3A_124] : memref<128x64xf32, #tpu.memory_space<vmem>> -> memref<128x64xf32, #tpu.memory_space<vmem>>
      %dma_start3A_126 = arith.constant 0 : i32
      %dma_start3A_127 = tpu.memref_slice %arg26[%add3A_23, %dma_start3A_126] : memref<10112x64xf32, #tpu.memory_space<vmem_shared>> -> memref<128x64xf32, #tpu.memory_space<vmem_shared>>
      %dma_start3A_128 = arith.constant 0 : i32
      %dma_start3A_129 = tpu.memref_slice %arg26[%add3A_23, %dma_start3A_128] : memref<10112x64xf32, #tpu.memory_space<vmem_shared>> -> memref<128x64xf32, #tpu.memory_space<vmem_shared>>
      %dma_start3A_130 = arith.constant 0 : i32
      %dma_start3A_131 = arith.constant 0 : i32
      %dma_start3A_132 = tpu.memref_slice %arg9[%dma_start3A_130, %dma_start3A_131] : memref<128x64xf32, #tpu.memory_space<vmem>> -> memref<128x64xf32, #tpu.memory_space<vmem>>
      tpu.enqueue_dma source(%dma_start3A_132 : memref<128x64xf32, #tpu.memory_space<vmem>>) target(%dma_start3A_129 : memref<128x64xf32, #tpu.memory_space<vmem_shared>>) target_semaphore(%run_scoped3A : memref<!tpu.dma_semaphore, #tpu.memory_space<semaphore_mem>>)
      %dma_wait3A_133 = arith.constant 0 : i32
      %dma_wait3A_134 = arith.constant 0 : i32
      %dma_wait3A_135 = tpu.memref_slice %arg9[%dma_wait3A_133, %dma_wait3A_134] : memref<128x64xf32, #tpu.memory_space<vmem>> -> memref<128x64xf32, #tpu.memory_space<vmem>>
      %dma_wait3A_136 = arith.constant 0 : i32
      %dma_wait3A_137 = tpu.memref_slice %arg26[%add3A_23, %dma_wait3A_136] : memref<10112x64xf32, #tpu.memory_space<vmem_shared>> -> memref<128x64xf32, #tpu.memory_space<vmem_shared>>
      %dma_wait3A_138 = arith.constant 0 : i32
      %dma_wait3A_139 = tpu.memref_slice %arg26[%add3A_23, %dma_wait3A_138] : memref<10112x64xf32, #tpu.memory_space<vmem_shared>> -> memref<128x64xf32, #tpu.memory_space<vmem_shared>>
      %dma_wait3A_140 = arith.constant 0 : i32
      %dma_wait3A_141 = arith.constant 0 : i32
      %dma_wait3A_142 = tpu.memref_slice %arg9[%dma_wait3A_140, %dma_wait3A_141] : memref<128x64xf32, #tpu.memory_space<vmem>> -> memref<128x64xf32, #tpu.memory_space<vmem>>
      tpu.wait_dma2 semaphore(%run_scoped3A : memref<!tpu.dma_semaphore, #tpu.memory_space<semaphore_mem>>) src(%dma_wait3A_142 : memref<128x64xf32, #tpu.memory_space<vmem>>) dst(%dma_wait3A_139 : memref<128x64xf32, #tpu.memory_space<vmem_shared>>)
      tpu.yield
    }) : () -> ()
    %mul3A_24 = arith.constant 632 : i32
    %mul3A_25 = arith.muli %arg1, %mul3A_24 : i32
    %add3A_26 = arith.constant 512 : i32
    %add3A_27 = arith.addi %mul3A_25, %add3A_26 : i32
    "tpu.region"() ({
      %run_scoped3A = tpu.sem_alloc : memref<!tpu.dma_semaphore, #tpu.memory_space<semaphore_mem>>
      %dma_start3A_123 = arith.constant 0 : i32
      %dma_start3A_124 = arith.constant 0 : i32
      %dma_start3A_125 = tpu.memref_slice %arg9[%dma_start3A_123, %dma_start3A_124] : memref<128x64xf32, #tpu.memory_space<vmem>> -> memref<120x64xf32, #tpu.memory_space<vmem>>
      %dma_start3A_126 = arith.constant 0 : i32
      %dma_start3A_127 = tpu.memref_slice %arg26[%add3A_27, %dma_start3A_126] : memref<10112x64xf32, #tpu.memory_space<vmem_shared>> -> memref<120x64xf32, #tpu.memory_space<vmem_shared>>
      %dma_start3A_128 = arith.constant 0 : i32
      %dma_start3A_129 = tpu.memref_slice %arg26[%add3A_27, %dma_start3A_128] : memref<10112x64xf32, #tpu.memory_space<vmem_shared>> -> memref<120x64xf32, #tpu.memory_space<vmem_shared>>
      %dma_start3A_130 = arith.constant 0 : i32
      %dma_start3A_131 = arith.constant 0 : i32
      %dma_start3A_132 = tpu.memref_slice %arg9[%dma_start3A_130, %dma_start3A_131] : memref<128x64xf32, #tpu.memory_space<vmem>> -> memref<120x64xf32, #tpu.memory_space<vmem>>
      tpu.enqueue_dma source(%dma_start3A_132 : memref<120x64xf32, #tpu.memory_space<vmem>>) target(%dma_start3A_129 : memref<120x64xf32, #tpu.memory_space<vmem_shared>>) target_semaphore(%run_scoped3A : memref<!tpu.dma_semaphore, #tpu.memory_space<semaphore_mem>>)
      %dma_wait3A_133 = arith.constant 0 : i32
      %dma_wait3A_134 = arith.constant 0 : i32
      %dma_wait3A_135 = tpu.memref_slice %arg9[%dma_wait3A_133, %dma_wait3A_134] : memref<128x64xf32, #tpu.memory_space<vmem>> -> memref<120x64xf32, #tpu.memory_space<vmem>>
      %dma_wait3A_136 = arith.constant 0 : i32
      %dma_wait3A_137 = tpu.memref_slice %arg26[%add3A_27, %dma_wait3A_136] : memref<10112x64xf32, #tpu.memory_space<vmem_shared>> -> memref<120x64xf32, #tpu.memory_space<vmem_shared>>
      %dma_wait3A_138 = arith.constant 0 : i32
      %dma_wait3A_139 = tpu.memref_slice %arg26[%add3A_27, %dma_wait3A_138] : memref<10112x64xf32, #tpu.memory_space<vmem_shared>> -> memref<120x64xf32, #tpu.memory_space<vmem_shared>>
      %dma_wait3A_140 = arith.constant 0 : i32
      %dma_wait3A_141 = arith.constant 0 : i32
      %dma_wait3A_142 = tpu.memref_slice %arg9[%dma_wait3A_140, %dma_wait3A_141] : memref<128x64xf32, #tpu.memory_space<vmem>> -> memref<120x64xf32, #tpu.memory_space<vmem>>
      tpu.wait_dma2 semaphore(%run_scoped3A : memref<!tpu.dma_semaphore, #tpu.memory_space<semaphore_mem>>) src(%dma_wait3A_142 : memref<120x64xf32, #tpu.memory_space<vmem>>) dst(%dma_wait3A_139 : memref<120x64xf32, #tpu.memory_space<vmem_shared>>)
      tpu.yield
    }) : () -> ()
    %add3A_28 = arith.constant 0 : i32
    %add3A_29 = arith.addi %mul3A_2, %add3A_28 : i32
    %dma_start3A = arith.constant 0 : i32
    %dma_start3A_30 = arith.constant 0 : i32
    %dma_start3A_31 = tpu.memref_slice %arg7[%dma_start3A, %dma_start3A_30] : memref<4x128xi32, #tpu.memory_space<vmem>> -> memref<1x128xi32, #tpu.memory_space<vmem>>
    %dma_start3A_32 = tpu.memref_squeeze %dma_start3A_31 : memref<1x128xi32, #tpu.memory_space<vmem>> -> memref<128xi32, #tpu.memory_space<vmem>>
    %dma_start3A_33 = tpu.memref_slice %arg3[%add3A_29] : memref<327680xi32, #tpu.memory_space<hbm>> -> memref<128xi32, #tpu.memory_space<hbm>>
    %dma_start3A_34 = arith.constant 0 : i32
    %dma_start3A_35 = tpu.memref_slice %arg7[%dma_start3A, %dma_start3A_34] : memref<4x128xi32, #tpu.memory_space<vmem>> -> memref<1x128xi32, #tpu.memory_space<vmem>>
    %dma_start3A_36 = tpu.memref_squeeze %dma_start3A_35 : memref<1x128xi32, #tpu.memory_space<vmem>> -> memref<128xi32, #tpu.memory_space<vmem>>
    %dma_start3A_37 = tpu.memref_slice %arg3[%add3A_29] : memref<327680xi32, #tpu.memory_space<hbm>> -> memref<128xi32, #tpu.memory_space<hbm>>
    tpu.enqueue_dma source(%dma_start3A_37 : memref<128xi32, #tpu.memory_space<hbm>>) target(%dma_start3A_36 : memref<128xi32, #tpu.memory_space<vmem>>) target_semaphore(%arg13 : memref<!tpu.dma_semaphore, #tpu.memory_space<semaphore_mem>>)
    %add3A_38 = arith.constant 0 : i32
    %add3A_39 = arith.addi %mul3A_2, %add3A_38 : i32
    %dma_start3A_40 = arith.constant 0 : i32
    %dma_start3A_41 = arith.constant 0 : i32
    %dma_start3A_42 = tpu.memref_slice %arg8[%dma_start3A_40, %dma_start3A_41] : memref<4x128xi32, #tpu.memory_space<vmem>> -> memref<1x128xi32, #tpu.memory_space<vmem>>
    %dma_start3A_43 = tpu.memref_squeeze %dma_start3A_42 : memref<1x128xi32, #tpu.memory_space<vmem>> -> memref<128xi32, #tpu.memory_space<vmem>>
    %dma_start3A_44 = tpu.memref_slice %arg4[%add3A_39] : memref<327680xi32, #tpu.memory_space<hbm>> -> memref<128xi32, #tpu.memory_space<hbm>>
    %dma_start3A_45 = arith.constant 0 : i32
    %dma_start3A_46 = tpu.memref_slice %arg8[%dma_start3A_40, %dma_start3A_45] : memref<4x128xi32, #tpu.memory_space<vmem>> -> memref<1x128xi32, #tpu.memory_space<vmem>>
    %dma_start3A_47 = tpu.memref_squeeze %dma_start3A_46 : memref<1x128xi32, #tpu.memory_space<vmem>> -> memref<128xi32, #tpu.memory_space<vmem>>
    %dma_start3A_48 = tpu.memref_slice %arg4[%add3A_39] : memref<327680xi32, #tpu.memory_space<hbm>> -> memref<128xi32, #tpu.memory_space<hbm>>
    tpu.enqueue_dma source(%dma_start3A_48 : memref<128xi32, #tpu.memory_space<hbm>>) target(%dma_start3A_47 : memref<128xi32, #tpu.memory_space<vmem>>) target_semaphore(%arg13 : memref<!tpu.dma_semaphore, #tpu.memory_space<semaphore_mem>>)
    %add3A_49 = arith.constant 128 : i32
    %add3A_50 = arith.addi %mul3A_2, %add3A_49 : i32
    %dma_start3A_51 = arith.constant 1 : i32
    %dma_start3A_52 = arith.constant 0 : i32
    %dma_start3A_53 = tpu.memref_slice %arg7[%dma_start3A_51, %dma_start3A_52] : memref<4x128xi32, #tpu.memory_space<vmem>> -> memref<1x128xi32, #tpu.memory_space<vmem>>
    %dma_start3A_54 = tpu.memref_squeeze %dma_start3A_53 : memref<1x128xi32, #tpu.memory_space<vmem>> -> memref<128xi32, #tpu.memory_space<vmem>>
    %dma_start3A_55 = tpu.memref_slice %arg3[%add3A_50] : memref<327680xi32, #tpu.memory_space<hbm>> -> memref<128xi32, #tpu.memory_space<hbm>>
    %dma_start3A_56 = arith.constant 0 : i32
    %dma_start3A_57 = tpu.memref_slice %arg7[%dma_start3A_51, %dma_start3A_56] : memref<4x128xi32, #tpu.memory_space<vmem>> -> memref<1x128xi32, #tpu.memory_space<vmem>>
    %dma_start3A_58 = tpu.memref_squeeze %dma_start3A_57 : memref<1x128xi32, #tpu.memory_space<vmem>> -> memref<128xi32, #tpu.memory_space<vmem>>
    %dma_start3A_59 = tpu.memref_slice %arg3[%add3A_50] : memref<327680xi32, #tpu.memory_space<hbm>> -> memref<128xi32, #tpu.memory_space<hbm>>
    tpu.enqueue_dma source(%dma_start3A_59 : memref<128xi32, #tpu.memory_space<hbm>>) target(%dma_start3A_58 : memref<128xi32, #tpu.memory_space<vmem>>) target_semaphore(%arg14 : memref<!tpu.dma_semaphore, #tpu.memory_space<semaphore_mem>>)
    %add3A_60 = arith.constant 128 : i32
    %add3A_61 = arith.addi %mul3A_2, %add3A_60 : i32
    %dma_start3A_62 = arith.constant 1 : i32
    %dma_start3A_63 = arith.constant 0 : i32
    %dma_start3A_64 = tpu.memref_slice %arg8[%dma_start3A_62, %dma_start3A_63] : memref<4x128xi32, #tpu.memory_space<vmem>> -> memref<1x128xi32, #tpu.memory_space<vmem>>
    %dma_start3A_65 = tpu.memref_squeeze %dma_start3A_64 : memref<1x128xi32, #tpu.memory_space<vmem>> -> memref<128xi32, #tpu.memory_space<vmem>>
    %dma_start3A_66 = tpu.memref_slice %arg4[%add3A_61] : memref<327680xi32, #tpu.memory_space<hbm>> -> memref<128xi32, #tpu.memory_space<hbm>>
    %dma_start3A_67 = arith.constant 0 : i32
    %dma_start3A_68 = tpu.memref_slice %arg8[%dma_start3A_62, %dma_start3A_67] : memref<4x128xi32, #tpu.memory_space<vmem>> -> memref<1x128xi32, #tpu.memory_space<vmem>>
    %dma_start3A_69 = tpu.memref_squeeze %dma_start3A_68 : memref<1x128xi32, #tpu.memory_space<vmem>> -> memref<128xi32, #tpu.memory_space<vmem>>
    %dma_start3A_70 = tpu.memref_slice %arg4[%add3A_61] : memref<327680xi32, #tpu.memory_space<hbm>> -> memref<128xi32, #tpu.memory_space<hbm>>
    tpu.enqueue_dma source(%dma_start3A_70 : memref<128xi32, #tpu.memory_space<hbm>>) target(%dma_start3A_69 : memref<128xi32, #tpu.memory_space<vmem>>) target_semaphore(%arg14 : memref<!tpu.dma_semaphore, #tpu.memory_space<semaphore_mem>>)
    %barrier3A = arith.constant 0 : index
    tpu.barrier barrier_id(%barrier3A)
    %dma_wait3A = arith.constant 0 : i32
    %dma_wait3A_71 = arith.constant 0 : i32
    %dma_wait3A_72 = tpu.memref_slice %arg7[%dma_wait3A, %dma_wait3A_71] : memref<4x128xi32, #tpu.memory_space<vmem>> -> memref<1x128xi32, #tpu.memory_space<vmem>>
    %dma_wait3A_73 = tpu.memref_squeeze %dma_wait3A_72 : memref<1x128xi32, #tpu.memory_space<vmem>> -> memref<128xi32, #tpu.memory_space<vmem>>
    %dma_wait3A_74 = arith.constant 0 : i32
    %dma_wait3A_75 = tpu.memref_slice %arg3[%dma_wait3A_74] : memref<327680xi32, #tpu.memory_space<hbm>> -> memref<128xi32, #tpu.memory_space<hbm>>
    %dma_wait3A_76 = arith.constant 0 : i32
    %dma_wait3A_77 = tpu.memref_slice %arg7[%dma_wait3A, %dma_wait3A_76] : memref<4x128xi32, #tpu.memory_space<vmem>> -> memref<1x128xi32, #tpu.memory_space<vmem>>
    %dma_wait3A_78 = tpu.memref_squeeze %dma_wait3A_77 : memref<1x128xi32, #tpu.memory_space<vmem>> -> memref<128xi32, #tpu.memory_space<vmem>>
    %dma_wait3A_79 = arith.constant 0 : i32
    %dma_wait3A_80 = tpu.memref_slice %arg3[%dma_wait3A_79] : memref<327680xi32, #tpu.memory_space<hbm>> -> memref<128xi32, #tpu.memory_space<hbm>>
    tpu.wait_dma2 semaphore(%arg13 : memref<!tpu.dma_semaphore, #tpu.memory_space<semaphore_mem>>) src(%dma_wait3A_80 : memref<128xi32, #tpu.memory_space<hbm>>) dst(%dma_wait3A_78 : memref<128xi32, #tpu.memory_space<vmem>>)
    %dma_wait3A_81 = arith.constant 0 : i32
    %dma_wait3A_82 = arith.constant 0 : i32
    %dma_wait3A_83 = tpu.memref_slice %arg8[%dma_wait3A_81, %dma_wait3A_82] : memref<4x128xi32, #tpu.memory_space<vmem>> -> memref<1x128xi32, #tpu.memory_space<vmem>>
    %dma_wait3A_84 = tpu.memref_squeeze %dma_wait3A_83 : memref<1x128xi32, #tpu.memory_space<vmem>> -> memref<128xi32, #tpu.memory_space<vmem>>
    %dma_wait3A_85 = arith.constant 0 : i32
    %dma_wait3A_86 = tpu.memref_slice %arg4[%dma_wait3A_85] : memref<327680xi32, #tpu.memory_space<hbm>> -> memref<128xi32, #tpu.memory_space<hbm>>
    %dma_wait3A_87 = arith.constant 0 : i32
    %dma_wait3A_88 = tpu.memref_slice %arg8[%dma_wait3A_81, %dma_wait3A_87] : memref<4x128xi32, #tpu.memory_space<vmem>> -> memref<1x128xi32, #tpu.memory_space<vmem>>
    %dma_wait3A_89 = tpu.memref_squeeze %dma_wait3A_88 : memref<1x128xi32, #tpu.memory_space<vmem>> -> memref<128xi32, #tpu.memory_space<vmem>>
    %dma_wait3A_90 = arith.constant 0 : i32
    %dma_wait3A_91 = tpu.memref_slice %arg4[%dma_wait3A_90] : memref<327680xi32, #tpu.memory_space<hbm>> -> memref<128xi32, #tpu.memory_space<hbm>>
    tpu.wait_dma2 semaphore(%arg13 : memref<!tpu.dma_semaphore, #tpu.memory_space<semaphore_mem>>) src(%dma_wait3A_91 : memref<128xi32, #tpu.memory_space<hbm>>) dst(%dma_wait3A_89 : memref<128xi32, #tpu.memory_space<vmem>>)
    %dma_start3A_92 = arith.constant 0 : i32
    %dma_start3A_93 = arith.constant 0 : i32
    %dma_start3A_94 = tpu.memref_slice %arg7[%dma_start3A_92, %dma_start3A_93] : memref<4x128xi32, #tpu.memory_space<vmem>> -> memref<1x128xi32, #tpu.memory_space<vmem>>
    %dma_start3A_95 = tpu.memref_squeeze %dma_start3A_94 : memref<1x128xi32, #tpu.memory_space<vmem>> -> memref<128xi32, #tpu.memory_space<vmem>>
    %dma_start3A_96 = arith.constant 0 : i32
    %dma_start3A_97 = arith.constant 0 : i32
    %dma_start3A_98 = tpu.memref_slice %arg25[%dma_start3A_96, %dma_start3A_97] : memref<10112x64xf32, #tpu.memory_space<vmem_shared>> -> memref<10112x64xf32, #tpu.memory_space<vmem_shared>>
    tpu.enqueue_indirect_dma source(%dma_start3A_98 : memref<10112x64xf32, #tpu.memory_space<vmem_shared>>) target(%arg9 : memref<128x64xf32, #tpu.memory_space<vmem>>) offsets(%dma_start3A_95 : memref<128xi32, #tpu.memory_space<vmem>>) semaphore(%arg17 : memref<!tpu.dma_semaphore, #tpu.memory_space<semaphore_mem>>)
    %scan3A = arith.constant 0 : i32
    %scan3A_99 = arith.constant 0 : i32
    %scan3A_100 = arith.constant 40 : i32
    %scan3A_101 = arith.addi %scan3A_99, %scan3A_100 : i32
    %scan3A_102 = arith.constant 1 : i32
    scf.for %scan3A_123 = %scan3A_99 to %scan3A_101 step %scan3A_102  : i32 {
      %mul3A_124 = arith.constant 4 : i32
      %mul3A_125 = arith.muli %scan3A_123, %mul3A_124 : i32
      %add3A_126 = arith.constant 0 : i32
      %add3A_127 = arith.addi %mul3A_125, %add3A_126 : i32
      %ge3A = arith.constant 2 : i32
      %ge3A_128 = arith.cmpi sge, %add3A_127, %ge3A : i32
      %convert_element_type3A = arith.extui %ge3A_128 : i1 to i32
      %cond3A = arith.constant 0 : i32
      %cond3A_129 = arith.cmpi ne, %convert_element_type3A, %cond3A : i32
      scf.if %cond3A_129 {
        %dma_wait3A_272 = arith.constant 0 : i32
        %dma_wait3A_273 = arith.constant 0 : i32
        %dma_wait3A_274 = tpu.memref_slice %arg8[%dma_wait3A_272, %dma_wait3A_273] : memref<4x128xi32, #tpu.memory_space<vmem>> -> memref<1x128xi32, #tpu.memory_space<vmem>>
        %dma_wait3A_275 = tpu.memref_squeeze %dma_wait3A_274 : memref<1x128xi32, #tpu.memory_space<vmem>> -> memref<128xi32, #tpu.memory_space<vmem>>
        %dma_wait3A_276 = arith.constant 0 : i32
        %dma_wait3A_277 = arith.constant 0 : i32
        %dma_wait3A_278 = tpu.memref_slice %arg26[%dma_wait3A_276, %dma_wait3A_277] : memref<10112x64xf32, #tpu.memory_space<vmem_shared>> -> memref<10112x64xf32, #tpu.memory_space<vmem_shared>>
        tpu.wait_indirect_dma semaphore(%arg23 : memref<!tpu.dma_semaphore, #tpu.memory_space<semaphore_mem>>) src(%arg11 : memref<128x64xf32, #tpu.memory_space<vmem>>) dst(%dma_wait3A_278 : memref<10112x64xf32, #tpu.memory_space<vmem_shared>>)
      } else {
      }
      %add3A_130 = arith.constant 2 : i32
      %add3A_131 = arith.addi %add3A_127, %add3A_130 : i32
      %lt3A = arith.constant 160 : i32
      %lt3A_132 = arith.cmpi slt, %add3A_131, %lt3A : i32
      %convert_element_type3A_133 = arith.extui %lt3A_132 : i1 to i32
      %cond3A_134 = arith.constant 0 : i32
      %cond3A_135 = arith.cmpi ne, %convert_element_type3A_133, %cond3A_134 : i32
      scf.if %cond3A_135 {
        %add3A_272 = arith.constant 2 : i32
        %add3A_273 = arith.addi %add3A_127, %add3A_272 : i32
        %mul3A_274 = arith.constant 128 : i32
        %mul3A_275 = arith.muli %add3A_273, %mul3A_274 : i32
        %add3A_276 = arith.addi %mul3A_2, %mul3A_275 : i32
        %dma_start3A_277 = arith.constant 2 : i32
        %dma_start3A_278 = arith.constant 0 : i32
        %dma_start3A_279 = tpu.memref_slice %arg7[%dma_start3A_277, %dma_start3A_278] : memref<4x128xi32, #tpu.memory_space<vmem>> -> memref<1x128xi32, #tpu.memory_space<vmem>>
        %dma_start3A_280 = tpu.memref_squeeze %dma_start3A_279 : memref<1x128xi32, #tpu.memory_space<vmem>> -> memref<128xi32, #tpu.memory_space<vmem>>
        %dma_start3A_281 = tpu.memref_slice %arg3[%add3A_276] : memref<327680xi32, #tpu.memory_space<hbm>> -> memref<128xi32, #tpu.memory_space<hbm>>
        %dma_start3A_282 = arith.constant 0 : i32
        %dma_start3A_283 = tpu.memref_slice %arg7[%dma_start3A_277, %dma_start3A_282] : memref<4x128xi32, #tpu.memory_space<vmem>> -> memref<1x128xi32, #tpu.memory_space<vmem>>
        %dma_start3A_284 = tpu.memref_squeeze %dma_start3A_283 : memref<1x128xi32, #tpu.memory_space<vmem>> -> memref<128xi32, #tpu.memory_space<vmem>>
        %dma_start3A_285 = tpu.memref_slice %arg3[%add3A_276] : memref<327680xi32, #tpu.memory_space<hbm>> -> memref<128xi32, #tpu.memory_space<hbm>>
        tpu.enqueue_dma source(%dma_start3A_285 : memref<128xi32, #tpu.memory_space<hbm>>) target(%dma_start3A_284 : memref<128xi32, #tpu.memory_space<vmem>>) target_semaphore(%arg15 : memref<!tpu.dma_semaphore, #tpu.memory_space<semaphore_mem>>)
        %mul3A_286 = arith.constant 128 : i32
        %mul3A_287 = arith.muli %add3A_273, %mul3A_286 : i32
        %add3A_288 = arith.addi %mul3A_2, %mul3A_287 : i32
        %dma_start3A_289 = arith.constant 2 : i32
        %dma_start3A_290 = arith.constant 0 : i32
        %dma_start3A_291 = tpu.memref_slice %arg8[%dma_start3A_289, %dma_start3A_290] : memref<4x128xi32, #tpu.memory_space<vmem>> -> memref<1x128xi32, #tpu.memory_space<vmem>>
        %dma_start3A_292 = tpu.memref_squeeze %dma_start3A_291 : memref<1x128xi32, #tpu.memory_space<vmem>> -> memref<128xi32, #tpu.memory_space<vmem>>
        %dma_start3A_293 = tpu.memref_slice %arg4[%add3A_288] : memref<327680xi32, #tpu.memory_space<hbm>> -> memref<128xi32, #tpu.memory_space<hbm>>
        %dma_start3A_294 = arith.constant 0 : i32
        %dma_start3A_295 = tpu.memref_slice %arg8[%dma_start3A_289, %dma_start3A_294] : memref<4x128xi32, #tpu.memory_space<vmem>> -> memref<1x128xi32, #tpu.memory_space<vmem>>
        %dma_start3A_296 = tpu.memref_squeeze %dma_start3A_295 : memref<1x128xi32, #tpu.memory_space<vmem>> -> memref<128xi32, #tpu.memory_space<vmem>>
        %dma_start3A_297 = tpu.memref_slice %arg4[%add3A_288] : memref<327680xi32, #tpu.memory_space<hbm>> -> memref<128xi32, #tpu.memory_space<hbm>>
        tpu.enqueue_dma source(%dma_start3A_297 : memref<128xi32, #tpu.memory_space<hbm>>) target(%dma_start3A_296 : memref<128xi32, #tpu.memory_space<vmem>>) target_semaphore(%arg15 : memref<!tpu.dma_semaphore, #tpu.memory_space<semaphore_mem>>)
      } else {
      }
      %add3A_136 = arith.constant 1 : i32
      %add3A_137 = arith.addi %add3A_127, %add3A_136 : i32
      %lt3A_138 = arith.constant 160 : i32
      %lt3A_139 = arith.cmpi slt, %add3A_137, %lt3A_138 : i32
      %convert_element_type3A_140 = arith.extui %lt3A_139 : i1 to i32
      %cond3A_141 = arith.constant 0 : i32
      %cond3A_142 = arith.cmpi ne, %convert_element_type3A_140, %cond3A_141 : i32
      scf.if %cond3A_142 {
        %dma_wait3A_272 = arith.constant 1 : i32
        %dma_wait3A_273 = arith.constant 0 : i32
        %dma_wait3A_274 = tpu.memref_slice %arg7[%dma_wait3A_272, %dma_wait3A_273] : memref<4x128xi32, #tpu.memory_space<vmem>> -> memref<1x128xi32, #tpu.memory_space<vmem>>
        %dma_wait3A_275 = tpu.memref_squeeze %dma_wait3A_274 : memref<1x128xi32, #tpu.memory_space<vmem>> -> memref<128xi32, #tpu.memory_space<vmem>>
        %dma_wait3A_276 = arith.constant 0 : i32
        %dma_wait3A_277 = tpu.memref_slice %arg3[%dma_wait3A_276] : memref<327680xi32, #tpu.memory_space<hbm>> -> memref<128xi32, #tpu.memory_space<hbm>>
        %dma_wait3A_278 = arith.constant 0 : i32
        %dma_wait3A_279 = tpu.memref_slice %arg7[%dma_wait3A_272, %dma_wait3A_278] : memref<4x128xi32, #tpu.memory_space<vmem>> -> memref<1x128xi32, #tpu.memory_space<vmem>>
        %dma_wait3A_280 = tpu.memref_squeeze %dma_wait3A_279 : memref<1x128xi32, #tpu.memory_space<vmem>> -> memref<128xi32, #tpu.memory_space<vmem>>
        %dma_wait3A_281 = arith.constant 0 : i32
        %dma_wait3A_282 = tpu.memref_slice %arg3[%dma_wait3A_281] : memref<327680xi32, #tpu.memory_space<hbm>> -> memref<128xi32, #tpu.memory_space<hbm>>
        tpu.wait_dma2 semaphore(%arg14 : memref<!tpu.dma_semaphore, #tpu.memory_space<semaphore_mem>>) src(%dma_wait3A_282 : memref<128xi32, #tpu.memory_space<hbm>>) dst(%dma_wait3A_280 : memref<128xi32, #tpu.memory_space<vmem>>)
        %dma_wait3A_283 = arith.constant 1 : i32
        %dma_wait3A_284 = arith.constant 0 : i32
        %dma_wait3A_285 = tpu.memref_slice %arg8[%dma_wait3A_283, %dma_wait3A_284] : memref<4x128xi32, #tpu.memory_space<vmem>> -> memref<1x128xi32, #tpu.memory_space<vmem>>
        %dma_wait3A_286 = tpu.memref_squeeze %dma_wait3A_285 : memref<1x128xi32, #tpu.memory_space<vmem>> -> memref<128xi32, #tpu.memory_space<vmem>>
        %dma_wait3A_287 = arith.constant 0 : i32
        %dma_wait3A_288 = tpu.memref_slice %arg4[%dma_wait3A_287] : memref<327680xi32, #tpu.memory_space<hbm>> -> memref<128xi32, #tpu.memory_space<hbm>>
        %dma_wait3A_289 = arith.constant 0 : i32
        %dma_wait3A_290 = tpu.memref_slice %arg8[%dma_wait3A_283, %dma_wait3A_289] : memref<4x128xi32, #tpu.memory_space<vmem>> -> memref<1x128xi32, #tpu.memory_space<vmem>>
        %dma_wait3A_291 = tpu.memref_squeeze %dma_wait3A_290 : memref<1x128xi32, #tpu.memory_space<vmem>> -> memref<128xi32, #tpu.memory_space<vmem>>
        %dma_wait3A_292 = arith.constant 0 : i32
        %dma_wait3A_293 = tpu.memref_slice %arg4[%dma_wait3A_292] : memref<327680xi32, #tpu.memory_space<hbm>> -> memref<128xi32, #tpu.memory_space<hbm>>
        tpu.wait_dma2 semaphore(%arg14 : memref<!tpu.dma_semaphore, #tpu.memory_space<semaphore_mem>>) src(%dma_wait3A_293 : memref<128xi32, #tpu.memory_space<hbm>>) dst(%dma_wait3A_291 : memref<128xi32, #tpu.memory_space<vmem>>)
        %dma_start3A_294 = arith.constant 1 : i32
        %dma_start3A_295 = arith.constant 0 : i32
        %dma_start3A_296 = tpu.memref_slice %arg7[%dma_start3A_294, %dma_start3A_295] : memref<4x128xi32, #tpu.memory_space<vmem>> -> memref<1x128xi32, #tpu.memory_space<vmem>>
        %dma_start3A_297 = tpu.memref_squeeze %dma_start3A_296 : memref<1x128xi32, #tpu.memory_space<vmem>> -> memref<128xi32, #tpu.memory_space<vmem>>
        %dma_start3A_298 = arith.constant 0 : i32
        %dma_start3A_299 = arith.constant 0 : i32
        %dma_start3A_300 = tpu.memref_slice %arg25[%dma_start3A_298, %dma_start3A_299] : memref<10112x64xf32, #tpu.memory_space<vmem_shared>> -> memref<10112x64xf32, #tpu.memory_space<vmem_shared>>
        tpu.enqueue_indirect_dma source(%dma_start3A_300 : memref<10112x64xf32, #tpu.memory_space<vmem_shared>>) target(%arg10 : memref<128x64xf32, #tpu.memory_space<vmem>>) offsets(%dma_start3A_297 : memref<128xi32, #tpu.memory_space<vmem>>) semaphore(%arg18 : memref<!tpu.dma_semaphore, #tpu.memory_space<semaphore_mem>>)
      } else {
      }
      %dma_wait3A_143 = arith.constant 0 : i32
      %dma_wait3A_144 = arith.constant 0 : i32
      %dma_wait3A_145 = tpu.memref_slice %arg7[%dma_wait3A_143, %dma_wait3A_144] : memref<4x128xi32, #tpu.memory_space<vmem>> -> memref<1x128xi32, #tpu.memory_space<vmem>>
      %dma_wait3A_146 = tpu.memref_squeeze %dma_wait3A_145 : memref<1x128xi32, #tpu.memory_space<vmem>> -> memref<128xi32, #tpu.memory_space<vmem>>
      %dma_wait3A_147 = arith.constant 0 : i32
      %dma_wait3A_148 = arith.constant 0 : i32
      %dma_wait3A_149 = tpu.memref_slice %arg25[%dma_wait3A_147, %dma_wait3A_148] : memref<10112x64xf32, #tpu.memory_space<vmem_shared>> -> memref<10112x64xf32, #tpu.memory_space<vmem_shared>>
      tpu.wait_indirect_dma semaphore(%arg17 : memref<!tpu.dma_semaphore, #tpu.memory_space<semaphore_mem>>) src(%dma_wait3A_149 : memref<10112x64xf32, #tpu.memory_space<vmem_shared>>) dst(%arg9 : memref<128x64xf32, #tpu.memory_space<vmem>>)
      %dma_start3A_150 = arith.constant 0 : i32
      %dma_start3A_151 = arith.constant 0 : i32
      %dma_start3A_152 = tpu.memref_slice %arg8[%dma_start3A_150, %dma_start3A_151] : memref<4x128xi32, #tpu.memory_space<vmem>> -> memref<1x128xi32, #tpu.memory_space<vmem>>
      %dma_start3A_153 = tpu.memref_squeeze %dma_start3A_152 : memref<1x128xi32, #tpu.memory_space<vmem>> -> memref<128xi32, #tpu.memory_space<vmem>>
      %dma_start3A_154 = arith.constant 0 : i32
      %dma_start3A_155 = arith.constant 0 : i32
      %dma_start3A_156 = tpu.memref_slice %arg26[%dma_start3A_154, %dma_start3A_155] : memref<10112x64xf32, #tpu.memory_space<vmem_shared>> -> memref<10112x64xf32, #tpu.memory_space<vmem_shared>>
      tpu.enqueue_indirect_dma source(%arg9 : memref<128x64xf32, #tpu.memory_space<vmem>>) target(%dma_start3A_156 : memref<10112x64xf32, #tpu.memory_space<vmem_shared>>) offsets(%dma_start3A_153 : memref<128xi32, #tpu.memory_space<vmem>>) semaphore(%arg21 : memref<!tpu.dma_semaphore, #tpu.memory_space<semaphore_mem>>) {add = true}
      %mul3A_157 = arith.constant 4 : i32
      %mul3A_158 = arith.muli %scan3A_123, %mul3A_157 : i32
      %add3A_159 = arith.constant 1 : i32
      %add3A_160 = arith.addi %mul3A_158, %add3A_159 : i32
      %ge3A_161 = arith.constant 2 : i32
      %ge3A_162 = arith.cmpi sge, %add3A_160, %ge3A_161 : i32
      %convert_element_type3A_163 = arith.extui %ge3A_162 : i1 to i32
      %cond3A_164 = arith.constant 0 : i32
      %cond3A_165 = arith.cmpi ne, %convert_element_type3A_163, %cond3A_164 : i32
      scf.if %cond3A_165 {
        %dma_wait3A_272 = arith.constant 0 : i32
        %dma_wait3A_273 = arith.constant 0 : i32
        %dma_wait3A_274 = tpu.memref_slice %arg8[%dma_wait3A_272, %dma_wait3A_273] : memref<4x128xi32, #tpu.memory_space<vmem>> -> memref<1x128xi32, #tpu.memory_space<vmem>>
        %dma_wait3A_275 = tpu.memref_squeeze %dma_wait3A_274 : memref<1x128xi32, #tpu.memory_space<vmem>> -> memref<128xi32, #tpu.memory_space<vmem>>
        %dma_wait3A_276 = arith.constant 0 : i32
        %dma_wait3A_277 = arith.constant 0 : i32
        %dma_wait3A_278 = tpu.memref_slice %arg26[%dma_wait3A_276, %dma_wait3A_277] : memref<10112x64xf32, #tpu.memory_space<vmem_shared>> -> memref<10112x64xf32, #tpu.memory_space<vmem_shared>>
        tpu.wait_indirect_dma semaphore(%arg24 : memref<!tpu.dma_semaphore, #tpu.memory_space<semaphore_mem>>) src(%arg12 : memref<128x64xf32, #tpu.memory_space<vmem>>) dst(%dma_wait3A_278 : memref<10112x64xf32, #tpu.memory_space<vmem_shared>>)
      } else {
      }
      %add3A_166 = arith.constant 2 : i32
      %add3A_167 = arith.addi %add3A_160, %add3A_166 : i32
      %lt3A_168 = arith.constant 160 : i32
      %lt3A_169 = arith.cmpi slt, %add3A_167, %lt3A_168 : i32
      %convert_element_type3A_170 = arith.extui %lt3A_169 : i1 to i32
      %cond3A_171 = arith.constant 0 : i32
      %cond3A_172 = arith.cmpi ne, %convert_element_type3A_170, %cond3A_171 : i32
      scf.if %cond3A_172 {
        %add3A_272 = arith.constant 2 : i32
        %add3A_273 = arith.addi %add3A_160, %add3A_272 : i32
        %mul3A_274 = arith.constant 128 : i32
        %mul3A_275 = arith.muli %add3A_273, %mul3A_274 : i32
        %add3A_276 = arith.addi %mul3A_2, %mul3A_275 : i32
        %dma_start3A_277 = arith.constant 3 : i32
        %dma_start3A_278 = arith.constant 0 : i32
        %dma_start3A_279 = tpu.memref_slice %arg7[%dma_start3A_277, %dma_start3A_278] : memref<4x128xi32, #tpu.memory_space<vmem>> -> memref<1x128xi32, #tpu.memory_space<vmem>>
        %dma_start3A_280 = tpu.memref_squeeze %dma_start3A_279 : memref<1x128xi32, #tpu.memory_space<vmem>> -> memref<128xi32, #tpu.memory_space<vmem>>
        %dma_start3A_281 = tpu.memref_slice %arg3[%add3A_276] : memref<327680xi32, #tpu.memory_space<hbm>> -> memref<128xi32, #tpu.memory_space<hbm>>
        %dma_start3A_282 = arith.constant 0 : i32
        %dma_start3A_283 = tpu.memref_slice %arg7[%dma_start3A_277, %dma_start3A_282] : memref<4x128xi32, #tpu.memory_space<vmem>> -> memref<1x128xi32, #tpu.memory_space<vmem>>
        %dma_start3A_284 = tpu.memref_squeeze %dma_start3A_283 : memref<1x128xi32, #tpu.memory_space<vmem>> -> memref<128xi32, #tpu.memory_space<vmem>>
        %dma_start3A_285 = tpu.memref_slice %arg3[%add3A_276] : memref<327680xi32, #tpu.memory_space<hbm>> -> memref<128xi32, #tpu.memory_space<hbm>>
        tpu.enqueue_dma source(%dma_start3A_285 : memref<128xi32, #tpu.memory_space<hbm>>) target(%dma_start3A_284 : memref<128xi32, #tpu.memory_space<vmem>>) target_semaphore(%arg16 : memref<!tpu.dma_semaphore, #tpu.memory_space<semaphore_mem>>)
        %mul3A_286 = arith.constant 128 : i32
        %mul3A_287 = arith.muli %add3A_273, %mul3A_286 : i32
        %add3A_288 = arith.addi %mul3A_2, %mul3A_287 : i32
        %dma_start3A_289 = arith.constant 3 : i32
        %dma_start3A_290 = arith.constant 0 : i32
        %dma_start3A_291 = tpu.memref_slice %arg8[%dma_start3A_289, %dma_start3A_290] : memref<4x128xi32, #tpu.memory_space<vmem>> -> memref<1x128xi32, #tpu.memory_space<vmem>>
        %dma_start3A_292 = tpu.memref_squeeze %dma_start3A_291 : memref<1x128xi32, #tpu.memory_space<vmem>> -> memref<128xi32, #tpu.memory_space<vmem>>
        %dma_start3A_293 = tpu.memref_slice %arg4[%add3A_288] : memref<327680xi32, #tpu.memory_space<hbm>> -> memref<128xi32, #tpu.memory_space<hbm>>
        %dma_start3A_294 = arith.constant 0 : i32
        %dma_start3A_295 = tpu.memref_slice %arg8[%dma_start3A_289, %dma_start3A_294] : memref<4x128xi32, #tpu.memory_space<vmem>> -> memref<1x128xi32, #tpu.memory_space<vmem>>
        %dma_start3A_296 = tpu.memref_squeeze %dma_start3A_295 : memref<1x128xi32, #tpu.memory_space<vmem>> -> memref<128xi32, #tpu.memory_space<vmem>>
        %dma_start3A_297 = tpu.memref_slice %arg4[%add3A_288] : memref<327680xi32, #tpu.memory_space<hbm>> -> memref<128xi32, #tpu.memory_space<hbm>>
        tpu.enqueue_dma source(%dma_start3A_297 : memref<128xi32, #tpu.memory_space<hbm>>) target(%dma_start3A_296 : memref<128xi32, #tpu.memory_space<vmem>>) target_semaphore(%arg16 : memref<!tpu.dma_semaphore, #tpu.memory_space<semaphore_mem>>)
      } else {
      }
      %add3A_173 = arith.constant 1 : i32
      %add3A_174 = arith.addi %add3A_160, %add3A_173 : i32
      %lt3A_175 = arith.constant 160 : i32
      %lt3A_176 = arith.cmpi slt, %add3A_174, %lt3A_175 : i32
      %convert_element_type3A_177 = arith.extui %lt3A_176 : i1 to i32
      %cond3A_178 = arith.constant 0 : i32
      %cond3A_179 = arith.cmpi ne, %convert_element_type3A_177, %cond3A_178 : i32
      scf.if %cond3A_179 {
        %dma_wait3A_272 = arith.constant 2 : i32
        %dma_wait3A_273 = arith.constant 0 : i32
        %dma_wait3A_274 = tpu.memref_slice %arg7[%dma_wait3A_272, %dma_wait3A_273] : memref<4x128xi32, #tpu.memory_space<vmem>> -> memref<1x128xi32, #tpu.memory_space<vmem>>
        %dma_wait3A_275 = tpu.memref_squeeze %dma_wait3A_274 : memref<1x128xi32, #tpu.memory_space<vmem>> -> memref<128xi32, #tpu.memory_space<vmem>>
        %dma_wait3A_276 = arith.constant 0 : i32
        %dma_wait3A_277 = tpu.memref_slice %arg3[%dma_wait3A_276] : memref<327680xi32, #tpu.memory_space<hbm>> -> memref<128xi32, #tpu.memory_space<hbm>>
        %dma_wait3A_278 = arith.constant 0 : i32
        %dma_wait3A_279 = tpu.memref_slice %arg7[%dma_wait3A_272, %dma_wait3A_278] : memref<4x128xi32, #tpu.memory_space<vmem>> -> memref<1x128xi32, #tpu.memory_space<vmem>>
        %dma_wait3A_280 = tpu.memref_squeeze %dma_wait3A_279 : memref<1x128xi32, #tpu.memory_space<vmem>> -> memref<128xi32, #tpu.memory_space<vmem>>
        %dma_wait3A_281 = arith.constant 0 : i32
        %dma_wait3A_282 = tpu.memref_slice %arg3[%dma_wait3A_281] : memref<327680xi32, #tpu.memory_space<hbm>> -> memref<128xi32, #tpu.memory_space<hbm>>
        tpu.wait_dma2 semaphore(%arg15 : memref<!tpu.dma_semaphore, #tpu.memory_space<semaphore_mem>>) src(%dma_wait3A_282 : memref<128xi32, #tpu.memory_space<hbm>>) dst(%dma_wait3A_280 : memref<128xi32, #tpu.memory_space<vmem>>)
        %dma_wait3A_283 = arith.constant 2 : i32
        %dma_wait3A_284 = arith.constant 0 : i32
        %dma_wait3A_285 = tpu.memref_slice %arg8[%dma_wait3A_283, %dma_wait3A_284] : memref<4x128xi32, #tpu.memory_space<vmem>> -> memref<1x128xi32, #tpu.memory_space<vmem>>
        %dma_wait3A_286 = tpu.memref_squeeze %dma_wait3A_285 : memref<1x128xi32, #tpu.memory_space<vmem>> -> memref<128xi32, #tpu.memory_space<vmem>>
        %dma_wait3A_287 = arith.constant 0 : i32
        %dma_wait3A_288 = tpu.memref_slice %arg4[%dma_wait3A_287] : memref<327680xi32, #tpu.memory_space<hbm>> -> memref<128xi32, #tpu.memory_space<hbm>>
        %dma_wait3A_289 = arith.constant 0 : i32
        %dma_wait3A_290 = tpu.memref_slice %arg8[%dma_wait3A_283, %dma_wait3A_289] : memref<4x128xi32, #tpu.memory_space<vmem>> -> memref<1x128xi32, #tpu.memory_space<vmem>>
        %dma_wait3A_291 = tpu.memref_squeeze %dma_wait3A_290 : memref<1x128xi32, #tpu.memory_space<vmem>> -> memref<128xi32, #tpu.memory_space<vmem>>
        %dma_wait3A_292 = arith.constant 0 : i32
        %dma_wait3A_293 = tpu.memref_slice %arg4[%dma_wait3A_292] : memref<327680xi32, #tpu.memory_space<hbm>> -> memref<128xi32, #tpu.memory_space<hbm>>
        tpu.wait_dma2 semaphore(%arg15 : memref<!tpu.dma_semaphore, #tpu.memory_space<semaphore_mem>>) src(%dma_wait3A_293 : memref<128xi32, #tpu.memory_space<hbm>>) dst(%dma_wait3A_291 : memref<128xi32, #tpu.memory_space<vmem>>)
        %dma_start3A_294 = arith.constant 2 : i32
        %dma_start3A_295 = arith.constant 0 : i32
        %dma_start3A_296 = tpu.memref_slice %arg7[%dma_start3A_294, %dma_start3A_295] : memref<4x128xi32, #tpu.memory_space<vmem>> -> memref<1x128xi32, #tpu.memory_space<vmem>>
        %dma_start3A_297 = tpu.memref_squeeze %dma_start3A_296 : memref<1x128xi32, #tpu.memory_space<vmem>> -> memref<128xi32, #tpu.memory_space<vmem>>
        %dma_start3A_298 = arith.constant 0 : i32
        %dma_start3A_299 = arith.constant 0 : i32
        %dma_start3A_300 = tpu.memref_slice %arg25[%dma_start3A_298, %dma_start3A_299] : memref<10112x64xf32, #tpu.memory_space<vmem_shared>> -> memref<10112x64xf32, #tpu.memory_space<vmem_shared>>
        tpu.enqueue_indirect_dma source(%dma_start3A_300 : memref<10112x64xf32, #tpu.memory_space<vmem_shared>>) target(%arg11 : memref<128x64xf32, #tpu.memory_space<vmem>>) offsets(%dma_start3A_297 : memref<128xi32, #tpu.memory_space<vmem>>) semaphore(%arg19 : memref<!tpu.dma_semaphore, #tpu.memory_space<semaphore_mem>>)
      } else {
      }
      %dma_wait3A_180 = arith.constant 0 : i32
      %dma_wait3A_181 = arith.constant 0 : i32
      %dma_wait3A_182 = tpu.memref_slice %arg7[%dma_wait3A_180, %dma_wait3A_181] : memref<4x128xi32, #tpu.memory_space<vmem>> -> memref<1x128xi32, #tpu.memory_space<vmem>>
      %dma_wait3A_183 = tpu.memref_squeeze %dma_wait3A_182 : memref<1x128xi32, #tpu.memory_space<vmem>> -> memref<128xi32, #tpu.memory_space<vmem>>
      %dma_wait3A_184 = arith.constant 0 : i32
      %dma_wait3A_185 = arith.constant 0 : i32
      %dma_wait3A_186 = tpu.memref_slice %arg25[%dma_wait3A_184, %dma_wait3A_185] : memref<10112x64xf32, #tpu.memory_space<vmem_shared>> -> memref<10112x64xf32, #tpu.memory_space<vmem_shared>>
      tpu.wait_indirect_dma semaphore(%arg18 : memref<!tpu.dma_semaphore, #tpu.memory_space<semaphore_mem>>) src(%dma_wait3A_186 : memref<10112x64xf32, #tpu.memory_space<vmem_shared>>) dst(%arg10 : memref<128x64xf32, #tpu.memory_space<vmem>>)
      %dma_start3A_187 = arith.constant 1 : i32
      %dma_start3A_188 = arith.constant 0 : i32
      %dma_start3A_189 = tpu.memref_slice %arg8[%dma_start3A_187, %dma_start3A_188] : memref<4x128xi32, #tpu.memory_space<vmem>> -> memref<1x128xi32, #tpu.memory_space<vmem>>
      %dma_start3A_190 = tpu.memref_squeeze %dma_start3A_189 : memref<1x128xi32, #tpu.memory_space<vmem>> -> memref<128xi32, #tpu.memory_space<vmem>>
      %dma_start3A_191 = arith.constant 0 : i32
      %dma_start3A_192 = arith.constant 0 : i32
      %dma_start3A_193 = tpu.memref_slice %arg26[%dma_start3A_191, %dma_start3A_192] : memref<10112x64xf32, #tpu.memory_space<vmem_shared>> -> memref<10112x64xf32, #tpu.memory_space<vmem_shared>>
      tpu.enqueue_indirect_dma source(%arg10 : memref<128x64xf32, #tpu.memory_space<vmem>>) target(%dma_start3A_193 : memref<10112x64xf32, #tpu.memory_space<vmem_shared>>) offsets(%dma_start3A_190 : memref<128xi32, #tpu.memory_space<vmem>>) semaphore(%arg22 : memref<!tpu.dma_semaphore, #tpu.memory_space<semaphore_mem>>) {add = true}
      %mul3A_194 = arith.constant 4 : i32
      %mul3A_195 = arith.muli %scan3A_123, %mul3A_194 : i32
      %add3A_196 = arith.constant 2 : i32
      %add3A_197 = arith.addi %mul3A_195, %add3A_196 : i32
      %dma_wait3A_198 = arith.constant 0 : i32
      %dma_wait3A_199 = arith.constant 0 : i32
      %dma_wait3A_200 = tpu.memref_slice %arg8[%dma_wait3A_198, %dma_wait3A_199] : memref<4x128xi32, #tpu.memory_space<vmem>> -> memref<1x128xi32, #tpu.memory_space<vmem>>
      %dma_wait3A_201 = tpu.memref_squeeze %dma_wait3A_200 : memref<1x128xi32, #tpu.memory_space<vmem>> -> memref<128xi32, #tpu.memory_space<vmem>>
      %dma_wait3A_202 = arith.constant 0 : i32
      %dma_wait3A_203 = arith.constant 0 : i32
      %dma_wait3A_204 = tpu.memref_slice %arg26[%dma_wait3A_202, %dma_wait3A_203] : memref<10112x64xf32, #tpu.memory_space<vmem_shared>> -> memref<10112x64xf32, #tpu.memory_space<vmem_shared>>
      tpu.wait_indirect_dma semaphore(%arg21 : memref<!tpu.dma_semaphore, #tpu.memory_space<semaphore_mem>>) src(%arg9 : memref<128x64xf32, #tpu.memory_space<vmem>>) dst(%dma_wait3A_204 : memref<10112x64xf32, #tpu.memory_space<vmem_shared>>)
      %add3A_205 = arith.constant 2 : i32
      %add3A_206 = arith.addi %add3A_197, %add3A_205 : i32
      %lt3A_207 = arith.constant 160 : i32
      %lt3A_208 = arith.cmpi slt, %add3A_206, %lt3A_207 : i32
      %convert_element_type3A_209 = arith.extui %lt3A_208 : i1 to i32
      %cond3A_210 = arith.constant 0 : i32
      %cond3A_211 = arith.cmpi ne, %convert_element_type3A_209, %cond3A_210 : i32
      scf.if %cond3A_211 {
        %add3A_272 = arith.constant 2 : i32
        %add3A_273 = arith.addi %add3A_197, %add3A_272 : i32
        %mul3A_274 = arith.constant 128 : i32
        %mul3A_275 = arith.muli %add3A_273, %mul3A_274 : i32
        %add3A_276 = arith.addi %mul3A_2, %mul3A_275 : i32
        %dma_start3A_277 = arith.constant 0 : i32
        %dma_start3A_278 = arith.constant 0 : i32
        %dma_start3A_279 = tpu.memref_slice %arg7[%dma_start3A_277, %dma_start3A_278] : memref<4x128xi32, #tpu.memory_space<vmem>> -> memref<1x128xi32, #tpu.memory_space<vmem>>
        %dma_start3A_280 = tpu.memref_squeeze %dma_start3A_279 : memref<1x128xi32, #tpu.memory_space<vmem>> -> memref<128xi32, #tpu.memory_space<vmem>>
        %dma_start3A_281 = tpu.memref_slice %arg3[%add3A_276] : memref<327680xi32, #tpu.memory_space<hbm>> -> memref<128xi32, #tpu.memory_space<hbm>>
        %dma_start3A_282 = arith.constant 0 : i32
        %dma_start3A_283 = tpu.memref_slice %arg7[%dma_start3A_277, %dma_start3A_282] : memref<4x128xi32, #tpu.memory_space<vmem>> -> memref<1x128xi32, #tpu.memory_space<vmem>>
        %dma_start3A_284 = tpu.memref_squeeze %dma_start3A_283 : memref<1x128xi32, #tpu.memory_space<vmem>> -> memref<128xi32, #tpu.memory_space<vmem>>
        %dma_start3A_285 = tpu.memref_slice %arg3[%add3A_276] : memref<327680xi32, #tpu.memory_space<hbm>> -> memref<128xi32, #tpu.memory_space<hbm>>
        tpu.enqueue_dma source(%dma_start3A_285 : memref<128xi32, #tpu.memory_space<hbm>>) target(%dma_start3A_284 : memref<128xi32, #tpu.memory_space<vmem>>) target_semaphore(%arg13 : memref<!tpu.dma_semaphore, #tpu.memory_space<semaphore_mem>>)
        %mul3A_286 = arith.constant 128 : i32
        %mul3A_287 = arith.muli %add3A_273, %mul3A_286 : i32
        %add3A_288 = arith.addi %mul3A_2, %mul3A_287 : i32
        %dma_start3A_289 = arith.constant 0 : i32
        %dma_start3A_290 = arith.constant 0 : i32
        %dma_start3A_291 = tpu.memref_slice %arg8[%dma_start3A_289, %dma_start3A_290] : memref<4x128xi32, #tpu.memory_space<vmem>> -> memref<1x128xi32, #tpu.memory_space<vmem>>
        %dma_start3A_292 = tpu.memref_squeeze %dma_start3A_291 : memref<1x128xi32, #tpu.memory_space<vmem>> -> memref<128xi32, #tpu.memory_space<vmem>>
        %dma_start3A_293 = tpu.memref_slice %arg4[%add3A_288] : memref<327680xi32, #tpu.memory_space<hbm>> -> memref<128xi32, #tpu.memory_space<hbm>>
        %dma_start3A_294 = arith.constant 0 : i32
        %dma_start3A_295 = tpu.memref_slice %arg8[%dma_start3A_289, %dma_start3A_294] : memref<4x128xi32, #tpu.memory_space<vmem>> -> memref<1x128xi32, #tpu.memory_space<vmem>>
        %dma_start3A_296 = tpu.memref_squeeze %dma_start3A_295 : memref<1x128xi32, #tpu.memory_space<vmem>> -> memref<128xi32, #tpu.memory_space<vmem>>
        %dma_start3A_297 = tpu.memref_slice %arg4[%add3A_288] : memref<327680xi32, #tpu.memory_space<hbm>> -> memref<128xi32, #tpu.memory_space<hbm>>
        tpu.enqueue_dma source(%dma_start3A_297 : memref<128xi32, #tpu.memory_space<hbm>>) target(%dma_start3A_296 : memref<128xi32, #tpu.memory_space<vmem>>) target_semaphore(%arg13 : memref<!tpu.dma_semaphore, #tpu.memory_space<semaphore_mem>>)
      } else {
      }
      %add3A_212 = arith.constant 1 : i32
      %add3A_213 = arith.addi %add3A_197, %add3A_212 : i32
      %lt3A_214 = arith.constant 160 : i32
      %lt3A_215 = arith.cmpi slt, %add3A_213, %lt3A_214 : i32
      %convert_element_type3A_216 = arith.extui %lt3A_215 : i1 to i32
      %cond3A_217 = arith.constant 0 : i32
      %cond3A_218 = arith.cmpi ne, %convert_element_type3A_216, %cond3A_217 : i32
      scf.if %cond3A_218 {
        %dma_wait3A_272 = arith.constant 3 : i32
        %dma_wait3A_273 = arith.constant 0 : i32
        %dma_wait3A_274 = tpu.memref_slice %arg7[%dma_wait3A_272, %dma_wait3A_273] : memref<4x128xi32, #tpu.memory_space<vmem>> -> memref<1x128xi32, #tpu.memory_space<vmem>>
        %dma_wait3A_275 = tpu.memref_squeeze %dma_wait3A_274 : memref<1x128xi32, #tpu.memory_space<vmem>> -> memref<128xi32, #tpu.memory_space<vmem>>
        %dma_wait3A_276 = arith.constant 0 : i32
        %dma_wait3A_277 = tpu.memref_slice %arg3[%dma_wait3A_276] : memref<327680xi32, #tpu.memory_space<hbm>> -> memref<128xi32, #tpu.memory_space<hbm>>
        %dma_wait3A_278 = arith.constant 0 : i32
        %dma_wait3A_279 = tpu.memref_slice %arg7[%dma_wait3A_272, %dma_wait3A_278] : memref<4x128xi32, #tpu.memory_space<vmem>> -> memref<1x128xi32, #tpu.memory_space<vmem>>
        %dma_wait3A_280 = tpu.memref_squeeze %dma_wait3A_279 : memref<1x128xi32, #tpu.memory_space<vmem>> -> memref<128xi32, #tpu.memory_space<vmem>>
        %dma_wait3A_281 = arith.constant 0 : i32
        %dma_wait3A_282 = tpu.memref_slice %arg3[%dma_wait3A_281] : memref<327680xi32, #tpu.memory_space<hbm>> -> memref<128xi32, #tpu.memory_space<hbm>>
        tpu.wait_dma2 semaphore(%arg16 : memref<!tpu.dma_semaphore, #tpu.memory_space<semaphore_mem>>) src(%dma_wait3A_282 : memref<128xi32, #tpu.memory_space<hbm>>) dst(%dma_wait3A_280 : memref<128xi32, #tpu.memory_space<vmem>>)
        %dma_wait3A_283 = arith.constant 3 : i32
        %dma_wait3A_284 = arith.constant 0 : i32
        %dma_wait3A_285 = tpu.memref_slice %arg8[%dma_wait3A_283, %dma_wait3A_284] : memref<4x128xi32, #tpu.memory_space<vmem>> -> memref<1x128xi32, #tpu.memory_space<vmem>>
        %dma_wait3A_286 = tpu.memref_squeeze %dma_wait3A_285 : memref<1x128xi32, #tpu.memory_space<vmem>> -> memref<128xi32, #tpu.memory_space<vmem>>
        %dma_wait3A_287 = arith.constant 0 : i32
        %dma_wait3A_288 = tpu.memref_slice %arg4[%dma_wait3A_287] : memref<327680xi32, #tpu.memory_space<hbm>> -> memref<128xi32, #tpu.memory_space<hbm>>
        %dma_wait3A_289 = arith.constant 0 : i32
        %dma_wait3A_290 = tpu.memref_slice %arg8[%dma_wait3A_283, %dma_wait3A_289] : memref<4x128xi32, #tpu.memory_space<vmem>> -> memref<1x128xi32, #tpu.memory_space<vmem>>
        %dma_wait3A_291 = tpu.memref_squeeze %dma_wait3A_290 : memref<1x128xi32, #tpu.memory_space<vmem>> -> memref<128xi32, #tpu.memory_space<vmem>>
        %dma_wait3A_292 = arith.constant 0 : i32
        %dma_wait3A_293 = tpu.memref_slice %arg4[%dma_wait3A_292] : memref<327680xi32, #tpu.memory_space<hbm>> -> memref<128xi32, #tpu.memory_space<hbm>>
        tpu.wait_dma2 semaphore(%arg16 : memref<!tpu.dma_semaphore, #tpu.memory_space<semaphore_mem>>) src(%dma_wait3A_293 : memref<128xi32, #tpu.memory_space<hbm>>) dst(%dma_wait3A_291 : memref<128xi32, #tpu.memory_space<vmem>>)
        %dma_start3A_294 = arith.constant 3 : i32
        %dma_start3A_295 = arith.constant 0 : i32
        %dma_start3A_296 = tpu.memref_slice %arg7[%dma_start3A_294, %dma_start3A_295] : memref<4x128xi32, #tpu.memory_space<vmem>> -> memref<1x128xi32, #tpu.memory_space<vmem>>
        %dma_start3A_297 = tpu.memref_squeeze %dma_start3A_296 : memref<1x128xi32, #tpu.memory_space<vmem>> -> memref<128xi32, #tpu.memory_space<vmem>>
        %dma_start3A_298 = arith.constant 0 : i32
        %dma_start3A_299 = arith.constant 0 : i32
        %dma_start3A_300 = tpu.memref_slice %arg25[%dma_start3A_298, %dma_start3A_299] : memref<10112x64xf32, #tpu.memory_space<vmem_shared>> -> memref<10112x64xf32, #tpu.memory_space<vmem_shared>>
        tpu.enqueue_indirect_dma source(%dma_start3A_300 : memref<10112x64xf32, #tpu.memory_space<vmem_shared>>) target(%arg12 : memref<128x64xf32, #tpu.memory_space<vmem>>) offsets(%dma_start3A_297 : memref<128xi32, #tpu.memory_space<vmem>>) semaphore(%arg20 : memref<!tpu.dma_semaphore, #tpu.memory_space<semaphore_mem>>)
      } else {
      }
      %dma_wait3A_219 = arith.constant 0 : i32
      %dma_wait3A_220 = arith.constant 0 : i32
      %dma_wait3A_221 = tpu.memref_slice %arg7[%dma_wait3A_219, %dma_wait3A_220] : memref<4x128xi32, #tpu.memory_space<vmem>> -> memref<1x128xi32, #tpu.memory_space<vmem>>
      %dma_wait3A_222 = tpu.memref_squeeze %dma_wait3A_221 : memref<1x128xi32, #tpu.memory_space<vmem>> -> memref<128xi32, #tpu.memory_space<vmem>>
      %dma_wait3A_223 = arith.constant 0 : i32
      %dma_wait3A_224 = arith.constant 0 : i32
      %dma_wait3A_225 = tpu.memref_slice %arg25[%dma_wait3A_223, %dma_wait3A_224] : memref<10112x64xf32, #tpu.memory_space<vmem_shared>> -> memref<10112x64xf32, #tpu.memory_space<vmem_shared>>
      tpu.wait_indirect_dma semaphore(%arg19 : memref<!tpu.dma_semaphore, #tpu.memory_space<semaphore_mem>>) src(%dma_wait3A_225 : memref<10112x64xf32, #tpu.memory_space<vmem_shared>>) dst(%arg11 : memref<128x64xf32, #tpu.memory_space<vmem>>)
      %dma_start3A_226 = arith.constant 2 : i32
      %dma_start3A_227 = arith.constant 0 : i32
      %dma_start3A_228 = tpu.memref_slice %arg8[%dma_start3A_226, %dma_start3A_227] : memref<4x128xi32, #tpu.memory_space<vmem>> -> memref<1x128xi32, #tpu.memory_space<vmem>>
      %dma_start3A_229 = tpu.memref_squeeze %dma_start3A_228 : memref<1x128xi32, #tpu.memory_space<vmem>> -> memref<128xi32, #tpu.memory_space<vmem>>
      %dma_start3A_230 = arith.constant 0 : i32
      %dma_start3A_231 = arith.constant 0 : i32
      %dma_start3A_232 = tpu.memref_slice %arg26[%dma_start3A_230, %dma_start3A_231] : memref<10112x64xf32, #tpu.memory_space<vmem_shared>> -> memref<10112x64xf32, #tpu.memory_space<vmem_shared>>
      tpu.enqueue_indirect_dma source(%arg11 : memref<128x64xf32, #tpu.memory_space<vmem>>) target(%dma_start3A_232 : memref<10112x64xf32, #tpu.memory_space<vmem_shared>>) offsets(%dma_start3A_229 : memref<128xi32, #tpu.memory_space<vmem>>) semaphore(%arg23 : memref<!tpu.dma_semaphore, #tpu.memory_space<semaphore_mem>>) {add = true}
      %mul3A_233 = arith.constant 4 : i32
      %mul3A_234 = arith.muli %scan3A_123, %mul3A_233 : i32
      %add3A_235 = arith.constant 3 : i32
      %add3A_236 = arith.addi %mul3A_234, %add3A_235 : i32
      %dma_wait3A_237 = arith.constant 0 : i32
      %dma_wait3A_238 = arith.constant 0 : i32
      %dma_wait3A_239 = tpu.memref_slice %arg8[%dma_wait3A_237, %dma_wait3A_238] : memref<4x128xi32, #tpu.memory_space<vmem>> -> memref<1x128xi32, #tpu.memory_space<vmem>>
      %dma_wait3A_240 = tpu.memref_squeeze %dma_wait3A_239 : memref<1x128xi32, #tpu.memory_space<vmem>> -> memref<128xi32, #tpu.memory_space<vmem>>
      %dma_wait3A_241 = arith.constant 0 : i32
      %dma_wait3A_242 = arith.constant 0 : i32
      %dma_wait3A_243 = tpu.memref_slice %arg26[%dma_wait3A_241, %dma_wait3A_242] : memref<10112x64xf32, #tpu.memory_space<vmem_shared>> -> memref<10112x64xf32, #tpu.memory_space<vmem_shared>>
      tpu.wait_indirect_dma semaphore(%arg22 : memref<!tpu.dma_semaphore, #tpu.memory_space<semaphore_mem>>) src(%arg10 : memref<128x64xf32, #tpu.memory_space<vmem>>) dst(%dma_wait3A_243 : memref<10112x64xf32, #tpu.memory_space<vmem_shared>>)
      %add3A_244 = arith.constant 2 : i32
      %add3A_245 = arith.addi %add3A_236, %add3A_244 : i32
      %lt3A_246 = arith.constant 160 : i32
      %lt3A_247 = arith.cmpi slt, %add3A_245, %lt3A_246 : i32
      %convert_element_type3A_248 = arith.extui %lt3A_247 : i1 to i32
      %cond3A_249 = arith.constant 0 : i32
      %cond3A_250 = arith.cmpi ne, %convert_element_type3A_248, %cond3A_249 : i32
      scf.if %cond3A_250 {
        %add3A_272 = arith.constant 2 : i32
        %add3A_273 = arith.addi %add3A_236, %add3A_272 : i32
        %mul3A_274 = arith.constant 128 : i32
        %mul3A_275 = arith.muli %add3A_273, %mul3A_274 : i32
        %add3A_276 = arith.addi %mul3A_2, %mul3A_275 : i32
        %dma_start3A_277 = arith.constant 1 : i32
        %dma_start3A_278 = arith.constant 0 : i32
        %dma_start3A_279 = tpu.memref_slice %arg7[%dma_start3A_277, %dma_start3A_278] : memref<4x128xi32, #tpu.memory_space<vmem>> -> memref<1x128xi32, #tpu.memory_space<vmem>>
        %dma_start3A_280 = tpu.memref_squeeze %dma_start3A_279 : memref<1x128xi32, #tpu.memory_space<vmem>> -> memref<128xi32, #tpu.memory_space<vmem>>
        %dma_start3A_281 = tpu.memref_slice %arg3[%add3A_276] : memref<327680xi32, #tpu.memory_space<hbm>> -> memref<128xi32, #tpu.memory_space<hbm>>
        %dma_start3A_282 = arith.constant 0 : i32
        %dma_start3A_283 = tpu.memref_slice %arg7[%dma_start3A_277, %dma_start3A_282] : memref<4x128xi32, #tpu.memory_space<vmem>> -> memref<1x128xi32, #tpu.memory_space<vmem>>
        %dma_start3A_284 = tpu.memref_squeeze %dma_start3A_283 : memref<1x128xi32, #tpu.memory_space<vmem>> -> memref<128xi32, #tpu.memory_space<vmem>>
        %dma_start3A_285 = tpu.memref_slice %arg3[%add3A_276] : memref<327680xi32, #tpu.memory_space<hbm>> -> memref<128xi32, #tpu.memory_space<hbm>>
        tpu.enqueue_dma source(%dma_start3A_285 : memref<128xi32, #tpu.memory_space<hbm>>) target(%dma_start3A_284 : memref<128xi32, #tpu.memory_space<vmem>>) target_semaphore(%arg14 : memref<!tpu.dma_semaphore, #tpu.memory_space<semaphore_mem>>)
        %mul3A_286 = arith.constant 128 : i32
        %mul3A_287 = arith.muli %add3A_273, %mul3A_286 : i32
        %add3A_288 = arith.addi %mul3A_2, %mul3A_287 : i32
        %dma_start3A_289 = arith.constant 1 : i32
        %dma_start3A_290 = arith.constant 0 : i32
        %dma_start3A_291 = tpu.memref_slice %arg8[%dma_start3A_289, %dma_start3A_290] : memref<4x128xi32, #tpu.memory_space<vmem>> -> memref<1x128xi32, #tpu.memory_space<vmem>>
        %dma_start3A_292 = tpu.memref_squeeze %dma_start3A_291 : memref<1x128xi32, #tpu.memory_space<vmem>> -> memref<128xi32, #tpu.memory_space<vmem>>
        %dma_start3A_293 = tpu.memref_slice %arg4[%add3A_288] : memref<327680xi32, #tpu.memory_space<hbm>> -> memref<128xi32, #tpu.memory_space<hbm>>
        %dma_start3A_294 = arith.constant 0 : i32
        %dma_start3A_295 = tpu.memref_slice %arg8[%dma_start3A_289, %dma_start3A_294] : memref<4x128xi32, #tpu.memory_space<vmem>> -> memref<1x128xi32, #tpu.memory_space<vmem>>
        %dma_start3A_296 = tpu.memref_squeeze %dma_start3A_295 : memref<1x128xi32, #tpu.memory_space<vmem>> -> memref<128xi32, #tpu.memory_space<vmem>>
        %dma_start3A_297 = tpu.memref_slice %arg4[%add3A_288] : memref<327680xi32, #tpu.memory_space<hbm>> -> memref<128xi32, #tpu.memory_space<hbm>>
        tpu.enqueue_dma source(%dma_start3A_297 : memref<128xi32, #tpu.memory_space<hbm>>) target(%dma_start3A_296 : memref<128xi32, #tpu.memory_space<vmem>>) target_semaphore(%arg14 : memref<!tpu.dma_semaphore, #tpu.memory_space<semaphore_mem>>)
      } else {
      }
      %add3A_251 = arith.constant 1 : i32
      %add3A_252 = arith.addi %add3A_236, %add3A_251 : i32
      %lt3A_253 = arith.constant 160 : i32
      %lt3A_254 = arith.cmpi slt, %add3A_252, %lt3A_253 : i32
      %convert_element_type3A_255 = arith.extui %lt3A_254 : i1 to i32
      %cond3A_256 = arith.constant 0 : i32
      %cond3A_257 = arith.cmpi ne, %convert_element_type3A_255, %cond3A_256 : i32
      scf.if %cond3A_257 {
        %dma_wait3A_272 = arith.constant 0 : i32
        %dma_wait3A_273 = arith.constant 0 : i32
        %dma_wait3A_274 = tpu.memref_slice %arg7[%dma_wait3A_272, %dma_wait3A_273] : memref<4x128xi32, #tpu.memory_space<vmem>> -> memref<1x128xi32, #tpu.memory_space<vmem>>
        %dma_wait3A_275 = tpu.memref_squeeze %dma_wait3A_274 : memref<1x128xi32, #tpu.memory_space<vmem>> -> memref<128xi32, #tpu.memory_space<vmem>>
        %dma_wait3A_276 = arith.constant 0 : i32
        %dma_wait3A_277 = tpu.memref_slice %arg3[%dma_wait3A_276] : memref<327680xi32, #tpu.memory_space<hbm>> -> memref<128xi32, #tpu.memory_space<hbm>>
        %dma_wait3A_278 = arith.constant 0 : i32
        %dma_wait3A_279 = tpu.memref_slice %arg7[%dma_wait3A_272, %dma_wait3A_278] : memref<4x128xi32, #tpu.memory_space<vmem>> -> memref<1x128xi32, #tpu.memory_space<vmem>>
        %dma_wait3A_280 = tpu.memref_squeeze %dma_wait3A_279 : memref<1x128xi32, #tpu.memory_space<vmem>> -> memref<128xi32, #tpu.memory_space<vmem>>
        %dma_wait3A_281 = arith.constant 0 : i32
        %dma_wait3A_282 = tpu.memref_slice %arg3[%dma_wait3A_281] : memref<327680xi32, #tpu.memory_space<hbm>> -> memref<128xi32, #tpu.memory_space<hbm>>
        tpu.wait_dma2 semaphore(%arg13 : memref<!tpu.dma_semaphore, #tpu.memory_space<semaphore_mem>>) src(%dma_wait3A_282 : memref<128xi32, #tpu.memory_space<hbm>>) dst(%dma_wait3A_280 : memref<128xi32, #tpu.memory_space<vmem>>)
        %dma_wait3A_283 = arith.constant 0 : i32
        %dma_wait3A_284 = arith.constant 0 : i32
        %dma_wait3A_285 = tpu.memref_slice %arg8[%dma_wait3A_283, %dma_wait3A_284] : memref<4x128xi32, #tpu.memory_space<vmem>> -> memref<1x128xi32, #tpu.memory_space<vmem>>
        %dma_wait3A_286 = tpu.memref_squeeze %dma_wait3A_285 : memref<1x128xi32, #tpu.memory_space<vmem>> -> memref<128xi32, #tpu.memory_space<vmem>>
        %dma_wait3A_287 = arith.constant 0 : i32
        %dma_wait3A_288 = tpu.memref_slice %arg4[%dma_wait3A_287] : memref<327680xi32, #tpu.memory_space<hbm>> -> memref<128xi32, #tpu.memory_space<hbm>>
        %dma_wait3A_289 = arith.constant 0 : i32
        %dma_wait3A_290 = tpu.memref_slice %arg8[%dma_wait3A_283, %dma_wait3A_289] : memref<4x128xi32, #tpu.memory_space<vmem>> -> memref<1x128xi32, #tpu.memory_space<vmem>>
        %dma_wait3A_291 = tpu.memref_squeeze %dma_wait3A_290 : memref<1x128xi32, #tpu.memory_space<vmem>> -> memref<128xi32, #tpu.memory_space<vmem>>
        %dma_wait3A_292 = arith.constant 0 : i32
        %dma_wait3A_293 = tpu.memref_slice %arg4[%dma_wait3A_292] : memref<327680xi32, #tpu.memory_space<hbm>> -> memref<128xi32, #tpu.memory_space<hbm>>
        tpu.wait_dma2 semaphore(%arg13 : memref<!tpu.dma_semaphore, #tpu.memory_space<semaphore_mem>>) src(%dma_wait3A_293 : memref<128xi32, #tpu.memory_space<hbm>>) dst(%dma_wait3A_291 : memref<128xi32, #tpu.memory_space<vmem>>)
        %dma_start3A_294 = arith.constant 0 : i32
        %dma_start3A_295 = arith.constant 0 : i32
        %dma_start3A_296 = tpu.memref_slice %arg7[%dma_start3A_294, %dma_start3A_295] : memref<4x128xi32, #tpu.memory_space<vmem>> -> memref<1x128xi32, #tpu.memory_space<vmem>>
        %dma_start3A_297 = tpu.memref_squeeze %dma_start3A_296 : memref<1x128xi32, #tpu.memory_space<vmem>> -> memref<128xi32, #tpu.memory_space<vmem>>
        %dma_start3A_298 = arith.constant 0 : i32
        %dma_start3A_299 = arith.constant 0 : i32
        %dma_start3A_300 = tpu.memref_slice %arg25[%dma_start3A_298, %dma_start3A_299] : memref<10112x64xf32, #tpu.memory_space<vmem_shared>> -> memref<10112x64xf32, #tpu.memory_space<vmem_shared>>
        tpu.enqueue_indirect_dma source(%dma_start3A_300 : memref<10112x64xf32, #tpu.memory_space<vmem_shared>>) target(%arg9 : memref<128x64xf32, #tpu.memory_space<vmem>>) offsets(%dma_start3A_297 : memref<128xi32, #tpu.memory_space<vmem>>) semaphore(%arg17 : memref<!tpu.dma_semaphore, #tpu.memory_space<semaphore_mem>>)
      } else {
      }
      %dma_wait3A_258 = arith.constant 0 : i32
      %dma_wait3A_259 = arith.constant 0 : i32
      %dma_wait3A_260 = tpu.memref_slice %arg7[%dma_wait3A_258, %dma_wait3A_259] : memref<4x128xi32, #tpu.memory_space<vmem>> -> memref<1x128xi32, #tpu.memory_space<vmem>>
      %dma_wait3A_261 = tpu.memref_squeeze %dma_wait3A_260 : memref<1x128xi32, #tpu.memory_space<vmem>> -> memref<128xi32, #tpu.memory_space<vmem>>
      %dma_wait3A_262 = arith.constant 0 : i32
      %dma_wait3A_263 = arith.constant 0 : i32
      %dma_wait3A_264 = tpu.memref_slice %arg25[%dma_wait3A_262, %dma_wait3A_263] : memref<10112x64xf32, #tpu.memory_space<vmem_shared>> -> memref<10112x64xf32, #tpu.memory_space<vmem_shared>>
      tpu.wait_indirect_dma semaphore(%arg20 : memref<!tpu.dma_semaphore, #tpu.memory_space<semaphore_mem>>) src(%dma_wait3A_264 : memref<10112x64xf32, #tpu.memory_space<vmem_shared>>) dst(%arg12 : memref<128x64xf32, #tpu.memory_space<vmem>>)
      %dma_start3A_265 = arith.constant 3 : i32
      %dma_start3A_266 = arith.constant 0 : i32
      %dma_start3A_267 = tpu.memref_slice %arg8[%dma_start3A_265, %dma_start3A_266] : memref<4x128xi32, #tpu.memory_space<vmem>> -> memref<1x128xi32, #tpu.memory_space<vmem>>
      %dma_start3A_268 = tpu.memref_squeeze %dma_start3A_267 : memref<1x128xi32, #tpu.memory_space<vmem>> -> memref<128xi32, #tpu.memory_space<vmem>>
      %dma_start3A_269 = arith.constant 0 : i32
      %dma_start3A_270 = arith.constant 0 : i32
      %dma_start3A_271 = tpu.memref_slice %arg26[%dma_start3A_269, %dma_start3A_270] : memref<10112x64xf32, #tpu.memory_space<vmem_shared>> -> memref<10112x64xf32, #tpu.memory_space<vmem_shared>>
      tpu.enqueue_indirect_dma source(%arg12 : memref<128x64xf32, #tpu.memory_space<vmem>>) target(%dma_start3A_271 : memref<10112x64xf32, #tpu.memory_space<vmem_shared>>) offsets(%dma_start3A_268 : memref<128xi32, #tpu.memory_space<vmem>>) semaphore(%arg24 : memref<!tpu.dma_semaphore, #tpu.memory_space<semaphore_mem>>) {add = true}
    }
    %scan3A_103 = arith.constant 40 : i32
    %dma_wait3A_104 = arith.constant 0 : i32
    %dma_wait3A_105 = arith.constant 0 : i32
    %dma_wait3A_106 = tpu.memref_slice %arg8[%dma_wait3A_104, %dma_wait3A_105] : memref<4x128xi32, #tpu.memory_space<vmem>> -> memref<1x128xi32, #tpu.memory_space<vmem>>
    %dma_wait3A_107 = tpu.memref_squeeze %dma_wait3A_106 : memref<1x128xi32, #tpu.memory_space<vmem>> -> memref<128xi32, #tpu.memory_space<vmem>>
    %dma_wait3A_108 = arith.constant 0 : i32
    %dma_wait3A_109 = arith.constant 0 : i32
    %dma_wait3A_110 = tpu.memref_slice %arg26[%dma_wait3A_108, %dma_wait3A_109] : memref<10112x64xf32, #tpu.memory_space<vmem_shared>> -> memref<10112x64xf32, #tpu.memory_space<vmem_shared>>
    tpu.wait_indirect_dma semaphore(%arg23 : memref<!tpu.dma_semaphore, #tpu.memory_space<semaphore_mem>>) src(%arg11 : memref<128x64xf32, #tpu.memory_space<vmem>>) dst(%dma_wait3A_110 : memref<10112x64xf32, #tpu.memory_space<vmem_shared>>)
    %dma_wait3A_111 = arith.constant 0 : i32
    %dma_wait3A_112 = arith.constant 0 : i32
    %dma_wait3A_113 = tpu.memref_slice %arg8[%dma_wait3A_111, %dma_wait3A_112] : memref<4x128xi32, #tpu.memory_space<vmem>> -> memref<1x128xi32, #tpu.memory_space<vmem>>
    %dma_wait3A_114 = tpu.memref_squeeze %dma_wait3A_113 : memref<1x128xi32, #tpu.memory_space<vmem>> -> memref<128xi32, #tpu.memory_space<vmem>>
    %dma_wait3A_115 = arith.constant 0 : i32
    %dma_wait3A_116 = arith.constant 0 : i32
    %dma_wait3A_117 = tpu.memref_slice %arg26[%dma_wait3A_115, %dma_wait3A_116] : memref<10112x64xf32, #tpu.memory_space<vmem_shared>> -> memref<10112x64xf32, #tpu.memory_space<vmem_shared>>
    tpu.wait_indirect_dma semaphore(%arg24 : memref<!tpu.dma_semaphore, #tpu.memory_space<semaphore_mem>>) src(%arg12 : memref<128x64xf32, #tpu.memory_space<vmem>>) dst(%dma_wait3A_117 : memref<10112x64xf32, #tpu.memory_space<vmem_shared>>)
    %barrier3A_118 = arith.constant 0 : index
    tpu.barrier barrier_id(%barrier3A_118)
    %mul3A_119 = arith.constant 632 : i32
    %mul3A_120 = arith.muli %arg1, %mul3A_119 : i32
    %mul3A_121 = arith.constant 632 : i32
    %mul3A_122 = arith.muli %arg1, %mul3A_121 : i32
    "tpu.region"() ({
      %run_scoped3A = tpu.sem_alloc : memref<!tpu.dma_semaphore, #tpu.memory_space<semaphore_mem>>
      %dma_start3A_123 = tpu.memref_slice %arg6[%mul3A_122, %mul3A_4] : memref<10112x128xf32, #tpu.memory_space<hbm>> -> memref<632x64xf32, #tpu.memory_space<hbm>>
      %dma_start3A_124 = arith.constant 0 : i32
      %dma_start3A_125 = tpu.memref_slice %arg26[%mul3A_120, %dma_start3A_124] : memref<10112x64xf32, #tpu.memory_space<vmem_shared>> -> memref<632x64xf32, #tpu.memory_space<vmem_shared>>
      tpu.enqueue_dma source(%dma_start3A_125 : memref<632x64xf32, #tpu.memory_space<vmem_shared>>) target(%dma_start3A_123 : memref<632x64xf32, #tpu.memory_space<hbm>>) target_semaphore(%run_scoped3A : memref<!tpu.dma_semaphore, #tpu.memory_space<semaphore_mem>>)
      %dma_wait3A_126 = tpu.memref_slice %arg6[%mul3A_122, %mul3A_4] : memref<10112x128xf32, #tpu.memory_space<hbm>> -> memref<632x64xf32, #tpu.memory_space<hbm>>
      %dma_wait3A_127 = arith.constant 0 : i32
      %dma_wait3A_128 = tpu.memref_slice %arg26[%mul3A_120, %dma_wait3A_127] : memref<10112x64xf32, #tpu.memory_space<vmem_shared>> -> memref<632x64xf32, #tpu.memory_space<vmem_shared>>
      tpu.wait_dma2 semaphore(%run_scoped3A : memref<!tpu.dma_semaphore, #tpu.memory_space<semaphore_mem>>) src(%dma_wait3A_128 : memref<632x64xf32, #tpu.memory_space<vmem_shared>>) dst(%dma_wait3A_126 : memref<632x64xf32, #tpu.memory_space<hbm>>)
      tpu.yield
    }) : () -> ()
    return
  }
}

module attributes {stable_mosaic.version = 14 : i64} {
  func.func @tc1_body(%arg0: memref<5000x128xf32, #tpu.memory_space<vmem>>, %arg1: memref<5000x128xf32, #tpu.memory_space<vmem>>, %arg2: memref<128x128xf32, #tpu.memory_space<vmem>>, %arg3: memref<10112x1xf32, #tpu.memory_space<vmem>>, %arg4: memref<10112x1xf32, #tpu.memory_space<vmem>>, %arg5: memref<10112x1xf32, #tpu.memory_space<vmem>>, %arg6: memref<10112x128xf32, #tpu.memory_space<vmem>>) attributes {dimension_semantics = [], scalar_prefetch = 0 : i64, scratch_operands = 0 : i64, tpu.core_type = #tpu.core_type<tc>} {
    %get3A = arith.constant 0 : index
    %get3A_0 = arith.constant 0 : index
    %get3A_1 = vector.load %arg3[%get3A, %get3A_0] : memref<10112x1xf32, #tpu.memory_space<vmem>>, vector<10112x1xf32>
    %get3A_2 = arith.constant 0 : index
    %get3A_3 = arith.constant 0 : index
    %get3A_4 = vector.load %arg4[%get3A_2, %get3A_3] : memref<10112x1xf32, #tpu.memory_space<vmem>>, vector<10112x1xf32>
    %add3A = arith.addf %get3A_1, %get3A_4 : vector<10112x1xf32>
    %add3A_5 = arith.constant 1.000000e+00 : f32
    %add3A_6 = vector.broadcast %add3A_5 : f32 to vector<10112x1xf32>
    %add3A_7 = arith.addf %add3A, %add3A_6 : vector<10112x1xf32>
    %rsqrt3A = math.rsqrt %add3A_7 : vector<10112x1xf32>
    %swap3A = arith.constant 0 : index
    %swap3A_8 = arith.constant 0 : index
    %swap3A_9 = vector.load %arg5[%swap3A, %swap3A_8] : memref<10112x1xf32, #tpu.memory_space<vmem>>, vector<10112x1xf32>
    tpu.vector_store %arg5[%swap3A, %swap3A_8], %rsqrt3A {strides = array<i32>} : memref<10112x1xf32, #tpu.memory_space<vmem>>, vector<10112x1xf32>,
    %slice3A = vector.extract_strided_slice %rsqrt3A {offsets = [0, 0], sizes = [5000, 1], strides = [1, 1]} : vector<10112x1xf32> to vector<5000x1xf32>
    %get3A_10 = arith.constant 0 : index
    %get3A_11 = arith.constant 0 : index
    %get3A_12 = vector.load %arg0[%get3A_10, %get3A_11] : memref<5000x128xf32, #tpu.memory_space<vmem>>, vector<5000x128xf32>
    %get3A_13 = arith.constant 0 : index
    %get3A_14 = arith.constant 0 : index
    %get3A_15 = vector.load %arg2[%get3A_13, %get3A_14] : memref<128x128xf32, #tpu.memory_space<vmem>>, vector<128x128xf32>
    %dot_general3A = arith.constant dense<0.000000e+00> : vector<5000x128xf32>
    %dot_general3A_16 = tpu.matmul %get3A_12, %get3A_15, %dot_general3A {dimension_numbers = #tpu.dot_dimension_numbers<[1], [0], [0], [1], [0, 0, 1, 1], [], []>, transpose_lhs_hint = false} : vector<5000x128xf32>, vector<128x128xf32>, vector<5000x128xf32> -> vector<5000x128xf32>
    %mul3A = vector.broadcast %slice3A : vector<5000x1xf32> to vector<5000x128xf32>
    %mul3A_17 = arith.mulf %mul3A, %dot_general3A_16 : vector<5000x128xf32>
    %swap3A_18 = arith.constant 0 : index
    %swap3A_19 = arith.constant 0 : index
    %swap3A_20 = vector.load %arg6[%swap3A_18, %swap3A_19] : memref<10112x128xf32, #tpu.memory_space<vmem>>, vector<5000x128xf32>
    tpu.vector_store %arg6[%swap3A_18, %swap3A_19], %mul3A_17 {strides = array<i32>} : memref<10112x128xf32, #tpu.memory_space<vmem>>, vector<5000x128xf32>,
    %slice3A_21 = vector.extract_strided_slice %rsqrt3A {offsets = [5000, 0], sizes = [5000, 1], strides = [1, 1]} : vector<10112x1xf32> to vector<5000x1xf32>
    %get3A_22 = arith.constant 0 : index
    %get3A_23 = arith.constant 0 : index
    %get3A_24 = vector.load %arg1[%get3A_22, %get3A_23] : memref<5000x128xf32, #tpu.memory_space<vmem>>, vector<5000x128xf32>
    %get3A_25 = arith.constant 0 : index
    %get3A_26 = arith.constant 0 : index
    %get3A_27 = vector.load %arg2[%get3A_25, %get3A_26] : memref<128x128xf32, #tpu.memory_space<vmem>>, vector<128x128xf32>
    %dot_general3A_28 = arith.constant dense<0.000000e+00> : vector<5000x128xf32>
    %dot_general3A_29 = tpu.matmul %get3A_24, %get3A_27, %dot_general3A_28 {dimension_numbers = #tpu.dot_dimension_numbers<[1], [0], [0], [1], [0, 0, 1, 1], [], []>, transpose_lhs_hint = false} : vector<5000x128xf32>, vector<128x128xf32>, vector<5000x128xf32> -> vector<5000x128xf32>
    %mul3A_30 = vector.broadcast %slice3A_21 : vector<5000x1xf32> to vector<5000x128xf32>
    %mul3A_31 = arith.mulf %mul3A_30, %dot_general3A_29 : vector<5000x128xf32>
    %swap3A_32 = arith.constant 5000 : index
    %swap3A_33 = arith.constant 0 : index
    %swap3A_34 = vector.load %arg6[%swap3A_32, %swap3A_33] : memref<10112x128xf32, #tpu.memory_space<vmem>>, vector<5000x128xf32>
    tpu.vector_store %arg6[%swap3A_32, %swap3A_33], %mul3A_31 {strides = array<i32>} : memref<10112x128xf32, #tpu.memory_space<vmem>>, vector<5000x128xf32>,
    %broadcast_in_dim3A = arith.constant 0.000000e+00 : f32
    %broadcast_in_dim3A_35 = vector.broadcast %broadcast_in_dim3A : f32 to vector<112x128xf32>
    %swap3A_36 = arith.constant 10000 : index
    %swap3A_37 = arith.constant 0 : index
    %swap3A_38 = vector.load %arg6[%swap3A_36, %swap3A_37] : memref<10112x128xf32, #tpu.memory_space<vmem>>, vector<112x128xf32>
    tpu.vector_store %arg6[%swap3A_36, %swap3A_37], %broadcast_in_dim3A_35 {strides = array<i32>} : memref<10112x128xf32, #tpu.memory_space<vmem>>, vector<112x128xf32>,
    return
  }
}

module attributes {stable_mosaic.version = 14 : i64} {
  func.func @_tc2_body(%arg0: memref<10112x128xf32, #tpu.memory_space<vmem>>, %arg1: memref<10112x128xf32, #tpu.memory_space<vmem>>, %arg2: memref<10112x1xf32, #tpu.memory_space<vmem>>, %arg3: memref<1x128xf32, #tpu.memory_space<vmem>>, %arg4: memref<128x128xf32, #tpu.memory_space<vmem>>, %arg5: memref<10112x128xf32, #tpu.memory_space<vmem>>) attributes {dimension_semantics = [], scalar_prefetch = 0 : i64, scratch_operands = 0 : i64, tpu.core_type = #tpu.core_type<tc>} {
    %get3A = arith.constant 0 : index
    %get3A_0 = arith.constant 0 : index
    %get3A_1 = vector.load %arg0[%get3A, %get3A_0] : memref<10112x128xf32, #tpu.memory_space<vmem>>, vector<10112x128xf32>
    %get3A_2 = arith.constant 0 : index
    %get3A_3 = arith.constant 0 : index
    %get3A_4 = vector.load %arg1[%get3A_2, %get3A_3] : memref<10112x128xf32, #tpu.memory_space<vmem>>, vector<10112x128xf32>
    %add3A = arith.addf %get3A_1, %get3A_4 : vector<10112x128xf32>
    %get3A_5 = arith.constant 0 : index
    %get3A_6 = arith.constant 0 : index
    %get3A_7 = vector.load %arg2[%get3A_5, %get3A_6] : memref<10112x1xf32, #tpu.memory_space<vmem>>, vector<10112x1xf32>
    %mul3A = vector.broadcast %get3A_7 : vector<10112x1xf32> to vector<10112x128xf32>
    %mul3A_8 = arith.mulf %mul3A, %add3A : vector<10112x128xf32>
    %get3A_9 = arith.constant 0 : index
    %get3A_10 = arith.constant 0 : index
    %get3A_11 = vector.load %arg3[%get3A_9, %get3A_10] : memref<1x128xf32, #tpu.memory_space<vmem>>, vector<1x128xf32>
    %add3A_12 = vector.broadcast %get3A_11 : vector<1x128xf32> to vector<10112x128xf32>
    %add3A_13 = arith.addf %mul3A_8, %add3A_12 : vector<10112x128xf32>
    %max3A = arith.constant 0.000000e+00 : f32
    %max3A_14 = vector.broadcast %max3A : f32 to vector<10112x128xf32>
    %max3A_15 = arith.maximumf %add3A_13, %max3A_14 : vector<10112x128xf32>
    %get3A_16 = arith.constant 0 : index
    %get3A_17 = arith.constant 0 : index
    %get3A_18 = vector.load %arg2[%get3A_16, %get3A_17] : memref<10112x1xf32, #tpu.memory_space<vmem>>, vector<10112x1xf32>
    %get3A_19 = arith.constant 0 : index
    %get3A_20 = arith.constant 0 : index
    %get3A_21 = vector.load %arg4[%get3A_19, %get3A_20] : memref<128x128xf32, #tpu.memory_space<vmem>>, vector<128x128xf32>
    %dot_general3A = arith.constant dense<0.000000e+00> : vector<10112x128xf32>
    %dot_general3A_22 = tpu.matmul %max3A_15, %get3A_21, %dot_general3A {dimension_numbers = #tpu.dot_dimension_numbers<[1], [0], [0], [1], [0, 0, 1, 1], [], []>, transpose_lhs_hint = false} : vector<10112x128xf32>, vector<128x128xf32>, vector<10112x128xf32> -> vector<10112x128xf32>
    %mul3A_23 = vector.broadcast %get3A_18 : vector<10112x1xf32> to vector<10112x128xf32>
    %mul3A_24 = arith.mulf %mul3A_23, %dot_general3A_22 : vector<10112x128xf32>
    %swap3A = arith.constant 0 : index
    %swap3A_25 = arith.constant 0 : index
    %swap3A_26 = vector.load %arg5[%swap3A, %swap3A_25] : memref<10112x128xf32, #tpu.memory_space<vmem>>, vector<10112x128xf32>
    tpu.vector_store %arg5[%swap3A, %swap3A_25], %mul3A_24 {strides = array<i32>} : memref<10112x128xf32, #tpu.memory_space<vmem>>, vector<10112x128xf32>,
    return
  }
}

module attributes {stable_mosaic.version = 14 : i64} {
  func.func @tc3_body(%arg0: memref<10112x128xf32, #tpu.memory_space<vmem>>, %arg1: memref<10112x128xf32, #tpu.memory_space<vmem>>, %arg2: memref<10112x1xf32, #tpu.memory_space<vmem>>, %arg3: memref<1x128xf32, #tpu.memory_space<vmem>>, %arg4: memref<128x128xf32, #tpu.memory_space<vmem>>, %arg5: memref<128x128xf32, #tpu.memory_space<vmem>>, %arg6: memref<10112x128xf32, #tpu.memory_space<vmem>>) attributes {dimension_semantics = [], scalar_prefetch = 0 : i64, scratch_operands = 0 : i64, tpu.core_type = #tpu.core_type<tc>} {
    %get3A = arith.constant 0 : index
    %get3A_0 = arith.constant 0 : index
    %get3A_1 = vector.load %arg2[%get3A, %get3A_0] : memref<10112x1xf32, #tpu.memory_space<vmem>>, vector<10112x1xf32>
    %get3A_2 = arith.constant 0 : index
    %get3A_3 = arith.constant 0 : index
    %get3A_4 = vector.load %arg0[%get3A_2, %get3A_3] : memref<10112x128xf32, #tpu.memory_space<vmem>>, vector<10112x128xf32>
    %get3A_5 = arith.constant 0 : index
    %get3A_6 = arith.constant 0 : index
    %get3A_7 = vector.load %arg1[%get3A_5, %get3A_6] : memref<10112x128xf32, #tpu.memory_space<vmem>>, vector<10112x128xf32>
    %add3A = arith.addf %get3A_4, %get3A_7 : vector<10112x128xf32>
    %mul3A = vector.broadcast %get3A_1 : vector<10112x1xf32> to vector<10112x128xf32>
    %mul3A_8 = arith.mulf %mul3A, %add3A : vector<10112x128xf32>
    %get3A_9 = arith.constant 0 : index
    %get3A_10 = arith.constant 0 : index
    %get3A_11 = vector.load %arg3[%get3A_9, %get3A_10] : memref<1x128xf32, #tpu.memory_space<vmem>>, vector<1x128xf32>
    %add3A_12 = vector.broadcast %get3A_11 : vector<1x128xf32> to vector<10112x128xf32>
    %add3A_13 = arith.addf %mul3A_8, %add3A_12 : vector<10112x128xf32>
    %slice3A = vector.extract_strided_slice %add3A_13 {offsets = [0, 0], sizes = [5000, 128], strides = [1, 1]} : vector<10112x128xf32> to vector<5000x128xf32>
    %get3A_14 = arith.constant 0 : index
    %get3A_15 = arith.constant 0 : index
    %get3A_16 = vector.load %arg4[%get3A_14, %get3A_15] : memref<128x128xf32, #tpu.memory_space<vmem>>, vector<128x128xf32>
    %dot_general3A = arith.constant dense<0.000000e+00> : vector<5000x128xf32>
    %dot_general3A_17 = tpu.matmul %slice3A, %get3A_16, %dot_general3A {dimension_numbers = #tpu.dot_dimension_numbers<[1], [0], [0], [1], [0, 0, 1, 1], [], []>, transpose_lhs_hint = false} : vector<5000x128xf32>, vector<128x128xf32>, vector<5000x128xf32> -> vector<5000x128xf32>
    %swap3A = arith.constant 0 : index
    %swap3A_18 = arith.constant 0 : index
    %swap3A_19 = vector.load %arg6[%swap3A, %swap3A_18] : memref<10112x128xf32, #tpu.memory_space<vmem>>, vector<5000x128xf32>
    tpu.vector_store %arg6[%swap3A, %swap3A_18], %dot_general3A_17 {strides = array<i32>} : memref<10112x128xf32, #tpu.memory_space<vmem>>, vector<5000x128xf32>,
    %slice3A_20 = vector.extract_strided_slice %add3A_13 {offsets = [5000, 0], sizes = [5000, 128], strides = [1, 1]} : vector<10112x128xf32> to vector<5000x128xf32>
    %get3A_21 = arith.constant 0 : index
    %get3A_22 = arith.constant 0 : index
    %get3A_23 = vector.load %arg5[%get3A_21, %get3A_22] : memref<128x128xf32, #tpu.memory_space<vmem>>, vector<128x128xf32>
    %dot_general3A_24 = arith.constant dense<0.000000e+00> : vector<5000x128xf32>
    %dot_general3A_25 = tpu.matmul %slice3A_20, %get3A_23, %dot_general3A_24 {dimension_numbers = #tpu.dot_dimension_numbers<[1], [0], [0], [1], [0, 0, 1, 1], [], []>, transpose_lhs_hint = false} : vector<5000x128xf32>, vector<128x128xf32>, vector<5000x128xf32> -> vector<5000x128xf32>
    %swap3A_26 = arith.constant 5000 : index
    %swap3A_27 = arith.constant 0 : index
    %swap3A_28 = vector.load %arg6[%swap3A_26, %swap3A_27] : memref<10112x128xf32, #tpu.memory_space<vmem>>, vector<5000x128xf32>
    tpu.vector_store %arg6[%swap3A_26, %swap3A_27], %dot_general3A_25 {strides = array<i32>} : memref<10112x128xf32, #tpu.memory_space<vmem>>, vector<5000x128xf32>,
    %broadcast_in_dim3A = arith.constant 0.000000e+00 : f32
    %broadcast_in_dim3A_29 = vector.broadcast %broadcast_in_dim3A : f32 to vector<112x128xf32>
    %swap3A_30 = arith.constant 10000 : index
    %swap3A_31 = arith.constant 0 : index
    %swap3A_32 = vector.load %arg6[%swap3A_30, %swap3A_31] : memref<10112x128xf32, #tpu.memory_space<vmem>>, vector<112x128xf32>
    tpu.vector_store %arg6[%swap3A_30, %swap3A_31], %broadcast_in_dim3A_29 {strides = array<i32>} : memref<10112x128xf32, #tpu.memory_space<vmem>>, vector<112x128xf32>,
    return
  }
}

module attributes {stable_mosaic.version = 14 : i64} {
  func.func @_tc4_body(%arg0: memref<16384x128xf32, #tpu.memory_space<vmem>>, %arg1: memref<16384x128xf32, #tpu.memory_space<vmem>>, %arg2: memref<16384x20xf32, #tpu.memory_space<vmem>>, %arg3: memref<20x128xf32, #tpu.memory_space<vmem>>, %arg4: memref<1x128xf32, #tpu.memory_space<vmem>>, %arg5: memref<1x128xf32, #tpu.memory_space<vmem>>, %arg6: memref<1x1xf32, #tpu.memory_space<vmem>>, %arg7: memref<16384x1xf32, #tpu.memory_space<vmem>>) attributes {dimension_semantics = [], scalar_prefetch = 0 : i64, scratch_operands = 0 : i64, tpu.core_type = #tpu.core_type<tc>} {
    %get3A = arith.constant 0 : index
    %get3A_0 = arith.constant 0 : index
    %get3A_1 = vector.load %arg2[%get3A, %get3A_0] : memref<16384x20xf32, #tpu.memory_space<vmem>>, vector<16384x20xf32>
    %get3A_2 = arith.constant 0 : index
    %get3A_3 = arith.constant 0 : index
    %get3A_4 = vector.load %arg3[%get3A_2, %get3A_3] : memref<20x128xf32, #tpu.memory_space<vmem>>, vector<20x128xf32>
    %dot_general3A = arith.constant dense<0.000000e+00> : vector<16384x128xf32>
    %dot_general3A_5 = tpu.matmul %get3A_1, %get3A_4, %dot_general3A {dimension_numbers = #tpu.dot_dimension_numbers<[1], [0], [0], [1], [0, 0, 1, 1], [], []>, transpose_lhs_hint = false} : vector<16384x20xf32>, vector<20x128xf32>, vector<16384x128xf32> -> vector<16384x128xf32>
    %get3A_6 = arith.constant 0 : index
    %get3A_7 = arith.constant 0 : index
    %get3A_8 = vector.load %arg0[%get3A_6, %get3A_7] : memref<16384x128xf32, #tpu.memory_space<vmem>>, vector<16384x128xf32>
    %get3A_9 = arith.constant 0 : index
    %get3A_10 = arith.constant 0 : index
    %get3A_11 = vector.load %arg1[%get3A_9, %get3A_10] : memref<16384x128xf32, #tpu.memory_space<vmem>>, vector<16384x128xf32>
    %add3A = arith.addf %get3A_8, %get3A_11 : vector<16384x128xf32>
    %add3A_12 = arith.addf %add3A, %dot_general3A_5 : vector<16384x128xf32>
    %get3A_13 = arith.constant 0 : index
    %get3A_14 = arith.constant 0 : index
    %get3A_15 = vector.load %arg4[%get3A_13, %get3A_14] : memref<1x128xf32, #tpu.memory_space<vmem>>, vector<1x128xf32>
    %add3A_16 = vector.broadcast %get3A_15 : vector<1x128xf32> to vector<16384x128xf32>
    %add3A_17 = arith.addf %add3A_12, %add3A_16 : vector<16384x128xf32>
    %max3A = arith.constant 0.000000e+00 : f32
    %max3A_18 = vector.broadcast %max3A : f32 to vector<16384x128xf32>
    %max3A_19 = arith.maximumf %add3A_17, %max3A_18 : vector<16384x128xf32>
    %get3A_20 = arith.constant 0 : index
    %get3A_21 = arith.constant 0 : index
    %get3A_22 = vector.load %arg5[%get3A_20, %get3A_21] : memref<1x128xf32, #tpu.memory_space<vmem>>, vector<1x128xf32>
    %mul3A = vector.broadcast %get3A_22 : vector<1x128xf32> to vector<16384x128xf32>
    %mul3A_23 = arith.mulf %max3A_19, %mul3A : vector<16384x128xf32>
    %reduce_sum3A = arith.constant dense<0.000000e+00> : vector<16384xf32>
    %reduce_sum3A_24 = vector.multi_reduction <add>, %mul3A_23, %reduce_sum3A [1] : vector<16384x128xf32> to vector<16384xf32>
    %broadcast_in_dim3A = vector.shape_cast %reduce_sum3A_24 : vector<16384xf32> to vector<16384x1xf32>
    %get3A_25 = arith.constant 0 : index
    %get3A_26 = arith.constant 0 : index
    %get3A_27 = vector.load %arg6[%get3A_25, %get3A_26] : memref<1x1xf32, #tpu.memory_space<vmem>>, vector<1x1xf32>
    %add3A_28 = vector.broadcast %get3A_27 : vector<1x1xf32> to vector<16384x1xf32>
    %add3A_29 = arith.addf %broadcast_in_dim3A, %add3A_28 : vector<16384x1xf32>
    %swap3A = arith.constant 0 : index
    %swap3A_30 = arith.constant 0 : index
    %swap3A_31 = vector.load %arg7[%swap3A, %swap3A_30] : memref<16384x1xf32, #tpu.memory_space<vmem>>, vector<16384x1xf32>
    tpu.vector_store %arg7[%swap3A, %swap3A_30], %add3A_29 {strides = array<i32>} : memref<16384x1xf32, #tpu.memory_space<vmem>>, vector<16384x1xf32>,
    return
  }
}

</mosaic_0001>

<sc_bundles>
// kernel: kernel.10.cloned.1.call-start
scs
__scs_entry_jumppad:
0x0: {  	(pc) =	sbr.rel $0x88, $3  }
0x1: {  	(tag) =	ssettag $0x0;
	lr =	simm.s32 $0x1  }
0x2: {  	[smem:$0x3F93] =	sst lr;
	_ =	strace $0xD0000000  }
0x3: {  	_ = 	snop  }
0x4: {  	_ = 	snop  }
0x5: {  	_ = 	snop  }
0x6: {  	_ = 	snop  }
0x7: {  	_ = 	snop  }
__scs_overlays_trampoline_lowered:
0x8: {  	[smem:$0x3FA2] =	sst s0  }
0x9: {  	[smem:$0x3FA3] =	sst s1  }
0xa: {  	[smem:$0x3FA4] =	sst s2  }
0xb: {  	[smem:$0x3FA5] =	sst s3  }
0xc: {  	[smem:$0x3FA6] =	sst s4  }
0xd: {  	[smem:$0x3FA7] =	sst s5  }
0xe: {  	[smem:$0x3FA8] =	sst s6  }
0xf: {  	[smem:$0x3FA9] =	sst s7  }
0x10: {  	[smem:$0x3FAA] =	sst s8  }
0x11: {  	[smem:$0x3FAB] =	sst s9;
	s0 =	simm.s32 @!p0 $0x0  }
0x12: {  	s1 =	sld [smem:$0x3F91];
	s0 =	simm.s32 @p0 $0x1  }
0x13: {  	[smem:$0x3FAC] =	sst s0;
	s0 =	simm.s32 @!p1 $0x0  }
0x14: {  	s2 =	sld [smem:$0x3F90];
	s0 =	simm.s32 @p1 $0x1  }
0x15: {  	[smem:$0x3FAD] =	sst s0;
	s0 =	simm.s32 @!p2 $0x0  }
0x16: {  	s3 =	sld [smem:$0x3FDB];
	s0 =	simm.s32 @p2 $0x1  }
0x17: {  	s4 =	simm.s32 $0x1BF5;
	[smem:$0x3FAF] =	sst s0  }
0x18: {  	s0 =	sld [smem:$0x3F92];
	_ =	swait.ge [sflag:s4], $0x0  }
0x19: {  	s7 =	sld [smem:$0x3F93]  }
0x1a: {  	s8 =	sadd.s32 $0xFFFFE003, lr  }
0x1b: {  	s9 =	sadd.s32 $0xFFFFFEF7, lr;
	s5 =	simm.s32 $0xFFFFFFFF;
	p2 =	slt.u32 s8, $0xFFFFF086  }
0x1c: {  	p1 =	slt.u32 s9, $0xF7A;
	s5 =	simm.s32 @!p2 $0x0  }
0x1d: {  	s5 =	simm.s32 @p1 $0x1;
	p0 =	seq.s32 s7, s2  }
0x1e: {  	s7 =	smul.u32 @!p0 $0xF7A, s2;
	p2 =	seq.s32 @!p0 s5, $0x0  }
0x1f: {  	s9 =	smul.u32 $0xF7A, s1;
	s8 =	simm.s32 @!p0 $0x1BF5;
	p2 =	por !p2, p0  }
0x20: {  	[sflag:s8] =	ssyncset.s32 @!p0 $0xFFFFF086;
	s6 =	sadd.s32 @!p0 s3, s7;
	s7 =	simm.s32 @!p0 $0x108  }
0x21: {  	s3 =	sadd.s32 s3, s9;
	s6 =	sadd.s32 @!p0 $0x88, s6;
	s7 =	simm.s32 @p2 $0x1082  }
0x22: {  	[simem:s7], [sflag:s8] =	dma.local @!p0 [hbm:s6], $0xF7A  }
0x23: {  	s9 =	sor.u32 $0xD0000000, s2;
	s6 =	simm.s32 $0x108;
	_ =	swait.ge @!p0 [sflag:s8], $0x0  }
0x24: {  	s3 =	sadd.s32 $0x88, s3;
	s6 =	simm.s32 @!p1 $0x1082;
	[sflag:s4] =	ssyncset.s32 $0xFFFFF086  }
0x25: {  	[simem:s6], [sflag:s4] =	dma.local [hbm:s3], $0xF7A  }
0x26: {  	[smem:$0x3F93] =	sst s1;
	(tag) =	ssettag s2;
	_ =	strace s9  }
0x27: {  	s1 =	sld [smem:$0x3FA3]  }
0x28: {  	s2 =	sld [smem:$0x3FA4]  }
0x29: {  	s4 =	sld [smem:$0x3FA6]  }
0x2a: {  	p0 =	seq.s32 s5, $0x0;
	s5 =	sld [smem:$0x3FA7]  }
0x2b: {  	s6 =	sld [smem:$0x3FA8]  }
0x2c: {  	s7 =	sld [smem:$0x3FA9]  }
0x2d: {  	s3 =	simm.s32 $0x108;
	s8 =	sld [smem:$0x3FAA]  }
0x2e: {  	s3 =	simm.s32 @!p0 $0x1082;
	s9 =	sld [smem:$0x3FAB]  }
0x2f: {  	lr =	sadd.s32 s0, s3;
	s0 =	sld [smem:$0x3FA2]  }
0x30: {  	s3 =	sld [smem:$0x3FA5]  }
0x31: {  	[smem:$0x3FAE] =	sst s10  }
0x32: {  	s10 =	sld [smem:$0x3FAC];
	_ =	sdelay $0x3  }
0x33: {  	p0 =	seq.s32 s10, $0x1;
	s10 =	sld [smem:$0x3FAE];
	_ =	sdelay $0x3  }
0x34: {  	[smem:$0x3FAE] =	sst s10  }
0x35: {  	s10 =	sld [smem:$0x3FAD];
	_ =	sdelay $0x3  }
0x36: {  	p1 =	seq.s32 s10, $0x1;
	s10 =	sld [smem:$0x3FAE];
	_ =	sdelay $0x3  }
0x37: {  	[smem:$0x3FAE] =	sst s10  }
0x38: {  	s10 =	sld [smem:$0x3FAF]  }
0x39: {  	_ = 	snop;
	(pc) =	sbr.ind lr, $3  }
0x3a: {  	_ = 	snop  }
0x3b: {  	_ = 	snop  }
0x3c: {  	p2 =	seq.s32 s10, $0x1;
	s10 =	sld [smem:$0x3FAE]  }
0x3d: {  	_ =	shalt  }
0x3e: {  	_ =	shalt  }
0x3f: {  	_ =	shalt  }
0x40: {  	_ =	shalt  }
0x41: {  	_ =	shalt  }
0x42: {  	_ =	shalt  }
0x43: {  	_ =	shalt  }
0x44: {  	_ =	shalt  }
0x45: {  	_ =	shalt  }
0x46: {  	_ =	shalt  }
0x47: {  	_ =	shalt  }
0x48: {  	_ =	shalt  }
0x49: {  	_ =	shalt  }
0x4a: {  	_ =	shalt  }
0x4b: {  	_ =	shalt  }
0x4c: {  	_ =	shalt  }
0x4d: {  	_ =	shalt  }
0x4e: {  	_ =	shalt  }
0x4f: {  	_ =	shalt  }
0x50: {  	_ =	shalt  }
0x51: {  	_ =	shalt  }
0x52: {  	_ =	shalt  }
0x53: {  	_ =	shalt  }
0x54: {  	_ =	shalt  }
0x55: {  	_ =	shalt  }
0x56: {  	_ =	shalt  }
0x57: {  	_ =	shalt  }
0x58: {  	_ =	shalt  }
0x59: {  	_ =	shalt  }
0x5a: {  	_ =	shalt  }
0x5b: {  	_ =	shalt  }
0x5c: {  	_ =	shalt  }
0x5d: {  	_ =	shalt  }
0x5e: {  	_ =	shalt  }
0x5f: {  	_ =	shalt  }
0x60: {  	_ =	shalt  }
0x61: {  	_ =	shalt  }
0x62: {  	_ =	shalt  }
0x63: {  	_ =	shalt  }
0x64: {  	_ =	shalt  }
0x65: {  	_ =	shalt  }
0x66: {  	_ =	shalt  }
0x67: {  	_ =	shalt  }
0x68: {  	_ =	shalt  }
0x69: {  	_ =	shalt  }
0x6a: {  	_ =	shalt  }
0x6b: {  	_ =	shalt  }
0x6c: {  	_ =	shalt  }
0x6d: {  	_ =	shalt  }
0x6e: {  	_ =	shalt  }
0x6f: {  	_ =	shalt  }
0x70: {  	_ =	shalt  }
0x71: {  	_ =	shalt  }
0x72: {  	_ =	shalt  }
0x73: {  	_ =	shalt  }
0x74: {  	_ =	shalt  }
0x75: {  	_ =	shalt  }
0x76: {  	_ =	shalt  }
0x77: {  	_ =	shalt  }
0x78: {  	_ =	shalt  }
0x79: {  	_ =	shalt  }
0x7a: {  	_ =	shalt  }
0x7b: {  	_ =	shalt  }
0x7c: {  	_ =	shalt  }
0x7d: {  	_ =	shalt  }
0x7e: {  	_ =	shalt  }
0x7f: {  	_ =	shalt  }
0x80: {  	_ =	shalt  }
0x81: {  	_ =	shalt  }
0x82: {  	_ =	shalt  }
0x83: {  	_ =	shalt  }
0x84: {  	_ =	shalt  }
0x85: {  	_ =	shalt  }
0x86: {  	_ =	shalt  }
0x87: {  	_ =	shalt  }
.Lfunc_end0:
.L_simem_size_0:
called_computation_lowered:
.L_overlay_start_0:
0x88: {  	s2 =	sld [smem:$0x3FD9]  }
0x89: {  	s3 =	sld [smem:$0x3FFE];
	_ =	sdelay $0x1  }
0x8a: {  	s1 =	srdreg.scid  }
0x8b: {  	s0 =	sand.u32 $0x1, s1  }
0x8c: {  	s17 =	sshll.u32 s0, $0xA;
	s2 =	sadd.s32 s3, s2  }
0x8d: {  	s2 =	sadd.s32 s2, s17  }
0x8e: {  	[smem:$0x3FBA] =	sst s2  }
0x8f: {  	_ = 	snop  }
0x90: {  	s2 =	sld [smem:$0x3FD0];
	(tm) =	ssettm $0x1  }
0x91: {  	s18 =	sld [smem:$0x3FFB];
	_ =	sdelay $0x3  }
0x92: {  	_ =	strace s18  }
0x93: {  	s3 =	sld [smem:$0x3FFC];
	_ =	sdelay $0x3  }
0x94: {  	_ =	strace s3  }
0x95: {  	s3 =	sld [smem:$0x3FFD];
	_ =	sdelay $0x3  }
0x96: {  	_ =	strace s3  }
0x97: {  	_ =	strace $0x8FFFFFFF  }
0x98: {  	s19 =	sld [smem:$0x3FDB];
	_ =	sdelay $0x1  }
0x99: {  	s4 =	simm.s32 $_scs_section_size  }
0x9a: {  	s5 =	simm.s32 $_size__tile_overlayer_lowered;
	s6 =	simm.s32 $_tile_overlayer_lowered  }
0x9b: {  	s22 =	simm.s32 $0x1BFF;
	s21 =	sshll.u32 s6, $0x1;
	s3 =	sadd.s32 s4, s19  }
0x9c: {  	s7 =	simm.s32 $0x0;
	s20 =	sshll.u32 s5, $0x1;
	s5 =	sadd.s32 s21, s3  }
0x9d: {  	[timem:s7], [sflag:s22] =	dma.local [hbm:s5], s20  }
0x9e: {  	_ =	swait.ge [sflag:s22], s20  }
0x9f: {  	s4 =	ssub.s32 $0x0, s20;
	[sflag:s22] =	ssyncset.done $0x0  }
0xa0: {  	[sflag:s22] =	ssyncadd.s32 s4;
	_ =	sdelay $0x1  }
0xa1: {  	s23 =	simm.s32 $0x1B8B  }
0xa2: {  	_ =	swait.ge [sflag:s23], $0x1  }
0xa3: {  	[sflag:s23] =	ssyncset.done $0x0  }
0xa4: {  	s25 =	simm.s32 $0x1B8E;
	s24 =	sld [smem:$0x3FFE];
	[sflag:s23] =	ssyncadd.s32 $0xFFFFFFFF  }
0xa5: {  	s26 =	simm.s32 $execute0_lowered;
	[smem:$0x3FD2] =	sst s25  }
0xa6: {  	s5 =	sshll.u32 s26, $0x1;
	_ =	strace $0x80000046;
	[dreg:$0x1] =	wrdreg $0xFFFFFFFF  }
0xa7: {  	s28 =	simm.s32 $_size_execute0_lowered;
	s3 =	sadd.s32 s3, s5;
	[dreg:$0x0] =	wrdreg $0x0  }
0xa8: {  	s5 =	sshll.u32 s28, $0x1;
	[dreg:$0x2] =	wrdreg s3  }
0xa9: {  	[dreg:$0x3] =	wrdreg s5  }
0xaa: {  	[dreg:$0x4] =	wrdreg $0xC0  }
0xab: {  	_ =	task [dreg:s7], $0x5FFFF  }
0xac: {  	[dreg:$0x1] =	wrdreg $0xFFFFFFFF  }
0xad: {  	[dreg:$0x0] =	wrdreg $0x60  }
0xae: {  	[dreg:$0x2] =	wrdreg s24  }
0xaf: {  	[dreg:$0x3] =	wrdreg s2  }
0xb0: {  	[dreg:$0x4] =	wrdreg $0x30000  }
0xb1: {  	[dreg:$0x5] =	wrdreg $0x9  }
0xb2: {  	_ =	task.clear_ibuf [dreg:s7], $0x6FFFF;
	_ =	strace $0x90000046  }
0xb3: {  	s29 =	simm.s32 $0x9;
	_ =	strace $0x80000048  }
0xb4: {  	_ =	swait.ge [sflag:s29], $0x1  }
0xb5: {  	[sflag:s29] =	ssyncadd.s32 $0xFFFFFFFF  }
0xb6: {  	_ =	strace $0x90000048  }
0xb7: {  	_ =	sfence  }
0xb8: {  	s30 =	sld [smem:$0x0];
	_ =	sdelay $0x2  }
0xb9: {  	s31 =	sshll.u32 s1, $0xD;
	s1 =	sshrl.u32 s1, $0x2  }
0xba: {  	s3 =	sand.u32 $0x4000, s31;
	s1 =	sadd.s32 s1, s30  }
0xbb: {  	s0 =	sor.u32 s3, s0;
	s1 =	sshll.u32 s1, $0x11  }
0xbc: {  	s0 =	sor.u32 s1, s0  }
0xbd: {  	s0 =	sadd.s32 $0x8F2B, s0  }
0xbe: {  	[sflag:s0] =	ssyncadd.remote.s32 $0x1  }
0xbf: {  	_ =	sfence.sel $0xFFFF  }
0xc0: {  	[dreg:$0x0] =	wrdreg $0xFFFFFFFF;
	(pc) =	sbr.abs _section_cstart, $3  }
0xc1: {  	[dreg:$0x1] =	wrdreg $0xFFFFFFFF  }
0xc2: {  	_ =	task.clear_ibuf [dreg:s7], $0x2FFFF;
	_ =	strace $0x9FFFFFFF  }
0xc3: {  	(tm) =	ssettm $0x7FFFFFFF  }
tec
execute0_lowered:
.L_overlay_start_1:
0x0: {  	(tag) =	ssettag $0x1  }
0x1: {  	s6 =	rddreg [dreg:$0x0]  }
0x2: {  	s0 =	srdreg.scid;
	s2 =	rddreg [dreg:$0x1]  }
0x3: {  	s3 =	rddreg [dreg:$0x2];
	s4 =	simm.s32 $0x0;
	s13 =	simm.s32 $0x80  }
0x4: {  	s14 =	simm.s32 $0x0;
	s5 =	sand.u32 $0x1, s0;
	s0 =	stileid.u32  }
0x5: {  	[smem:$0x7FF] =	sst s4;
	s1 =	sshll.u32 s5, $0x4;
	s8 =	smul.u32 $0x2780, s0  }
0x6: {  	s9 =	smul.u32 $0x27800, s5;
	s5 =	ssub.s32 $0x2, s5;
	s1 =	sor.u32 s0, s1  }
0x7: {  	s31 =	sshll.u32 s0, $0x6;
	s11 =	sshrl.u32 s5, $0x1;
	s7 =	smul.u32 $0x500, s1  }
0x8: {  	s1 =	rddreg [dreg:$0x3];
	_ =	strace $0x80000047;
	s9 =	sadd.s32 s8, s9  }
0x9: {  	s10 =	sshrl.u32 s8, $0x3;
	s11 =	ssub.s32 s5, s11;
	s12 =	sadd.s32 s8, s3  }
0xa: {  	s9 =	sshrl.u32 s9, $0x3;
	s10 =	sadd.s32 s10, s6;
	s8 =	smax.u32 s11, $0x1  }
0xb: {  	s11 =	sor.u32 $0x1C01, s31;
	s12 =	sshrl.u32 s12, $0x3;
	s7 =	sadd.s32 s7, s6  }
0xc: {  	s9 =	sadd.s32 s9, s6;
	s6 =	sadd.s32 $0xE400, s10;
	s10 =	simm.s32 $0x2800  }
0xd: {  	s5 =	sadd.s32 $0x4400, s7;
	s7 =	sadd.s32 $0x13400, s9;
	s9 =	simm.s32 $0x1  }
.LBB2_1:
0xe: {  	[tilespmem:s4], [sflag:$0x1] =	stream.linear.gather [hbm4b:s5+s4], $0x2800, $0x38;
	[tilespmem:$0x5780] =	vst v63  }
0xf: {  	_ =	swait.ge [sflag:s9], $0x2800  }
0x10: {  	[sflag:s9] =	ssyncset.done $0x0  }
0x11: {  	[sflag:s9] =	ssyncadd.s32 $0xFFFFD800  }
0x12: {  	[tilespmem:s10], [sflag:$0x1] =	stream.linear.gather [hbm4b:s2+s4], $0x800, $0x38;
	[tilespmem:$0x5780] =	vst v63  }
0x13: {  	_ =	swait.ge [sflag:s9], $0x800  }
0x14: {  	[sflag:s9] =	ssyncset.done $0x0  }
0x15: {  	[sflag:s9] =	ssyncadd.s32 $0xFFFFF800  }
0x16: {  	[spmem:s12], [sflag:s11] =	dma.local [hbm:s6], $0x4F0  }
0x17: {  	_ =	swait.ge [sflag:s9], $0x4F0  }
0x18: {  	[sflag:s9] =	ssyncset.done $0x0  }
0x19: {  	[sflag:s9] =	ssyncadd.s32 $0xFFFFFB10  }
0x1a: {  	s15 =	simm.s32 $0x0;
	[bflag:$0x0] =	sbarrier.arrive $0xFFFF  }
0x1b: {  	[spmem:s3] =	stream.indirect.scatter.add.f32 [tilespmem:s10], [sflag:$0x1], $0x10, s15, s13, $0xb8;
	[tilespmem:$0x5780] =	vst v63  }
0x1c: {  	_ =	swait.ge [sflag:s9], $0x800  }
0x1d: {  	s15 =	simm.s32 $0x200;
	[sflag:s9] =	ssyncset.done $0x0  }
.LBB2_2:
0x1e: {  	s16 =	sshra.s32 s15, $0x2;
	[sflag:s9] =	ssyncadd.s32 $0xFFFFF800;
	p0 =	sne.s32 s15, $0x9E00  }
0x1f: {  	[spmem:s3] =	stream.indirect.scatter.add.f32 [tilespmem:s10], [sflag:$0x1], $0x10, s16, s13, $0xb8;
	[tilespmem:$0x5780] =	vst v63  }
.Ltmp0:
0x20: {  	_ = 	snop;
	(pc) =	sbr.rel @p0 .LBB2_2-.Ltmp0, $4  }
0x21: {  	_ = 	snop  }
0x22: {  	s15 =	sadd.s32 $0x200, s15  }
0x23: {  	_ =	swait.ge [sflag:s9], $0x800  }
0x24: {  	[sflag:s9] =	ssyncset.done $0x0  }
0x25: {  	s14 =	sadd.s32 $0x1, s14  }
0x26: {  	[sflag:s9] =	ssyncadd.s32 $0xFFFFF800;
	p0 =	sne.s32 s14, s8  }
.Ltmp1:
0x27: {  	[bflag:$0x0] =	sbarrier.arrive $0xFFFF;
	(pc) =	sbr.rel @p0 .LBB2_1-.Ltmp1, $4  }
0x28: {  	[hbm:s7], [sflag:s11] =	dma.local [spmem:s12], $0x4F0  }
0x29: {  	_ =	swait.ge [sflag:s9], $0x4F0  }
0x2a: {  	[sflag:s9] =	ssyncset.done $0x0  }
0x2b: {  	[sflag:s9] =	ssyncadd.s32 $0xFFFFFB10  }
0x2c: {  	_ =	sfence.sel $0x180000  }
0x2d: {  	[bflag:$0x0] =	sbarrier.arrive $0xFFFF  }
0x2e: {  	p0 =	sne.s32 s0, $0x0;
	_ =	strace $0x90000047  }
0x2f: {  	s0 =	sadd.s32 @!p0 $0x100000, s1;
	[bflag:$0x2] =	sbarrier.arrive $0xFFFF  }
0x30: {  	[sflag:s0] =	ssyncadd.tile.s32 @!p0 $0x1;
	_ =	shalt  }
.Lfunc_end2:
_tile_overlayer_lowered:
.L_overlay_start_2:
0x31: {  	(tag) =	ssettag $0x2  }
0x32: {  	s0 =	rddreg [dreg:$0x0];
	s2 =	stileid.u32  }
0x33: {  	s1 =	rddreg [dreg:$0x1];
	p0 =	sne.s32 s2, $0x0  }
0x34: {  	s3 =	rddreg [dreg:$0x2];
	[bflag:$0x3] =	sbarrier.arrive $0xFFFF;
	s2 =	simm.s32 @!p0 $0x1C01  }
0x35: {  	[timem:s3], [sflag:s2] =	dma.local @!p0 [hbm:s0], s1  }
0x36: {  	s0 =	simm.s32 @!p0 $0x1  }
0x37: {  	_ =	swait.ge @!p0 [sflag:s0], s1  }
0x38: {  	s1 =	ssub.s32 @!p0 $0x0, s1;
	[sflag:s0] =	ssyncset.done @!p0 $0x0  }
0x39: {  	[sflag:s0] =	ssyncadd.s32 @!p0 s1  }
0x3a: {  	[bflag:$0x3] =	sbarrier.arrive $0xFFFF  }
0x3b: {  	_ =	shalt  }

// kernel: kernel.13.cloned.1.call-start
scs
__scs_entry_jumppad:
0x0: {  	(pc) =	sbr.rel $0x88, $3  }
0x1: {  	(tag) =	ssettag $0x0;
	lr =	simm.s32 $0x1  }
0x2: {  	[smem:$0x3F93] =	sst lr;
	_ =	strace $0xD0000000  }
0x3: {  	_ = 	snop  }
0x4: {  	_ = 	snop  }
0x5: {  	_ = 	snop  }
0x6: {  	_ = 	snop  }
0x7: {  	_ = 	snop  }
__scs_overlays_trampoline_lowered:
0x8: {  	[smem:$0x3FA2] =	sst s0  }
0x9: {  	[smem:$0x3FA3] =	sst s1  }
0xa: {  	[smem:$0x3FA4] =	sst s2  }
0xb: {  	[smem:$0x3FA5] =	sst s3  }
0xc: {  	[smem:$0x3FA6] =	sst s4  }
0xd: {  	[smem:$0x3FA7] =	sst s5  }
0xe: {  	[smem:$0x3FA8] =	sst s6  }
0xf: {  	[smem:$0x3FA9] =	sst s7  }
0x10: {  	[smem:$0x3FAA] =	sst s8  }
0x11: {  	[smem:$0x3FAB] =	sst s9;
	s0 =	simm.s32 @!p0 $0x0  }
0x12: {  	s1 =	sld [smem:$0x3F91];
	s0 =	simm.s32 @p0 $0x1  }
0x13: {  	[smem:$0x3FAC] =	sst s0;
	s0 =	simm.s32 @!p1 $0x0  }
0x14: {  	s2 =	sld [smem:$0x3F90];
	s0 =	simm.s32 @p1 $0x1  }
0x15: {  	[smem:$0x3FAD] =	sst s0;
	s0 =	simm.s32 @!p2 $0x0  }
0x16: {  	s3 =	sld [smem:$0x3FDB];
	s0 =	simm.s32 @p2 $0x1  }
0x17: {  	s4 =	simm.s32 $0x1BF5;
	[smem:$0x3FAF] =	sst s0  }
0x18: {  	s0 =	sld [smem:$0x3F92];
	_ =	swait.ge [sflag:s4], $0x0  }
0x19: {  	s7 =	sld [smem:$0x3F93]  }
0x1a: {  	s8 =	sadd.s32 $0xFFFFE003, lr  }
0x1b: {  	s9 =	sadd.s32 $0xFFFFFEF7, lr;
	s5 =	simm.s32 $0xFFFFFFFF;
	p2 =	slt.u32 s8, $0xFFFFF086  }
0x1c: {  	p1 =	slt.u32 s9, $0xF7A;
	s5 =	simm.s32 @!p2 $0x0  }
0x1d: {  	s5 =	simm.s32 @p1 $0x1;
	p0 =	seq.s32 s7, s2  }
0x1e: {  	s7 =	smul.u32 @!p0 $0xF7A, s2;
	p2 =	seq.s32 @!p0 s5, $0x0  }
0x1f: {  	s9 =	smul.u32 $0xF7A, s1;
	s8 =	simm.s32 @!p0 $0x1BF5;
	p2 =	por !p2, p0  }
0x20: {  	[sflag:s8] =	ssyncset.s32 @!p0 $0xFFFFF086;
	s6 =	sadd.s32 @!p0 s3, s7;
	s7 =	simm.s32 @!p0 $0x108  }
0x21: {  	s3 =	sadd.s32 s3, s9;
	s6 =	sadd.s32 @!p0 $0x88, s6;
	s7 =	simm.s32 @p2 $0x1082  }
0x22: {  	[simem:s7], [sflag:s8] =	dma.local @!p0 [hbm:s6], $0xF7A  }
0x23: {  	s9 =	sor.u32 $0xD0000000, s2;
	s6 =	simm.s32 $0x108;
	_ =	swait.ge @!p0 [sflag:s8], $0x0  }
0x24: {  	s3 =	sadd.s32 $0x88, s3;
	s6 =	simm.s32 @!p1 $0x1082;
	[sflag:s4] =	ssyncset.s32 $0xFFFFF086  }
0x25: {  	[simem:s6], [sflag:s4] =	dma.local [hbm:s3], $0xF7A  }
0x26: {  	[smem:$0x3F93] =	sst s1;
	(tag) =	ssettag s2;
	_ =	strace s9  }
0x27: {  	s1 =	sld [smem:$0x3FA3]  }
0x28: {  	s2 =	sld [smem:$0x3FA4]  }
0x29: {  	s4 =	sld [smem:$0x3FA6]  }
0x2a: {  	p0 =	seq.s32 s5, $0x0;
	s5 =	sld [smem:$0x3FA7]  }
0x2b: {  	s6 =	sld [smem:$0x3FA8]  }
0x2c: {  	s7 =	sld [smem:$0x3FA9]  }
0x2d: {  	s3 =	simm.s32 $0x108;
	s8 =	sld [smem:$0x3FAA]  }
0x2e: {  	s3 =	simm.s32 @!p0 $0x1082;
	s9 =	sld [smem:$0x3FAB]  }
0x2f: {  	lr =	sadd.s32 s0, s3;
	s0 =	sld [smem:$0x3FA2]  }
0x30: {  	s3 =	sld [smem:$0x3FA5]  }
0x31: {  	[smem:$0x3FAE] =	sst s10  }
0x32: {  	s10 =	sld [smem:$0x3FAC];
	_ =	sdelay $0x3  }
0x33: {  	p0 =	seq.s32 s10, $0x1;
	s10 =	sld [smem:$0x3FAE];
	_ =	sdelay $0x3  }
0x34: {  	[smem:$0x3FAE] =	sst s10  }
0x35: {  	s10 =	sld [smem:$0x3FAD];
	_ =	sdelay $0x3  }
0x36: {  	p1 =	seq.s32 s10, $0x1;
	s10 =	sld [smem:$0x3FAE];
	_ =	sdelay $0x3  }
0x37: {  	[smem:$0x3FAE] =	sst s10  }
0x38: {  	s10 =	sld [smem:$0x3FAF]  }
0x39: {  	_ = 	snop;
	(pc) =	sbr.ind lr, $3  }
0x3a: {  	_ = 	snop  }
0x3b: {  	_ = 	snop  }
0x3c: {  	p2 =	seq.s32 s10, $0x1;
	s10 =	sld [smem:$0x3FAE]  }
0x3d: {  	_ =	shalt  }
0x3e: {  	_ =	shalt  }
0x3f: {  	_ =	shalt  }
0x40: {  	_ =	shalt  }
0x41: {  	_ =	shalt  }
0x42: {  	_ =	shalt  }
0x43: {  	_ =	shalt  }
0x44: {  	_ =	shalt  }
0x45: {  	_ =	shalt  }
0x46: {  	_ =	shalt  }
0x47: {  	_ =	shalt  }
0x48: {  	_ =	shalt  }
0x49: {  	_ =	shalt  }
0x4a: {  	_ =	shalt  }
0x4b: {  	_ =	shalt  }
0x4c: {  	_ =	shalt  }
0x4d: {  	_ =	shalt  }
0x4e: {  	_ =	shalt  }
0x4f: {  	_ =	shalt  }
0x50: {  	_ =	shalt  }
0x51: {  	_ =	shalt  }
0x52: {  	_ =	shalt  }
0x53: {  	_ =	shalt  }
0x54: {  	_ =	shalt  }
0x55: {  	_ =	shalt  }
0x56: {  	_ =	shalt  }
0x57: {  	_ =	shalt  }
0x58: {  	_ =	shalt  }
0x59: {  	_ =	shalt  }
0x5a: {  	_ =	shalt  }
0x5b: {  	_ =	shalt  }
0x5c: {  	_ =	shalt  }
0x5d: {  	_ =	shalt  }
0x5e: {  	_ =	shalt  }
0x5f: {  	_ =	shalt  }
0x60: {  	_ =	shalt  }
0x61: {  	_ =	shalt  }
0x62: {  	_ =	shalt  }
0x63: {  	_ =	shalt  }
0x64: {  	_ =	shalt  }
0x65: {  	_ =	shalt  }
0x66: {  	_ =	shalt  }
0x67: {  	_ =	shalt  }
0x68: {  	_ =	shalt  }
0x69: {  	_ =	shalt  }
0x6a: {  	_ =	shalt  }
0x6b: {  	_ =	shalt  }
0x6c: {  	_ =	shalt  }
0x6d: {  	_ =	shalt  }
0x6e: {  	_ =	shalt  }
0x6f: {  	_ =	shalt  }
0x70: {  	_ =	shalt  }
0x71: {  	_ =	shalt  }
0x72: {  	_ =	shalt  }
0x73: {  	_ =	shalt  }
0x74: {  	_ =	shalt  }
0x75: {  	_ =	shalt  }
0x76: {  	_ =	shalt  }
0x77: {  	_ =	shalt  }
0x78: {  	_ =	shalt  }
0x79: {  	_ =	shalt  }
0x7a: {  	_ =	shalt  }
0x7b: {  	_ =	shalt  }
0x7c: {  	_ =	shalt  }
0x7d: {  	_ =	shalt  }
0x7e: {  	_ =	shalt  }
0x7f: {  	_ =	shalt  }
0x80: {  	_ =	shalt  }
0x81: {  	_ =	shalt  }
0x82: {  	_ =	shalt  }
0x83: {  	_ =	shalt  }
0x84: {  	_ =	shalt  }
0x85: {  	_ =	shalt  }
0x86: {  	_ =	shalt  }
0x87: {  	_ =	shalt  }
.Lfunc_end0:
.L_simem_size_0:
called_computation.1_lowered:
.L_overlay_start_0:
0x88: {  	s2 =	sld [smem:$0x3FD9]  }
0x89: {  	s3 =	sld [smem:$0x3FFE];
	_ =	sdelay $0x1  }
0x8a: {  	s1 =	srdreg.scid  }
0x8b: {  	s0 =	sand.u32 $0x1, s1  }
0x8c: {  	s16 =	sshll.u32 s0, $0xA;
	s2 =	sadd.s32 s3, s2  }
0x8d: {  	s2 =	sadd.s32 s2, s16  }
0x8e: {  	[smem:$0x3FBA] =	sst s2  }
0x8f: {  	_ = 	snop  }
0x90: {  	(tm) =	ssettm $0x1  }
0x91: {  	s17 =	sld [smem:$0x3FFB];
	_ =	sdelay $0x3  }
0x92: {  	_ =	strace s17  }
0x93: {  	s2 =	sld [smem:$0x3FFC];
	_ =	sdelay $0x3  }
0x94: {  	_ =	strace s2  }
0x95: {  	s2 =	sld [smem:$0x3FFD];
	_ =	sdelay $0x3  }
0x96: {  	_ =	strace s2  }
0x97: {  	_ =	strace $0x8FFFFFFF  }
0x98: {  	s18 =	sld [smem:$0x3FDB];
	_ =	sdelay $0x1  }
0x99: {  	s19 =	simm.s32 $_scs_section_size  }
0x9a: {  	s4 =	simm.s32 $_size__tile_overlayer_lowered;
	s5 =	simm.s32 $_tile_overlayer_lowered  }
0x9b: {  	s22 =	simm.s32 $0x1BFF;
	s21 =	sshll.u32 s5, $0x1;
	s2 =	sadd.s32 s19, s18  }
0x9c: {  	s6 =	simm.s32 $0x0;
	s20 =	sshll.u32 s4, $0x1;
	s4 =	sadd.s32 s21, s2  }
0x9d: {  	[timem:s6], [sflag:s22] =	dma.local [hbm:s4], s20  }
0x9e: {  	_ =	swait.ge [sflag:s22], s20  }
0x9f: {  	s3 =	ssub.s32 $0x0, s20;
	[sflag:s22] =	ssyncset.done $0x0  }
0xa0: {  	[sflag:s22] =	ssyncadd.s32 s3;
	_ =	sdelay $0x1  }
0xa1: {  	s23 =	simm.s32 $0x1B8B  }
0xa2: {  	_ =	swait.ge [sflag:s23], $0x1  }
0xa3: {  	[sflag:s23] =	ssyncset.done $0x0  }
0xa4: {  	s25 =	simm.s32 $0x1B8E;
	s24 =	sld [smem:$0x3FFE];
	[sflag:s23] =	ssyncadd.s32 $0xFFFFFFFF  }
0xa5: {  	s26 =	simm.s32 $execute0_lowered;
	[smem:$0x3FD2] =	sst s25  }
0xa6: {  	s4 =	sshll.u32 s26, $0x1;
	_ =	strace $0x80000049;
	[dreg:$0x1] =	wrdreg $0xFFFFFFFF  }
0xa7: {  	s28 =	simm.s32 $_size_execute0_lowered;
	s2 =	sadd.s32 s2, s4;
	[dreg:$0x0] =	wrdreg $0x0  }
0xa8: {  	s4 =	sshll.u32 s28, $0x1;
	[dreg:$0x2] =	wrdreg s2  }
0xa9: {  	[dreg:$0x3] =	wrdreg s4  }
0xaa: {  	[dreg:$0x4] =	wrdreg $0xC0  }
0xab: {  	_ =	task [dreg:s6], $0x5FFFF  }
0xac: {  	[dreg:$0x1] =	wrdreg $0xFFFFFFFF  }
0xad: {  	[dreg:$0x0] =	wrdreg $0x60  }
0xae: {  	[dreg:$0x2] =	wrdreg s24  }
0xaf: {  	[dreg:$0x3] =	wrdreg $0x84000  }
0xb0: {  	[dreg:$0x4] =	wrdreg $0x122000  }
0xb1: {  	[dreg:$0x5] =	wrdreg $0x9  }
0xb2: {  	_ =	task.clear_ibuf [dreg:s6], $0x6FFFF;
	_ =	strace $0x90000049  }
0xb3: {  	s29 =	simm.s32 $0x9;
	_ =	strace $0x8000004B  }
0xb4: {  	_ =	swait.ge [sflag:s29], $0x1  }
0xb5: {  	[sflag:s29] =	ssyncadd.s32 $0xFFFFFFFF  }
0xb6: {  	_ =	strace $0x9000004B  }
0xb7: {  	_ =	sfence  }
0xb8: {  	s30 =	sld [smem:$0x0];
	_ =	sdelay $0x2  }
0xb9: {  	s31 =	sshll.u32 s1, $0xD;
	s1 =	sshrl.u32 s1, $0x2  }
0xba: {  	s3 =	sand.u32 $0x4000, s31;
	s1 =	sadd.s32 s1, s30  }
0xbb: {  	s0 =	sor.u32 s3, s0;
	s1 =	sshll.u32 s1, $0x11  }
0xbc: {  	s0 =	sor.u32 s1, s0  }
0xbd: {  	s0 =	sadd.s32 $0x8F2B, s0  }
0xbe: {  	[sflag:s0] =	ssyncadd.remote.s32 $0x1  }
0xbf: {  	_ =	sfence.sel $0xFFFF  }
0xc0: {  	[dreg:$0x0] =	wrdreg $0xFFFFFFFF;
	(pc) =	sbr.abs _section_cstart, $3  }
0xc1: {  	[dreg:$0x1] =	wrdreg $0xFFFFFFFF  }
0xc2: {  	_ =	task.clear_ibuf [dreg:s6], $0x2FFFF;
	_ =	strace $0x9FFFFFFF  }
0xc3: {  	(tm) =	ssettm $0x7FFFFFFF  }
tec
execute0_lowered:
.L_overlay_start_1:
0x0: {  	(tag) =	ssettag $0x1  }
0x1: {  	s0 =	rddreg [dreg:$0x0]  }
0x2: {  	s1 =	rddreg [dreg:$0x1]  }
0x3: {  	s3 =	rddreg [dreg:$0x2]  }
0x4: {  	s4 =	simm.s32 $0x0;
	s2 =	srdreg.scid;
	s12 =	stileid.u32  }
0x5: {  	s28 =	simm.s32 $0xD;
	s29 =	simm.s32 $0x80;
	s5 =	smul.u32 $0x13C00, s12  }
0x6: {  	s31 =	simm.s32 $0x100;
	s30 =	simm.s32 $0x400;
	s26 =	smul.u32 $0x9E00, s12  }
0x7: {  	[smem:$0x7FF] =	sst s4;
	s2 =	sand.u32 $0x1, s2;
	s13 =	smul.u32 $0x27800, s12  }
0x8: {  	s6 =	sadd.s32 $0x1D200, s0;
	s8 =	sadd.s32 $0x4400, s0;
	s14 =	smul.u32 $0x5000, s12  }
0x9: {  	s9 =	sadd.s32 $0xE400, s0;
	s15 =	sshll.u32 s12, $0x6;
	s23 =	smul.u32 $0xA00, s12  }
0xa: {  	s12 =	simm.s32 $0x4400;
	_ =	strace $0x8000004A;
	s7 =	sshll.u32 s2, $0x6  }
0xb: {  	[dreg:$0x4] =	wrdreg s9;
	s2 =	ssub.s32 $0x2, s2;
	s18 =	sor.u32 $0x1C0D, s15  }
0xc: {  	s15 =	simm.s32 $0x4;
	s5 =	sor.u32 s7, s5;
	s11 =	sshrl.u32 s2, $0x1  }
0xd: {  	s10 =	sadd.s32 s26, s1;
	s9 =	sshrl.u32 s13, $0x2;
	s21 =	sadd.s32 s26, s3  }
0xe: {  	s13 =	simm.s32 $0x6;
	[dreg:$0x6] =	wrdreg s18;
	s5 =	sshrl.u32 s5, $0x3  }
0xf: {  	s2 =	ssub.s32 s2, s11;
	s16 =	sadd.s32 s9, s3;
	s26 =	sshrl.u32 s10, $0x3  }
0x10: {  	s10 =	simm.s32 $0x380;
	[dreg:$0x7] =	wrdreg s21;
	s0 =	sadd.s32 s5, s0  }
0x11: {  	s9 =	sadd.s32 $0x2000, s16;
	s17 =	sadd.s32 $0x4000, s16;
	s5 =	sshrl.u32 s14, $0x3  }
0x12: {  	s19 =	sadd.s32 $0x6000, s16;
	s7 =	sadd.s32 $0x8000, s16;
	[dreg:$0x12] =	wrdreg s26  }
0x13: {  	s25 =	smax.u32 s2, $0x1;
	s2 =	simm.s32 $0x2;
	[dreg:$0x8] =	wrdreg s9  }
0x14: {  	s14 =	simm.s32 $0x9;
	s16 =	simm.s32 $0x6400;
	[dreg:$0x9] =	wrdreg s17  }
0x15: {  	s26 =	simm.s32 $0x200;
	s11 =	sadd.s32 $0x27200, s0;
	[dreg:$0xa] =	wrdreg s19  }
0x16: {  	[dreg:$0xb] =	wrdreg s7;
	s20 =	sadd.s32 s6, s5;
	s22 =	sadd.s32 s8, s5  }
0x17: {  	s5 =	sor.u32 $0x10, s5;
	s0 =	sadd.s32 $0x4EA00, s0;
	[dreg:$0x11] =	wrdreg s25  }
0x18: {  	s19 =	sadd.s32 s23, s8;
	s25 =	simm.s32 $0x10;
	[dreg:$0x5] =	wrdreg s11  }
0x19: {  	s9 =	simm.s32 $0x180;
	s17 =	simm.s32 $0x7;
	[dreg:$0xc] =	wrdreg s20  }
0x1a: {  	[dreg:$0xd] =	wrdreg s22;
	s24 =	sadd.s32 s6, s5;
	s5 =	sadd.s32 s8, s5  }
0x1b: {  	[dreg:$0x10] =	wrdreg s0;
	s20 =	sadd.s32 s23, s6;
	s22 =	simm.s32 $0x1  }
0x1c: {  	s23 =	simm.s32 $0x8;
	s0 =	simm.s32 $0x300;
	s6 =	simm.s32 $0x5  }
0x1d: {  	s11 =	simm.s32 $0x3;
	s8 =	simm.s32 $0x0;
	[dreg:$0xe] =	wrdreg s24  }
0x1e: {  	[dreg:$0xf] =	wrdreg s5;
	s5 =	simm.s32 $0x2400;
	s24 =	simm.s32 $0xA  }
.LBB2_1:
0x1f: {  	[dreg:$0x13] =	wrdreg s8  }
0x20: {  	s7 =	rddreg [dreg:$0x5]  }
0x21: {  	s8 =	rddreg [dreg:$0x12]  }
0x22: {  	[spmem:s8@s23], [sflag:s18] =	dma.strided [hbm:s7@s25], $0x13C0, s22, $0x8   }
0x23: {  	_ =	swait.ge [sflag:s28], $0x13C0  }
0x24: {  	[sflag:s28] =	ssyncset.done $0x0  }
0x25: {  	s25 =	simm.s32 $0x400;
	s8 =	rddreg [dreg:$0x4];
	[sflag:s28] =	ssyncadd.s32 $0xFFFFEC40  }
0x26: {  	[tilespmem:s25], [sflag:$0xD] =	stream.linear.gather [hbm4b:s8+s4], $0x2000, $0x38;
	[tilespmem:$0x1C000] =	vst v63  }
0x27: {  	_ =	swait.ge [sflag:s28], $0x2000  }
0x28: {  	[sflag:s28] =	ssyncset.done $0x0  }
0x29: {  	[sflag:s28] =	ssyncadd.s32 $0xFFFFE000  }
0x2a: {  	[spmem:s21] =	stream.linear.scatter [tilespmem:s25], [sflag:$0xD], $0x2000, $0x38;
	[tilespmem:$0x1C000] =	vst v63  }
0x2b: {  	_ =	swait.ge [sflag:s28], $0x2000  }
0x2c: {  	[sflag:s28] =	ssyncset.done $0x0  }
0x2d: {  	s18 =	rddreg [dreg:$0x8];
	[sflag:s28] =	ssyncadd.s32 $0xFFFFE000  }
0x2e: {  	[spmem:s18] =	stream.linear.scatter [tilespmem:s25], [sflag:$0xD], $0x2000, $0x38;
	[tilespmem:$0x1C000] =	vst v63  }
0x2f: {  	_ =	swait.ge [sflag:s28], $0x2000  }
0x30: {  	[sflag:s28] =	ssyncset.done $0x0  }
0x31: {  	s21 =	rddreg [dreg:$0x9];
	[sflag:s28] =	ssyncadd.s32 $0xFFFFE000  }
0x32: {  	[spmem:s21] =	stream.linear.scatter [tilespmem:s25], [sflag:$0xD], $0x2000, $0x38;
	[tilespmem:$0x1C000] =	vst v63  }
0x33: {  	_ =	swait.ge [sflag:s28], $0x2000  }
0x34: {  	[sflag:s28] =	ssyncset.done $0x0  }
0x35: {  	s8 =	rddreg [dreg:$0xa];
	[sflag:s28] =	ssyncadd.s32 $0xFFFFE000  }
0x36: {  	[spmem:s8] =	stream.linear.scatter [tilespmem:s25], [sflag:$0xD], $0x2000, $0x38;
	[tilespmem:$0x1C000] =	vst v63  }
0x37: {  	_ =	swait.ge [sflag:s28], $0x2000  }
0x38: {  	[sflag:s28] =	ssyncset.done $0x0  }
0x39: {  	s18 =	rddreg [dreg:$0xb];
	[sflag:s28] =	ssyncadd.s32 $0xFFFFE000  }
0x3a: {  	[spmem:s18] =	stream.linear.scatter [tilespmem:s25], [sflag:$0xD], $0x1E00, $0x38;
	[tilespmem:$0x1C000] =	vst v63  }
0x3b: {  	_ =	swait.ge [sflag:s28], $0x1E00  }
0x3c: {  	[sflag:s28] =	ssyncset.done $0x0  }
0x3d: {  	s21 =	rddreg [dreg:$0xc];
	[sflag:s28] =	ssyncadd.s32 $0xFFFFE200  }
0x3e: {  	[tilespmem:s4], [sflag:$0x1] =	stream.linear.gather [hbm4b:s21+s4], $0x80, $0x38;
	[tilespmem:$0x1C000] =	vst v63  }
0x3f: {  	s18 =	simm.s32 $0x200;
	s28 =	rddreg [dreg:$0xd]  }
0x40: {  	[tilespmem:s18], [sflag:$0x1] =	stream.linear.gather [hbm4b:s28+s4], $0x80, $0x38;
	[tilespmem:$0x1C000] =	vst v63  }
0x41: {  	s8 =	rddreg [dreg:$0xe]  }
0x42: {  	[tilespmem:s29], [sflag:$0x2] =	stream.linear.gather [hbm4b:s8+s4], $0x80, $0x38;
	[tilespmem:$0x1C000] =	vst v63  }
0x43: {  	s21 =	rddreg [dreg:$0xf];
	s28 =	simm.s32 $0x280  }
0x44: {  	[tilespmem:s28], [sflag:$0x2] =	stream.linear.gather [hbm4b:s21+s4], $0x80, $0x38;
	[tilespmem:$0x1C000] =	vst v63  }
0x45: {  	[bflag:$0x0] =	sbarrier.arrive $0xFFFF  }
0x46: {  	_ =	swait.ge [sflag:s22], $0x80  }
0x47: {  	[sflag:s22] =	ssyncset.done $0x0  }
0x48: {  	[sflag:s22] =	ssyncadd.s32 $0xFFFFFF80  }
0x49: {  	_ =	swait.ge [sflag:s22], $0x80  }
0x4a: {  	p0 =	por $0x1, $0x1;
	[sflag:s22] =	ssyncset.done $0x0  }
0x4b: {  	s7 =	simm.s32 @!p0 $0xB;
	[sflag:s22] =	ssyncadd.s32 $0xFFFFFF80  }
0x4c: {  	[tilespmem:s25], [sflag:$0x5] =	stream.indirect.gather [spmem:s1], $0x40, s4, s29, $0xb8;
	[tilespmem:$0x1C000] =	vst v63  }
0x4d: {  	_ =	swait.ge @!p0 [sflag:s7], $0x2000  }
0x4e: {  	s8 =	sadd.s32 $0x0, s20;
	[sflag:s7] =	ssyncset.done @!p0 $0x0  }
0x4f: {  	s21 =	sadd.s32 $0x0, s19;
	s22 =	sadd.s32 $0x20, s8;
	[sflag:s7] =	ssyncadd.s32 @!p0 $0xFFFFE000  }
0x50: {  	[tilespmem:s31], [sflag:$0x3] =	stream.linear.gather [hbm4b:s22+s4], $0x80, $0x38;
	[tilespmem:$0x1C000] =	vst v63  }
0x51: {  	s22 =	sadd.s32 $0x20, s21  }
0x52: {  	[tilespmem:s0], [sflag:$0x3] =	stream.linear.gather [hbm4b:s22+s4], $0x80, $0x38;
	[tilespmem:$0x1C000] =	vst v63  }
0x53: {  	_ =	swait.ge [sflag:s2], $0x80  }
0x54: {  	[sflag:s2] =	ssyncset.done $0x0  }
0x55: {  	[sflag:s2] =	ssyncadd.s32 $0xFFFFFF80  }
0x56: {  	_ =	swait.ge [sflag:s2], $0x80  }
0x57: {  	[sflag:s2] =	ssyncset.done $0x0  }
0x58: {  	[sflag:s2] =	ssyncadd.s32 $0xFFFFFF80  }
0x59: {  	[tilespmem:s5], [sflag:$0x6] =	stream.indirect.gather [spmem:s1], $0x40, s29, s29, $0xb8;
	[tilespmem:$0x1C000] =	vst v63  }
0x5a: {  	_ =	swait.ge [sflag:s6], $0x2000  }
0x5b: {  	[sflag:s6] =	ssyncset.done $0x0  }
0x5c: {  	s7 =	simm.s32 @!p0 $0xC;
	[sflag:s6] =	ssyncadd.s32 $0xFFFFE000  }
0x5d: {  	[spmem:s3] =	stream.indirect.scatter.add.f32 [tilespmem:s25], [sflag:$0x9], $0x40, s18, s29, $0xb8;
	[tilespmem:$0x1C000] =	vst v63  }
0x5e: {  	_ =	swait.ge @!p0 [sflag:s7], $0x2000  }
0x5f: {  	[sflag:s7] =	ssyncset.done @!p0 $0x0  }
0x60: {  	s22 =	sadd.s32 $0x30, s8;
	[sflag:s7] =	ssyncadd.s32 @!p0 $0xFFFFE000  }
0x61: {  	[tilespmem:s9], [sflag:$0x4] =	stream.linear.gather [hbm4b:s22+s4], $0x80, $0x38;
	[tilespmem:$0x1C000] =	vst v63  }
0x62: {  	s25 =	sadd.s32 $0x30, s21  }
0x63: {  	[tilespmem:s10], [sflag:$0x4] =	stream.linear.gather [hbm4b:s25+s4], $0x80, $0x38;
	[tilespmem:$0x1C000] =	vst v63  }
0x64: {  	_ =	swait.ge [sflag:s11], $0x80  }
0x65: {  	[sflag:s11] =	ssyncset.done $0x0  }
0x66: {  	[sflag:s11] =	ssyncadd.s32 $0xFFFFFF80  }
0x67: {  	_ =	swait.ge [sflag:s11], $0x80  }
0x68: {  	[sflag:s11] =	ssyncset.done $0x0  }
0x69: {  	[sflag:s11] =	ssyncadd.s32 $0xFFFFFF80  }
0x6a: {  	[tilespmem:s12], [sflag:$0x7] =	stream.indirect.gather [spmem:s1], $0x40, s31, s29, $0xb8;
	[tilespmem:$0x1C000] =	vst v63  }
0x6b: {  	_ =	swait.ge [sflag:s13], $0x2000  }
0x6c: {  	[sflag:s13] =	ssyncset.done $0x0  }
0x6d: {  	[sflag:s13] =	ssyncadd.s32 $0xFFFFE000  }
0x6e: {  	[spmem:s3] =	stream.indirect.scatter.add.f32 [tilespmem:s5], [sflag:$0xA], $0x40, s28, s29, $0xb8;
	[tilespmem:$0x1C000] =	vst v63  }
0x6f: {  	p0 =	por $0x0, $0x0;
	_ =	swait.ge [sflag:s14], $0x2000  }
0x70: {  	s7 =	sadd.s32 @!p0 $0x0, s20;
	s8 =	sadd.s32 @!p0 $0x0, s19;
	[sflag:s14] =	ssyncset.done $0x0  }
0x71: {  	s22 =	simm.s32 @!p0 $0x0;
	s21 =	sadd.s32 @!p0 $0x40, s7;
	[sflag:s14] =	ssyncadd.s32 $0xFFFFE000  }
0x72: {  	[tilespmem:s22], [sflag:$0x1] =	stream.linear.gather @!p0 [hbm4b:s21+s22], $0x80, $0x38;
	[tilespmem:$0x1C000] =	vst v63  }
0x73: {  	s18 =	simm.s32 @!p0 $0x200;
	s21 =	sadd.s32 @!p0 $0x40, s8  }
0x74: {  	[tilespmem:s18], [sflag:$0x1] =	stream.linear.gather @!p0 [hbm4b:s21+s22], $0x80, $0x38;
	[tilespmem:$0x1C000] =	vst v63  }
0x75: {  	_ =	swait.ge [sflag:s15], $0x80  }
0x76: {  	[sflag:s15] =	ssyncset.done $0x0  }
0x77: {  	[sflag:s15] =	ssyncadd.s32 $0xFFFFFF80  }
0x78: {  	_ =	swait.ge [sflag:s15], $0x80  }
0x79: {  	[sflag:s15] =	ssyncset.done $0x0  }
0x7a: {  	[sflag:s15] =	ssyncadd.s32 $0xFFFFFF80  }
0x7b: {  	[tilespmem:s16], [sflag:$0x8] =	stream.indirect.gather [spmem:s1], $0x40, s9, s29, $0xb8;
	[tilespmem:$0x1C000] =	vst v63  }
0x7c: {  	_ =	swait.ge [sflag:s17], $0x2000  }
0x7d: {  	[sflag:s17] =	ssyncset.done $0x0  }
0x7e: {  	[sflag:s17] =	ssyncadd.s32 $0xFFFFE000  }
0x7f: {  	[spmem:s3] =	stream.indirect.scatter.add.f32 [tilespmem:s12], [sflag:$0xB], $0x40, s0, s29, $0xb8;
	[tilespmem:$0x1C000] =	vst v63  }
0x80: {  	_ =	swait.ge [sflag:s24], $0x2000  }
0x81: {  	[sflag:s24] =	ssyncset.done $0x0  }
0x82: {  	s7 =	sadd.s32 @!p0 $0x50, s7;
	s18 =	simm.s32 @!p0 $0x80;
	[sflag:s24] =	ssyncadd.s32 $0xFFFFE000  }
0x83: {  	[tilespmem:s18], [sflag:$0x2] =	stream.linear.gather @!p0 [hbm4b:s7+s22], $0x80, $0x38;
	[tilespmem:$0x1C000] =	vst v63  }
0x84: {  	s7 =	sadd.s32 @!p0 $0x50, s8;
	s8 =	simm.s32 @!p0 $0x280  }
0x85: {  	[tilespmem:s8], [sflag:$0x2] =	stream.linear.gather @!p0 [hbm4b:s7+s22], $0x80, $0x38;
	[tilespmem:$0x1C000] =	vst v63  }
0x86: {  	s7 =	simm.s32 @!p0 $0x1  }
0x87: {  	_ =	swait.ge @!p0 [sflag:s7], $0x80  }
0x88: {  	[sflag:s7] =	ssyncset.done @!p0 $0x0  }
0x89: {  	[sflag:s7] =	ssyncadd.s32 @!p0 $0xFFFFFF80  }
0x8a: {  	_ =	swait.ge @!p0 [sflag:s7], $0x80  }
0x8b: {  	[sflag:s7] =	ssyncset.done @!p0 $0x0  }
0x8c: {  	[sflag:s7] =	ssyncadd.s32 @!p0 $0xFFFFFF80;
	s7 =	simm.s32 @!p0 $0x400  }
0x8d: {  	[tilespmem:s7], [sflag:$0x5] =	stream.indirect.gather @!p0 [spmem:s1], $0x40, s22, s18, $0xb8;
	[tilespmem:$0x1C000] =	vst v63  }
0x8e: {  	p1 =	por $0x0, $0x0;
	_ =	swait.ge [sflag:s23], $0x2000  }
0x8f: {  	s21 =	simm.s32 $0x40;
	s7 =	simm.s32 $0x80;
	[sflag:s23] =	ssyncset.done $0x0  }
.LBB2_2:
0x90: {  	s18 =	simm.s32 @!p1 $0xB  }
0x91: {  	[sflag:s23] =	ssyncadd.s32 $0xFFFFE000;
	s8 =	smov.u32 s7;
	s7 =	sadd.s32 $0x40, s7  }
0x92: {  	[spmem:s3] =	stream.indirect.scatter.add.f32 [tilespmem:s16], [sflag:$0xC], $0x40, s10, s29, $0xb8;
	[tilespmem:$0x1C000] =	vst v63  }
0x93: {  	p0 =	sne.s32 s7, $0xA00;
	_ =	swait.ge @!p1 [sflag:s18], $0x2000  }
0x94: {  	s22 =	sadd.s32 s21, s20;
	[sflag:s18] =	ssyncset.done @!p1 $0x0  }
0x95: {  	s25 =	sadd.s32 s21, s19;
	[sflag:s18] =	ssyncadd.s32 @!p1 $0xFFFFE000;
	s18 =	sadd.s32 $0x20, s22  }
0x96: {  	[tilespmem:s31], [sflag:$0x3] =	stream.linear.gather [hbm4b:s18+s4], $0x80, $0x38;
	[tilespmem:$0x1C000] =	vst v63  }
0x97: {  	s18 =	sadd.s32 $0x20, s25  }
0x98: {  	[tilespmem:s0], [sflag:$0x3] =	stream.linear.gather [hbm4b:s18+s4], $0x80, $0x38;
	[tilespmem:$0x1C000] =	vst v63  }
0x99: {  	_ =	swait.ge [sflag:s2], $0x80  }
0x9a: {  	[sflag:s2] =	ssyncset.done $0x0  }
0x9b: {  	[sflag:s2] =	ssyncadd.s32 $0xFFFFFF80  }
0x9c: {  	_ =	swait.ge [sflag:s2], $0x80  }
0x9d: {  	[sflag:s2] =	ssyncset.done $0x0  }
0x9e: {  	[sflag:s2] =	ssyncadd.s32 $0xFFFFFF80  }
0x9f: {  	[tilespmem:s5], [sflag:$0x6] =	stream.indirect.gather [spmem:s1], $0x40, s29, s29, $0xb8;
	[tilespmem:$0x1C000] =	vst v63  }
0xa0: {  	_ =	swait.ge [sflag:s6], $0x2000  }
0xa1: {  	[sflag:s6] =	ssyncset.done $0x0  }
0xa2: {  	s18 =	simm.s32 @!p1 $0xC;
	[sflag:s6] =	ssyncadd.s32 $0xFFFFE000  }
0xa3: {  	[spmem:s3] =	stream.indirect.scatter.add.f32 [tilespmem:s30], [sflag:$0x9], $0x40, s26, s29, $0xb8;
	[tilespmem:$0x1C000] =	vst v63  }
0xa4: {  	_ =	swait.ge @!p1 [sflag:s18], $0x2000  }
0xa5: {  	[sflag:s18] =	ssyncset.done @!p1 $0x0  }
0xa6: {  	[sflag:s18] =	ssyncadd.s32 @!p1 $0xFFFFE000;
	s18 =	sadd.s32 $0x30, s22  }
0xa7: {  	[tilespmem:s9], [sflag:$0x4] =	stream.linear.gather [hbm4b:s18+s4], $0x80, $0x38;
	[tilespmem:$0x1C000] =	vst v63  }
0xa8: {  	s18 =	sadd.s32 $0x30, s25  }
0xa9: {  	[tilespmem:s10], [sflag:$0x4] =	stream.linear.gather [hbm4b:s18+s4], $0x80, $0x38;
	[tilespmem:$0x1C000] =	vst v63  }
0xaa: {  	_ =	swait.ge [sflag:s11], $0x80  }
0xab: {  	[sflag:s11] =	ssyncset.done $0x0  }
0xac: {  	[sflag:s11] =	ssyncadd.s32 $0xFFFFFF80  }
0xad: {  	_ =	swait.ge [sflag:s11], $0x80  }
0xae: {  	[sflag:s11] =	ssyncset.done $0x0  }
0xaf: {  	[sflag:s11] =	ssyncadd.s32 $0xFFFFFF80  }
0xb0: {  	[tilespmem:s12], [sflag:$0x7] =	stream.indirect.gather [spmem:s1], $0x40, s31, s29, $0xb8;
	[tilespmem:$0x1C000] =	vst v63  }
0xb1: {  	_ =	swait.ge [sflag:s13], $0x2000  }
0xb2: {  	[sflag:s13] =	ssyncset.done $0x0  }
0xb3: {  	s18 =	simm.s32 $0x280;
	[sflag:s13] =	ssyncadd.s32 $0xFFFFE000  }
0xb4: {  	[spmem:s3] =	stream.indirect.scatter.add.f32 [tilespmem:s5], [sflag:$0xA], $0x40, s18, s29, $0xb8;
	[tilespmem:$0x1C000] =	vst v63  }
0xb5: {  	p1 =	seq.s32 s21, $0x9C0;
	_ =	swait.ge [sflag:s14], $0x2000  }
0xb6: {  	s18 =	sadd.s32 @!p1 s21, s20;
	s21 =	sadd.s32 @!p1 s21, s19;
	[sflag:s14] =	ssyncset.done $0x0  }
0xb7: {  	s25 =	simm.s32 @!p1 $0x0;
	s22 =	sadd.s32 @!p1 $0x40, s18;
	[sflag:s14] =	ssyncadd.s32 $0xFFFFE000  }
0xb8: {  	[tilespmem:s25], [sflag:$0x1] =	stream.linear.gather @!p1 [hbm4b:s22+s25], $0x80, $0x38;
	[tilespmem:$0x1C000] =	vst v63  }
0xb9: {  	s28 =	simm.s32 @!p1 $0x200;
	s18 =	sadd.s32 @!p1 $0x50, s18;
	s22 =	sadd.s32 @!p1 $0x40, s21  }
0xba: {  	[tilespmem:s28], [sflag:$0x1] =	stream.linear.gather @!p1 [hbm4b:s22+s25], $0x80, $0x38;
	[tilespmem:$0x1C000] =	vst v63  }
0xbb: {  	s22 =	sadd.s32 @!p1 $0x50, s21;
	s21 =	smov.u32 s8;
	_ =	swait.ge [sflag:s15], $0x80  }
0xbc: {  	[sflag:s15] =	ssyncset.done $0x0  }
0xbd: {  	[sflag:s15] =	ssyncadd.s32 $0xFFFFFF80  }
0xbe: {  	_ =	swait.ge [sflag:s15], $0x80  }
0xbf: {  	[sflag:s15] =	ssyncset.done $0x0  }
0xc0: {  	[sflag:s15] =	ssyncadd.s32 $0xFFFFFF80  }
0xc1: {  	[tilespmem:s16], [sflag:$0x8] =	stream.indirect.gather [spmem:s1], $0x40, s9, s29, $0xb8;
	[tilespmem:$0x1C000] =	vst v63  }
0xc2: {  	_ =	swait.ge [sflag:s17], $0x2000  }
0xc3: {  	[sflag:s17] =	ssyncset.done $0x0  }
0xc4: {  	[sflag:s17] =	ssyncadd.s32 $0xFFFFE000  }
0xc5: {  	[spmem:s3] =	stream.indirect.scatter.add.f32 [tilespmem:s12], [sflag:$0xB], $0x40, s0, s29, $0xb8;
	[tilespmem:$0x1C000] =	vst v63  }
0xc6: {  	_ =	swait.ge [sflag:s24], $0x2000  }
0xc7: {  	[sflag:s24] =	ssyncset.done $0x0  }
0xc8: {  	s8 =	simm.s32 @!p1 $0x80;
	[sflag:s24] =	ssyncadd.s32 $0xFFFFE000  }
0xc9: {  	[tilespmem:s8], [sflag:$0x2] =	stream.linear.gather @!p1 [hbm4b:s18+s25], $0x80, $0x38;
	[tilespmem:$0x1C000] =	vst v63  }
0xca: {  	s28 =	simm.s32 @!p1 $0x1;
	s18 =	simm.s32 @!p1 $0x280  }
0xcb: {  	[tilespmem:s18], [sflag:$0x2] =	stream.linear.gather @!p1 [hbm4b:s22+s25], $0x80, $0x38;
	[tilespmem:$0x1C000] =	vst v63  }
0xcc: {  	_ =	swait.ge @!p1 [sflag:s28], $0x80  }
0xcd: {  	[sflag:s28] =	ssyncset.done @!p1 $0x0  }
0xce: {  	[sflag:s28] =	ssyncadd.s32 @!p1 $0xFFFFFF80  }
0xcf: {  	_ =	swait.ge @!p1 [sflag:s28], $0x80  }
.Ltmp0:
0xd0: {  	[sflag:s28] =	ssyncset.done @!p1 $0x0;
	(pc) =	sbr.rel @p0 .LBB2_2-.Ltmp0, $4  }
0xd1: {  	s18 =	simm.s32 @!p1 $0x400;
	[sflag:s28] =	ssyncadd.s32 @!p1 $0xFFFFFF80  }
0xd2: {  	[tilespmem:s18], [sflag:$0x5] =	stream.indirect.gather @!p1 [spmem:s1], $0x40, s25, s8, $0xb8;
	[tilespmem:$0x1C000] =	vst v63  }
0xd3: {  	_ =	swait.ge [sflag:s23], $0x2000  }
0xd4: {  	p1 =	seq.s32 s21, $0x0;
	[sflag:s23] =	ssyncset.done $0x0  }
0xd5: {  	s7 =	simm.s32 @!p1 $0xB;
	[sflag:s23] =	ssyncadd.s32 $0xFFFFE000  }
0xd6: {  	[spmem:s3] =	stream.indirect.scatter.add.f32 [tilespmem:s16], [sflag:$0xC], $0x40, s10, s29, $0xb8;
	[tilespmem:$0x1C000] =	vst v63  }
0xd7: {  	_ =	swait.ge @!p1 [sflag:s7], $0x2000  }
0xd8: {  	s8 =	sadd.s32 s21, s20;
	[sflag:s7] =	ssyncset.done @!p1 $0x0  }
0xd9: {  	s18 =	sadd.s32 s21, s19;
	s25 =	sadd.s32 $0x20, s8;
	[sflag:s7] =	ssyncadd.s32 @!p1 $0xFFFFE000  }
0xda: {  	[tilespmem:s31], [sflag:$0x3] =	stream.linear.gather [hbm4b:s25+s4], $0x80, $0x38;
	[tilespmem:$0x1C000] =	vst v63  }
0xdb: {  	s22 =	sadd.s32 $0x20, s18  }
0xdc: {  	[tilespmem:s0], [sflag:$0x3] =	stream.linear.gather [hbm4b:s22+s4], $0x80, $0x38;
	[tilespmem:$0x1C000] =	vst v63  }
0xdd: {  	_ =	swait.ge [sflag:s2], $0x80  }
0xde: {  	[sflag:s2] =	ssyncset.done $0x0  }
0xdf: {  	[sflag:s2] =	ssyncadd.s32 $0xFFFFFF80  }
0xe0: {  	_ =	swait.ge [sflag:s2], $0x80  }
0xe1: {  	[sflag:s2] =	ssyncset.done $0x0  }
0xe2: {  	[sflag:s2] =	ssyncadd.s32 $0xFFFFFF80  }
0xe3: {  	[tilespmem:s5], [sflag:$0x6] =	stream.indirect.gather [spmem:s1], $0x40, s29, s29, $0xb8;
	[tilespmem:$0x1C000] =	vst v63  }
0xe4: {  	_ =	swait.ge [sflag:s6], $0x2000  }
0xe5: {  	[sflag:s6] =	ssyncset.done $0x0  }
0xe6: {  	s7 =	simm.s32 @!p1 $0xC;
	[sflag:s6] =	ssyncadd.s32 $0xFFFFE000  }
0xe7: {  	[spmem:s3] =	stream.indirect.scatter.add.f32 [tilespmem:s30], [sflag:$0x9], $0x40, s26, s29, $0xb8;
	[tilespmem:$0x1C000] =	vst v63  }
0xe8: {  	_ =	swait.ge @!p1 [sflag:s7], $0x2000  }
0xe9: {  	[sflag:s7] =	ssyncset.done @!p1 $0x0  }
0xea: {  	s25 =	sadd.s32 $0x30, s8;
	[sflag:s7] =	ssyncadd.s32 @!p1 $0xFFFFE000  }
0xeb: {  	[tilespmem:s9], [sflag:$0x4] =	stream.linear.gather [hbm4b:s25+s4], $0x80, $0x38;
	[tilespmem:$0x1C000] =	vst v63  }
0xec: {  	s8 =	sadd.s32 $0x30, s18  }
0xed: {  	[tilespmem:s10], [sflag:$0x4] =	stream.linear.gather [hbm4b:s8+s4], $0x80, $0x38;
	[tilespmem:$0x1C000] =	vst v63  }
0xee: {  	_ =	swait.ge [sflag:s11], $0x80  }
0xef: {  	[sflag:s11] =	ssyncset.done $0x0  }
0xf0: {  	[sflag:s11] =	ssyncadd.s32 $0xFFFFFF80  }
0xf1: {  	_ =	swait.ge [sflag:s11], $0x80  }
0xf2: {  	[sflag:s11] =	ssyncset.done $0x0  }
0xf3: {  	[sflag:s11] =	ssyncadd.s32 $0xFFFFFF80  }
0xf4: {  	[tilespmem:s12], [sflag:$0x7] =	stream.indirect.gather [spmem:s1], $0x40, s31, s29, $0xb8;
	[tilespmem:$0x1C000] =	vst v63  }
0xf5: {  	_ =	swait.ge [sflag:s13], $0x2000  }
0xf6: {  	[sflag:s13] =	ssyncset.done $0x0  }
0xf7: {  	s18 =	simm.s32 $0x280;
	[sflag:s13] =	ssyncadd.s32 $0xFFFFE000  }
0xf8: {  	[spmem:s3] =	stream.indirect.scatter.add.f32 [tilespmem:s5], [sflag:$0xA], $0x40, s18, s29, $0xb8;
	[tilespmem:$0x1C000] =	vst v63  }
0xf9: {  	p0 =	seq.s32 s21, $0x9C0;
	_ =	swait.ge [sflag:s14], $0x2000  }
0xfa: {  	s7 =	sadd.s32 @!p0 s21, s20;
	s8 =	sadd.s32 @!p0 s21, s19;
	[sflag:s14] =	ssyncset.done $0x0  }
0xfb: {  	s21 =	simm.s32 @!p0 $0x0;
	s18 =	sadd.s32 @!p0 $0x40, s7;
	[sflag:s14] =	ssyncadd.s32 $0xFFFFE000  }
0xfc: {  	[tilespmem:s21], [sflag:$0x1] =	stream.linear.gather @!p0 [hbm4b:s18+s21], $0x80, $0x38;
	[tilespmem:$0x1C000] =	vst v63  }
0xfd: {  	s22 =	simm.s32 @!p0 $0x200;
	s18 =	sadd.s32 @!p0 $0x40, s8  }
0xfe: {  	[tilespmem:s22], [sflag:$0x1] =	stream.linear.gather @!p0 [hbm4b:s18+s21], $0x80, $0x38;
	[tilespmem:$0x1C000] =	vst v63  }
0xff: {  	_ =	swait.ge [sflag:s15], $0x80  }
0x100: {  	[sflag:s15] =	ssyncset.done $0x0  }
0x101: {  	[sflag:s15] =	ssyncadd.s32 $0xFFFFFF80  }
0x102: {  	_ =	swait.ge [sflag:s15], $0x80  }
0x103: {  	[sflag:s15] =	ssyncset.done $0x0  }
0x104: {  	[sflag:s15] =	ssyncadd.s32 $0xFFFFFF80  }
0x105: {  	[tilespmem:s16], [sflag:$0x8] =	stream.indirect.gather [spmem:s1], $0x40, s9, s29, $0xb8;
	[tilespmem:$0x1C000] =	vst v63  }
0x106: {  	_ =	swait.ge [sflag:s17], $0x2000  }
0x107: {  	[sflag:s17] =	ssyncset.done $0x0  }
0x108: {  	[sflag:s17] =	ssyncadd.s32 $0xFFFFE000  }
0x109: {  	[spmem:s3] =	stream.indirect.scatter.add.f32 [tilespmem:s12], [sflag:$0xB], $0x40, s0, s29, $0xb8;
	[tilespmem:$0x1C000] =	vst v63  }
0x10a: {  	_ =	swait.ge [sflag:s24], $0x2000  }
0x10b: {  	[sflag:s24] =	ssyncset.done $0x0  }
0x10c: {  	s7 =	sadd.s32 @!p0 $0x50, s7;
	s18 =	simm.s32 @!p0 $0x80;
	[sflag:s24] =	ssyncadd.s32 $0xFFFFE000  }
0x10d: {  	[tilespmem:s18], [sflag:$0x2] =	stream.linear.gather @!p0 [hbm4b:s7+s21], $0x80, $0x38;
	[tilespmem:$0x1C000] =	vst v63  }
0x10e: {  	s7 =	sadd.s32 @!p0 $0x50, s8;
	s8 =	simm.s32 @!p0 $0x280  }
0x10f: {  	[tilespmem:s8], [sflag:$0x2] =	stream.linear.gather @!p0 [hbm4b:s7+s21], $0x80, $0x38;
	[tilespmem:$0x1C000] =	vst v63  }
0x110: {  	s7 =	simm.s32 @!p0 $0x1  }
0x111: {  	_ =	swait.ge @!p0 [sflag:s7], $0x80  }
0x112: {  	[sflag:s7] =	ssyncset.done @!p0 $0x0  }
0x113: {  	[sflag:s7] =	ssyncadd.s32 @!p0 $0xFFFFFF80  }
0x114: {  	_ =	swait.ge @!p0 [sflag:s7], $0x80  }
0x115: {  	[sflag:s7] =	ssyncset.done @!p0 $0x0  }
0x116: {  	[sflag:s7] =	ssyncadd.s32 @!p0 $0xFFFFFF80;
	s7 =	simm.s32 @!p0 $0x400  }
0x117: {  	[tilespmem:s7], [sflag:$0x5] =	stream.indirect.gather @!p0 [spmem:s1], $0x40, s21, s18, $0xb8;
	[tilespmem:$0x1C000] =	vst v63  }
0x118: {  	_ =	swait.ge [sflag:s23], $0x2000  }
0x119: {  	[sflag:s23] =	ssyncset.done $0x0  }
0x11a: {  	s22 =	simm.s32 $0xB;
	[sflag:s23] =	ssyncadd.s32 $0xFFFFE000  }
0x11b: {  	[spmem:s3] =	stream.indirect.scatter.add.f32 [tilespmem:s16], [sflag:$0xC], $0x40, s10, s29, $0xb8;
	[tilespmem:$0x1C000] =	vst v63  }
0x11c: {  	_ =	swait.ge [sflag:s22], $0x2000  }
0x11d: {  	[sflag:s22] =	ssyncset.done $0x0  }
0x11e: {  	s25 =	simm.s32 $0xC;
	[sflag:s22] =	ssyncadd.s32 $0xFFFFE000  }
0x11f: {  	_ =	swait.ge [sflag:s25], $0x2000  }
0x120: {  	[sflag:s25] =	ssyncset.done $0x0  }
0x121: {  	[sflag:s25] =	ssyncadd.s32 $0xFFFFE000  }
0x122: {  	[bflag:$0x0] =	sbarrier.arrive $0xFFFF  }
0x123: {  	s21 =	rddreg [dreg:$0x7]  }
0x124: {  	s28 =	simm.s32 $0xD;
	s22 =	simm.s32 $0x1;
	s18 =	rddreg [dreg:$0x6]  }
0x125: {  	s25 =	simm.s32 $0x10;
	s8 =	rddreg [dreg:$0x10];
	s7 =	sshrl.u32 s21, $0x3  }
0x126: {  	[hbm:s8@s25], [sflag:s18] =	dma.strided [spmem:s7@s23], $0x13C0, s22, $0x8   }
0x127: {  	_ =	swait.ge [sflag:s28], $0x13C0  }
0x128: {  	s7 =	rddreg [dreg:$0x13]  }
0x129: {  	s8 =	sadd.s32 $0x1, s7;
	s7 =	rddreg [dreg:$0x11]  }
0x12a: {  	p0 =	sne.s32 s8, s7  }
.Ltmp1:
0x12b: {  	_ = 	snop;
	(pc) =	sbr.rel @p0 .LBB2_1-.Ltmp1, $3  }
0x12c: {  	_ =	sdelay $0x1  }
0x12d: {  	[sflag:s28] =	ssyncset.done $0x0  }
0x12e: {  	[sflag:s28] =	ssyncadd.s32 $0xFFFFEC40  }
0x12f: {  	_ =	sfence.sel $0x180000  }
0x130: {  	[bflag:$0x0] =	sbarrier.arrive $0xFFFF  }
0x131: {  	_ =	strace $0x9000004A  }
0x132: {  	s0 =	stileid.u32;
	[bflag:$0x2] =	sbarrier.arrive $0xFFFF  }
0x133: {  	p0 =	sne.s32 s0, $0x0;
	s0 =	rddreg [dreg:$0x3]  }
0x134: {  	s0 =	sadd.s32 @!p0 $0x100000, s0  }
0x135: {  	[sflag:s0] =	ssyncadd.tile.s32 @!p0 $0x1;
	_ =	shalt  }
.Lfunc_end2:
_tile_overlayer_lowered:
.L_overlay_start_2:
0x136: {  	(tag) =	ssettag $0x2  }
0x137: {  	s0 =	rddreg [dreg:$0x0];
	s2 =	stileid.u32  }
0x138: {  	s1 =	rddreg [dreg:$0x1];
	p0 =	sne.s32 s2, $0x0  }
0x139: {  	s3 =	rddreg [dreg:$0x2];
	[bflag:$0x3] =	sbarrier.arrive $0xFFFF;
	s2 =	simm.s32 @!p0 $0x1C0D  }
0x13a: {  	[timem:s3], [sflag:s2] =	dma.local @!p0 [hbm:s0], s1  }
0x13b: {  	s0 =	simm.s32 @!p0 $0xD  }
0x13c: {  	_ =	swait.ge @!p0 [sflag:s0], s1  }
0x13d: {  	s1 =	ssub.s32 @!p0 $0x0, s1;
	[sflag:s0] =	ssyncset.done @!p0 $0x0  }
0x13e: {  	[sflag:s0] =	ssyncadd.s32 @!p0 s1  }
0x13f: {  	[bflag:$0x3] =	sbarrier.arrive $0xFFFF  }
0x140: {  	_ =	shalt  }

// kernel: kernel.16.cloned.1.call-start
scs
__scs_entry_jumppad:
0x0: {  	(pc) =	sbr.rel $0x88, $3  }
0x1: {  	(tag) =	ssettag $0x0;
	lr =	simm.s32 $0x1  }
0x2: {  	[smem:$0x3F93] =	sst lr;
	_ =	strace $0xD0000000  }
0x3: {  	_ = 	snop  }
0x4: {  	_ = 	snop  }
0x5: {  	_ = 	snop  }
0x6: {  	_ = 	snop  }
0x7: {  	_ = 	snop  }
__scs_overlays_trampoline_lowered:
0x8: {  	[smem:$0x3FA2] =	sst s0  }
0x9: {  	[smem:$0x3FA3] =	sst s1  }
0xa: {  	[smem:$0x3FA4] =	sst s2  }
0xb: {  	[smem:$0x3FA5] =	sst s3  }
0xc: {  	[smem:$0x3FA6] =	sst s4  }
0xd: {  	[smem:$0x3FA7] =	sst s5  }
0xe: {  	[smem:$0x3FA8] =	sst s6  }
0xf: {  	[smem:$0x3FA9] =	sst s7  }
0x10: {  	[smem:$0x3FAA] =	sst s8  }
0x11: {  	[smem:$0x3FAB] =	sst s9;
	s0 =	simm.s32 @!p0 $0x0  }
0x12: {  	s1 =	sld [smem:$0x3F91];
	s0 =	simm.s32 @p0 $0x1  }
0x13: {  	[smem:$0x3FAC] =	sst s0;
	s0 =	simm.s32 @!p1 $0x0  }
0x14: {  	s2 =	sld [smem:$0x3F90];
	s0 =	simm.s32 @p1 $0x1  }
0x15: {  	[smem:$0x3FAD] =	sst s0;
	s0 =	simm.s32 @!p2 $0x0  }
0x16: {  	s3 =	sld [smem:$0x3FDB];
	s0 =	simm.s32 @p2 $0x1  }
0x17: {  	s4 =	simm.s32 $0x1BF5;
	[smem:$0x3FAF] =	sst s0  }
0x18: {  	s0 =	sld [smem:$0x3F92];
	_ =	swait.ge [sflag:s4], $0x0  }
0x19: {  	s7 =	sld [smem:$0x3F93]  }
0x1a: {  	s8 =	sadd.s32 $0xFFFFE003, lr  }
0x1b: {  	s9 =	sadd.s32 $0xFFFFFEF7, lr;
	s5 =	simm.s32 $0xFFFFFFFF;
	p2 =	slt.u32 s8, $0xFFFFF086  }
0x1c: {  	p1 =	slt.u32 s9, $0xF7A;
	s5 =	simm.s32 @!p2 $0x0  }
0x1d: {  	s5 =	simm.s32 @p1 $0x1;
	p0 =	seq.s32 s7, s2  }
0x1e: {  	s7 =	smul.u32 @!p0 $0xF7A, s2;
	p2 =	seq.s32 @!p0 s5, $0x0  }
0x1f: {  	s9 =	smul.u32 $0xF7A, s1;
	s8 =	simm.s32 @!p0 $0x1BF5;
	p2 =	por !p2, p0  }
0x20: {  	[sflag:s8] =	ssyncset.s32 @!p0 $0xFFFFF086;
	s6 =	sadd.s32 @!p0 s3, s7;
	s7 =	simm.s32 @!p0 $0x108  }
0x21: {  	s3 =	sadd.s32 s3, s9;
	s6 =	sadd.s32 @!p0 $0x88, s6;
	s7 =	simm.s32 @p2 $0x1082  }
0x22: {  	[simem:s7], [sflag:s8] =	dma.local @!p0 [hbm:s6], $0xF7A  }
0x23: {  	s9 =	sor.u32 $0xD0000000, s2;
	s6 =	simm.s32 $0x108;
	_ =	swait.ge @!p0 [sflag:s8], $0x0  }
0x24: {  	s3 =	sadd.s32 $0x88, s3;
	s6 =	simm.s32 @!p1 $0x1082;
	[sflag:s4] =	ssyncset.s32 $0xFFFFF086  }
0x25: {  	[simem:s6], [sflag:s4] =	dma.local [hbm:s3], $0xF7A  }
0x26: {  	[smem:$0x3F93] =	sst s1;
	(tag) =	ssettag s2;
	_ =	strace s9  }
0x27: {  	s1 =	sld [smem:$0x3FA3]  }
0x28: {  	s2 =	sld [smem:$0x3FA4]  }
0x29: {  	s4 =	sld [smem:$0x3FA6]  }
0x2a: {  	p0 =	seq.s32 s5, $0x0;
	s5 =	sld [smem:$0x3FA7]  }
0x2b: {  	s6 =	sld [smem:$0x3FA8]  }
0x2c: {  	s7 =	sld [smem:$0x3FA9]  }
0x2d: {  	s3 =	simm.s32 $0x108;
	s8 =	sld [smem:$0x3FAA]  }
0x2e: {  	s3 =	simm.s32 @!p0 $0x1082;
	s9 =	sld [smem:$0x3FAB]  }
0x2f: {  	lr =	sadd.s32 s0, s3;
	s0 =	sld [smem:$0x3FA2]  }
0x30: {  	s3 =	sld [smem:$0x3FA5]  }
0x31: {  	[smem:$0x3FAE] =	sst s10  }
0x32: {  	s10 =	sld [smem:$0x3FAC];
	_ =	sdelay $0x3  }
0x33: {  	p0 =	seq.s32 s10, $0x1;
	s10 =	sld [smem:$0x3FAE];
	_ =	sdelay $0x3  }
0x34: {  	[smem:$0x3FAE] =	sst s10  }
0x35: {  	s10 =	sld [smem:$0x3FAD];
	_ =	sdelay $0x3  }
0x36: {  	p1 =	seq.s32 s10, $0x1;
	s10 =	sld [smem:$0x3FAE];
	_ =	sdelay $0x3  }
0x37: {  	[smem:$0x3FAE] =	sst s10  }
0x38: {  	s10 =	sld [smem:$0x3FAF]  }
0x39: {  	_ = 	snop;
	(pc) =	sbr.ind lr, $3  }
0x3a: {  	_ = 	snop  }
0x3b: {  	_ = 	snop  }
0x3c: {  	p2 =	seq.s32 s10, $0x1;
	s10 =	sld [smem:$0x3FAE]  }
0x3d: {  	_ =	shalt  }
0x3e: {  	_ =	shalt  }
0x3f: {  	_ =	shalt  }
0x40: {  	_ =	shalt  }
0x41: {  	_ =	shalt  }
0x42: {  	_ =	shalt  }
0x43: {  	_ =	shalt  }
0x44: {  	_ =	shalt  }
0x45: {  	_ =	shalt  }
0x46: {  	_ =	shalt  }
0x47: {  	_ =	shalt  }
0x48: {  	_ =	shalt  }
0x49: {  	_ =	shalt  }
0x4a: {  	_ =	shalt  }
0x4b: {  	_ =	shalt  }
0x4c: {  	_ =	shalt  }
0x4d: {  	_ =	shalt  }
0x4e: {  	_ =	shalt  }
0x4f: {  	_ =	shalt  }
0x50: {  	_ =	shalt  }
0x51: {  	_ =	shalt  }
0x52: {  	_ =	shalt  }
0x53: {  	_ =	shalt  }
0x54: {  	_ =	shalt  }
0x55: {  	_ =	shalt  }
0x56: {  	_ =	shalt  }
0x57: {  	_ =	shalt  }
0x58: {  	_ =	shalt  }
0x59: {  	_ =	shalt  }
0x5a: {  	_ =	shalt  }
0x5b: {  	_ =	shalt  }
0x5c: {  	_ =	shalt  }
0x5d: {  	_ =	shalt  }
0x5e: {  	_ =	shalt  }
0x5f: {  	_ =	shalt  }
0x60: {  	_ =	shalt  }
0x61: {  	_ =	shalt  }
0x62: {  	_ =	shalt  }
0x63: {  	_ =	shalt  }
0x64: {  	_ =	shalt  }
0x65: {  	_ =	shalt  }
0x66: {  	_ =	shalt  }
0x67: {  	_ =	shalt  }
0x68: {  	_ =	shalt  }
0x69: {  	_ =	shalt  }
0x6a: {  	_ =	shalt  }
0x6b: {  	_ =	shalt  }
0x6c: {  	_ =	shalt  }
0x6d: {  	_ =	shalt  }
0x6e: {  	_ =	shalt  }
0x6f: {  	_ =	shalt  }
0x70: {  	_ =	shalt  }
0x71: {  	_ =	shalt  }
0x72: {  	_ =	shalt  }
0x73: {  	_ =	shalt  }
0x74: {  	_ =	shalt  }
0x75: {  	_ =	shalt  }
0x76: {  	_ =	shalt  }
0x77: {  	_ =	shalt  }
0x78: {  	_ =	shalt  }
0x79: {  	_ =	shalt  }
0x7a: {  	_ =	shalt  }
0x7b: {  	_ =	shalt  }
0x7c: {  	_ =	shalt  }
0x7d: {  	_ =	shalt  }
0x7e: {  	_ =	shalt  }
0x7f: {  	_ =	shalt  }
0x80: {  	_ =	shalt  }
0x81: {  	_ =	shalt  }
0x82: {  	_ =	shalt  }
0x83: {  	_ =	shalt  }
0x84: {  	_ =	shalt  }
0x85: {  	_ =	shalt  }
0x86: {  	_ =	shalt  }
0x87: {  	_ =	shalt  }
.Lfunc_end0:
.L_simem_size_0:
called_computation.2_lowered:
.L_overlay_start_0:
0x88: {  	s2 =	sld [smem:$0x3FD9]  }
0x89: {  	s3 =	sld [smem:$0x3FFE];
	_ =	sdelay $0x1  }
0x8a: {  	s1 =	srdreg.scid  }
0x8b: {  	s0 =	sand.u32 $0x1, s1  }
0x8c: {  	s16 =	sshll.u32 s0, $0xA;
	s2 =	sadd.s32 s3, s2  }
0x8d: {  	s2 =	sadd.s32 s2, s16  }
0x8e: {  	[smem:$0x3FBA] =	sst s2  }
0x8f: {  	_ = 	snop  }
0x90: {  	(tm) =	ssettm $0x1  }
0x91: {  	s17 =	sld [smem:$0x3FFB];
	_ =	sdelay $0x3  }
0x92: {  	_ =	strace s17  }
0x93: {  	s2 =	sld [smem:$0x3FFC];
	_ =	sdelay $0x3  }
0x94: {  	_ =	strace s2  }
0x95: {  	s2 =	sld [smem:$0x3FFD];
	_ =	sdelay $0x3  }
0x96: {  	_ =	strace s2  }
0x97: {  	_ =	strace $0x8FFFFFFF  }
0x98: {  	s18 =	sld [smem:$0x3FDB];
	_ =	sdelay $0x1  }
0x99: {  	s19 =	simm.s32 $_scs_section_size  }
0x9a: {  	s4 =	simm.s32 $_size__tile_overlayer_lowered;
	s5 =	simm.s32 $_tile_overlayer_lowered  }
0x9b: {  	s22 =	simm.s32 $0x1BFF;
	s21 =	sshll.u32 s5, $0x1;
	s2 =	sadd.s32 s19, s18  }
0x9c: {  	s6 =	simm.s32 $0x0;
	s20 =	sshll.u32 s4, $0x1;
	s4 =	sadd.s32 s21, s2  }
0x9d: {  	[timem:s6], [sflag:s22] =	dma.local [hbm:s4], s20  }
0x9e: {  	_ =	swait.ge [sflag:s22], s20  }
0x9f: {  	s3 =	ssub.s32 $0x0, s20;
	[sflag:s22] =	ssyncset.done $0x0  }
0xa0: {  	[sflag:s22] =	ssyncadd.s32 s3;
	_ =	sdelay $0x1  }
0xa1: {  	s23 =	simm.s32 $0x1B8B  }
0xa2: {  	_ =	swait.ge [sflag:s23], $0x1  }
0xa3: {  	[sflag:s23] =	ssyncset.done $0x0  }
0xa4: {  	s25 =	simm.s32 $0x1B8E;
	s24 =	sld [smem:$0x3FFE];
	[sflag:s23] =	ssyncadd.s32 $0xFFFFFFFF  }
0xa5: {  	s26 =	simm.s32 $execute0_lowered;
	[smem:$0x3FD2] =	sst s25  }
0xa6: {  	s4 =	sshll.u32 s26, $0x1;
	_ =	strace $0x8000004C;
	[dreg:$0x1] =	wrdreg $0xFFFFFFFF  }
0xa7: {  	s28 =	simm.s32 $_size_execute0_lowered;
	s2 =	sadd.s32 s2, s4;
	[dreg:$0x0] =	wrdreg $0x0  }
0xa8: {  	s4 =	sshll.u32 s28, $0x1;
	[dreg:$0x2] =	wrdreg s2  }
0xa9: {  	[dreg:$0x3] =	wrdreg s4  }
0xaa: {  	[dreg:$0x4] =	wrdreg $0xC0  }
0xab: {  	_ =	task [dreg:s6], $0x5FFFF  }
0xac: {  	[dreg:$0x1] =	wrdreg $0xFFFFFFFF  }
0xad: {  	[dreg:$0x0] =	wrdreg $0x60  }
0xae: {  	[dreg:$0x2] =	wrdreg s24  }
0xaf: {  	[dreg:$0x3] =	wrdreg $0x84000  }
0xb0: {  	[dreg:$0x4] =	wrdreg $0x122000  }
0xb1: {  	[dreg:$0x5] =	wrdreg $0x9  }
0xb2: {  	_ =	task.clear_ibuf [dreg:s6], $0x6FFFF;
	_ =	strace $0x9000004C  }
0xb3: {  	s29 =	simm.s32 $0x9;
	_ =	strace $0x8000004E  }
0xb4: {  	_ =	swait.ge [sflag:s29], $0x1  }
0xb5: {  	[sflag:s29] =	ssyncadd.s32 $0xFFFFFFFF  }
0xb6: {  	_ =	strace $0x9000004E  }
0xb7: {  	_ =	sfence  }
0xb8: {  	s30 =	sld [smem:$0x0];
	_ =	sdelay $0x2  }
0xb9: {  	s31 =	sshll.u32 s1, $0xD;
	s1 =	sshrl.u32 s1, $0x2  }
0xba: {  	s3 =	sand.u32 $0x4000, s31;
	s1 =	sadd.s32 s1, s30  }
0xbb: {  	s0 =	sor.u32 s3, s0;
	s1 =	sshll.u32 s1, $0x11  }
0xbc: {  	s0 =	sor.u32 s1, s0  }
0xbd: {  	s0 =	sadd.s32 $0x8F2B, s0  }
0xbe: {  	[sflag:s0] =	ssyncadd.remote.s32 $0x1  }
0xbf: {  	_ =	sfence.sel $0xFFFF  }
0xc0: {  	[dreg:$0x0] =	wrdreg $0xFFFFFFFF;
	(pc) =	sbr.abs _section_cstart, $3  }
0xc1: {  	[dreg:$0x1] =	wrdreg $0xFFFFFFFF  }
0xc2: {  	_ =	task.clear_ibuf [dreg:s6], $0x2FFFF;
	_ =	strace $0x9FFFFFFF  }
0xc3: {  	(tm) =	ssettm $0x7FFFFFFF  }
tec
execute0_lowered:
.L_overlay_start_1:
0x0: {  	(tag) =	ssettag $0x1  }
0x1: {  	s0 =	rddreg [dreg:$0x0]  }
0x2: {  	s1 =	rddreg [dreg:$0x1]  }
0x3: {  	s3 =	rddreg [dreg:$0x2]  }
0x4: {  	s4 =	simm.s32 $0x0;
	s2 =	srdreg.scid;
	s12 =	stileid.u32  }
0x5: {  	s28 =	simm.s32 $0xD;
	s29 =	simm.s32 $0x80;
	s5 =	smul.u32 $0x13C00, s12  }
0x6: {  	s31 =	simm.s32 $0x100;
	s30 =	simm.s32 $0x400;
	s26 =	smul.u32 $0x9E00, s12  }
0x7: {  	[smem:$0x7FF] =	sst s4;
	s2 =	sand.u32 $0x1, s2;
	s13 =	smul.u32 $0x27800, s12  }
0x8: {  	s6 =	sadd.s32 $0x1D200, s0;
	s8 =	sadd.s32 $0x4400, s0;
	s14 =	smul.u32 $0x5000, s12  }
0x9: {  	s9 =	sadd.s32 $0xE400, s0;
	s15 =	sshll.u32 s12, $0x6;
	s23 =	smul.u32 $0xA00, s12  }
0xa: {  	s12 =	simm.s32 $0x4400;
	_ =	strace $0x8000004D;
	s7 =	sshll.u32 s2, $0x6  }
0xb: {  	[dreg:$0x4] =	wrdreg s9;
	s2 =	ssub.s32 $0x2, s2;
	s18 =	sor.u32 $0x1C0D, s15  }
0xc: {  	s15 =	simm.s32 $0x4;
	s5 =	sor.u32 s7, s5;
	s11 =	sshrl.u32 s2, $0x1  }
0xd: {  	s10 =	sadd.s32 s26, s1;
	s9 =	sshrl.u32 s13, $0x2;
	s21 =	sadd.s32 s26, s3  }
0xe: {  	s13 =	simm.s32 $0x6;
	[dreg:$0x6] =	wrdreg s18;
	s5 =	sshrl.u32 s5, $0x3  }
0xf: {  	s2 =	ssub.s32 s2, s11;
	s16 =	sadd.s32 s9, s3;
	s26 =	sshrl.u32 s10, $0x3  }
0x10: {  	s10 =	simm.s32 $0x380;
	[dreg:$0x7] =	wrdreg s21;
	s0 =	sadd.s32 s5, s0  }
0x11: {  	s9 =	sadd.s32 $0x2000, s16;
	s17 =	sadd.s32 $0x4000, s16;
	s5 =	sshrl.u32 s14, $0x3  }
0x12: {  	s19 =	sadd.s32 $0x6000, s16;
	s7 =	sadd.s32 $0x8000, s16;
	[dreg:$0x12] =	wrdreg s26  }
0x13: {  	s25 =	smax.u32 s2, $0x1;
	s2 =	simm.s32 $0x2;
	[dreg:$0x8] =	wrdreg s9  }
0x14: {  	s14 =	simm.s32 $0x9;
	s16 =	simm.s32 $0x6400;
	[dreg:$0x9] =	wrdreg s17  }
0x15: {  	s26 =	simm.s32 $0x200;
	s11 =	sadd.s32 $0x27200, s0;
	[dreg:$0xa] =	wrdreg s19  }
0x16: {  	[dreg:$0xb] =	wrdreg s7;
	s20 =	sadd.s32 s6, s5;
	s22 =	sadd.s32 s8, s5  }
0x17: {  	s5 =	sor.u32 $0x10, s5;
	s0 =	sadd.s32 $0x4EA00, s0;
	[dreg:$0x11] =	wrdreg s25  }
0x18: {  	s19 =	sadd.s32 s23, s8;
	s25 =	simm.s32 $0x10;
	[dreg:$0x5] =	wrdreg s11  }
0x19: {  	s9 =	simm.s32 $0x180;
	s17 =	simm.s32 $0x7;
	[dreg:$0xc] =	wrdreg s20  }
0x1a: {  	[dreg:$0xd] =	wrdreg s22;
	s24 =	sadd.s32 s6, s5;
	s5 =	sadd.s32 s8, s5  }
0x1b: {  	[dreg:$0x10] =	wrdreg s0;
	s20 =	sadd.s32 s23, s6;
	s22 =	simm.s32 $0x1  }
0x1c: {  	s23 =	simm.s32 $0x8;
	s0 =	simm.s32 $0x300;
	s6 =	simm.s32 $0x5  }
0x1d: {  	s11 =	simm.s32 $0x3;
	s8 =	simm.s32 $0x0;
	[dreg:$0xe] =	wrdreg s24  }
0x1e: {  	[dreg:$0xf] =	wrdreg s5;
	s5 =	simm.s32 $0x2400;
	s24 =	simm.s32 $0xA  }
.LBB2_1:
0x1f: {  	[dreg:$0x13] =	wrdreg s8  }
0x20: {  	s7 =	rddreg [dreg:$0x5]  }
0x21: {  	s8 =	rddreg [dreg:$0x12]  }
0x22: {  	[spmem:s8@s23], [sflag:s18] =	dma.strided [hbm:s7@s25], $0x13C0, s22, $0x8   }
0x23: {  	_ =	swait.ge [sflag:s28], $0x13C0  }
0x24: {  	[sflag:s28] =	ssyncset.done $0x0  }
0x25: {  	s25 =	simm.s32 $0x400;
	s8 =	rddreg [dreg:$0x4];
	[sflag:s28] =	ssyncadd.s32 $0xFFFFEC40  }
0x26: {  	[tilespmem:s25], [sflag:$0xD] =	stream.linear.gather [hbm4b:s8+s4], $0x2000, $0x38;
	[tilespmem:$0x1C000] =	vst v63  }
0x27: {  	_ =	swait.ge [sflag:s28], $0x2000  }
0x28: {  	[sflag:s28] =	ssyncset.done $0x0  }
0x29: {  	[sflag:s28] =	ssyncadd.s32 $0xFFFFE000  }
0x2a: {  	[spmem:s21] =	stream.linear.scatter [tilespmem:s25], [sflag:$0xD], $0x2000, $0x38;
	[tilespmem:$0x1C000] =	vst v63  }
0x2b: {  	_ =	swait.ge [sflag:s28], $0x2000  }
0x2c: {  	[sflag:s28] =	ssyncset.done $0x0  }
0x2d: {  	s18 =	rddreg [dreg:$0x8];
	[sflag:s28] =	ssyncadd.s32 $0xFFFFE000  }
0x2e: {  	[spmem:s18] =	stream.linear.scatter [tilespmem:s25], [sflag:$0xD], $0x2000, $0x38;
	[tilespmem:$0x1C000] =	vst v63  }
0x2f: {  	_ =	swait.ge [sflag:s28], $0x2000  }
0x30: {  	[sflag:s28] =	ssyncset.done $0x0  }
0x31: {  	s21 =	rddreg [dreg:$0x9];
	[sflag:s28] =	ssyncadd.s32 $0xFFFFE000  }
0x32: {  	[spmem:s21] =	stream.linear.scatter [tilespmem:s25], [sflag:$0xD], $0x2000, $0x38;
	[tilespmem:$0x1C000] =	vst v63  }
0x33: {  	_ =	swait.ge [sflag:s28], $0x2000  }
0x34: {  	[sflag:s28] =	ssyncset.done $0x0  }
0x35: {  	s8 =	rddreg [dreg:$0xa];
	[sflag:s28] =	ssyncadd.s32 $0xFFFFE000  }
0x36: {  	[spmem:s8] =	stream.linear.scatter [tilespmem:s25], [sflag:$0xD], $0x2000, $0x38;
	[tilespmem:$0x1C000] =	vst v63  }
0x37: {  	_ =	swait.ge [sflag:s28], $0x2000  }
0x38: {  	[sflag:s28] =	ssyncset.done $0x0  }
0x39: {  	s18 =	rddreg [dreg:$0xb];
	[sflag:s28] =	ssyncadd.s32 $0xFFFFE000  }
0x3a: {  	[spmem:s18] =	stream.linear.scatter [tilespmem:s25], [sflag:$0xD], $0x1E00, $0x38;
	[tilespmem:$0x1C000] =	vst v63  }
0x3b: {  	_ =	swait.ge [sflag:s28], $0x1E00  }
0x3c: {  	[sflag:s28] =	ssyncset.done $0x0  }
0x3d: {  	s21 =	rddreg [dreg:$0xc];
	[sflag:s28] =	ssyncadd.s32 $0xFFFFE200  }
0x3e: {  	[tilespmem:s4], [sflag:$0x1] =	stream.linear.gather [hbm4b:s21+s4], $0x80, $0x38;
	[tilespmem:$0x1C000] =	vst v63  }
0x3f: {  	s18 =	simm.s32 $0x200;
	s28 =	rddreg [dreg:$0xd]  }
0x40: {  	[tilespmem:s18], [sflag:$0x1] =	stream.linear.gather [hbm4b:s28+s4], $0x80, $0x38;
	[tilespmem:$0x1C000] =	vst v63  }
0x41: {  	s8 =	rddreg [dreg:$0xe]  }
0x42: {  	[tilespmem:s29], [sflag:$0x2] =	stream.linear.gather [hbm4b:s8+s4], $0x80, $0x38;
	[tilespmem:$0x1C000] =	vst v63  }
0x43: {  	s21 =	rddreg [dreg:$0xf];
	s28 =	simm.s32 $0x280  }
0x44: {  	[tilespmem:s28], [sflag:$0x2] =	stream.linear.gather [hbm4b:s21+s4], $0x80, $0x38;
	[tilespmem:$0x1C000] =	vst v63  }
0x45: {  	[bflag:$0x0] =	sbarrier.arrive $0xFFFF  }
0x46: {  	_ =	swait.ge [sflag:s22], $0x80  }
0x47: {  	[sflag:s22] =	ssyncset.done $0x0  }
0x48: {  	[sflag:s22] =	ssyncadd.s32 $0xFFFFFF80  }
0x49: {  	_ =	swait.ge [sflag:s22], $0x80  }
0x4a: {  	p0 =	por $0x1, $0x1;
	[sflag:s22] =	ssyncset.done $0x0  }
0x4b: {  	s7 =	simm.s32 @!p0 $0xB;
	[sflag:s22] =	ssyncadd.s32 $0xFFFFFF80  }
0x4c: {  	[tilespmem:s25], [sflag:$0x5] =	stream.indirect.gather [spmem:s1], $0x40, s4, s29, $0xb8;
	[tilespmem:$0x1C000] =	vst v63  }
0x4d: {  	_ =	swait.ge @!p0 [sflag:s7], $0x2000  }
0x4e: {  	s8 =	sadd.s32 $0x0, s20;
	[sflag:s7] =	ssyncset.done @!p0 $0x0  }
0x4f: {  	s21 =	sadd.s32 $0x0, s19;
	s22 =	sadd.s32 $0x20, s8;
	[sflag:s7] =	ssyncadd.s32 @!p0 $0xFFFFE000  }
0x50: {  	[tilespmem:s31], [sflag:$0x3] =	stream.linear.gather [hbm4b:s22+s4], $0x80, $0x38;
	[tilespmem:$0x1C000] =	vst v63  }
0x51: {  	s22 =	sadd.s32 $0x20, s21  }
0x52: {  	[tilespmem:s0], [sflag:$0x3] =	stream.linear.gather [hbm4b:s22+s4], $0x80, $0x38;
	[tilespmem:$0x1C000] =	vst v63  }
0x53: {  	_ =	swait.ge [sflag:s2], $0x80  }
0x54: {  	[sflag:s2] =	ssyncset.done $0x0  }
0x55: {  	[sflag:s2] =	ssyncadd.s32 $0xFFFFFF80  }
0x56: {  	_ =	swait.ge [sflag:s2], $0x80  }
0x57: {  	[sflag:s2] =	ssyncset.done $0x0  }
0x58: {  	[sflag:s2] =	ssyncadd.s32 $0xFFFFFF80  }
0x59: {  	[tilespmem:s5], [sflag:$0x6] =	stream.indirect.gather [spmem:s1], $0x40, s29, s29, $0xb8;
	[tilespmem:$0x1C000] =	vst v63  }
0x5a: {  	_ =	swait.ge [sflag:s6], $0x2000  }
0x5b: {  	[sflag:s6] =	ssyncset.done $0x0  }
0x5c: {  	s7 =	simm.s32 @!p0 $0xC;
	[sflag:s6] =	ssyncadd.s32 $0xFFFFE000  }
0x5d: {  	[spmem:s3] =	stream.indirect.scatter.add.f32 [tilespmem:s25], [sflag:$0x9], $0x40, s18, s29, $0xb8;
	[tilespmem:$0x1C000] =	vst v63  }
0x5e: {  	_ =	swait.ge @!p0 [sflag:s7], $0x2000  }
0x5f: {  	[sflag:s7] =	ssyncset.done @!p0 $0x0  }
0x60: {  	s22 =	sadd.s32 $0x30, s8;
	[sflag:s7] =	ssyncadd.s32 @!p0 $0xFFFFE000  }
0x61: {  	[tilespmem:s9], [sflag:$0x4] =	stream.linear.gather [hbm4b:s22+s4], $0x80, $0x38;
	[tilespmem:$0x1C000] =	vst v63  }
0x62: {  	s25 =	sadd.s32 $0x30, s21  }
0x63: {  	[tilespmem:s10], [sflag:$0x4] =	stream.linear.gather [hbm4b:s25+s4], $0x80, $0x38;
	[tilespmem:$0x1C000] =	vst v63  }
0x64: {  	_ =	swait.ge [sflag:s11], $0x80  }
0x65: {  	[sflag:s11] =	ssyncset.done $0x0  }
0x66: {  	[sflag:s11] =	ssyncadd.s32 $0xFFFFFF80  }
0x67: {  	_ =	swait.ge [sflag:s11], $0x80  }
0x68: {  	[sflag:s11] =	ssyncset.done $0x0  }
0x69: {  	[sflag:s11] =	ssyncadd.s32 $0xFFFFFF80  }
0x6a: {  	[tilespmem:s12], [sflag:$0x7] =	stream.indirect.gather [spmem:s1], $0x40, s31, s29, $0xb8;
	[tilespmem:$0x1C000] =	vst v63  }
0x6b: {  	_ =	swait.ge [sflag:s13], $0x2000  }
0x6c: {  	[sflag:s13] =	ssyncset.done $0x0  }
0x6d: {  	[sflag:s13] =	ssyncadd.s32 $0xFFFFE000  }
0x6e: {  	[spmem:s3] =	stream.indirect.scatter.add.f32 [tilespmem:s5], [sflag:$0xA], $0x40, s28, s29, $0xb8;
	[tilespmem:$0x1C000] =	vst v63  }
0x6f: {  	p0 =	por $0x0, $0x0;
	_ =	swait.ge [sflag:s14], $0x2000  }
0x70: {  	s7 =	sadd.s32 @!p0 $0x0, s20;
	s8 =	sadd.s32 @!p0 $0x0, s19;
	[sflag:s14] =	ssyncset.done $0x0  }
0x71: {  	s22 =	simm.s32 @!p0 $0x0;
	s21 =	sadd.s32 @!p0 $0x40, s7;
	[sflag:s14] =	ssyncadd.s32 $0xFFFFE000  }
0x72: {  	[tilespmem:s22], [sflag:$0x1] =	stream.linear.gather @!p0 [hbm4b:s21+s22], $0x80, $0x38;
	[tilespmem:$0x1C000] =	vst v63  }
0x73: {  	s18 =	simm.s32 @!p0 $0x200;
	s21 =	sadd.s32 @!p0 $0x40, s8  }
0x74: {  	[tilespmem:s18], [sflag:$0x1] =	stream.linear.gather @!p0 [hbm4b:s21+s22], $0x80, $0x38;
	[tilespmem:$0x1C000] =	vst v63  }
0x75: {  	_ =	swait.ge [sflag:s15], $0x80  }
0x76: {  	[sflag:s15] =	ssyncset.done $0x0  }
0x77: {  	[sflag:s15] =	ssyncadd.s32 $0xFFFFFF80  }
0x78: {  	_ =	swait.ge [sflag:s15], $0x80  }
0x79: {  	[sflag:s15] =	ssyncset.done $0x0  }
0x7a: {  	[sflag:s15] =	ssyncadd.s32 $0xFFFFFF80  }
0x7b: {  	[tilespmem:s16], [sflag:$0x8] =	stream.indirect.gather [spmem:s1], $0x40, s9, s29, $0xb8;
	[tilespmem:$0x1C000] =	vst v63  }
0x7c: {  	_ =	swait.ge [sflag:s17], $0x2000  }
0x7d: {  	[sflag:s17] =	ssyncset.done $0x0  }
0x7e: {  	[sflag:s17] =	ssyncadd.s32 $0xFFFFE000  }
0x7f: {  	[spmem:s3] =	stream.indirect.scatter.add.f32 [tilespmem:s12], [sflag:$0xB], $0x40, s0, s29, $0xb8;
	[tilespmem:$0x1C000] =	vst v63  }
0x80: {  	_ =	swait.ge [sflag:s24], $0x2000  }
0x81: {  	[sflag:s24] =	ssyncset.done $0x0  }
0x82: {  	s7 =	sadd.s32 @!p0 $0x50, s7;
	s18 =	simm.s32 @!p0 $0x80;
	[sflag:s24] =	ssyncadd.s32 $0xFFFFE000  }
0x83: {  	[tilespmem:s18], [sflag:$0x2] =	stream.linear.gather @!p0 [hbm4b:s7+s22], $0x80, $0x38;
	[tilespmem:$0x1C000] =	vst v63  }
0x84: {  	s7 =	sadd.s32 @!p0 $0x50, s8;
	s8 =	simm.s32 @!p0 $0x280  }
0x85: {  	[tilespmem:s8], [sflag:$0x2] =	stream.linear.gather @!p0 [hbm4b:s7+s22], $0x80, $0x38;
	[tilespmem:$0x1C000] =	vst v63  }
0x86: {  	s7 =	simm.s32 @!p0 $0x1  }
0x87: {  	_ =	swait.ge @!p0 [sflag:s7], $0x80  }
0x88: {  	[sflag:s7] =	ssyncset.done @!p0 $0x0  }
0x89: {  	[sflag:s7] =	ssyncadd.s32 @!p0 $0xFFFFFF80  }
0x8a: {  	_ =	swait.ge @!p0 [sflag:s7], $0x80  }
0x8b: {  	[sflag:s7] =	ssyncset.done @!p0 $0x0  }
0x8c: {  	[sflag:s7] =	ssyncadd.s32 @!p0 $0xFFFFFF80;
	s7 =	simm.s32 @!p0 $0x400  }
0x8d: {  	[tilespmem:s7], [sflag:$0x5] =	stream.indirect.gather @!p0 [spmem:s1], $0x40, s22, s18, $0xb8;
	[tilespmem:$0x1C000] =	vst v63  }
0x8e: {  	p1 =	por $0x0, $0x0;
	_ =	swait.ge [sflag:s23], $0x2000  }
0x8f: {  	s21 =	simm.s32 $0x40;
	s7 =	simm.s32 $0x80;
	[sflag:s23] =	ssyncset.done $0x0  }
.LBB2_2:
0x90: {  	s18 =	simm.s32 @!p1 $0xB  }
0x91: {  	[sflag:s23] =	ssyncadd.s32 $0xFFFFE000;
	s8 =	smov.u32 s7;
	s7 =	sadd.s32 $0x40, s7  }
0x92: {  	[spmem:s3] =	stream.indirect.scatter.add.f32 [tilespmem:s16], [sflag:$0xC], $0x40, s10, s29, $0xb8;
	[tilespmem:$0x1C000] =	vst v63  }
0x93: {  	p0 =	sne.s32 s7, $0xA00;
	_ =	swait.ge @!p1 [sflag:s18], $0x2000  }
0x94: {  	s22 =	sadd.s32 s21, s20;
	[sflag:s18] =	ssyncset.done @!p1 $0x0  }
0x95: {  	s25 =	sadd.s32 s21, s19;
	[sflag:s18] =	ssyncadd.s32 @!p1 $0xFFFFE000;
	s18 =	sadd.s32 $0x20, s22  }
0x96: {  	[tilespmem:s31], [sflag:$0x3] =	stream.linear.gather [hbm4b:s18+s4], $0x80, $0x38;
	[tilespmem:$0x1C000] =	vst v63  }
0x97: {  	s18 =	sadd.s32 $0x20, s25  }
0x98: {  	[tilespmem:s0], [sflag:$0x3] =	stream.linear.gather [hbm4b:s18+s4], $0x80, $0x38;
	[tilespmem:$0x1C000] =	vst v63  }
0x99: {  	_ =	swait.ge [sflag:s2], $0x80  }
0x9a: {  	[sflag:s2] =	ssyncset.done $0x0  }
0x9b: {  	[sflag:s2] =	ssyncadd.s32 $0xFFFFFF80  }
0x9c: {  	_ =	swait.ge [sflag:s2], $0x80  }
0x9d: {  	[sflag:s2] =	ssyncset.done $0x0  }
0x9e: {  	[sflag:s2] =	ssyncadd.s32 $0xFFFFFF80  }
0x9f: {  	[tilespmem:s5], [sflag:$0x6] =	stream.indirect.gather [spmem:s1], $0x40, s29, s29, $0xb8;
	[tilespmem:$0x1C000] =	vst v63  }
0xa0: {  	_ =	swait.ge [sflag:s6], $0x2000  }
0xa1: {  	[sflag:s6] =	ssyncset.done $0x0  }
0xa2: {  	s18 =	simm.s32 @!p1 $0xC;
	[sflag:s6] =	ssyncadd.s32 $0xFFFFE000  }
0xa3: {  	[spmem:s3] =	stream.indirect.scatter.add.f32 [tilespmem:s30], [sflag:$0x9], $0x40, s26, s29, $0xb8;
	[tilespmem:$0x1C000] =	vst v63  }
0xa4: {  	_ =	swait.ge @!p1 [sflag:s18], $0x2000  }
0xa5: {  	[sflag:s18] =	ssyncset.done @!p1 $0x0  }
0xa6: {  	[sflag:s18] =	ssyncadd.s32 @!p1 $0xFFFFE000;
	s18 =	sadd.s32 $0x30, s22  }
0xa7: {  	[tilespmem:s9], [sflag:$0x4] =	stream.linear.gather [hbm4b:s18+s4], $0x80, $0x38;
	[tilespmem:$0x1C000] =	vst v63  }
0xa8: {  	s18 =	sadd.s32 $0x30, s25  }
0xa9: {  	[tilespmem:s10], [sflag:$0x4] =	stream.linear.gather [hbm4b:s18+s4], $0x80, $0x38;
	[tilespmem:$0x1C000] =	vst v63  }
0xaa: {  	_ =	swait.ge [sflag:s11], $0x80  }
0xab: {  	[sflag:s11] =	ssyncset.done $0x0  }
0xac: {  	[sflag:s11] =	ssyncadd.s32 $0xFFFFFF80  }
0xad: {  	_ =	swait.ge [sflag:s11], $0x80  }
0xae: {  	[sflag:s11] =	ssyncset.done $0x0  }
0xaf: {  	[sflag:s11] =	ssyncadd.s32 $0xFFFFFF80  }
0xb0: {  	[tilespmem:s12], [sflag:$0x7] =	stream.indirect.gather [spmem:s1], $0x40, s31, s29, $0xb8;
	[tilespmem:$0x1C000] =	vst v63  }
0xb1: {  	_ =	swait.ge [sflag:s13], $0x2000  }
0xb2: {  	[sflag:s13] =	ssyncset.done $0x0  }
0xb3: {  	s18 =	simm.s32 $0x280;
	[sflag:s13] =	ssyncadd.s32 $0xFFFFE000  }
0xb4: {  	[spmem:s3] =	stream.indirect.scatter.add.f32 [tilespmem:s5], [sflag:$0xA], $0x40, s18, s29, $0xb8;
	[tilespmem:$0x1C000] =	vst v63  }
0xb5: {  	p1 =	seq.s32 s21, $0x9C0;
	_ =	swait.ge [sflag:s14], $0x2000  }
0xb6: {  	s18 =	sadd.s32 @!p1 s21, s20;
	s21 =	sadd.s32 @!p1 s21, s19;
	[sflag:s14] =	ssyncset.done $0x0  }
0xb7: {  	s25 =	simm.s32 @!p1 $0x0;
	s22 =	sadd.s32 @!p1 $0x40, s18;
	[sflag:s14] =	ssyncadd.s32 $0xFFFFE000  }
0xb8: {  	[tilespmem:s25], [sflag:$0x1] =	stream.linear.gather @!p1 [hbm4b:s22+s25], $0x80, $0x38;
	[tilespmem:$0x1C000] =	vst v63  }
0xb9: {  	s28 =	simm.s32 @!p1 $0x200;
	s18 =	sadd.s32 @!p1 $0x50, s18;
	s22 =	sadd.s32 @!p1 $0x40, s21  }
0xba: {  	[tilespmem:s28], [sflag:$0x1] =	stream.linear.gather @!p1 [hbm4b:s22+s25], $0x80, $0x38;
	[tilespmem:$0x1C000] =	vst v63  }
0xbb: {  	s22 =	sadd.s32 @!p1 $0x50, s21;
	s21 =	smov.u32 s8;
	_ =	swait.ge [sflag:s15], $0x80  }
0xbc: {  	[sflag:s15] =	ssyncset.done $0x0  }
0xbd: {  	[sflag:s15] =	ssyncadd.s32 $0xFFFFFF80  }
0xbe: {  	_ =	swait.ge [sflag:s15], $0x80  }
0xbf: {  	[sflag:s15] =	ssyncset.done $0x0  }
0xc0: {  	[sflag:s15] =	ssyncadd.s32 $0xFFFFFF80  }
0xc1: {  	[tilespmem:s16], [sflag:$0x8] =	stream.indirect.gather [spmem:s1], $0x40, s9, s29, $0xb8;
	[tilespmem:$0x1C000] =	vst v63  }
0xc2: {  	_ =	swait.ge [sflag:s17], $0x2000  }
0xc3: {  	[sflag:s17] =	ssyncset.done $0x0  }
0xc4: {  	[sflag:s17] =	ssyncadd.s32 $0xFFFFE000  }
0xc5: {  	[spmem:s3] =	stream.indirect.scatter.add.f32 [tilespmem:s12], [sflag:$0xB], $0x40, s0, s29, $0xb8;
	[tilespmem:$0x1C000] =	vst v63  }
0xc6: {  	_ =	swait.ge [sflag:s24], $0x2000  }
0xc7: {  	[sflag:s24] =	ssyncset.done $0x0  }
0xc8: {  	s8 =	simm.s32 @!p1 $0x80;
	[sflag:s24] =	ssyncadd.s32 $0xFFFFE000  }
0xc9: {  	[tilespmem:s8], [sflag:$0x2] =	stream.linear.gather @!p1 [hbm4b:s18+s25], $0x80, $0x38;
	[tilespmem:$0x1C000] =	vst v63  }
0xca: {  	s28 =	simm.s32 @!p1 $0x1;
	s18 =	simm.s32 @!p1 $0x280  }
0xcb: {  	[tilespmem:s18], [sflag:$0x2] =	stream.linear.gather @!p1 [hbm4b:s22+s25], $0x80, $0x38;
	[tilespmem:$0x1C000] =	vst v63  }
0xcc: {  	_ =	swait.ge @!p1 [sflag:s28], $0x80  }
0xcd: {  	[sflag:s28] =	ssyncset.done @!p1 $0x0  }
0xce: {  	[sflag:s28] =	ssyncadd.s32 @!p1 $0xFFFFFF80  }
0xcf: {  	_ =	swait.ge @!p1 [sflag:s28], $0x80  }
.Ltmp0:
0xd0: {  	[sflag:s28] =	ssyncset.done @!p1 $0x0;
	(pc) =	sbr.rel @p0 .LBB2_2-.Ltmp0, $4  }
0xd1: {  	s18 =	simm.s32 @!p1 $0x400;
	[sflag:s28] =	ssyncadd.s32 @!p1 $0xFFFFFF80  }
0xd2: {  	[tilespmem:s18], [sflag:$0x5] =	stream.indirect.gather @!p1 [spmem:s1], $0x40, s25, s8, $0xb8;
	[tilespmem:$0x1C000] =	vst v63  }
0xd3: {  	_ =	swait.ge [sflag:s23], $0x2000  }
0xd4: {  	p1 =	seq.s32 s21, $0x0;
	[sflag:s23] =	ssyncset.done $0x0  }
0xd5: {  	s7 =	simm.s32 @!p1 $0xB;
	[sflag:s23] =	ssyncadd.s32 $0xFFFFE000  }
0xd6: {  	[spmem:s3] =	stream.indirect.scatter.add.f32 [tilespmem:s16], [sflag:$0xC], $0x40, s10, s29, $0xb8;
	[tilespmem:$0x1C000] =	vst v63  }
0xd7: {  	_ =	swait.ge @!p1 [sflag:s7], $0x2000  }
0xd8: {  	s8 =	sadd.s32 s21, s20;
	[sflag:s7] =	ssyncset.done @!p1 $0x0  }
0xd9: {  	s18 =	sadd.s32 s21, s19;
	s25 =	sadd.s32 $0x20, s8;
	[sflag:s7] =	ssyncadd.s32 @!p1 $0xFFFFE000  }
0xda: {  	[tilespmem:s31], [sflag:$0x3] =	stream.linear.gather [hbm4b:s25+s4], $0x80, $0x38;
	[tilespmem:$0x1C000] =	vst v63  }
0xdb: {  	s22 =	sadd.s32 $0x20, s18  }
0xdc: {  	[tilespmem:s0], [sflag:$0x3] =	stream.linear.gather [hbm4b:s22+s4], $0x80, $0x38;
	[tilespmem:$0x1C000] =	vst v63  }
0xdd: {  	_ =	swait.ge [sflag:s2], $0x80  }
0xde: {  	[sflag:s2] =	ssyncset.done $0x0  }
0xdf: {  	[sflag:s2] =	ssyncadd.s32 $0xFFFFFF80  }
0xe0: {  	_ =	swait.ge [sflag:s2], $0x80  }
0xe1: {  	[sflag:s2] =	ssyncset.done $0x0  }
0xe2: {  	[sflag:s2] =	ssyncadd.s32 $0xFFFFFF80  }
0xe3: {  	[tilespmem:s5], [sflag:$0x6] =	stream.indirect.gather [spmem:s1], $0x40, s29, s29, $0xb8;
	[tilespmem:$0x1C000] =	vst v63  }
0xe4: {  	_ =	swait.ge [sflag:s6], $0x2000  }
0xe5: {  	[sflag:s6] =	ssyncset.done $0x0  }
0xe6: {  	s7 =	simm.s32 @!p1 $0xC;
	[sflag:s6] =	ssyncadd.s32 $0xFFFFE000  }
0xe7: {  	[spmem:s3] =	stream.indirect.scatter.add.f32 [tilespmem:s30], [sflag:$0x9], $0x40, s26, s29, $0xb8;
	[tilespmem:$0x1C000] =	vst v63  }
0xe8: {  	_ =	swait.ge @!p1 [sflag:s7], $0x2000  }
0xe9: {  	[sflag:s7] =	ssyncset.done @!p1 $0x0  }
0xea: {  	s25 =	sadd.s32 $0x30, s8;
	[sflag:s7] =	ssyncadd.s32 @!p1 $0xFFFFE000  }
0xeb: {  	[tilespmem:s9], [sflag:$0x4] =	stream.linear.gather [hbm4b:s25+s4], $0x80, $0x38;
	[tilespmem:$0x1C000] =	vst v63  }
0xec: {  	s8 =	sadd.s32 $0x30, s18  }
0xed: {  	[tilespmem:s10], [sflag:$0x4] =	stream.linear.gather [hbm4b:s8+s4], $0x80, $0x38;
	[tilespmem:$0x1C000] =	vst v63  }
0xee: {  	_ =	swait.ge [sflag:s11], $0x80  }
0xef: {  	[sflag:s11] =	ssyncset.done $0x0  }
0xf0: {  	[sflag:s11] =	ssyncadd.s32 $0xFFFFFF80  }
0xf1: {  	_ =	swait.ge [sflag:s11], $0x80  }
0xf2: {  	[sflag:s11] =	ssyncset.done $0x0  }
0xf3: {  	[sflag:s11] =	ssyncadd.s32 $0xFFFFFF80  }
0xf4: {  	[tilespmem:s12], [sflag:$0x7] =	stream.indirect.gather [spmem:s1], $0x40, s31, s29, $0xb8;
	[tilespmem:$0x1C000] =	vst v63  }
0xf5: {  	_ =	swait.ge [sflag:s13], $0x2000  }
0xf6: {  	[sflag:s13] =	ssyncset.done $0x0  }
0xf7: {  	s18 =	simm.s32 $0x280;
	[sflag:s13] =	ssyncadd.s32 $0xFFFFE000  }
0xf8: {  	[spmem:s3] =	stream.indirect.scatter.add.f32 [tilespmem:s5], [sflag:$0xA], $0x40, s18, s29, $0xb8;
	[tilespmem:$0x1C000] =	vst v63  }
0xf9: {  	p0 =	seq.s32 s21, $0x9C0;
	_ =	swait.ge [sflag:s14], $0x2000  }
0xfa: {  	s7 =	sadd.s32 @!p0 s21, s20;
	s8 =	sadd.s32 @!p0 s21, s19;
	[sflag:s14] =	ssyncset.done $0x0  }
0xfb: {  	s21 =	simm.s32 @!p0 $0x0;
	s18 =	sadd.s32 @!p0 $0x40, s7;
	[sflag:s14] =	ssyncadd.s32 $0xFFFFE000  }
0xfc: {  	[tilespmem:s21], [sflag:$0x1] =	stream.linear.gather @!p0 [hbm4b:s18+s21], $0x80, $0x38;
	[tilespmem:$0x1C000] =	vst v63  }
0xfd: {  	s22 =	simm.s32 @!p0 $0x200;
	s18 =	sadd.s32 @!p0 $0x40, s8  }
0xfe: {  	[tilespmem:s22], [sflag:$0x1] =	stream.linear.gather @!p0 [hbm4b:s18+s21], $0x80, $0x38;
	[tilespmem:$0x1C000] =	vst v63  }
0xff: {  	_ =	swait.ge [sflag:s15], $0x80  }
0x100: {  	[sflag:s15] =	ssyncset.done $0x0  }
0x101: {  	[sflag:s15] =	ssyncadd.s32 $0xFFFFFF80  }
0x102: {  	_ =	swait.ge [sflag:s15], $0x80  }
0x103: {  	[sflag:s15] =	ssyncset.done $0x0  }
0x104: {  	[sflag:s15] =	ssyncadd.s32 $0xFFFFFF80  }
0x105: {  	[tilespmem:s16], [sflag:$0x8] =	stream.indirect.gather [spmem:s1], $0x40, s9, s29, $0xb8;
	[tilespmem:$0x1C000] =	vst v63  }
0x106: {  	_ =	swait.ge [sflag:s17], $0x2000  }
0x107: {  	[sflag:s17] =	ssyncset.done $0x0  }
0x108: {  	[sflag:s17] =	ssyncadd.s32 $0xFFFFE000  }
0x109: {  	[spmem:s3] =	stream.indirect.scatter.add.f32 [tilespmem:s12], [sflag:$0xB], $0x40, s0, s29, $0xb8;
	[tilespmem:$0x1C000] =	vst v63  }
0x10a: {  	_ =	swait.ge [sflag:s24], $0x2000  }
0x10b: {  	[sflag:s24] =	ssyncset.done $0x0  }
0x10c: {  	s7 =	sadd.s32 @!p0 $0x50, s7;
	s18 =	simm.s32 @!p0 $0x80;
	[sflag:s24] =	ssyncadd.s32 $0xFFFFE000  }
0x10d: {  	[tilespmem:s18], [sflag:$0x2] =	stream.linear.gather @!p0 [hbm4b:s7+s21], $0x80, $0x38;
	[tilespmem:$0x1C000] =	vst v63  }
0x10e: {  	s7 =	sadd.s32 @!p0 $0x50, s8;
	s8 =	simm.s32 @!p0 $0x280  }
0x10f: {  	[tilespmem:s8], [sflag:$0x2] =	stream.linear.gather @!p0 [hbm4b:s7+s21], $0x80, $0x38;
	[tilespmem:$0x1C000] =	vst v63  }
0x110: {  	s7 =	simm.s32 @!p0 $0x1  }
0x111: {  	_ =	swait.ge @!p0 [sflag:s7], $0x80  }
0x112: {  	[sflag:s7] =	ssyncset.done @!p0 $0x0  }
0x113: {  	[sflag:s7] =	ssyncadd.s32 @!p0 $0xFFFFFF80  }
0x114: {  	_ =	swait.ge @!p0 [sflag:s7], $0x80  }
0x115: {  	[sflag:s7] =	ssyncset.done @!p0 $0x0  }
0x116: {  	[sflag:s7] =	ssyncadd.s32 @!p0 $0xFFFFFF80;
	s7 =	simm.s32 @!p0 $0x400  }
0x117: {  	[tilespmem:s7], [sflag:$0x5] =	stream.indirect.gather @!p0 [spmem:s1], $0x40, s21, s18, $0xb8;
	[tilespmem:$0x1C000] =	vst v63  }
0x118: {  	_ =	swait.ge [sflag:s23], $0x2000  }
0x119: {  	[sflag:s23] =	ssyncset.done $0x0  }
0x11a: {  	s22 =	simm.s32 $0xB;
	[sflag:s23] =	ssyncadd.s32 $0xFFFFE000  }
0x11b: {  	[spmem:s3] =	stream.indirect.scatter.add.f32 [tilespmem:s16], [sflag:$0xC], $0x40, s10, s29, $0xb8;
	[tilespmem:$0x1C000] =	vst v63  }
0x11c: {  	_ =	swait.ge [sflag:s22], $0x2000  }
0x11d: {  	[sflag:s22] =	ssyncset.done $0x0  }
0x11e: {  	s25 =	simm.s32 $0xC;
	[sflag:s22] =	ssyncadd.s32 $0xFFFFE000  }
0x11f: {  	_ =	swait.ge [sflag:s25], $0x2000  }
0x120: {  	[sflag:s25] =	ssyncset.done $0x0  }
0x121: {  	[sflag:s25] =	ssyncadd.s32 $0xFFFFE000  }
0x122: {  	[bflag:$0x0] =	sbarrier.arrive $0xFFFF  }
0x123: {  	s21 =	rddreg [dreg:$0x7]  }
0x124: {  	s28 =	simm.s32 $0xD;
	s22 =	simm.s32 $0x1;
	s18 =	rddreg [dreg:$0x6]  }
0x125: {  	s25 =	simm.s32 $0x10;
	s8 =	rddreg [dreg:$0x10];
	s7 =	sshrl.u32 s21, $0x3  }
0x126: {  	[hbm:s8@s25], [sflag:s18] =	dma.strided [spmem:s7@s23], $0x13C0, s22, $0x8   }
0x127: {  	_ =	swait.ge [sflag:s28], $0x13C0  }
0x128: {  	s7 =	rddreg [dreg:$0x13]  }
0x129: {  	s8 =	sadd.s32 $0x1, s7;
	s7 =	rddreg [dreg:$0x11]  }
0x12a: {  	p0 =	sne.s32 s8, s7  }
.Ltmp1:
0x12b: {  	_ = 	snop;
	(pc) =	sbr.rel @p0 .LBB2_1-.Ltmp1, $3  }
0x12c: {  	_ =	sdelay $0x1  }
0x12d: {  	[sflag:s28] =	ssyncset.done $0x0  }
0x12e: {  	[sflag:s28] =	ssyncadd.s32 $0xFFFFEC40  }
0x12f: {  	_ =	sfence.sel $0x180000  }
0x130: {  	[bflag:$0x0] =	sbarrier.arrive $0xFFFF  }
0x131: {  	_ =	strace $0x9000004D  }
0x132: {  	s0 =	stileid.u32;
	[bflag:$0x2] =	sbarrier.arrive $0xFFFF  }
0x133: {  	p0 =	sne.s32 s0, $0x0;
	s0 =	rddreg [dreg:$0x3]  }
0x134: {  	s0 =	sadd.s32 @!p0 $0x100000, s0  }
0x135: {  	[sflag:s0] =	ssyncadd.tile.s32 @!p0 $0x1;
	_ =	shalt  }
.Lfunc_end2:
_tile_overlayer_lowered:
.L_overlay_start_2:
0x136: {  	(tag) =	ssettag $0x2  }
0x137: {  	s0 =	rddreg [dreg:$0x0];
	s2 =	stileid.u32  }
0x138: {  	s1 =	rddreg [dreg:$0x1];
	p0 =	sne.s32 s2, $0x0  }
0x139: {  	s3 =	rddreg [dreg:$0x2];
	[bflag:$0x3] =	sbarrier.arrive $0xFFFF;
	s2 =	simm.s32 @!p0 $0x1C0D  }
0x13a: {  	[timem:s3], [sflag:s2] =	dma.local @!p0 [hbm:s0], s1  }
0x13b: {  	s0 =	simm.s32 @!p0 $0xD  }
0x13c: {  	_ =	swait.ge @!p0 [sflag:s0], s1  }
0x13d: {  	s1 =	ssub.s32 @!p0 $0x0, s1;
	[sflag:s0] =	ssyncset.done @!p0 $0x0  }
0x13e: {  	[sflag:s0] =	ssyncadd.s32 @!p0 s1  }
0x13f: {  	[bflag:$0x3] =	sbarrier.arrive $0xFFFF  }
0x140: {  	_ =	shalt  }

// kernel: kernel.19.cloned.1.call-start
scs
__scs_entry_jumppad:
0x0: {  	(pc) =	sbr.rel $0x88, $3  }
0x1: {  	(tag) =	ssettag $0x0;
	lr =	simm.s32 $0x1  }
0x2: {  	[smem:$0x3F93] =	sst lr;
	_ =	strace $0xD0000000  }
0x3: {  	_ = 	snop  }
0x4: {  	_ = 	snop  }
0x5: {  	_ = 	snop  }
0x6: {  	_ = 	snop  }
0x7: {  	_ = 	snop  }
__scs_overlays_trampoline_lowered:
0x8: {  	[smem:$0x3FA2] =	sst s0  }
0x9: {  	[smem:$0x3FA3] =	sst s1  }
0xa: {  	[smem:$0x3FA4] =	sst s2  }
0xb: {  	[smem:$0x3FA5] =	sst s3  }
0xc: {  	[smem:$0x3FA6] =	sst s4  }
0xd: {  	[smem:$0x3FA7] =	sst s5  }
0xe: {  	[smem:$0x3FA8] =	sst s6  }
0xf: {  	[smem:$0x3FA9] =	sst s7  }
0x10: {  	[smem:$0x3FAA] =	sst s8  }
0x11: {  	[smem:$0x3FAB] =	sst s9;
	s0 =	simm.s32 @!p0 $0x0  }
0x12: {  	s1 =	sld [smem:$0x3F91];
	s0 =	simm.s32 @p0 $0x1  }
0x13: {  	[smem:$0x3FAC] =	sst s0;
	s0 =	simm.s32 @!p1 $0x0  }
0x14: {  	s2 =	sld [smem:$0x3F90];
	s0 =	simm.s32 @p1 $0x1  }
0x15: {  	[smem:$0x3FAD] =	sst s0;
	s0 =	simm.s32 @!p2 $0x0  }
0x16: {  	s3 =	sld [smem:$0x3FDB];
	s0 =	simm.s32 @p2 $0x1  }
0x17: {  	s4 =	simm.s32 $0x1BF5;
	[smem:$0x3FAF] =	sst s0  }
0x18: {  	s0 =	sld [smem:$0x3F92];
	_ =	swait.ge [sflag:s4], $0x0  }
0x19: {  	s7 =	sld [smem:$0x3F93]  }
0x1a: {  	s8 =	sadd.s32 $0xFFFFE003, lr  }
0x1b: {  	s9 =	sadd.s32 $0xFFFFFEF7, lr;
	s5 =	simm.s32 $0xFFFFFFFF;
	p2 =	slt.u32 s8, $0xFFFFF086  }
0x1c: {  	p1 =	slt.u32 s9, $0xF7A;
	s5 =	simm.s32 @!p2 $0x0  }
0x1d: {  	s5 =	simm.s32 @p1 $0x1;
	p0 =	seq.s32 s7, s2  }
0x1e: {  	s7 =	smul.u32 @!p0 $0xF7A, s2;
	p2 =	seq.s32 @!p0 s5, $0x0  }
0x1f: {  	s9 =	smul.u32 $0xF7A, s1;
	s8 =	simm.s32 @!p0 $0x1BF5;
	p2 =	por !p2, p0  }
0x20: {  	[sflag:s8] =	ssyncset.s32 @!p0 $0xFFFFF086;
	s6 =	sadd.s32 @!p0 s3, s7;
	s7 =	simm.s32 @!p0 $0x108  }
0x21: {  	s3 =	sadd.s32 s3, s9;
	s6 =	sadd.s32 @!p0 $0x88, s6;
	s7 =	simm.s32 @p2 $0x1082  }
0x22: {  	[simem:s7], [sflag:s8] =	dma.local @!p0 [hbm:s6], $0xF7A  }
0x23: {  	s9 =	sor.u32 $0xD0000000, s2;
	s6 =	simm.s32 $0x108;
	_ =	swait.ge @!p0 [sflag:s8], $0x0  }
0x24: {  	s3 =	sadd.s32 $0x88, s3;
	s6 =	simm.s32 @!p1 $0x1082;
	[sflag:s4] =	ssyncset.s32 $0xFFFFF086  }
0x25: {  	[simem:s6], [sflag:s4] =	dma.local [hbm:s3], $0xF7A  }
0x26: {  	[smem:$0x3F93] =	sst s1;
	(tag) =	ssettag s2;
	_ =	strace s9  }
0x27: {  	s1 =	sld [smem:$0x3FA3]  }
0x28: {  	s2 =	sld [smem:$0x3FA4]  }
0x29: {  	s4 =	sld [smem:$0x3FA6]  }
0x2a: {  	p0 =	seq.s32 s5, $0x0;
	s5 =	sld [smem:$0x3FA7]  }
0x2b: {  	s6 =	sld [smem:$0x3FA8]  }
0x2c: {  	s7 =	sld [smem:$0x3FA9]  }
0x2d: {  	s3 =	simm.s32 $0x108;
	s8 =	sld [smem:$0x3FAA]  }
0x2e: {  	s3 =	simm.s32 @!p0 $0x1082;
	s9 =	sld [smem:$0x3FAB]  }
0x2f: {  	lr =	sadd.s32 s0, s3;
	s0 =	sld [smem:$0x3FA2]  }
0x30: {  	s3 =	sld [smem:$0x3FA5]  }
0x31: {  	[smem:$0x3FAE] =	sst s10  }
0x32: {  	s10 =	sld [smem:$0x3FAC];
	_ =	sdelay $0x3  }
0x33: {  	p0 =	seq.s32 s10, $0x1;
	s10 =	sld [smem:$0x3FAE];
	_ =	sdelay $0x3  }
0x34: {  	[smem:$0x3FAE] =	sst s10  }
0x35: {  	s10 =	sld [smem:$0x3FAD];
	_ =	sdelay $0x3  }
0x36: {  	p1 =	seq.s32 s10, $0x1;
	s10 =	sld [smem:$0x3FAE];
	_ =	sdelay $0x3  }
0x37: {  	[smem:$0x3FAE] =	sst s10  }
0x38: {  	s10 =	sld [smem:$0x3FAF]  }
0x39: {  	_ = 	snop;
	(pc) =	sbr.ind lr, $3  }
0x3a: {  	_ = 	snop  }
0x3b: {  	_ = 	snop  }
0x3c: {  	p2 =	seq.s32 s10, $0x1;
	s10 =	sld [smem:$0x3FAE]  }
0x3d: {  	_ =	shalt  }
0x3e: {  	_ =	shalt  }
0x3f: {  	_ =	shalt  }
0x40: {  	_ =	shalt  }
0x41: {  	_ =	shalt  }
0x42: {  	_ =	shalt  }
0x43: {  	_ =	shalt  }
0x44: {  	_ =	shalt  }
0x45: {  	_ =	shalt  }
0x46: {  	_ =	shalt  }
0x47: {  	_ =	shalt  }
0x48: {  	_ =	shalt  }
0x49: {  	_ =	shalt  }
0x4a: {  	_ =	shalt  }
0x4b: {  	_ =	shalt  }
0x4c: {  	_ =	shalt  }
0x4d: {  	_ =	shalt  }
0x4e: {  	_ =	shalt  }
0x4f: {  	_ =	shalt  }
0x50: {  	_ =	shalt  }
0x51: {  	_ =	shalt  }
0x52: {  	_ =	shalt  }
0x53: {  	_ =	shalt  }
0x54: {  	_ =	shalt  }
0x55: {  	_ =	shalt  }
0x56: {  	_ =	shalt  }
0x57: {  	_ =	shalt  }
0x58: {  	_ =	shalt  }
0x59: {  	_ =	shalt  }
0x5a: {  	_ =	shalt  }
0x5b: {  	_ =	shalt  }
0x5c: {  	_ =	shalt  }
0x5d: {  	_ =	shalt  }
0x5e: {  	_ =	shalt  }
0x5f: {  	_ =	shalt  }
0x60: {  	_ =	shalt  }
0x61: {  	_ =	shalt  }
0x62: {  	_ =	shalt  }
0x63: {  	_ =	shalt  }
0x64: {  	_ =	shalt  }
0x65: {  	_ =	shalt  }
0x66: {  	_ =	shalt  }
0x67: {  	_ =	shalt  }
0x68: {  	_ =	shalt  }
0x69: {  	_ =	shalt  }
0x6a: {  	_ =	shalt  }
0x6b: {  	_ =	shalt  }
0x6c: {  	_ =	shalt  }
0x6d: {  	_ =	shalt  }
0x6e: {  	_ =	shalt  }
0x6f: {  	_ =	shalt  }
0x70: {  	_ =	shalt  }
0x71: {  	_ =	shalt  }
0x72: {  	_ =	shalt  }
0x73: {  	_ =	shalt  }
0x74: {  	_ =	shalt  }
0x75: {  	_ =	shalt  }
0x76: {  	_ =	shalt  }
0x77: {  	_ =	shalt  }
0x78: {  	_ =	shalt  }
0x79: {  	_ =	shalt  }
0x7a: {  	_ =	shalt  }
0x7b: {  	_ =	shalt  }
0x7c: {  	_ =	shalt  }
0x7d: {  	_ =	shalt  }
0x7e: {  	_ =	shalt  }
0x7f: {  	_ =	shalt  }
0x80: {  	_ =	shalt  }
0x81: {  	_ =	shalt  }
0x82: {  	_ =	shalt  }
0x83: {  	_ =	shalt  }
0x84: {  	_ =	shalt  }
0x85: {  	_ =	shalt  }
0x86: {  	_ =	shalt  }
0x87: {  	_ =	shalt  }
.Lfunc_end0:
.L_simem_size_0:
called_computation.3_lowered:
.L_overlay_start_0:
0x88: {  	s2 =	sld [smem:$0x3FD9]  }
0x89: {  	s3 =	sld [smem:$0x3FFE];
	_ =	sdelay $0x1  }
0x8a: {  	s1 =	srdreg.scid  }
0x8b: {  	s0 =	sand.u32 $0x1, s1  }
0x8c: {  	s17 =	sshll.u32 s0, $0xA;
	s2 =	sadd.s32 s3, s2  }
0x8d: {  	s2 =	sadd.s32 s2, s17  }
0x8e: {  	[smem:$0x3FBA] =	sst s2  }
0x8f: {  	_ = 	snop  }
0x90: {  	s2 =	sld [smem:$0x3FC9]  }
0x91: {  	s18 =	sld [smem:$0x3FD0];
	(tm) =	ssettm $0x1  }
0x92: {  	s4 =	sld [smem:$0x3FFB];
	_ =	sdelay $0x3  }
0x93: {  	_ =	strace s4  }
0x94: {  	s4 =	sld [smem:$0x3FFC];
	_ =	sdelay $0x3  }
0x95: {  	_ =	strace s4  }
0x96: {  	s4 =	sld [smem:$0x3FFD];
	_ =	sdelay $0x3  }
0x97: {  	_ =	strace s4  }
0x98: {  	_ =	strace $0x8FFFFFFF  }
0x99: {  	s19 =	sld [smem:$0x3FDB];
	_ =	sdelay $0x1  }
0x9a: {  	s5 =	simm.s32 $_scs_section_size  }
0x9b: {  	s6 =	simm.s32 $_size__tile_overlayer_lowered;
	s7 =	simm.s32 $_tile_overlayer_lowered  }
0x9c: {  	s22 =	simm.s32 $0x1BFF;
	s21 =	sshll.u32 s7, $0x1;
	s4 =	sadd.s32 s5, s19  }
0x9d: {  	s8 =	simm.s32 $0x0;
	s20 =	sshll.u32 s6, $0x1;
	s6 =	sadd.s32 s21, s4  }
0x9e: {  	[timem:s8], [sflag:s22] =	dma.local [hbm:s6], s20  }
0x9f: {  	_ =	swait.ge [sflag:s22], s20  }
0xa0: {  	s5 =	ssub.s32 $0x0, s20;
	[sflag:s22] =	ssyncset.done $0x0  }
0xa1: {  	[sflag:s22] =	ssyncadd.s32 s5;
	_ =	sdelay $0x1  }
0xa2: {  	s23 =	simm.s32 $0x1B8B  }
0xa3: {  	_ =	swait.ge [sflag:s23], $0x1  }
0xa4: {  	[sflag:s23] =	ssyncset.done $0x0  }
0xa5: {  	s25 =	simm.s32 $0x1B8E;
	s24 =	sld [smem:$0x3FFE];
	[sflag:s23] =	ssyncadd.s32 $0xFFFFFFFF  }
0xa6: {  	s26 =	simm.s32 $execute0_lowered;
	[smem:$0x3FD2] =	sst s25  }
0xa7: {  	s6 =	sshll.u32 s26, $0x1;
	_ =	strace $0x8000004F;
	[dreg:$0x1] =	wrdreg $0xFFFFFFFF  }
0xa8: {  	s28 =	simm.s32 $_size_execute0_lowered;
	s4 =	sadd.s32 s4, s6;
	[dreg:$0x0] =	wrdreg $0x0  }
0xa9: {  	s6 =	sshll.u32 s28, $0x1;
	[dreg:$0x2] =	wrdreg s4  }
0xaa: {  	[dreg:$0x3] =	wrdreg s6  }
0xab: {  	[dreg:$0x4] =	wrdreg $0xC0  }
0xac: {  	_ =	task [dreg:s8], $0x5FFFF  }
0xad: {  	[dreg:$0x1] =	wrdreg $0xFFFFFFFF  }
0xae: {  	[dreg:$0x0] =	wrdreg $0x60  }
0xaf: {  	[dreg:$0x2] =	wrdreg s24  }
0xb0: {  	[dreg:$0x3] =	wrdreg s2  }
0xb1: {  	[dreg:$0x4] =	wrdreg s18  }
0xb2: {  	[dreg:$0x5] =	wrdreg $0x9  }
0xb3: {  	_ =	task.clear_ibuf [dreg:s8], $0x6FFFF;
	_ =	strace $0x9000004F  }
0xb4: {  	s29 =	simm.s32 $0x9;
	_ =	strace $0x80000051  }
0xb5: {  	_ =	swait.ge [sflag:s29], $0x1  }
0xb6: {  	[sflag:s29] =	ssyncadd.s32 $0xFFFFFFFF  }
0xb7: {  	_ =	strace $0x90000051  }
0xb8: {  	_ =	sfence  }
0xb9: {  	s30 =	sld [smem:$0x0];
	_ =	sdelay $0x2  }
0xba: {  	s31 =	sshll.u32 s1, $0xD;
	s1 =	sshrl.u32 s1, $0x2  }
0xbb: {  	s3 =	sand.u32 $0x4000, s31;
	s1 =	sadd.s32 s1, s30  }
0xbc: {  	s0 =	sor.u32 s3, s0;
	s1 =	sshll.u32 s1, $0x11  }
0xbd: {  	s0 =	sor.u32 s1, s0  }
0xbe: {  	s0 =	sadd.s32 $0x8F2B, s0  }
0xbf: {  	[sflag:s0] =	ssyncadd.remote.s32 $0x1  }
0xc0: {  	_ =	sfence.sel $0xFFFF  }
0xc1: {  	[dreg:$0x0] =	wrdreg $0xFFFFFFFF;
	(pc) =	sbr.abs _section_cstart, $3  }
0xc2: {  	[dreg:$0x1] =	wrdreg $0xFFFFFFFF  }
0xc3: {  	_ =	task.clear_ibuf [dreg:s8], $0x2FFFF;
	_ =	strace $0x9FFFFFFF  }
0xc4: {  	(tm) =	ssettm $0x7FFFFFFF  }
0xc5: {  	_ =	shalt  }
tec
execute0_lowered:
.L_overlay_start_1:
0x0: {  	(tag) =	ssettag $0x1  }
0x1: {  	s11 =	rddreg [dreg:$0x0];
	s1 =	srdreg.scid  }
0x2: {  	s3 =	rddreg [dreg:$0x1];
	s0 =	stileid.u32;
	s21 =	sand.u32 $0x1, s1  }
0x3: {  	s5 =	rddreg [dreg:$0x2];
	s6 =	sshll.u32 s0, $0x9;
	s4 =	sshll.u32 s21, $0xD  }
0x4: {  	s2 =	simm.s32 $0x0;
	s1 =	rddreg [dreg:$0x3];
	s10 =	sor.u32 s6, s4  }
0x5: {  	[smem:$0x7FF] =	sst s2;
	s6 =	sshrl.u32 s10, $0x3  }
0x6: {  	_ =	strace $0x80000050;
	s4 =	sadd.s32 s3, s6;
	s3 =	simm.s32 $0x1  }
0x7: {  	[tilespmem:s2], [sflag:$0x1] =	stream.linear.gather [hbm4b:s4+s2], $0x200, $0x38;
	[tilespmem:$0x4400] =	vst v63  }
0x8: {  	_ =	swait.ge [sflag:s3], $0x200  }
0x9: {  	[sflag:s3] =	ssyncset.done $0x0  }
0xa: {  	s5 =	sadd.s32 s5, s6;
	s6 =	simm.s32 $0x200;
	[sflag:s3] =	ssyncadd.s32 $0xFFFFFE00  }
0xb: {  	[tilespmem:s6], [sflag:$0x1] =	stream.linear.gather [hbm4b:s5+s2], $0x200, $0x38;
	[tilespmem:$0x4400] =	vst v63  }
0xc: {  	_ =	swait.ge [sflag:s3], $0x200  }
0xd: {  	s8 =	simm.s32 $0x80;
	[sflag:s3] =	ssyncset.done $0x0  }
0xe: {  	s9 =	simm.s32 $0x400;
	s7 =	sadd.s32 $0x4400, s11;
	[sflag:s3] =	ssyncadd.s32 $0xFFFFFE00  }
0xf: {  	[tilespmem:s9], [sflag:$0x1] =	stream.indirect.gather [hbm4b:s7+s8], $0x80, s2, s8, $0xb8;
	[tilespmem:$0x4400] =	vst v63  }
0x10: {  	_ =	swait.ge [sflag:s3], $0x4000  }
0x11: {  	s20 =	sadd.s32 $0x2BC00, s11;
	s23 =	sshll.u32 s10, $0x4;
	[sflag:s3] =	ssyncset.done $0x0  }
0x12: {  	s10 =	sadd.s32 s20, s23;
	[sflag:s3] =	ssyncadd.s32 $0xFFFFC000  }
0x13: {  	[hbm4b:s10+s2] =	stream.linear.scatter [tilespmem:s9], [sflag:$0x1], $0x4000, $0x38;
	[tilespmem:$0x4400] =	vst v63  }
0x14: {  	_ =	swait.ge [sflag:s3], $0x4000  }
0x15: {  	[sflag:s3] =	ssyncset.done $0x0  }
0x16: {  	[sflag:s3] =	ssyncadd.s32 $0xFFFFC000  }
0x17: {  	[tilespmem:s9], [sflag:$0x1] =	stream.indirect.gather [hbm4b:s7+s8], $0x80, s6, s8, $0xb8;
	[tilespmem:$0x4400] =	vst v63  }
0x18: {  	_ =	swait.ge [sflag:s3], $0x4000  }
0x19: {  	s22 =	sadd.s32 $0x6BC00, s11;
	[sflag:s3] =	ssyncset.done $0x0  }
0x1a: {  	s11 =	sadd.s32 s22, s23;
	[sflag:s3] =	ssyncadd.s32 $0xFFFFC000  }
0x1b: {  	[hbm4b:s11+s2] =	stream.linear.scatter [tilespmem:s9], [sflag:$0x1], $0x4000, $0x38;
	[tilespmem:$0x4400] =	vst v63  }
0x1c: {  	_ =	swait.ge [sflag:s3], $0x4000  }
0x1d: {  	[sflag:s3] =	ssyncset.done $0x0  }
0x1e: {  	[sflag:s3] =	ssyncadd.s32 $0xFFFFC000  }
0x1f: {  	[tilespmem:s9], [sflag:$0x1] =	stream.indirect.gather [hbm4b:s7+s8], $0x80, s8, s8, $0xb8;
	[tilespmem:$0x4400] =	vst v63  }
0x20: {  	_ =	swait.ge [sflag:s3], $0x4000  }
0x21: {  	s14 =	sor.u32 $0x800, s23;
	[sflag:s3] =	ssyncset.done $0x0  }
0x22: {  	s12 =	sadd.s32 s20, s14;
	[sflag:s3] =	ssyncadd.s32 $0xFFFFC000  }
0x23: {  	[hbm4b:s12+s2] =	stream.linear.scatter [tilespmem:s9], [sflag:$0x1], $0x4000, $0x38;
	[tilespmem:$0x4400] =	vst v63  }
0x24: {  	_ =	swait.ge [sflag:s3], $0x4000  }
0x25: {  	[sflag:s3] =	ssyncset.done $0x0  }
0x26: {  	s13 =	simm.s32 $0x280;
	[sflag:s3] =	ssyncadd.s32 $0xFFFFC000  }
0x27: {  	[tilespmem:s9], [sflag:$0x1] =	stream.indirect.gather [hbm4b:s7+s8], $0x80, s13, s8, $0xb8;
	[tilespmem:$0x4400] =	vst v63  }
0x28: {  	_ =	swait.ge [sflag:s3], $0x4000  }
0x29: {  	[sflag:s3] =	ssyncset.done $0x0  }
0x2a: {  	s14 =	sadd.s32 s22, s14;
	[sflag:s3] =	ssyncadd.s32 $0xFFFFC000  }
0x2b: {  	[hbm4b:s14+s2] =	stream.linear.scatter [tilespmem:s9], [sflag:$0x1], $0x4000, $0x38;
	[tilespmem:$0x4400] =	vst v63  }
0x2c: {  	_ =	swait.ge [sflag:s3], $0x4000  }
0x2d: {  	[sflag:s3] =	ssyncset.done $0x0  }
0x2e: {  	s15 =	simm.s32 $0x100;
	[sflag:s3] =	ssyncadd.s32 $0xFFFFC000  }
0x2f: {  	[tilespmem:s9], [sflag:$0x1] =	stream.indirect.gather [hbm4b:s7+s8], $0x80, s15, s8, $0xb8;
	[tilespmem:$0x4400] =	vst v63  }
0x30: {  	_ =	swait.ge [sflag:s3], $0x4000  }
0x31: {  	s18 =	sor.u32 $0x1000, s23;
	[sflag:s3] =	ssyncset.done $0x0  }
0x32: {  	s16 =	sadd.s32 s20, s18;
	[sflag:s3] =	ssyncadd.s32 $0xFFFFC000  }
0x33: {  	[hbm4b:s16+s2] =	stream.linear.scatter [tilespmem:s9], [sflag:$0x1], $0x4000, $0x38;
	[tilespmem:$0x4400] =	vst v63  }
0x34: {  	_ =	swait.ge [sflag:s3], $0x4000  }
0x35: {  	[sflag:s3] =	ssyncset.done $0x0  }
0x36: {  	s17 =	simm.s32 $0x300;
	[sflag:s3] =	ssyncadd.s32 $0xFFFFC000  }
0x37: {  	[tilespmem:s9], [sflag:$0x1] =	stream.indirect.gather [hbm4b:s7+s8], $0x80, s17, s8, $0xb8;
	[tilespmem:$0x4400] =	vst v63  }
0x38: {  	_ =	swait.ge [sflag:s3], $0x4000  }
0x39: {  	[sflag:s3] =	ssyncset.done $0x0  }
0x3a: {  	s18 =	sadd.s32 s22, s18;
	[sflag:s3] =	ssyncadd.s32 $0xFFFFC000  }
0x3b: {  	[hbm4b:s18+s2] =	stream.linear.scatter [tilespmem:s9], [sflag:$0x1], $0x4000, $0x38;
	[tilespmem:$0x4400] =	vst v63  }
0x3c: {  	_ =	swait.ge [sflag:s3], $0x4000  }
0x3d: {  	[sflag:s3] =	ssyncset.done $0x0  }
0x3e: {  	s19 =	simm.s32 $0x180;
	[sflag:s3] =	ssyncadd.s32 $0xFFFFC000  }
0x3f: {  	[tilespmem:s9], [sflag:$0x1] =	stream.indirect.gather [hbm4b:s7+s8], $0x80, s19, s8, $0xb8;
	[tilespmem:$0x4400] =	vst v63  }
0x40: {  	_ =	swait.ge [sflag:s3], $0x4000  }
0x41: {  	s23 =	sor.u32 $0x1800, s23;
	[sflag:s3] =	ssyncset.done $0x0  }
0x42: {  	s24 =	ssub.s32 $0x2, s21;
	s20 =	sadd.s32 s20, s23;
	[sflag:s3] =	ssyncadd.s32 $0xFFFFC000  }
0x43: {  	[hbm4b:s20+s2] =	stream.linear.scatter [tilespmem:s9], [sflag:$0x1], $0x4000, $0x38;
	[tilespmem:$0x4400] =	vst v63  }
0x44: {  	s25 =	sshrl.u32 s24, $0x1;
	_ =	swait.ge [sflag:s3], $0x4000  }
0x45: {  	s24 =	ssub.s32 s24, s25;
	[sflag:s3] =	ssyncset.done $0x0  }
0x46: {  	s21 =	simm.s32 $0x380;
	s31 =	smax.u32 s24, $0x1;
	[sflag:s3] =	ssyncadd.s32 $0xFFFFC000  }
0x47: {  	[tilespmem:s9], [sflag:$0x1] =	stream.indirect.gather [hbm4b:s7+s8], $0x80, s21, s8, $0xb8;
	[tilespmem:$0x4400] =	vst v63  }
0x48: {  	p0 =	sne.s32 s31, $0x1;
	_ =	swait.ge [sflag:s3], $0x4000  }
.Ltmp0:
0x49: {  	[sflag:s3] =	ssyncset.done $0x0;
	(pc) =	sbr.rel @!p0 .LBB2_2-.Ltmp0, $4  }
0x4a: {  	s22 =	sadd.s32 s22, s23;
	[sflag:s3] =	ssyncadd.s32 $0xFFFFC000  }
0x4b: {  	[hbm4b:s22+s2] =	stream.linear.scatter [tilespmem:s9], [sflag:$0x1], $0x4000, $0x38;
	[tilespmem:$0x4400] =	vst v63  }
0x4c: {  	_ =	swait.ge [sflag:s3], $0x4000  }
0x4d: {  	s23 =	sadd.s32 $0xFFFFFFFF, s31;
	[sflag:s3] =	ssyncset.done $0x0  }
.LBB2_1:
0x4e: {  	p0 =	sne.s32 s23, $0x1;
	s23 =	sadd.s32 $0xFFFFFFFF, s23;
	[sflag:s3] =	ssyncadd.s32 $0xFFFFC000  }
0x4f: {  	[tilespmem:s2], [sflag:$0x1] =	stream.linear.gather [hbm4b:s4+s2], $0x200, $0x38;
	[tilespmem:$0x4400] =	vst v63  }
0x50: {  	_ =	swait.ge [sflag:s3], $0x200  }
0x51: {  	[sflag:s3] =	ssyncset.done $0x0  }
0x52: {  	[sflag:s3] =	ssyncadd.s32 $0xFFFFFE00  }
0x53: {  	[tilespmem:s6], [sflag:$0x1] =	stream.linear.gather [hbm4b:s5+s2], $0x200, $0x38;
	[tilespmem:$0x4400] =	vst v63  }
0x54: {  	_ =	swait.ge [sflag:s3], $0x200  }
0x55: {  	[sflag:s3] =	ssyncset.done $0x0  }
0x56: {  	[sflag:s3] =	ssyncadd.s32 $0xFFFFFE00  }
0x57: {  	[tilespmem:s9], [sflag:$0x1] =	stream.indirect.gather [hbm4b:s7+s8], $0x80, s2, s8, $0xb8;
	[tilespmem:$0x4400] =	vst v63  }
0x58: {  	_ =	swait.ge [sflag:s3], $0x4000  }
0x59: {  	[sflag:s3] =	ssyncset.done $0x0  }
0x5a: {  	[sflag:s3] =	ssyncadd.s32 $0xFFFFC000  }
0x5b: {  	[hbm4b:s10+s2] =	stream.linear.scatter [tilespmem:s9], [sflag:$0x1], $0x4000, $0x38;
	[tilespmem:$0x4400] =	vst v63  }
0x5c: {  	_ =	swait.ge [sflag:s3], $0x4000  }
0x5d: {  	[sflag:s3] =	ssyncset.done $0x0  }
0x5e: {  	[sflag:s3] =	ssyncadd.s32 $0xFFFFC000  }
0x5f: {  	[tilespmem:s9], [sflag:$0x1] =	stream.indirect.gather [hbm4b:s7+s8], $0x80, s6, s8, $0xb8;
	[tilespmem:$0x4400] =	vst v63  }
0x60: {  	_ =	swait.ge [sflag:s3], $0x4000  }
0x61: {  	[sflag:s3] =	ssyncset.done $0x0  }
0x62: {  	[sflag:s3] =	ssyncadd.s32 $0xFFFFC000  }
0x63: {  	[hbm4b:s11+s2] =	stream.linear.scatter [tilespmem:s9], [sflag:$0x1], $0x4000, $0x38;
	[tilespmem:$0x4400] =	vst v63  }
0x64: {  	_ =	swait.ge [sflag:s3], $0x4000  }
0x65: {  	[sflag:s3] =	ssyncset.done $0x0  }
0x66: {  	[sflag:s3] =	ssyncadd.s32 $0xFFFFC000  }
0x67: {  	[tilespmem:s9], [sflag:$0x1] =	stream.indirect.gather [hbm4b:s7+s8], $0x80, s8, s8, $0xb8;
	[tilespmem:$0x4400] =	vst v63  }
0x68: {  	_ =	swait.ge [sflag:s3], $0x4000  }
0x69: {  	[sflag:s3] =	ssyncset.done $0x0  }
0x6a: {  	[sflag:s3] =	ssyncadd.s32 $0xFFFFC000  }
0x6b: {  	[hbm4b:s12+s2] =	stream.linear.scatter [tilespmem:s9], [sflag:$0x1], $0x4000, $0x38;
	[tilespmem:$0x4400] =	vst v63  }
0x6c: {  	_ =	swait.ge [sflag:s3], $0x4000  }
0x6d: {  	[sflag:s3] =	ssyncset.done $0x0  }
0x6e: {  	[sflag:s3] =	ssyncadd.s32 $0xFFFFC000  }
0x6f: {  	[tilespmem:s9], [sflag:$0x1] =	stream.indirect.gather [hbm4b:s7+s8], $0x80, s13, s8, $0xb8;
	[tilespmem:$0x4400] =	vst v63  }
0x70: {  	_ =	swait.ge [sflag:s3], $0x4000  }
0x71: {  	[sflag:s3] =	ssyncset.done $0x0  }
0x72: {  	[sflag:s3] =	ssyncadd.s32 $0xFFFFC000  }
0x73: {  	[hbm4b:s14+s2] =	stream.linear.scatter [tilespmem:s9], [sflag:$0x1], $0x4000, $0x38;
	[tilespmem:$0x4400] =	vst v63  }
0x74: {  	_ =	swait.ge [sflag:s3], $0x4000  }
0x75: {  	[sflag:s3] =	ssyncset.done $0x0  }
0x76: {  	[sflag:s3] =	ssyncadd.s32 $0xFFFFC000  }
0x77: {  	[tilespmem:s9], [sflag:$0x1] =	stream.indirect.gather [hbm4b:s7+s8], $0x80, s15, s8, $0xb8;
	[tilespmem:$0x4400] =	vst v63  }
0x78: {  	_ =	swait.ge [sflag:s3], $0x4000  }
0x79: {  	[sflag:s3] =	ssyncset.done $0x0  }
0x7a: {  	[sflag:s3] =	ssyncadd.s32 $0xFFFFC000  }
0x7b: {  	[hbm4b:s16+s2] =	stream.linear.scatter [tilespmem:s9], [sflag:$0x1], $0x4000, $0x38;
	[tilespmem:$0x4400] =	vst v63  }
0x7c: {  	_ =	swait.ge [sflag:s3], $0x4000  }
0x7d: {  	[sflag:s3] =	ssyncset.done $0x0  }
0x7e: {  	[sflag:s3] =	ssyncadd.s32 $0xFFFFC000  }
0x7f: {  	[tilespmem:s9], [sflag:$0x1] =	stream.indirect.gather [hbm4b:s7+s8], $0x80, s17, s8, $0xb8;
	[tilespmem:$0x4400] =	vst v63  }
0x80: {  	_ =	swait.ge [sflag:s3], $0x4000  }
0x81: {  	[sflag:s3] =	ssyncset.done $0x0  }
0x82: {  	[sflag:s3] =	ssyncadd.s32 $0xFFFFC000  }
0x83: {  	[hbm4b:s18+s2] =	stream.linear.scatter [tilespmem:s9], [sflag:$0x1], $0x4000, $0x38;
	[tilespmem:$0x4400] =	vst v63  }
0x84: {  	_ =	swait.ge [sflag:s3], $0x4000  }
0x85: {  	[sflag:s3] =	ssyncset.done $0x0  }
0x86: {  	[sflag:s3] =	ssyncadd.s32 $0xFFFFC000  }
0x87: {  	[tilespmem:s9], [sflag:$0x1] =	stream.indirect.gather [hbm4b:s7+s8], $0x80, s19, s8, $0xb8;
	[tilespmem:$0x4400] =	vst v63  }
0x88: {  	_ =	swait.ge [sflag:s3], $0x4000  }
0x89: {  	[sflag:s3] =	ssyncset.done $0x0  }
0x8a: {  	[sflag:s3] =	ssyncadd.s32 $0xFFFFC000  }
0x8b: {  	[hbm4b:s20+s2] =	stream.linear.scatter [tilespmem:s9], [sflag:$0x1], $0x4000, $0x38;
	[tilespmem:$0x4400] =	vst v63  }
0x8c: {  	_ =	swait.ge [sflag:s3], $0x4000  }
0x8d: {  	[sflag:s3] =	ssyncset.done $0x0  }
0x8e: {  	[sflag:s3] =	ssyncadd.s32 $0xFFFFC000  }
0x8f: {  	[tilespmem:s9], [sflag:$0x1] =	stream.indirect.gather [hbm4b:s7+s8], $0x80, s21, s8, $0xb8;
	[tilespmem:$0x4400] =	vst v63  }
0x90: {  	_ =	swait.ge [sflag:s3], $0x4000  }
.Ltmp1:
0x91: {  	[sflag:s3] =	ssyncset.done $0x0;
	(pc) =	sbr.rel @p0 .LBB2_1-.Ltmp1, $4  }
0x92: {  	[sflag:s3] =	ssyncadd.s32 $0xFFFFC000  }
0x93: {  	[hbm4b:s22+s2] =	stream.linear.scatter [tilespmem:s9], [sflag:$0x1], $0x4000, $0x38;
	[tilespmem:$0x4400] =	vst v63  }
0x94: {  	_ =	swait.ge [sflag:s3], $0x4000  }
0x95: {  	[sflag:s3] =	ssyncset.done $0x0  }
.LBB2_2:
0x96: {  	[sflag:s3] =	ssyncadd.s32 $0xFFFFC000  }
0x97: {  	_ =	sfence.sel $0x180000  }
0x98: {  	[bflag:$0x0] =	sbarrier.arrive $0xFFFF  }
0x99: {  	p0 =	sne.s32 s0, $0x0;
	_ =	strace $0x90000050  }
0x9a: {  	s0 =	sadd.s32 @!p0 $0x100000, s1;
	[bflag:$0x2] =	sbarrier.arrive $0xFFFF  }
0x9b: {  	[sflag:s0] =	ssyncadd.tile.s32 @!p0 $0x1;
	_ =	shalt  }
.Lfunc_end2:
_tile_overlayer_lowered:
.L_overlay_start_2:
0x9c: {  	(tag) =	ssettag $0x2  }
0x9d: {  	s0 =	rddreg [dreg:$0x0];
	s2 =	stileid.u32  }
0x9e: {  	s1 =	rddreg [dreg:$0x1];
	p0 =	sne.s32 s2, $0x0  }
0x9f: {  	s3 =	rddreg [dreg:$0x2];
	[bflag:$0x3] =	sbarrier.arrive $0xFFFF;
	s2 =	simm.s32 @!p0 $0x1C01  }
0xa0: {  	[timem:s3], [sflag:s2] =	dma.local @!p0 [hbm:s0], s1  }
0xa1: {  	s0 =	simm.s32 @!p0 $0x1  }
0xa2: {  	_ =	swait.ge @!p0 [sflag:s0], s1  }
0xa3: {  	s1 =	ssub.s32 @!p0 $0x0, s1;
	[sflag:s0] =	ssyncset.done @!p0 $0x0  }
0xa4: {  	[sflag:s0] =	ssyncadd.s32 @!p0 s1  }
0xa5: {  	[bflag:$0x3] =	sbarrier.arrive $0xFFFF  }
0xa6: {  	_ =	shalt  }

</sc_bundles>
